<compile_context>
chip_gen: v7x
topology: tpu7x:2x2x1
jax: 0.10.2.dev20260603
libtpu: 0.0.44.dev20260713+nightly
codegen_flags: <defaults>
</compile_context>

<pallas_src>
import functools

import jax
import jax.numpy as jnp
from jax import lax
from jax.experimental import pallas as pl
from jax.experimental.pallas import tpu as pltpu
from jax.experimental.pallas import tpu_sc as plsc

N = 10000
E = 320000
D_IN = 128
H = 32
OUT = 2

NC = 2
NS = 16
NW = NC * NS
EW = E // NW
CH = 128
NCH = 80
EWP = NCH * CH
NPAD = 10240
RPT = NPAD // NS
DW = 8


def _sc_deg_body(dstw, ones_row, zrows, out, dstv, vals, deg_sh):
    cid = lax.axis_index("c")
    sid = lax.axis_index("s")
    wid = cid * NS + sid
    pltpu.sync_copy(zrows, deg_sh.at[pl.ds(sid * RPT, RPT)])
    pltpu.sync_copy(ones_row, vals)
    pltpu.sync_copy(dstw.at[wid], dstv)
    plsc.subcore_barrier()

    def chunk(j, carry):
        pltpu.sync_copy(vals, deg_sh.at[dstv.at[j]], add=True)
        return carry

    lax.fori_loop(0, NCH, chunk, 0)
    plsc.subcore_barrier()
    pltpu.sync_copy(
        deg_sh.at[pl.ds(sid * RPT, RPT)], out.at[cid, pl.ds(sid * RPT, RPT)]
    )




D = 8
F = 4


def _sc_agg_body(hn, srcw, dstw, zrows, out, srcv, dstv, rows,
                 acc_sh, hn_sh, *sems):
    gsem = sems[:D]
    ssem = sems[D:]
    cid = lax.axis_index("c")
    sid = lax.axis_index("s")
    wid = cid * NS + sid
    pltpu.sync_copy(zrows, acc_sh.at[pl.ds(sid * RPT, RPT)])
    pltpu.sync_copy(hn.at[pl.ds(sid * RPT, RPT)],
                    hn_sh.at[pl.ds(sid * RPT, RPT)])
    pltpu.sync_copy(srcw.at[wid], srcv)
    pltpu.sync_copy(dstw.at[wid], dstv)
    plsc.subcore_barrier()

    for b in range(F):
        pltpu.async_copy(hn_sh.at[srcv.at[b]], rows.at[b], gsem[b])

    def outer(o, carry):
        base = o * D
        for b in range(D):
            i = base + b
            bs = (b + F) % D

            @pl.when(i >= D - F)
            def _():
                pltpu.make_async_copy(
                    rows.at[bs], acc_sh.at[dstv.at[0]], ssem[bs]
                ).wait()

            @pl.when(i + F < NCH)
            def _():
                pltpu.async_copy(
                    hn_sh.at[srcv.at[i + F]], rows.at[bs], gsem[bs]
                )

            pltpu.make_async_copy(
                hn_sh.at[srcv.at[0]], rows.at[b], gsem[b]
            ).wait()
            pltpu.async_copy(rows.at[b], acc_sh.at[dstv.at[i]], ssem[b],
                             add=True)
        return carry

    lax.fori_loop(0, NCH // D, outer, 0)
    for j in range(NCH - (D - F), NCH):
        b = j % D
        pltpu.make_async_copy(rows.at[b], acc_sh.at[dstv.at[0]],
                              ssem[b]).wait()
    plsc.subcore_barrier()
    pltpu.sync_copy(
        acc_sh.at[pl.ds(sid * RPT, RPT)], out.at[cid, pl.ds(sid * RPT, RPT)]
    )


@functools.lru_cache(maxsize=None)
def _sc_kernels():
    mesh = plsc.VectorSubcoreMesh(
        core_axis_name="c", subcore_axis_name="s", num_cores=NC, num_subcores=NS
    )
    params = pltpu.CompilerParams(use_tc_tiling_on_sc=False)
    sc_deg = pl.kernel(
        _sc_deg_body,
        out_type=jax.ShapeDtypeStruct((NC, NPAD, DW), jnp.float32),
        mesh=mesh,
        compiler_params=params,
        scratch_types=[
            pltpu.VMEM((NCH, CH), jnp.int32),
            pltpu.VMEM((CH, DW), jnp.float32),
            pltpu.VMEM_SHARED((NPAD, DW), jnp.float32),
        ],
    )
    sc_agg = pl.kernel(
        _sc_agg_body,
        out_type=jax.ShapeDtypeStruct((NC, NPAD, H), jnp.float32),
        mesh=mesh,
        compiler_params=params,
        scratch_types=[
            pltpu.VMEM((NCH, CH), jnp.int32),
            pltpu.VMEM((NCH, CH), jnp.int32),
            pltpu.VMEM((D, CH, H), jnp.float32),
            pltpu.VMEM_SHARED((NPAD, H), jnp.float32),
            pltpu.VMEM_SHARED((NPAD, H), jnp.float32),
        ] + [pltpu.SemaphoreType.DMA] * (2 * D),
    )
    return sc_deg, sc_agg



BN = 1024


def _tc_in_body(x_ref, w_ref, d0_ref, d1_ref, hn_ref, dis_ref):
    deg = d0_ref[:, 0:1] + d1_ref[:, 0:1] + 1.0
    dis = lax.rsqrt(deg)
    h = jnp.dot(x_ref[...], w_ref[...], preferred_element_type=jnp.float32)
    hn_ref[...] = h * dis
    dis_ref[...] = dis


def _tc_mid_body(a0_ref, a1_ref, hn_ref, dis_ref, b_ref, g_ref, beta_ref,
                 w_ref, out_ref, *, with_matmul):
    dis = dis_ref[...]
    z = dis * (a0_ref[...] + a1_ref[...] + hn_ref[...]) + b_ref[...]
    mu = jnp.mean(z, axis=-1, keepdims=True)
    zc = z - mu
    var = jnp.mean(zc * zc, axis=-1, keepdims=True)
    zn = zc * lax.rsqrt(var + 1e-5) * g_ref[...] + beta_ref[...]
    a = jnp.maximum(zn, 0.0)
    if with_matmul:
        a = jnp.dot(a, w_ref[...], preferred_element_type=jnp.float32)
    out_ref[...] = a * dis


def _tc_fin_body(a0_ref, a1_ref, hn_ref, dis_ref, w_ref, b_ref, out_ref):
    s = dis_ref[...] * (a0_ref[...] + a1_ref[...] + hn_ref[...])
    out_ref[...] = (
        jnp.dot(s, w_ref[...], preferred_element_type=jnp.float32) + b_ref[...]
    )


def _row_spec(c):
    return pl.BlockSpec((BN, c), lambda i: (i, 0))


def _full_spec(r, c):
    return pl.BlockSpec((r, c), lambda i: (0, 0))


_tc_in = pl.pallas_call(
    _tc_in_body,
    grid=(NPAD // BN,),
    in_specs=[_row_spec(D_IN), _full_spec(D_IN, H), _row_spec(DW), _row_spec(DW)],
    out_specs=[_row_spec(H), _row_spec(1)],
    out_shape=[
        jax.ShapeDtypeStruct((NPAD, H), jnp.float32),
        jax.ShapeDtypeStruct((NPAD, 1), jnp.float32),
    ],
)

_tc_mid_specs = dict(
    grid=(NPAD // BN,),
    in_specs=[
        _row_spec(H), _row_spec(H), _row_spec(H), _row_spec(1),
        _full_spec(1, H), _full_spec(1, H), _full_spec(1, H), _full_spec(H, H),
    ],
    out_specs=_row_spec(H),
    out_shape=jax.ShapeDtypeStruct((NPAD, H), jnp.float32),
)

_tc_mid_mm = pl.pallas_call(
    functools.partial(_tc_mid_body, with_matmul=True), **_tc_mid_specs
)
_tc_mid_id = pl.pallas_call(
    functools.partial(_tc_mid_body, with_matmul=False), **_tc_mid_specs
)

_tc_fin = pl.pallas_call(
    _tc_fin_body,
    grid=(NPAD // BN,),
    in_specs=[
        _row_spec(H), _row_spec(H), _row_spec(H), _row_spec(1),
        _full_spec(H, OUT), _full_spec(1, OUT),
    ],
    out_specs=_row_spec(OUT),
    out_shape=jax.ShapeDtypeStruct((NPAD, OUT), jnp.float32),
)



def kernel(x, edge_index, W1, b1, g1, beta1, W2, b2, g2, beta2, W3, b3):
    src = edge_index[0].astype(jnp.int32).reshape(NW, EW)
    dst = edge_index[1].astype(jnp.int32).reshape(NW, EW)
    srcw = jnp.pad(src, ((0, 0), (0, EWP - EW))).reshape(NW, NCH, CH)
    dstw = jnp.pad(dst, ((0, 0), (0, EWP - EW)), constant_values=N).reshape(
        NW, NCH, CH
    )

    zrows_h = jnp.zeros((RPT, H), jnp.float32)
    zrows_d = jnp.zeros((RPT, DW), jnp.float32)
    ones_row = jnp.pad(jnp.ones((CH, 1), jnp.float32), ((0, 0), (0, DW - 1)))

    xp = jnp.pad(x, ((0, NPAD - N), (0, 0)))

    _sc_deg, _sc_agg = _sc_kernels()

    degp = _sc_deg(dstw, ones_row, zrows_d)
    hn1, dis = _tc_in(xp, W1, degp[0], degp[1])

    acc1 = _sc_agg(hn1, srcw, dstw, zrows_h)
    hn2 = _tc_mid_mm(acc1[0], acc1[1], hn1, dis,
                     b1.reshape(1, H), g1.reshape(1, H), beta1.reshape(1, H), W2)

    acc2 = _sc_agg(hn2, srcw, dstw, zrows_h)
    hn3 = _tc_mid_id(acc2[0], acc2[1], hn2, dis,
                     b2.reshape(1, H), g2.reshape(1, H), beta2.reshape(1, H), W2)

    acc3 = _sc_agg(hn3, srcw, dstw, zrows_h)
    logits = _tc_fin(acc3[0], acc3[1], hn3, dis, W3, b3.reshape(1, OUT))

    return logits[:N]

# --- scband reference (transcript-rebuilt; emitter-appended) ---
"""Pipeline reference for scband-gcn-segmenter-35631048688033 (READ-ONLY COPY).

The authoritative reference and input builder live on the scoring server;
editing this copy changes nothing except your own understanding.
"""

import jax, jax.numpy as jnp
import numpy as np

N = 10000
E = 320000
D_IN = 128
H = 32
OUT = 2


def setup_inputs(seed: int = 0) -> dict:
    key = jax.random.key(seed)
    ks = jax.random.split(key, 12)
    x = jax.random.normal(ks[0], (N, D_IN), dtype=jnp.float32)
    edge_index = jax.random.randint(ks[1], (2, E), 0, N)
    W1 = jax.random.normal(ks[2], (D_IN, H), dtype=jnp.float32) * (1.0 / np.sqrt(D_IN))
    b1 = jnp.zeros((H,), dtype=jnp.float32)
    g1 = jnp.ones((H,), dtype=jnp.float32)
    beta1 = jnp.zeros((H,), dtype=jnp.float32)
    W2 = jax.random.normal(ks[3], (H, H), dtype=jnp.float32) * (1.0 / np.sqrt(H))
    b2 = jnp.zeros((H,), dtype=jnp.float32)
    g2 = jnp.ones((H,), dtype=jnp.float32)
    beta2 = jnp.zeros((H,), dtype=jnp.float32)
    W3 = jax.random.normal(ks[4], (H, OUT), dtype=jnp.float32) * (1.0 / np.sqrt(H))
    b3 = jnp.zeros((OUT,), dtype=jnp.float32)
    return {"x": x, "edge_index": edge_index, "W1": W1, "b1": b1, "g1": g1,
            "beta1": beta1, "W2": W2, "b2": b2, "g2": g2, "beta2": beta2,
            "W3": W3, "b3": b3}


def gcn_conv(x, edge_index, W, b):
    # PyG GCNConv with add_self_loops=True and symmetric normalization.
    n = x.shape[0]
    loop = jnp.arange(n, dtype=edge_index.dtype)
    src = jnp.concatenate([edge_index[0], loop])
    dst = jnp.concatenate([edge_index[1], loop])
    h = x @ W
    deg = jnp.zeros((n,), dtype=x.dtype).at[dst].add(1.0)
    deg_inv_sqrt = jnp.where(deg > 0, deg ** -0.5, 0.0)
    norm = deg_inv_sqrt[src] * deg_inv_sqrt[dst]
    msg = h[src] * norm[:, None]
    out = jax.ops.segment_sum(msg, dst, num_segments=n)
    return out + b


def layer_norm(x, g, b, eps=1e-5):
    mu = jnp.mean(x, axis=-1, keepdims=True)
    var = jnp.mean((x - mu) ** 2, axis=-1, keepdims=True)
    return (x - mu) / jnp.sqrt(var + eps) * g + b


def reference(x, edge_index, W1, b1, g1, beta1, W2, b2, g2, beta2, W3, b3):
    # dropout is identity at inference time
    h = gcn_conv(x, edge_index, W1, b1)
    h = layer_norm(h, g1, beta1)
    h = jax.nn.relu(h)
    h = gcn_conv(h, edge_index, W2, b2)
    h = layer_norm(h, g2, beta2)
    h = jax.nn.relu(h)
    logits = gcn_conv(h, edge_index, W3, b3)
    return logits

if __name__ == "__main__":
    import jax
    _d = setup_inputs()
    print(jax.jit(kernel)(*tuple(_d.values())))

</pallas_src>

<mosaic_0001>
#map = affine_map<(d0, d1) -> (0, 0)>
#map1 = affine_map<(d0, d1) -> (0, 0, 0)>
module attributes {stable_mosaic.version = 14 : i64} {
  func.func @_sc_agg_body(%arg0: i32, %arg1: i32, %arg2: memref<10240x32xf32, #tpu.memory_space<hbm>>, %arg3: memref<32x80x128xi32, #tpu.memory_space<hbm>>, %arg4: memref<32x80x128xi32, #tpu.memory_space<hbm>>, %arg5: memref<640x32xf32, #tpu.memory_space<hbm>>, %arg6: memref<2x10240x32xf32, #tpu.memory_space<hbm>>, %arg7: memref<80x128xi32, #tpu.memory_space<vmem>>, %arg8: memref<80x128xi32, #tpu.memory_space<vmem>>, %arg9: memref<8x128x32xf32, #tpu.memory_space<vmem>>, %arg10: memref<10240x32xf32, #tpu.memory_space<vmem_shared>>, %arg11: memref<10240x32xf32, #tpu.memory_space<vmem_shared>>, %arg12: memref<!tpu.dma_semaphore, #tpu.memory_space<semaphore_mem>>, %arg13: memref<!tpu.dma_semaphore, #tpu.memory_space<semaphore_mem>>, %arg14: memref<!tpu.dma_semaphore, #tpu.memory_space<semaphore_mem>>, %arg15: memref<!tpu.dma_semaphore, #tpu.memory_space<semaphore_mem>>, %arg16: memref<!tpu.dma_semaphore, #tpu.memory_space<semaphore_mem>>, %arg17: memref<!tpu.dma_semaphore, #tpu.memory_space<semaphore_mem>>, %arg18: memref<!tpu.dma_semaphore, #tpu.memory_space<semaphore_mem>>, %arg19: memref<!tpu.dma_semaphore, #tpu.memory_space<semaphore_mem>>, %arg20: memref<!tpu.dma_semaphore, #tpu.memory_space<semaphore_mem>>, %arg21: memref<!tpu.dma_semaphore, #tpu.memory_space<semaphore_mem>>, %arg22: memref<!tpu.dma_semaphore, #tpu.memory_space<semaphore_mem>>, %arg23: memref<!tpu.dma_semaphore, #tpu.memory_space<semaphore_mem>>, %arg24: memref<!tpu.dma_semaphore, #tpu.memory_space<semaphore_mem>>, %arg25: memref<!tpu.dma_semaphore, #tpu.memory_space<semaphore_mem>>, %arg26: memref<!tpu.dma_semaphore, #tpu.memory_space<semaphore_mem>>, %arg27: memref<!tpu.dma_semaphore, #tpu.memory_space<semaphore_mem>>) attributes {dimension_semantics = [#tpu.dimension_semantics<core_parallel>, #tpu.dimension_semantics<subcore_parallel>], iteration_bounds = array<i64: 2, 16>, scalar_prefetch = 0 : i64, scratch_operands = 21 : i64, tpu.core_type = #tpu.core_type<sc_vector_subcore>, window_params = [{transform_indices = #map}, {transform_indices = #map1}, {transform_indices = #map1}, {transform_indices = #map}, {transform_indices = #map1}]} {
    %mul3A = arith.constant 16 : i32
    %mul3A_0 = arith.muli %arg0, %mul3A : i32
    %add3A = arith.addi %mul3A_0, %arg1 : i32
    %mul3A_1 = arith.constant 640 : i32
    %mul3A_2 = arith.muli %arg1, %mul3A_1 : i32
    "tpu.region"() ({
      %run_scoped3A = tpu.sem_alloc : memref<!tpu.dma_semaphore, #tpu.memory_space<semaphore_mem>>
      %dma_start3A_111 = arith.constant 0 : i32
      %dma_start3A_112 = tpu.memref_slice %arg10[%mul3A_2, %dma_start3A_111] : memref<10240x32xf32, #tpu.memory_space<vmem_shared>> -> memref<640x32xf32, #tpu.memory_space<vmem_shared>>
      tpu.enqueue_dma source(%arg5 : memref<640x32xf32, #tpu.memory_space<hbm>>) target(%dma_start3A_112 : memref<640x32xf32, #tpu.memory_space<vmem_shared>>) target_semaphore(%run_scoped3A : memref<!tpu.dma_semaphore, #tpu.memory_space<semaphore_mem>>)
      %dma_wait3A_113 = arith.constant 0 : i32
      %dma_wait3A_114 = tpu.memref_slice %arg10[%mul3A_2, %dma_wait3A_113] : memref<10240x32xf32, #tpu.memory_space<vmem_shared>> -> memref<640x32xf32, #tpu.memory_space<vmem_shared>>
      tpu.wait_dma2 semaphore(%run_scoped3A : memref<!tpu.dma_semaphore, #tpu.memory_space<semaphore_mem>>) src(%arg5 : memref<640x32xf32, #tpu.memory_space<hbm>>) dst(%dma_wait3A_114 : memref<640x32xf32, #tpu.memory_space<vmem_shared>>)
      tpu.yield
    }) : () -> ()
    %mul3A_3 = arith.constant 640 : i32
    %mul3A_4 = arith.muli %arg1, %mul3A_3 : i32
    %mul3A_5 = arith.constant 640 : i32
    %mul3A_6 = arith.muli %arg1, %mul3A_5 : i32
    "tpu.region"() ({
      %run_scoped3A = tpu.sem_alloc : memref<!tpu.dma_semaphore, #tpu.memory_space<semaphore_mem>>
      %dma_start3A_111 = arith.constant 0 : i32
      %dma_start3A_112 = tpu.memref_slice %arg11[%mul3A_6, %dma_start3A_111] : memref<10240x32xf32, #tpu.memory_space<vmem_shared>> -> memref<640x32xf32, #tpu.memory_space<vmem_shared>>
      %dma_start3A_113 = arith.constant 0 : i32
      %dma_start3A_114 = tpu.memref_slice %arg2[%mul3A_4, %dma_start3A_113] : memref<10240x32xf32, #tpu.memory_space<hbm>> -> memref<640x32xf32, #tpu.memory_space<hbm>>
      tpu.enqueue_dma source(%dma_start3A_114 : memref<640x32xf32, #tpu.memory_space<hbm>>) target(%dma_start3A_112 : memref<640x32xf32, #tpu.memory_space<vmem_shared>>) target_semaphore(%run_scoped3A : memref<!tpu.dma_semaphore, #tpu.memory_space<semaphore_mem>>)
      %dma_wait3A_115 = arith.constant 0 : i32
      %dma_wait3A_116 = tpu.memref_slice %arg11[%mul3A_6, %dma_wait3A_115] : memref<10240x32xf32, #tpu.memory_space<vmem_shared>> -> memref<640x32xf32, #tpu.memory_space<vmem_shared>>
      %dma_wait3A_117 = arith.constant 0 : i32
      %dma_wait3A_118 = tpu.memref_slice %arg2[%mul3A_4, %dma_wait3A_117] : memref<10240x32xf32, #tpu.memory_space<hbm>> -> memref<640x32xf32, #tpu.memory_space<hbm>>
      tpu.wait_dma2 semaphore(%run_scoped3A : memref<!tpu.dma_semaphore, #tpu.memory_space<semaphore_mem>>) src(%dma_wait3A_118 : memref<640x32xf32, #tpu.memory_space<hbm>>) dst(%dma_wait3A_116 : memref<640x32xf32, #tpu.memory_space<vmem_shared>>)
      tpu.yield
    }) : () -> ()
    "tpu.region"() ({
      %run_scoped3A = tpu.sem_alloc : memref<!tpu.dma_semaphore, #tpu.memory_space<semaphore_mem>>
      %dma_start3A_111 = arith.constant 0 : i32
      %dma_start3A_112 = arith.constant 0 : i32
      %dma_start3A_113 = tpu.memref_slice %arg3[%add3A, %dma_start3A_111, %dma_start3A_112] : memref<32x80x128xi32, #tpu.memory_space<hbm>> -> memref<1x80x128xi32, #tpu.memory_space<hbm>>
      %dma_start3A_114 = tpu.memref_squeeze %dma_start3A_113 : memref<1x80x128xi32, #tpu.memory_space<hbm>> -> memref<80x128xi32, #tpu.memory_space<hbm>>
      %dma_start3A_115 = arith.constant 0 : i32
      %dma_start3A_116 = arith.constant 0 : i32
      %dma_start3A_117 = tpu.memref_slice %arg3[%add3A, %dma_start3A_115, %dma_start3A_116] : memref<32x80x128xi32, #tpu.memory_space<hbm>> -> memref<1x80x128xi32, #tpu.memory_space<hbm>>
      %dma_start3A_118 = tpu.memref_squeeze %dma_start3A_117 : memref<1x80x128xi32, #tpu.memory_space<hbm>> -> memref<80x128xi32, #tpu.memory_space<hbm>>
      tpu.enqueue_dma source(%dma_start3A_118 : memref<80x128xi32, #tpu.memory_space<hbm>>) target(%arg7 : memref<80x128xi32, #tpu.memory_space<vmem>>) target_semaphore(%run_scoped3A : memref<!tpu.dma_semaphore, #tpu.memory_space<semaphore_mem>>)
      %dma_wait3A_119 = arith.constant 0 : i32
      %dma_wait3A_120 = arith.constant 0 : i32
      %dma_wait3A_121 = tpu.memref_slice %arg3[%add3A, %dma_wait3A_119, %dma_wait3A_120] : memref<32x80x128xi32, #tpu.memory_space<hbm>> -> memref<1x80x128xi32, #tpu.memory_space<hbm>>
      %dma_wait3A_122 = tpu.memref_squeeze %dma_wait3A_121 : memref<1x80x128xi32, #tpu.memory_space<hbm>> -> memref<80x128xi32, #tpu.memory_space<hbm>>
      %dma_wait3A_123 = arith.constant 0 : i32
      %dma_wait3A_124 = arith.constant 0 : i32
      %dma_wait3A_125 = tpu.memref_slice %arg3[%add3A, %dma_wait3A_123, %dma_wait3A_124] : memref<32x80x128xi32, #tpu.memory_space<hbm>> -> memref<1x80x128xi32, #tpu.memory_space<hbm>>
      %dma_wait3A_126 = tpu.memref_squeeze %dma_wait3A_125 : memref<1x80x128xi32, #tpu.memory_space<hbm>> -> memref<80x128xi32, #tpu.memory_space<hbm>>
      tpu.wait_dma2 semaphore(%run_scoped3A : memref<!tpu.dma_semaphore, #tpu.memory_space<semaphore_mem>>) src(%dma_wait3A_126 : memref<80x128xi32, #tpu.memory_space<hbm>>) dst(%arg7 : memref<80x128xi32, #tpu.memory_space<vmem>>)
      tpu.yield
    }) : () -> ()
    "tpu.region"() ({
      %run_scoped3A = tpu.sem_alloc : memref<!tpu.dma_semaphore, #tpu.memory_space<semaphore_mem>>
      %dma_start3A_111 = arith.constant 0 : i32
      %dma_start3A_112 = arith.constant 0 : i32
      %dma_start3A_113 = tpu.memref_slice %arg4[%add3A, %dma_start3A_111, %dma_start3A_112] : memref<32x80x128xi32, #tpu.memory_space<hbm>> -> memref<1x80x128xi32, #tpu.memory_space<hbm>>
      %dma_start3A_114 = tpu.memref_squeeze %dma_start3A_113 : memref<1x80x128xi32, #tpu.memory_space<hbm>> -> memref<80x128xi32, #tpu.memory_space<hbm>>
      %dma_start3A_115 = arith.constant 0 : i32
      %dma_start3A_116 = arith.constant 0 : i32
      %dma_start3A_117 = tpu.memref_slice %arg4[%add3A, %dma_start3A_115, %dma_start3A_116] : memref<32x80x128xi32, #tpu.memory_space<hbm>> -> memref<1x80x128xi32, #tpu.memory_space<hbm>>
      %dma_start3A_118 = tpu.memref_squeeze %dma_start3A_117 : memref<1x80x128xi32, #tpu.memory_space<hbm>> -> memref<80x128xi32, #tpu.memory_space<hbm>>
      tpu.enqueue_dma source(%dma_start3A_118 : memref<80x128xi32, #tpu.memory_space<hbm>>) target(%arg8 : memref<80x128xi32, #tpu.memory_space<vmem>>) target_semaphore(%run_scoped3A : memref<!tpu.dma_semaphore, #tpu.memory_space<semaphore_mem>>)
      %dma_wait3A_119 = arith.constant 0 : i32
      %dma_wait3A_120 = arith.constant 0 : i32
      %dma_wait3A_121 = tpu.memref_slice %arg4[%add3A, %dma_wait3A_119, %dma_wait3A_120] : memref<32x80x128xi32, #tpu.memory_space<hbm>> -> memref<1x80x128xi32, #tpu.memory_space<hbm>>
      %dma_wait3A_122 = tpu.memref_squeeze %dma_wait3A_121 : memref<1x80x128xi32, #tpu.memory_space<hbm>> -> memref<80x128xi32, #tpu.memory_space<hbm>>
      %dma_wait3A_123 = arith.constant 0 : i32
      %dma_wait3A_124 = arith.constant 0 : i32
      %dma_wait3A_125 = tpu.memref_slice %arg4[%add3A, %dma_wait3A_123, %dma_wait3A_124] : memref<32x80x128xi32, #tpu.memory_space<hbm>> -> memref<1x80x128xi32, #tpu.memory_space<hbm>>
      %dma_wait3A_126 = tpu.memref_squeeze %dma_wait3A_125 : memref<1x80x128xi32, #tpu.memory_space<hbm>> -> memref<80x128xi32, #tpu.memory_space<hbm>>
      tpu.wait_dma2 semaphore(%run_scoped3A : memref<!tpu.dma_semaphore, #tpu.memory_space<semaphore_mem>>) src(%dma_wait3A_126 : memref<80x128xi32, #tpu.memory_space<hbm>>) dst(%arg8 : memref<80x128xi32, #tpu.memory_space<vmem>>)
      tpu.yield
    }) : () -> ()
    %barrier3A = arith.constant 0 : index
    tpu.barrier barrier_id(%barrier3A)
    %dma_start3A = arith.constant 0 : i32
    %dma_start3A_7 = arith.constant 0 : i32
    %dma_start3A_8 = arith.constant 0 : i32
    %dma_start3A_9 = arith.constant 0 : i32
    %dma_start3A_10 = tpu.memref_slice %arg9[%dma_start3A_7, %dma_start3A_8, %dma_start3A_9] : memref<8x128x32xf32, #tpu.memory_space<vmem>> -> memref<1x128x32xf32, #tpu.memory_space<vmem>>
    %dma_start3A_11 = tpu.memref_squeeze %dma_start3A_10 : memref<1x128x32xf32, #tpu.memory_space<vmem>> -> memref<128x32xf32, #tpu.memory_space<vmem>>
    %dma_start3A_12 = arith.constant 0 : i32
    %dma_start3A_13 = tpu.memref_slice %arg7[%dma_start3A, %dma_start3A_12] : memref<80x128xi32, #tpu.memory_space<vmem>> -> memref<1x128xi32, #tpu.memory_space<vmem>>
    %dma_start3A_14 = tpu.memref_squeeze %dma_start3A_13 : memref<1x128xi32, #tpu.memory_space<vmem>> -> memref<128xi32, #tpu.memory_space<vmem>>
    %dma_start3A_15 = arith.constant 0 : i32
    %dma_start3A_16 = arith.constant 0 : i32
    %dma_start3A_17 = tpu.memref_slice %arg11[%dma_start3A_15, %dma_start3A_16] : memref<10240x32xf32, #tpu.memory_space<vmem_shared>> -> memref<10240x32xf32, #tpu.memory_space<vmem_shared>>
    tpu.enqueue_indirect_dma source(%dma_start3A_17 : memref<10240x32xf32, #tpu.memory_space<vmem_shared>>) target(%dma_start3A_11 : memref<128x32xf32, #tpu.memory_space<vmem>>) offsets(%dma_start3A_14 : memref<128xi32, #tpu.memory_space<vmem>>) semaphore(%arg12 : memref<!tpu.dma_semaphore, #tpu.memory_space<semaphore_mem>>)
    %dma_start3A_18 = arith.constant 1 : i32
    %dma_start3A_19 = arith.constant 1 : i32
    %dma_start3A_20 = arith.constant 0 : i32
    %dma_start3A_21 = arith.constant 0 : i32
    %dma_start3A_22 = tpu.memref_slice %arg9[%dma_start3A_19, %dma_start3A_20, %dma_start3A_21] : memref<8x128x32xf32, #tpu.memory_space<vmem>> -> memref<1x128x32xf32, #tpu.memory_space<vmem>>
    %dma_start3A_23 = tpu.memref_squeeze %dma_start3A_22 : memref<1x128x32xf32, #tpu.memory_space<vmem>> -> memref<128x32xf32, #tpu.memory_space<vmem>>
    %dma_start3A_24 = arith.constant 0 : i32
    %dma_start3A_25 = tpu.memref_slice %arg7[%dma_start3A_18, %dma_start3A_24] : memref<80x128xi32, #tpu.memory_space<vmem>> -> memref<1x128xi32, #tpu.memory_space<vmem>>
    %dma_start3A_26 = tpu.memref_squeeze %dma_start3A_25 : memref<1x128xi32, #tpu.memory_space<vmem>> -> memref<128xi32, #tpu.memory_space<vmem>>
    %dma_start3A_27 = arith.constant 0 : i32
    %dma_start3A_28 = arith.constant 0 : i32
    %dma_start3A_29 = tpu.memref_slice %arg11[%dma_start3A_27, %dma_start3A_28] : memref<10240x32xf32, #tpu.memory_space<vmem_shared>> -> memref<10240x32xf32, #tpu.memory_space<vmem_shared>>
    tpu.enqueue_indirect_dma source(%dma_start3A_29 : memref<10240x32xf32, #tpu.memory_space<vmem_shared>>) target(%dma_start3A_23 : memref<128x32xf32, #tpu.memory_space<vmem>>) offsets(%dma_start3A_26 : memref<128xi32, #tpu.memory_space<vmem>>) semaphore(%arg13 : memref<!tpu.dma_semaphore, #tpu.memory_space<semaphore_mem>>)
    %dma_start3A_30 = arith.constant 2 : i32
    %dma_start3A_31 = arith.constant 2 : i32
    %dma_start3A_32 = arith.constant 0 : i32
    %dma_start3A_33 = arith.constant 0 : i32
    %dma_start3A_34 = tpu.memref_slice %arg9[%dma_start3A_31, %dma_start3A_32, %dma_start3A_33] : memref<8x128x32xf32, #tpu.memory_space<vmem>> -> memref<1x128x32xf32, #tpu.memory_space<vmem>>
    %dma_start3A_35 = tpu.memref_squeeze %dma_start3A_34 : memref<1x128x32xf32, #tpu.memory_space<vmem>> -> memref<128x32xf32, #tpu.memory_space<vmem>>
    %dma_start3A_36 = arith.constant 0 : i32
    %dma_start3A_37 = tpu.memref_slice %arg7[%dma_start3A_30, %dma_start3A_36] : memref<80x128xi32, #tpu.memory_space<vmem>> -> memref<1x128xi32, #tpu.memory_space<vmem>>
    %dma_start3A_38 = tpu.memref_squeeze %dma_start3A_37 : memref<1x128xi32, #tpu.memory_space<vmem>> -> memref<128xi32, #tpu.memory_space<vmem>>
    %dma_start3A_39 = arith.constant 0 : i32
    %dma_start3A_40 = arith.constant 0 : i32
    %dma_start3A_41 = tpu.memref_slice %arg11[%dma_start3A_39, %dma_start3A_40] : memref<10240x32xf32, #tpu.memory_space<vmem_shared>> -> memref<10240x32xf32, #tpu.memory_space<vmem_shared>>
    tpu.enqueue_indirect_dma source(%dma_start3A_41 : memref<10240x32xf32, #tpu.memory_space<vmem_shared>>) target(%dma_start3A_35 : memref<128x32xf32, #tpu.memory_space<vmem>>) offsets(%dma_start3A_38 : memref<128xi32, #tpu.memory_space<vmem>>) semaphore(%arg14 : memref<!tpu.dma_semaphore, #tpu.memory_space<semaphore_mem>>)
    %dma_start3A_42 = arith.constant 3 : i32
    %dma_start3A_43 = arith.constant 3 : i32
    %dma_start3A_44 = arith.constant 0 : i32
    %dma_start3A_45 = arith.constant 0 : i32
    %dma_start3A_46 = tpu.memref_slice %arg9[%dma_start3A_43, %dma_start3A_44, %dma_start3A_45] : memref<8x128x32xf32, #tpu.memory_space<vmem>> -> memref<1x128x32xf32, #tpu.memory_space<vmem>>
    %dma_start3A_47 = tpu.memref_squeeze %dma_start3A_46 : memref<1x128x32xf32, #tpu.memory_space<vmem>> -> memref<128x32xf32, #tpu.memory_space<vmem>>
    %dma_start3A_48 = arith.constant 0 : i32
    %dma_start3A_49 = tpu.memref_slice %arg7[%dma_start3A_42, %dma_start3A_48] : memref<80x128xi32, #tpu.memory_space<vmem>> -> memref<1x128xi32, #tpu.memory_space<vmem>>
    %dma_start3A_50 = tpu.memref_squeeze %dma_start3A_49 : memref<1x128xi32, #tpu.memory_space<vmem>> -> memref<128xi32, #tpu.memory_space<vmem>>
    %dma_start3A_51 = arith.constant 0 : i32
    %dma_start3A_52 = arith.constant 0 : i32
    %dma_start3A_53 = tpu.memref_slice %arg11[%dma_start3A_51, %dma_start3A_52] : memref<10240x32xf32, #tpu.memory_space<vmem_shared>> -> memref<10240x32xf32, #tpu.memory_space<vmem_shared>>
    tpu.enqueue_indirect_dma source(%dma_start3A_53 : memref<10240x32xf32, #tpu.memory_space<vmem_shared>>) target(%dma_start3A_47 : memref<128x32xf32, #tpu.memory_space<vmem>>) offsets(%dma_start3A_50 : memref<128xi32, #tpu.memory_space<vmem>>) semaphore(%arg15 : memref<!tpu.dma_semaphore, #tpu.memory_space<semaphore_mem>>)
    %scan3A = arith.constant 0 : i32
    %scan3A_54 = arith.constant 0 : i32
    %scan3A_55 = arith.constant 10 : i32
    %scan3A_56 = arith.addi %scan3A_54, %scan3A_55 : i32
    %scan3A_57 = arith.constant 1 : i32
    scf.for %scan3A_111 = %scan3A_54 to %scan3A_56 step %scan3A_57  : i32 {
      %mul3A_112 = arith.constant 8 : i32
      %mul3A_113 = arith.muli %scan3A_111, %mul3A_112 : i32
      %add3A_114 = arith.constant 0 : i32
      %add3A_115 = arith.addi %mul3A_113, %add3A_114 : i32
      %ge3A = arith.constant 4 : i32
      %ge3A_116 = arith.cmpi sge, %add3A_115, %ge3A : i32
      %convert_element_type3A = arith.extui %ge3A_116 : i1 to i32
      %cond3A = arith.constant 0 : i32
      %cond3A_117 = arith.cmpi ne, %convert_element_type3A, %cond3A : i32
      scf.if %cond3A_117 {
        %dma_wait3A_406 = arith.constant 4 : i32
        %dma_wait3A_407 = arith.constant 0 : i32
        %dma_wait3A_408 = arith.constant 0 : i32
        %dma_wait3A_409 = arith.constant 0 : i32
        %dma_wait3A_410 = tpu.memref_slice %arg9[%dma_wait3A_406, %dma_wait3A_408, %dma_wait3A_409] : memref<8x128x32xf32, #tpu.memory_space<vmem>> -> memref<1x128x32xf32, #tpu.memory_space<vmem>>
        %dma_wait3A_411 = tpu.memref_squeeze %dma_wait3A_410 : memref<1x128x32xf32, #tpu.memory_space<vmem>> -> memref<128x32xf32, #tpu.memory_space<vmem>>
        %dma_wait3A_412 = arith.constant 0 : i32
        %dma_wait3A_413 = tpu.memref_slice %arg8[%dma_wait3A_407, %dma_wait3A_412] : memref<80x128xi32, #tpu.memory_space<vmem>> -> memref<1x128xi32, #tpu.memory_space<vmem>>
        %dma_wait3A_414 = tpu.memref_squeeze %dma_wait3A_413 : memref<1x128xi32, #tpu.memory_space<vmem>> -> memref<128xi32, #tpu.memory_space<vmem>>
        %dma_wait3A_415 = arith.constant 0 : i32
        %dma_wait3A_416 = arith.constant 0 : i32
        %dma_wait3A_417 = tpu.memref_slice %arg10[%dma_wait3A_415, %dma_wait3A_416] : memref<10240x32xf32, #tpu.memory_space<vmem_shared>> -> memref<10240x32xf32, #tpu.memory_space<vmem_shared>>
        tpu.wait_indirect_dma semaphore(%arg24 : memref<!tpu.dma_semaphore, #tpu.memory_space<semaphore_mem>>) src(%dma_wait3A_411 : memref<128x32xf32, #tpu.memory_space<vmem>>) dst(%dma_wait3A_417 : memref<10240x32xf32, #tpu.memory_space<vmem_shared>>)
      } else {
      }
      %add3A_118 = arith.constant 4 : i32
      %add3A_119 = arith.addi %add3A_115, %add3A_118 : i32
      %lt3A = arith.constant 80 : i32
      %lt3A_120 = arith.cmpi slt, %add3A_119, %lt3A : i32
      %convert_element_type3A_121 = arith.extui %lt3A_120 : i1 to i32
      %cond3A_122 = arith.constant 0 : i32
      %cond3A_123 = arith.cmpi ne, %convert_element_type3A_121, %cond3A_122 : i32
      scf.if %cond3A_123 {
        %add3A_406 = arith.constant 4 : i32
        %add3A_407 = arith.addi %add3A_115, %add3A_406 : i32
        %dma_start3A_408 = arith.constant 4 : i32
        %dma_start3A_409 = arith.constant 0 : i32
        %dma_start3A_410 = arith.constant 0 : i32
        %dma_start3A_411 = tpu.memref_slice %arg9[%dma_start3A_408, %dma_start3A_409, %dma_start3A_410] : memref<8x128x32xf32, #tpu.memory_space<vmem>> -> memref<1x128x32xf32, #tpu.memory_space<vmem>>
        %dma_start3A_412 = tpu.memref_squeeze %dma_start3A_411 : memref<1x128x32xf32, #tpu.memory_space<vmem>> -> memref<128x32xf32, #tpu.memory_space<vmem>>
        %dma_start3A_413 = arith.constant 0 : i32
        %dma_start3A_414 = tpu.memref_slice %arg7[%add3A_407, %dma_start3A_413] : memref<80x128xi32, #tpu.memory_space<vmem>> -> memref<1x128xi32, #tpu.memory_space<vmem>>
        %dma_start3A_415 = tpu.memref_squeeze %dma_start3A_414 : memref<1x128xi32, #tpu.memory_space<vmem>> -> memref<128xi32, #tpu.memory_space<vmem>>
        %dma_start3A_416 = arith.constant 0 : i32
        %dma_start3A_417 = arith.constant 0 : i32
        %dma_start3A_418 = tpu.memref_slice %arg11[%dma_start3A_416, %dma_start3A_417] : memref<10240x32xf32, #tpu.memory_space<vmem_shared>> -> memref<10240x32xf32, #tpu.memory_space<vmem_shared>>
        tpu.enqueue_indirect_dma source(%dma_start3A_418 : memref<10240x32xf32, #tpu.memory_space<vmem_shared>>) target(%dma_start3A_412 : memref<128x32xf32, #tpu.memory_space<vmem>>) offsets(%dma_start3A_415 : memref<128xi32, #tpu.memory_space<vmem>>) semaphore(%arg16 : memref<!tpu.dma_semaphore, #tpu.memory_space<semaphore_mem>>)
      } else {
      }
      %dma_wait3A_124 = arith.constant 0 : i32
      %dma_wait3A_125 = arith.constant 0 : i32
      %dma_wait3A_126 = arith.constant 0 : i32
      %dma_wait3A_127 = arith.constant 0 : i32
      %dma_wait3A_128 = tpu.memref_slice %arg9[%dma_wait3A_125, %dma_wait3A_126, %dma_wait3A_127] : memref<8x128x32xf32, #tpu.memory_space<vmem>> -> memref<1x128x32xf32, #tpu.memory_space<vmem>>
      %dma_wait3A_129 = tpu.memref_squeeze %dma_wait3A_128 : memref<1x128x32xf32, #tpu.memory_space<vmem>> -> memref<128x32xf32, #tpu.memory_space<vmem>>
      %dma_wait3A_130 = arith.constant 0 : i32
      %dma_wait3A_131 = tpu.memref_slice %arg7[%dma_wait3A_124, %dma_wait3A_130] : memref<80x128xi32, #tpu.memory_space<vmem>> -> memref<1x128xi32, #tpu.memory_space<vmem>>
      %dma_wait3A_132 = tpu.memref_squeeze %dma_wait3A_131 : memref<1x128xi32, #tpu.memory_space<vmem>> -> memref<128xi32, #tpu.memory_space<vmem>>
      %dma_wait3A_133 = arith.constant 0 : i32
      %dma_wait3A_134 = arith.constant 0 : i32
      %dma_wait3A_135 = tpu.memref_slice %arg11[%dma_wait3A_133, %dma_wait3A_134] : memref<10240x32xf32, #tpu.memory_space<vmem_shared>> -> memref<10240x32xf32, #tpu.memory_space<vmem_shared>>
      tpu.wait_indirect_dma semaphore(%arg12 : memref<!tpu.dma_semaphore, #tpu.memory_space<semaphore_mem>>) src(%dma_wait3A_135 : memref<10240x32xf32, #tpu.memory_space<vmem_shared>>) dst(%dma_wait3A_129 : memref<128x32xf32, #tpu.memory_space<vmem>>)
      %dma_start3A_136 = arith.constant 0 : i32
      %dma_start3A_137 = arith.constant 0 : i32
      %dma_start3A_138 = arith.constant 0 : i32
      %dma_start3A_139 = tpu.memref_slice %arg9[%dma_start3A_136, %dma_start3A_137, %dma_start3A_138] : memref<8x128x32xf32, #tpu.memory_space<vmem>> -> memref<1x128x32xf32, #tpu.memory_space<vmem>>
      %dma_start3A_140 = tpu.memref_squeeze %dma_start3A_139 : memref<1x128x32xf32, #tpu.memory_space<vmem>> -> memref<128x32xf32, #tpu.memory_space<vmem>>
      %dma_start3A_141 = arith.constant 0 : i32
      %dma_start3A_142 = tpu.memref_slice %arg8[%add3A_115, %dma_start3A_141] : memref<80x128xi32, #tpu.memory_space<vmem>> -> memref<1x128xi32, #tpu.memory_space<vmem>>
      %dma_start3A_143 = tpu.memref_squeeze %dma_start3A_142 : memref<1x128xi32, #tpu.memory_space<vmem>> -> memref<128xi32, #tpu.memory_space<vmem>>
      %dma_start3A_144 = arith.constant 0 : i32
      %dma_start3A_145 = arith.constant 0 : i32
      %dma_start3A_146 = tpu.memref_slice %arg10[%dma_start3A_144, %dma_start3A_145] : memref<10240x32xf32, #tpu.memory_space<vmem_shared>> -> memref<10240x32xf32, #tpu.memory_space<vmem_shared>>
      tpu.enqueue_indirect_dma source(%dma_start3A_140 : memref<128x32xf32, #tpu.memory_space<vmem>>) target(%dma_start3A_146 : memref<10240x32xf32, #tpu.memory_space<vmem_shared>>) offsets(%dma_start3A_143 : memref<128xi32, #tpu.memory_space<vmem>>) semaphore(%arg20 : memref<!tpu.dma_semaphore, #tpu.memory_space<semaphore_mem>>) {add = true}
      %add3A_147 = arith.constant 1 : i32
      %add3A_148 = arith.addi %mul3A_113, %add3A_147 : i32
      %ge3A_149 = arith.constant 4 : i32
      %ge3A_150 = arith.cmpi sge, %add3A_148, %ge3A_149 : i32
      %convert_element_type3A_151 = arith.extui %ge3A_150 : i1 to i32
      %cond3A_152 = arith.constant 0 : i32
      %cond3A_153 = arith.cmpi ne, %convert_element_type3A_151, %cond3A_152 : i32
      scf.if %cond3A_153 {
        %dma_wait3A_406 = arith.constant 5 : i32
        %dma_wait3A_407 = arith.constant 0 : i32
        %dma_wait3A_408 = arith.constant 0 : i32
        %dma_wait3A_409 = arith.constant 0 : i32
        %dma_wait3A_410 = tpu.memref_slice %arg9[%dma_wait3A_406, %dma_wait3A_408, %dma_wait3A_409] : memref<8x128x32xf32, #tpu.memory_space<vmem>> -> memref<1x128x32xf32, #tpu.memory_space<vmem>>
        %dma_wait3A_411 = tpu.memref_squeeze %dma_wait3A_410 : memref<1x128x32xf32, #tpu.memory_space<vmem>> -> memref<128x32xf32, #tpu.memory_space<vmem>>
        %dma_wait3A_412 = arith.constant 0 : i32
        %dma_wait3A_413 = tpu.memref_slice %arg8[%dma_wait3A_407, %dma_wait3A_412] : memref<80x128xi32, #tpu.memory_space<vmem>> -> memref<1x128xi32, #tpu.memory_space<vmem>>
        %dma_wait3A_414 = tpu.memref_squeeze %dma_wait3A_413 : memref<1x128xi32, #tpu.memory_space<vmem>> -> memref<128xi32, #tpu.memory_space<vmem>>
        %dma_wait3A_415 = arith.constant 0 : i32
        %dma_wait3A_416 = arith.constant 0 : i32
        %dma_wait3A_417 = tpu.memref_slice %arg10[%dma_wait3A_415, %dma_wait3A_416] : memref<10240x32xf32, #tpu.memory_space<vmem_shared>> -> memref<10240x32xf32, #tpu.memory_space<vmem_shared>>
        tpu.wait_indirect_dma semaphore(%arg25 : memref<!tpu.dma_semaphore, #tpu.memory_space<semaphore_mem>>) src(%dma_wait3A_411 : memref<128x32xf32, #tpu.memory_space<vmem>>) dst(%dma_wait3A_417 : memref<10240x32xf32, #tpu.memory_space<vmem_shared>>)
      } else {
      }
      %add3A_154 = arith.constant 4 : i32
      %add3A_155 = arith.addi %add3A_148, %add3A_154 : i32
      %lt3A_156 = arith.constant 80 : i32
      %lt3A_157 = arith.cmpi slt, %add3A_155, %lt3A_156 : i32
      %convert_element_type3A_158 = arith.extui %lt3A_157 : i1 to i32
      %cond3A_159 = arith.constant 0 : i32
      %cond3A_160 = arith.cmpi ne, %convert_element_type3A_158, %cond3A_159 : i32
      scf.if %cond3A_160 {
        %add3A_406 = arith.constant 4 : i32
        %add3A_407 = arith.addi %add3A_148, %add3A_406 : i32
        %dma_start3A_408 = arith.constant 5 : i32
        %dma_start3A_409 = arith.constant 0 : i32
        %dma_start3A_410 = arith.constant 0 : i32
        %dma_start3A_411 = tpu.memref_slice %arg9[%dma_start3A_408, %dma_start3A_409, %dma_start3A_410] : memref<8x128x32xf32, #tpu.memory_space<vmem>> -> memref<1x128x32xf32, #tpu.memory_space<vmem>>
        %dma_start3A_412 = tpu.memref_squeeze %dma_start3A_411 : memref<1x128x32xf32, #tpu.memory_space<vmem>> -> memref<128x32xf32, #tpu.memory_space<vmem>>
        %dma_start3A_413 = arith.constant 0 : i32
        %dma_start3A_414 = tpu.memref_slice %arg7[%add3A_407, %dma_start3A_413] : memref<80x128xi32, #tpu.memory_space<vmem>> -> memref<1x128xi32, #tpu.memory_space<vmem>>
        %dma_start3A_415 = tpu.memref_squeeze %dma_start3A_414 : memref<1x128xi32, #tpu.memory_space<vmem>> -> memref<128xi32, #tpu.memory_space<vmem>>
        %dma_start3A_416 = arith.constant 0 : i32
        %dma_start3A_417 = arith.constant 0 : i32
        %dma_start3A_418 = tpu.memref_slice %arg11[%dma_start3A_416, %dma_start3A_417] : memref<10240x32xf32, #tpu.memory_space<vmem_shared>> -> memref<10240x32xf32, #tpu.memory_space<vmem_shared>>
        tpu.enqueue_indirect_dma source(%dma_start3A_418 : memref<10240x32xf32, #tpu.memory_space<vmem_shared>>) target(%dma_start3A_412 : memref<128x32xf32, #tpu.memory_space<vmem>>) offsets(%dma_start3A_415 : memref<128xi32, #tpu.memory_space<vmem>>) semaphore(%arg17 : memref<!tpu.dma_semaphore, #tpu.memory_space<semaphore_mem>>)
      } else {
      }
      %dma_wait3A_161 = arith.constant 0 : i32
      %dma_wait3A_162 = arith.constant 1 : i32
      %dma_wait3A_163 = arith.constant 0 : i32
      %dma_wait3A_164 = arith.constant 0 : i32
      %dma_wait3A_165 = tpu.memref_slice %arg9[%dma_wait3A_162, %dma_wait3A_163, %dma_wait3A_164] : memref<8x128x32xf32, #tpu.memory_space<vmem>> -> memref<1x128x32xf32, #tpu.memory_space<vmem>>
      %dma_wait3A_166 = tpu.memref_squeeze %dma_wait3A_165 : memref<1x128x32xf32, #tpu.memory_space<vmem>> -> memref<128x32xf32, #tpu.memory_space<vmem>>
      %dma_wait3A_167 = arith.constant 0 : i32
      %dma_wait3A_168 = tpu.memref_slice %arg7[%dma_wait3A_161, %dma_wait3A_167] : memref<80x128xi32, #tpu.memory_space<vmem>> -> memref<1x128xi32, #tpu.memory_space<vmem>>
      %dma_wait3A_169 = tpu.memref_squeeze %dma_wait3A_168 : memref<1x128xi32, #tpu.memory_space<vmem>> -> memref<128xi32, #tpu.memory_space<vmem>>
      %dma_wait3A_170 = arith.constant 0 : i32
      %dma_wait3A_171 = arith.constant 0 : i32
      %dma_wait3A_172 = tpu.memref_slice %arg11[%dma_wait3A_170, %dma_wait3A_171] : memref<10240x32xf32, #tpu.memory_space<vmem_shared>> -> memref<10240x32xf32, #tpu.memory_space<vmem_shared>>
      tpu.wait_indirect_dma semaphore(%arg13 : memref<!tpu.dma_semaphore, #tpu.memory_space<semaphore_mem>>) src(%dma_wait3A_172 : memref<10240x32xf32, #tpu.memory_space<vmem_shared>>) dst(%dma_wait3A_166 : memref<128x32xf32, #tpu.memory_space<vmem>>)
      %dma_start3A_173 = arith.constant 1 : i32
      %dma_start3A_174 = arith.constant 0 : i32
      %dma_start3A_175 = arith.constant 0 : i32
      %dma_start3A_176 = tpu.memref_slice %arg9[%dma_start3A_173, %dma_start3A_174, %dma_start3A_175] : memref<8x128x32xf32, #tpu.memory_space<vmem>> -> memref<1x128x32xf32, #tpu.memory_space<vmem>>
      %dma_start3A_177 = tpu.memref_squeeze %dma_start3A_176 : memref<1x128x32xf32, #tpu.memory_space<vmem>> -> memref<128x32xf32, #tpu.memory_space<vmem>>
      %dma_start3A_178 = arith.constant 0 : i32
      %dma_start3A_179 = tpu.memref_slice %arg8[%add3A_148, %dma_start3A_178] : memref<80x128xi32, #tpu.memory_space<vmem>> -> memref<1x128xi32, #tpu.memory_space<vmem>>
      %dma_start3A_180 = tpu.memref_squeeze %dma_start3A_179 : memref<1x128xi32, #tpu.memory_space<vmem>> -> memref<128xi32, #tpu.memory_space<vmem>>
      %dma_start3A_181 = arith.constant 0 : i32
      %dma_start3A_182 = arith.constant 0 : i32
      %dma_start3A_183 = tpu.memref_slice %arg10[%dma_start3A_181, %dma_start3A_182] : memref<10240x32xf32, #tpu.memory_space<vmem_shared>> -> memref<10240x32xf32, #tpu.memory_space<vmem_shared>>
      tpu.enqueue_indirect_dma source(%dma_start3A_177 : memref<128x32xf32, #tpu.memory_space<vmem>>) target(%dma_start3A_183 : memref<10240x32xf32, #tpu.memory_space<vmem_shared>>) offsets(%dma_start3A_180 : memref<128xi32, #tpu.memory_space<vmem>>) semaphore(%arg21 : memref<!tpu.dma_semaphore, #tpu.memory_space<semaphore_mem>>) {add = true}
      %add3A_184 = arith.constant 2 : i32
      %add3A_185 = arith.addi %mul3A_113, %add3A_184 : i32
      %ge3A_186 = arith.constant 4 : i32
      %ge3A_187 = arith.cmpi sge, %add3A_185, %ge3A_186 : i32
      %convert_element_type3A_188 = arith.extui %ge3A_187 : i1 to i32
      %cond3A_189 = arith.constant 0 : i32
      %cond3A_190 = arith.cmpi ne, %convert_element_type3A_188, %cond3A_189 : i32
      scf.if %cond3A_190 {
        %dma_wait3A_406 = arith.constant 6 : i32
        %dma_wait3A_407 = arith.constant 0 : i32
        %dma_wait3A_408 = arith.constant 0 : i32
        %dma_wait3A_409 = arith.constant 0 : i32
        %dma_wait3A_410 = tpu.memref_slice %arg9[%dma_wait3A_406, %dma_wait3A_408, %dma_wait3A_409] : memref<8x128x32xf32, #tpu.memory_space<vmem>> -> memref<1x128x32xf32, #tpu.memory_space<vmem>>
        %dma_wait3A_411 = tpu.memref_squeeze %dma_wait3A_410 : memref<1x128x32xf32, #tpu.memory_space<vmem>> -> memref<128x32xf32, #tpu.memory_space<vmem>>
        %dma_wait3A_412 = arith.constant 0 : i32
        %dma_wait3A_413 = tpu.memref_slice %arg8[%dma_wait3A_407, %dma_wait3A_412] : memref<80x128xi32, #tpu.memory_space<vmem>> -> memref<1x128xi32, #tpu.memory_space<vmem>>
        %dma_wait3A_414 = tpu.memref_squeeze %dma_wait3A_413 : memref<1x128xi32, #tpu.memory_space<vmem>> -> memref<128xi32, #tpu.memory_space<vmem>>
        %dma_wait3A_415 = arith.constant 0 : i32
        %dma_wait3A_416 = arith.constant 0 : i32
        %dma_wait3A_417 = tpu.memref_slice %arg10[%dma_wait3A_415, %dma_wait3A_416] : memref<10240x32xf32, #tpu.memory_space<vmem_shared>> -> memref<10240x32xf32, #tpu.memory_space<vmem_shared>>
        tpu.wait_indirect_dma semaphore(%arg26 : memref<!tpu.dma_semaphore, #tpu.memory_space<semaphore_mem>>) src(%dma_wait3A_411 : memref<128x32xf32, #tpu.memory_space<vmem>>) dst(%dma_wait3A_417 : memref<10240x32xf32, #tpu.memory_space<vmem_shared>>)
      } else {
      }
      %add3A_191 = arith.constant 4 : i32
      %add3A_192 = arith.addi %add3A_185, %add3A_191 : i32
      %lt3A_193 = arith.constant 80 : i32
      %lt3A_194 = arith.cmpi slt, %add3A_192, %lt3A_193 : i32
      %convert_element_type3A_195 = arith.extui %lt3A_194 : i1 to i32
      %cond3A_196 = arith.constant 0 : i32
      %cond3A_197 = arith.cmpi ne, %convert_element_type3A_195, %cond3A_196 : i32
      scf.if %cond3A_197 {
        %add3A_406 = arith.constant 4 : i32
        %add3A_407 = arith.addi %add3A_185, %add3A_406 : i32
        %dma_start3A_408 = arith.constant 6 : i32
        %dma_start3A_409 = arith.constant 0 : i32
        %dma_start3A_410 = arith.constant 0 : i32
        %dma_start3A_411 = tpu.memref_slice %arg9[%dma_start3A_408, %dma_start3A_409, %dma_start3A_410] : memref<8x128x32xf32, #tpu.memory_space<vmem>> -> memref<1x128x32xf32, #tpu.memory_space<vmem>>
        %dma_start3A_412 = tpu.memref_squeeze %dma_start3A_411 : memref<1x128x32xf32, #tpu.memory_space<vmem>> -> memref<128x32xf32, #tpu.memory_space<vmem>>
        %dma_start3A_413 = arith.constant 0 : i32
        %dma_start3A_414 = tpu.memref_slice %arg7[%add3A_407, %dma_start3A_413] : memref<80x128xi32, #tpu.memory_space<vmem>> -> memref<1x128xi32, #tpu.memory_space<vmem>>
        %dma_start3A_415 = tpu.memref_squeeze %dma_start3A_414 : memref<1x128xi32, #tpu.memory_space<vmem>> -> memref<128xi32, #tpu.memory_space<vmem>>
        %dma_start3A_416 = arith.constant 0 : i32
        %dma_start3A_417 = arith.constant 0 : i32
        %dma_start3A_418 = tpu.memref_slice %arg11[%dma_start3A_416, %dma_start3A_417] : memref<10240x32xf32, #tpu.memory_space<vmem_shared>> -> memref<10240x32xf32, #tpu.memory_space<vmem_shared>>
        tpu.enqueue_indirect_dma source(%dma_start3A_418 : memref<10240x32xf32, #tpu.memory_space<vmem_shared>>) target(%dma_start3A_412 : memref<128x32xf32, #tpu.memory_space<vmem>>) offsets(%dma_start3A_415 : memref<128xi32, #tpu.memory_space<vmem>>) semaphore(%arg18 : memref<!tpu.dma_semaphore, #tpu.memory_space<semaphore_mem>>)
      } else {
      }
      %dma_wait3A_198 = arith.constant 0 : i32
      %dma_wait3A_199 = arith.constant 2 : i32
      %dma_wait3A_200 = arith.constant 0 : i32
      %dma_wait3A_201 = arith.constant 0 : i32
      %dma_wait3A_202 = tpu.memref_slice %arg9[%dma_wait3A_199, %dma_wait3A_200, %dma_wait3A_201] : memref<8x128x32xf32, #tpu.memory_space<vmem>> -> memref<1x128x32xf32, #tpu.memory_space<vmem>>
      %dma_wait3A_203 = tpu.memref_squeeze %dma_wait3A_202 : memref<1x128x32xf32, #tpu.memory_space<vmem>> -> memref<128x32xf32, #tpu.memory_space<vmem>>
      %dma_wait3A_204 = arith.constant 0 : i32
      %dma_wait3A_205 = tpu.memref_slice %arg7[%dma_wait3A_198, %dma_wait3A_204] : memref<80x128xi32, #tpu.memory_space<vmem>> -> memref<1x128xi32, #tpu.memory_space<vmem>>
      %dma_wait3A_206 = tpu.memref_squeeze %dma_wait3A_205 : memref<1x128xi32, #tpu.memory_space<vmem>> -> memref<128xi32, #tpu.memory_space<vmem>>
      %dma_wait3A_207 = arith.constant 0 : i32
      %dma_wait3A_208 = arith.constant 0 : i32
      %dma_wait3A_209 = tpu.memref_slice %arg11[%dma_wait3A_207, %dma_wait3A_208] : memref<10240x32xf32, #tpu.memory_space<vmem_shared>> -> memref<10240x32xf32, #tpu.memory_space<vmem_shared>>
      tpu.wait_indirect_dma semaphore(%arg14 : memref<!tpu.dma_semaphore, #tpu.memory_space<semaphore_mem>>) src(%dma_wait3A_209 : memref<10240x32xf32, #tpu.memory_space<vmem_shared>>) dst(%dma_wait3A_203 : memref<128x32xf32, #tpu.memory_space<vmem>>)
      %dma_start3A_210 = arith.constant 2 : i32
      %dma_start3A_211 = arith.constant 0 : i32
      %dma_start3A_212 = arith.constant 0 : i32
      %dma_start3A_213 = tpu.memref_slice %arg9[%dma_start3A_210, %dma_start3A_211, %dma_start3A_212] : memref<8x128x32xf32, #tpu.memory_space<vmem>> -> memref<1x128x32xf32, #tpu.memory_space<vmem>>
      %dma_start3A_214 = tpu.memref_squeeze %dma_start3A_213 : memref<1x128x32xf32, #tpu.memory_space<vmem>> -> memref<128x32xf32, #tpu.memory_space<vmem>>
      %dma_start3A_215 = arith.constant 0 : i32
      %dma_start3A_216 = tpu.memref_slice %arg8[%add3A_185, %dma_start3A_215] : memref<80x128xi32, #tpu.memory_space<vmem>> -> memref<1x128xi32, #tpu.memory_space<vmem>>
      %dma_start3A_217 = tpu.memref_squeeze %dma_start3A_216 : memref<1x128xi32, #tpu.memory_space<vmem>> -> memref<128xi32, #tpu.memory_space<vmem>>
      %dma_start3A_218 = arith.constant 0 : i32
      %dma_start3A_219 = arith.constant 0 : i32
      %dma_start3A_220 = tpu.memref_slice %arg10[%dma_start3A_218, %dma_start3A_219] : memref<10240x32xf32, #tpu.memory_space<vmem_shared>> -> memref<10240x32xf32, #tpu.memory_space<vmem_shared>>
      tpu.enqueue_indirect_dma source(%dma_start3A_214 : memref<128x32xf32, #tpu.memory_space<vmem>>) target(%dma_start3A_220 : memref<10240x32xf32, #tpu.memory_space<vmem_shared>>) offsets(%dma_start3A_217 : memref<128xi32, #tpu.memory_space<vmem>>) semaphore(%arg22 : memref<!tpu.dma_semaphore, #tpu.memory_space<semaphore_mem>>) {add = true}
      %add3A_221 = arith.constant 3 : i32
      %add3A_222 = arith.addi %mul3A_113, %add3A_221 : i32
      %ge3A_223 = arith.constant 4 : i32
      %ge3A_224 = arith.cmpi sge, %add3A_222, %ge3A_223 : i32
      %convert_element_type3A_225 = arith.extui %ge3A_224 : i1 to i32
      %cond3A_226 = arith.constant 0 : i32
      %cond3A_227 = arith.cmpi ne, %convert_element_type3A_225, %cond3A_226 : i32
      scf.if %cond3A_227 {
        %dma_wait3A_406 = arith.constant 7 : i32
        %dma_wait3A_407 = arith.constant 0 : i32
        %dma_wait3A_408 = arith.constant 0 : i32
        %dma_wait3A_409 = arith.constant 0 : i32
        %dma_wait3A_410 = tpu.memref_slice %arg9[%dma_wait3A_406, %dma_wait3A_408, %dma_wait3A_409] : memref<8x128x32xf32, #tpu.memory_space<vmem>> -> memref<1x128x32xf32, #tpu.memory_space<vmem>>
        %dma_wait3A_411 = tpu.memref_squeeze %dma_wait3A_410 : memref<1x128x32xf32, #tpu.memory_space<vmem>> -> memref<128x32xf32, #tpu.memory_space<vmem>>
        %dma_wait3A_412 = arith.constant 0 : i32
        %dma_wait3A_413 = tpu.memref_slice %arg8[%dma_wait3A_407, %dma_wait3A_412] : memref<80x128xi32, #tpu.memory_space<vmem>> -> memref<1x128xi32, #tpu.memory_space<vmem>>
        %dma_wait3A_414 = tpu.memref_squeeze %dma_wait3A_413 : memref<1x128xi32, #tpu.memory_space<vmem>> -> memref<128xi32, #tpu.memory_space<vmem>>
        %dma_wait3A_415 = arith.constant 0 : i32
        %dma_wait3A_416 = arith.constant 0 : i32
        %dma_wait3A_417 = tpu.memref_slice %arg10[%dma_wait3A_415, %dma_wait3A_416] : memref<10240x32xf32, #tpu.memory_space<vmem_shared>> -> memref<10240x32xf32, #tpu.memory_space<vmem_shared>>
        tpu.wait_indirect_dma semaphore(%arg27 : memref<!tpu.dma_semaphore, #tpu.memory_space<semaphore_mem>>) src(%dma_wait3A_411 : memref<128x32xf32, #tpu.memory_space<vmem>>) dst(%dma_wait3A_417 : memref<10240x32xf32, #tpu.memory_space<vmem_shared>>)
      } else {
      }
      %add3A_228 = arith.constant 4 : i32
      %add3A_229 = arith.addi %add3A_222, %add3A_228 : i32
      %lt3A_230 = arith.constant 80 : i32
      %lt3A_231 = arith.cmpi slt, %add3A_229, %lt3A_230 : i32
      %convert_element_type3A_232 = arith.extui %lt3A_231 : i1 to i32
      %cond3A_233 = arith.constant 0 : i32
      %cond3A_234 = arith.cmpi ne, %convert_element_type3A_232, %cond3A_233 : i32
      scf.if %cond3A_234 {
        %add3A_406 = arith.constant 4 : i32
        %add3A_407 = arith.addi %add3A_222, %add3A_406 : i32
        %dma_start3A_408 = arith.constant 7 : i32
        %dma_start3A_409 = arith.constant 0 : i32
        %dma_start3A_410 = arith.constant 0 : i32
        %dma_start3A_411 = tpu.memref_slice %arg9[%dma_start3A_408, %dma_start3A_409, %dma_start3A_410] : memref<8x128x32xf32, #tpu.memory_space<vmem>> -> memref<1x128x32xf32, #tpu.memory_space<vmem>>
        %dma_start3A_412 = tpu.memref_squeeze %dma_start3A_411 : memref<1x128x32xf32, #tpu.memory_space<vmem>> -> memref<128x32xf32, #tpu.memory_space<vmem>>
        %dma_start3A_413 = arith.constant 0 : i32
        %dma_start3A_414 = tpu.memref_slice %arg7[%add3A_407, %dma_start3A_413] : memref<80x128xi32, #tpu.memory_space<vmem>> -> memref<1x128xi32, #tpu.memory_space<vmem>>
        %dma_start3A_415 = tpu.memref_squeeze %dma_start3A_414 : memref<1x128xi32, #tpu.memory_space<vmem>> -> memref<128xi32, #tpu.memory_space<vmem>>
        %dma_start3A_416 = arith.constant 0 : i32
        %dma_start3A_417 = arith.constant 0 : i32
        %dma_start3A_418 = tpu.memref_slice %arg11[%dma_start3A_416, %dma_start3A_417] : memref<10240x32xf32, #tpu.memory_space<vmem_shared>> -> memref<10240x32xf32, #tpu.memory_space<vmem_shared>>
        tpu.enqueue_indirect_dma source(%dma_start3A_418 : memref<10240x32xf32, #tpu.memory_space<vmem_shared>>) target(%dma_start3A_412 : memref<128x32xf32, #tpu.memory_space<vmem>>) offsets(%dma_start3A_415 : memref<128xi32, #tpu.memory_space<vmem>>) semaphore(%arg19 : memref<!tpu.dma_semaphore, #tpu.memory_space<semaphore_mem>>)
      } else {
      }
      %dma_wait3A_235 = arith.constant 0 : i32
      %dma_wait3A_236 = arith.constant 3 : i32
      %dma_wait3A_237 = arith.constant 0 : i32
      %dma_wait3A_238 = arith.constant 0 : i32
      %dma_wait3A_239 = tpu.memref_slice %arg9[%dma_wait3A_236, %dma_wait3A_237, %dma_wait3A_238] : memref<8x128x32xf32, #tpu.memory_space<vmem>> -> memref<1x128x32xf32, #tpu.memory_space<vmem>>
      %dma_wait3A_240 = tpu.memref_squeeze %dma_wait3A_239 : memref<1x128x32xf32, #tpu.memory_space<vmem>> -> memref<128x32xf32, #tpu.memory_space<vmem>>
      %dma_wait3A_241 = arith.constant 0 : i32
      %dma_wait3A_242 = tpu.memref_slice %arg7[%dma_wait3A_235, %dma_wait3A_241] : memref<80x128xi32, #tpu.memory_space<vmem>> -> memref<1x128xi32, #tpu.memory_space<vmem>>
      %dma_wait3A_243 = tpu.memref_squeeze %dma_wait3A_242 : memref<1x128xi32, #tpu.memory_space<vmem>> -> memref<128xi32, #tpu.memory_space<vmem>>
      %dma_wait3A_244 = arith.constant 0 : i32
      %dma_wait3A_245 = arith.constant 0 : i32
      %dma_wait3A_246 = tpu.memref_slice %arg11[%dma_wait3A_244, %dma_wait3A_245] : memref<10240x32xf32, #tpu.memory_space<vmem_shared>> -> memref<10240x32xf32, #tpu.memory_space<vmem_shared>>
      tpu.wait_indirect_dma semaphore(%arg15 : memref<!tpu.dma_semaphore, #tpu.memory_space<semaphore_mem>>) src(%dma_wait3A_246 : memref<10240x32xf32, #tpu.memory_space<vmem_shared>>) dst(%dma_wait3A_240 : memref<128x32xf32, #tpu.memory_space<vmem>>)
      %dma_start3A_247 = arith.constant 3 : i32
      %dma_start3A_248 = arith.constant 0 : i32
      %dma_start3A_249 = arith.constant 0 : i32
      %dma_start3A_250 = tpu.memref_slice %arg9[%dma_start3A_247, %dma_start3A_248, %dma_start3A_249] : memref<8x128x32xf32, #tpu.memory_space<vmem>> -> memref<1x128x32xf32, #tpu.memory_space<vmem>>
      %dma_start3A_251 = tpu.memref_squeeze %dma_start3A_250 : memref<1x128x32xf32, #tpu.memory_space<vmem>> -> memref<128x32xf32, #tpu.memory_space<vmem>>
      %dma_start3A_252 = arith.constant 0 : i32
      %dma_start3A_253 = tpu.memref_slice %arg8[%add3A_222, %dma_start3A_252] : memref<80x128xi32, #tpu.memory_space<vmem>> -> memref<1x128xi32, #tpu.memory_space<vmem>>
      %dma_start3A_254 = tpu.memref_squeeze %dma_start3A_253 : memref<1x128xi32, #tpu.memory_space<vmem>> -> memref<128xi32, #tpu.memory_space<vmem>>
      %dma_start3A_255 = arith.constant 0 : i32
      %dma_start3A_256 = arith.constant 0 : i32
      %dma_start3A_257 = tpu.memref_slice %arg10[%dma_start3A_255, %dma_start3A_256] : memref<10240x32xf32, #tpu.memory_space<vmem_shared>> -> memref<10240x32xf32, #tpu.memory_space<vmem_shared>>
      tpu.enqueue_indirect_dma source(%dma_start3A_251 : memref<128x32xf32, #tpu.memory_space<vmem>>) target(%dma_start3A_257 : memref<10240x32xf32, #tpu.memory_space<vmem_shared>>) offsets(%dma_start3A_254 : memref<128xi32, #tpu.memory_space<vmem>>) semaphore(%arg23 : memref<!tpu.dma_semaphore, #tpu.memory_space<semaphore_mem>>) {add = true}
      %add3A_258 = arith.constant 4 : i32
      %add3A_259 = arith.addi %mul3A_113, %add3A_258 : i32
      %ge3A_260 = arith.constant 4 : i32
      %ge3A_261 = arith.cmpi sge, %add3A_259, %ge3A_260 : i32
      %convert_element_type3A_262 = arith.extui %ge3A_261 : i1 to i32
      %cond3A_263 = arith.constant 0 : i32
      %cond3A_264 = arith.cmpi ne, %convert_element_type3A_262, %cond3A_263 : i32
      scf.if %cond3A_264 {
        %dma_wait3A_406 = arith.constant 0 : i32
        %dma_wait3A_407 = arith.constant 0 : i32
        %dma_wait3A_408 = arith.constant 0 : i32
        %dma_wait3A_409 = arith.constant 0 : i32
        %dma_wait3A_410 = tpu.memref_slice %arg9[%dma_wait3A_406, %dma_wait3A_408, %dma_wait3A_409] : memref<8x128x32xf32, #tpu.memory_space<vmem>> -> memref<1x128x32xf32, #tpu.memory_space<vmem>>
        %dma_wait3A_411 = tpu.memref_squeeze %dma_wait3A_410 : memref<1x128x32xf32, #tpu.memory_space<vmem>> -> memref<128x32xf32, #tpu.memory_space<vmem>>
        %dma_wait3A_412 = arith.constant 0 : i32
        %dma_wait3A_413 = tpu.memref_slice %arg8[%dma_wait3A_407, %dma_wait3A_412] : memref<80x128xi32, #tpu.memory_space<vmem>> -> memref<1x128xi32, #tpu.memory_space<vmem>>
        %dma_wait3A_414 = tpu.memref_squeeze %dma_wait3A_413 : memref<1x128xi32, #tpu.memory_space<vmem>> -> memref<128xi32, #tpu.memory_space<vmem>>
        %dma_wait3A_415 = arith.constant 0 : i32
        %dma_wait3A_416 = arith.constant 0 : i32
        %dma_wait3A_417 = tpu.memref_slice %arg10[%dma_wait3A_415, %dma_wait3A_416] : memref<10240x32xf32, #tpu.memory_space<vmem_shared>> -> memref<10240x32xf32, #tpu.memory_space<vmem_shared>>
        tpu.wait_indirect_dma semaphore(%arg20 : memref<!tpu.dma_semaphore, #tpu.memory_space<semaphore_mem>>) src(%dma_wait3A_411 : memref<128x32xf32, #tpu.memory_space<vmem>>) dst(%dma_wait3A_417 : memref<10240x32xf32, #tpu.memory_space<vmem_shared>>)
      } else {
      }
      %add3A_265 = arith.constant 4 : i32
      %add3A_266 = arith.addi %add3A_259, %add3A_265 : i32
      %lt3A_267 = arith.constant 80 : i32
      %lt3A_268 = arith.cmpi slt, %add3A_266, %lt3A_267 : i32
      %convert_element_type3A_269 = arith.extui %lt3A_268 : i1 to i32
      %cond3A_270 = arith.constant 0 : i32
      %cond3A_271 = arith.cmpi ne, %convert_element_type3A_269, %cond3A_270 : i32
      scf.if %cond3A_271 {
        %add3A_406 = arith.constant 4 : i32
        %add3A_407 = arith.addi %add3A_259, %add3A_406 : i32
        %dma_start3A_408 = arith.constant 0 : i32
        %dma_start3A_409 = arith.constant 0 : i32
        %dma_start3A_410 = arith.constant 0 : i32
        %dma_start3A_411 = tpu.memref_slice %arg9[%dma_start3A_408, %dma_start3A_409, %dma_start3A_410] : memref<8x128x32xf32, #tpu.memory_space<vmem>> -> memref<1x128x32xf32, #tpu.memory_space<vmem>>
        %dma_start3A_412 = tpu.memref_squeeze %dma_start3A_411 : memref<1x128x32xf32, #tpu.memory_space<vmem>> -> memref<128x32xf32, #tpu.memory_space<vmem>>
        %dma_start3A_413 = arith.constant 0 : i32
        %dma_start3A_414 = tpu.memref_slice %arg7[%add3A_407, %dma_start3A_413] : memref<80x128xi32, #tpu.memory_space<vmem>> -> memref<1x128xi32, #tpu.memory_space<vmem>>
        %dma_start3A_415 = tpu.memref_squeeze %dma_start3A_414 : memref<1x128xi32, #tpu.memory_space<vmem>> -> memref<128xi32, #tpu.memory_space<vmem>>
        %dma_start3A_416 = arith.constant 0 : i32
        %dma_start3A_417 = arith.constant 0 : i32
        %dma_start3A_418 = tpu.memref_slice %arg11[%dma_start3A_416, %dma_start3A_417] : memref<10240x32xf32, #tpu.memory_space<vmem_shared>> -> memref<10240x32xf32, #tpu.memory_space<vmem_shared>>
        tpu.enqueue_indirect_dma source(%dma_start3A_418 : memref<10240x32xf32, #tpu.memory_space<vmem_shared>>) target(%dma_start3A_412 : memref<128x32xf32, #tpu.memory_space<vmem>>) offsets(%dma_start3A_415 : memref<128xi32, #tpu.memory_space<vmem>>) semaphore(%arg12 : memref<!tpu.dma_semaphore, #tpu.memory_space<semaphore_mem>>)
      } else {
      }
      %dma_wait3A_272 = arith.constant 0 : i32
      %dma_wait3A_273 = arith.constant 4 : i32
      %dma_wait3A_274 = arith.constant 0 : i32
      %dma_wait3A_275 = arith.constant 0 : i32
      %dma_wait3A_276 = tpu.memref_slice %arg9[%dma_wait3A_273, %dma_wait3A_274, %dma_wait3A_275] : memref<8x128x32xf32, #tpu.memory_space<vmem>> -> memref<1x128x32xf32, #tpu.memory_space<vmem>>
      %dma_wait3A_277 = tpu.memref_squeeze %dma_wait3A_276 : memref<1x128x32xf32, #tpu.memory_space<vmem>> -> memref<128x32xf32, #tpu.memory_space<vmem>>
      %dma_wait3A_278 = arith.constant 0 : i32
      %dma_wait3A_279 = tpu.memref_slice %arg7[%dma_wait3A_272, %dma_wait3A_278] : memref<80x128xi32, #tpu.memory_space<vmem>> -> memref<1x128xi32, #tpu.memory_space<vmem>>
      %dma_wait3A_280 = tpu.memref_squeeze %dma_wait3A_279 : memref<1x128xi32, #tpu.memory_space<vmem>> -> memref<128xi32, #tpu.memory_space<vmem>>
      %dma_wait3A_281 = arith.constant 0 : i32
      %dma_wait3A_282 = arith.constant 0 : i32
      %dma_wait3A_283 = tpu.memref_slice %arg11[%dma_wait3A_281, %dma_wait3A_282] : memref<10240x32xf32, #tpu.memory_space<vmem_shared>> -> memref<10240x32xf32, #tpu.memory_space<vmem_shared>>
      tpu.wait_indirect_dma semaphore(%arg16 : memref<!tpu.dma_semaphore, #tpu.memory_space<semaphore_mem>>) src(%dma_wait3A_283 : memref<10240x32xf32, #tpu.memory_space<vmem_shared>>) dst(%dma_wait3A_277 : memref<128x32xf32, #tpu.memory_space<vmem>>)
      %dma_start3A_284 = arith.constant 4 : i32
      %dma_start3A_285 = arith.constant 0 : i32
      %dma_start3A_286 = arith.constant 0 : i32
      %dma_start3A_287 = tpu.memref_slice %arg9[%dma_start3A_284, %dma_start3A_285, %dma_start3A_286] : memref<8x128x32xf32, #tpu.memory_space<vmem>> -> memref<1x128x32xf32, #tpu.memory_space<vmem>>
      %dma_start3A_288 = tpu.memref_squeeze %dma_start3A_287 : memref<1x128x32xf32, #tpu.memory_space<vmem>> -> memref<128x32xf32, #tpu.memory_space<vmem>>
      %dma_start3A_289 = arith.constant 0 : i32
      %dma_start3A_290 = tpu.memref_slice %arg8[%add3A_259, %dma_start3A_289] : memref<80x128xi32, #tpu.memory_space<vmem>> -> memref<1x128xi32, #tpu.memory_space<vmem>>
      %dma_start3A_291 = tpu.memref_squeeze %dma_start3A_290 : memref<1x128xi32, #tpu.memory_space<vmem>> -> memref<128xi32, #tpu.memory_space<vmem>>
      %dma_start3A_292 = arith.constant 0 : i32
      %dma_start3A_293 = arith.constant 0 : i32
      %dma_start3A_294 = tpu.memref_slice %arg10[%dma_start3A_292, %dma_start3A_293] : memref<10240x32xf32, #tpu.memory_space<vmem_shared>> -> memref<10240x32xf32, #tpu.memory_space<vmem_shared>>
      tpu.enqueue_indirect_dma source(%dma_start3A_288 : memref<128x32xf32, #tpu.memory_space<vmem>>) target(%dma_start3A_294 : memref<10240x32xf32, #tpu.memory_space<vmem_shared>>) offsets(%dma_start3A_291 : memref<128xi32, #tpu.memory_space<vmem>>) semaphore(%arg24 : memref<!tpu.dma_semaphore, #tpu.memory_space<semaphore_mem>>) {add = true}
      %add3A_295 = arith.constant 5 : i32
      %add3A_296 = arith.addi %mul3A_113, %add3A_295 : i32
      %ge3A_297 = arith.constant 4 : i32
      %ge3A_298 = arith.cmpi sge, %add3A_296, %ge3A_297 : i32
      %convert_element_type3A_299 = arith.extui %ge3A_298 : i1 to i32
      %cond3A_300 = arith.constant 0 : i32
      %cond3A_301 = arith.cmpi ne, %convert_element_type3A_299, %cond3A_300 : i32
      scf.if %cond3A_301 {
        %dma_wait3A_406 = arith.constant 1 : i32
        %dma_wait3A_407 = arith.constant 0 : i32
        %dma_wait3A_408 = arith.constant 0 : i32
        %dma_wait3A_409 = arith.constant 0 : i32
        %dma_wait3A_410 = tpu.memref_slice %arg9[%dma_wait3A_406, %dma_wait3A_408, %dma_wait3A_409] : memref<8x128x32xf32, #tpu.memory_space<vmem>> -> memref<1x128x32xf32, #tpu.memory_space<vmem>>
        %dma_wait3A_411 = tpu.memref_squeeze %dma_wait3A_410 : memref<1x128x32xf32, #tpu.memory_space<vmem>> -> memref<128x32xf32, #tpu.memory_space<vmem>>
        %dma_wait3A_412 = arith.constant 0 : i32
        %dma_wait3A_413 = tpu.memref_slice %arg8[%dma_wait3A_407, %dma_wait3A_412] : memref<80x128xi32, #tpu.memory_space<vmem>> -> memref<1x128xi32, #tpu.memory_space<vmem>>
        %dma_wait3A_414 = tpu.memref_squeeze %dma_wait3A_413 : memref<1x128xi32, #tpu.memory_space<vmem>> -> memref<128xi32, #tpu.memory_space<vmem>>
        %dma_wait3A_415 = arith.constant 0 : i32
        %dma_wait3A_416 = arith.constant 0 : i32
        %dma_wait3A_417 = tpu.memref_slice %arg10[%dma_wait3A_415, %dma_wait3A_416] : memref<10240x32xf32, #tpu.memory_space<vmem_shared>> -> memref<10240x32xf32, #tpu.memory_space<vmem_shared>>
        tpu.wait_indirect_dma semaphore(%arg21 : memref<!tpu.dma_semaphore, #tpu.memory_space<semaphore_mem>>) src(%dma_wait3A_411 : memref<128x32xf32, #tpu.memory_space<vmem>>) dst(%dma_wait3A_417 : memref<10240x32xf32, #tpu.memory_space<vmem_shared>>)
      } else {
      }
      %add3A_302 = arith.constant 4 : i32
      %add3A_303 = arith.addi %add3A_296, %add3A_302 : i32
      %lt3A_304 = arith.constant 80 : i32
      %lt3A_305 = arith.cmpi slt, %add3A_303, %lt3A_304 : i32
      %convert_element_type3A_306 = arith.extui %lt3A_305 : i1 to i32
      %cond3A_307 = arith.constant 0 : i32
      %cond3A_308 = arith.cmpi ne, %convert_element_type3A_306, %cond3A_307 : i32
      scf.if %cond3A_308 {
        %add3A_406 = arith.constant 4 : i32
        %add3A_407 = arith.addi %add3A_296, %add3A_406 : i32
        %dma_start3A_408 = arith.constant 1 : i32
        %dma_start3A_409 = arith.constant 0 : i32
        %dma_start3A_410 = arith.constant 0 : i32
        %dma_start3A_411 = tpu.memref_slice %arg9[%dma_start3A_408, %dma_start3A_409, %dma_start3A_410] : memref<8x128x32xf32, #tpu.memory_space<vmem>> -> memref<1x128x32xf32, #tpu.memory_space<vmem>>
        %dma_start3A_412 = tpu.memref_squeeze %dma_start3A_411 : memref<1x128x32xf32, #tpu.memory_space<vmem>> -> memref<128x32xf32, #tpu.memory_space<vmem>>
        %dma_start3A_413 = arith.constant 0 : i32
        %dma_start3A_414 = tpu.memref_slice %arg7[%add3A_407, %dma_start3A_413] : memref<80x128xi32, #tpu.memory_space<vmem>> -> memref<1x128xi32, #tpu.memory_space<vmem>>
        %dma_start3A_415 = tpu.memref_squeeze %dma_start3A_414 : memref<1x128xi32, #tpu.memory_space<vmem>> -> memref<128xi32, #tpu.memory_space<vmem>>
        %dma_start3A_416 = arith.constant 0 : i32
        %dma_start3A_417 = arith.constant 0 : i32
        %dma_start3A_418 = tpu.memref_slice %arg11[%dma_start3A_416, %dma_start3A_417] : memref<10240x32xf32, #tpu.memory_space<vmem_shared>> -> memref<10240x32xf32, #tpu.memory_space<vmem_shared>>
        tpu.enqueue_indirect_dma source(%dma_start3A_418 : memref<10240x32xf32, #tpu.memory_space<vmem_shared>>) target(%dma_start3A_412 : memref<128x32xf32, #tpu.memory_space<vmem>>) offsets(%dma_start3A_415 : memref<128xi32, #tpu.memory_space<vmem>>) semaphore(%arg13 : memref<!tpu.dma_semaphore, #tpu.memory_space<semaphore_mem>>)
      } else {
      }
      %dma_wait3A_309 = arith.constant 0 : i32
      %dma_wait3A_310 = arith.constant 5 : i32
      %dma_wait3A_311 = arith.constant 0 : i32
      %dma_wait3A_312 = arith.constant 0 : i32
      %dma_wait3A_313 = tpu.memref_slice %arg9[%dma_wait3A_310, %dma_wait3A_311, %dma_wait3A_312] : memref<8x128x32xf32, #tpu.memory_space<vmem>> -> memref<1x128x32xf32, #tpu.memory_space<vmem>>
      %dma_wait3A_314 = tpu.memref_squeeze %dma_wait3A_313 : memref<1x128x32xf32, #tpu.memory_space<vmem>> -> memref<128x32xf32, #tpu.memory_space<vmem>>
      %dma_wait3A_315 = arith.constant 0 : i32
      %dma_wait3A_316 = tpu.memref_slice %arg7[%dma_wait3A_309, %dma_wait3A_315] : memref<80x128xi32, #tpu.memory_space<vmem>> -> memref<1x128xi32, #tpu.memory_space<vmem>>
      %dma_wait3A_317 = tpu.memref_squeeze %dma_wait3A_316 : memref<1x128xi32, #tpu.memory_space<vmem>> -> memref<128xi32, #tpu.memory_space<vmem>>
      %dma_wait3A_318 = arith.constant 0 : i32
      %dma_wait3A_319 = arith.constant 0 : i32
      %dma_wait3A_320 = tpu.memref_slice %arg11[%dma_wait3A_318, %dma_wait3A_319] : memref<10240x32xf32, #tpu.memory_space<vmem_shared>> -> memref<10240x32xf32, #tpu.memory_space<vmem_shared>>
      tpu.wait_indirect_dma semaphore(%arg17 : memref<!tpu.dma_semaphore, #tpu.memory_space<semaphore_mem>>) src(%dma_wait3A_320 : memref<10240x32xf32, #tpu.memory_space<vmem_shared>>) dst(%dma_wait3A_314 : memref<128x32xf32, #tpu.memory_space<vmem>>)
      %dma_start3A_321 = arith.constant 5 : i32
      %dma_start3A_322 = arith.constant 0 : i32
      %dma_start3A_323 = arith.constant 0 : i32
      %dma_start3A_324 = tpu.memref_slice %arg9[%dma_start3A_321, %dma_start3A_322, %dma_start3A_323] : memref<8x128x32xf32, #tpu.memory_space<vmem>> -> memref<1x128x32xf32, #tpu.memory_space<vmem>>
      %dma_start3A_325 = tpu.memref_squeeze %dma_start3A_324 : memref<1x128x32xf32, #tpu.memory_space<vmem>> -> memref<128x32xf32, #tpu.memory_space<vmem>>
      %dma_start3A_326 = arith.constant 0 : i32
      %dma_start3A_327 = tpu.memref_slice %arg8[%add3A_296, %dma_start3A_326] : memref<80x128xi32, #tpu.memory_space<vmem>> -> memref<1x128xi32, #tpu.memory_space<vmem>>
      %dma_start3A_328 = tpu.memref_squeeze %dma_start3A_327 : memref<1x128xi32, #tpu.memory_space<vmem>> -> memref<128xi32, #tpu.memory_space<vmem>>
      %dma_start3A_329 = arith.constant 0 : i32
      %dma_start3A_330 = arith.constant 0 : i32
      %dma_start3A_331 = tpu.memref_slice %arg10[%dma_start3A_329, %dma_start3A_330] : memref<10240x32xf32, #tpu.memory_space<vmem_shared>> -> memref<10240x32xf32, #tpu.memory_space<vmem_shared>>
      tpu.enqueue_indirect_dma source(%dma_start3A_325 : memref<128x32xf32, #tpu.memory_space<vmem>>) target(%dma_start3A_331 : memref<10240x32xf32, #tpu.memory_space<vmem_shared>>) offsets(%dma_start3A_328 : memref<128xi32, #tpu.memory_space<vmem>>) semaphore(%arg25 : memref<!tpu.dma_semaphore, #tpu.memory_space<semaphore_mem>>) {add = true}
      %add3A_332 = arith.constant 6 : i32
      %add3A_333 = arith.addi %mul3A_113, %add3A_332 : i32
      %ge3A_334 = arith.constant 4 : i32
      %ge3A_335 = arith.cmpi sge, %add3A_333, %ge3A_334 : i32
      %convert_element_type3A_336 = arith.extui %ge3A_335 : i1 to i32
      %cond3A_337 = arith.constant 0 : i32
      %cond3A_338 = arith.cmpi ne, %convert_element_type3A_336, %cond3A_337 : i32
      scf.if %cond3A_338 {
        %dma_wait3A_406 = arith.constant 2 : i32
        %dma_wait3A_407 = arith.constant 0 : i32
        %dma_wait3A_408 = arith.constant 0 : i32
        %dma_wait3A_409 = arith.constant 0 : i32
        %dma_wait3A_410 = tpu.memref_slice %arg9[%dma_wait3A_406, %dma_wait3A_408, %dma_wait3A_409] : memref<8x128x32xf32, #tpu.memory_space<vmem>> -> memref<1x128x32xf32, #tpu.memory_space<vmem>>
        %dma_wait3A_411 = tpu.memref_squeeze %dma_wait3A_410 : memref<1x128x32xf32, #tpu.memory_space<vmem>> -> memref<128x32xf32, #tpu.memory_space<vmem>>
        %dma_wait3A_412 = arith.constant 0 : i32
        %dma_wait3A_413 = tpu.memref_slice %arg8[%dma_wait3A_407, %dma_wait3A_412] : memref<80x128xi32, #tpu.memory_space<vmem>> -> memref<1x128xi32, #tpu.memory_space<vmem>>
        %dma_wait3A_414 = tpu.memref_squeeze %dma_wait3A_413 : memref<1x128xi32, #tpu.memory_space<vmem>> -> memref<128xi32, #tpu.memory_space<vmem>>
        %dma_wait3A_415 = arith.constant 0 : i32
        %dma_wait3A_416 = arith.constant 0 : i32
        %dma_wait3A_417 = tpu.memref_slice %arg10[%dma_wait3A_415, %dma_wait3A_416] : memref<10240x32xf32, #tpu.memory_space<vmem_shared>> -> memref<10240x32xf32, #tpu.memory_space<vmem_shared>>
        tpu.wait_indirect_dma semaphore(%arg22 : memref<!tpu.dma_semaphore, #tpu.memory_space<semaphore_mem>>) src(%dma_wait3A_411 : memref<128x32xf32, #tpu.memory_space<vmem>>) dst(%dma_wait3A_417 : memref<10240x32xf32, #tpu.memory_space<vmem_shared>>)
      } else {
      }
      %add3A_339 = arith.constant 4 : i32
      %add3A_340 = arith.addi %add3A_333, %add3A_339 : i32
      %lt3A_341 = arith.constant 80 : i32
      %lt3A_342 = arith.cmpi slt, %add3A_340, %lt3A_341 : i32
      %convert_element_type3A_343 = arith.extui %lt3A_342 : i1 to i32
      %cond3A_344 = arith.constant 0 : i32
      %cond3A_345 = arith.cmpi ne, %convert_element_type3A_343, %cond3A_344 : i32
      scf.if %cond3A_345 {
        %add3A_406 = arith.constant 4 : i32
        %add3A_407 = arith.addi %add3A_333, %add3A_406 : i32
        %dma_start3A_408 = arith.constant 2 : i32
        %dma_start3A_409 = arith.constant 0 : i32
        %dma_start3A_410 = arith.constant 0 : i32
        %dma_start3A_411 = tpu.memref_slice %arg9[%dma_start3A_408, %dma_start3A_409, %dma_start3A_410] : memref<8x128x32xf32, #tpu.memory_space<vmem>> -> memref<1x128x32xf32, #tpu.memory_space<vmem>>
        %dma_start3A_412 = tpu.memref_squeeze %dma_start3A_411 : memref<1x128x32xf32, #tpu.memory_space<vmem>> -> memref<128x32xf32, #tpu.memory_space<vmem>>
        %dma_start3A_413 = arith.constant 0 : i32
        %dma_start3A_414 = tpu.memref_slice %arg7[%add3A_407, %dma_start3A_413] : memref<80x128xi32, #tpu.memory_space<vmem>> -> memref<1x128xi32, #tpu.memory_space<vmem>>
        %dma_start3A_415 = tpu.memref_squeeze %dma_start3A_414 : memref<1x128xi32, #tpu.memory_space<vmem>> -> memref<128xi32, #tpu.memory_space<vmem>>
        %dma_start3A_416 = arith.constant 0 : i32
        %dma_start3A_417 = arith.constant 0 : i32
        %dma_start3A_418 = tpu.memref_slice %arg11[%dma_start3A_416, %dma_start3A_417] : memref<10240x32xf32, #tpu.memory_space<vmem_shared>> -> memref<10240x32xf32, #tpu.memory_space<vmem_shared>>
        tpu.enqueue_indirect_dma source(%dma_start3A_418 : memref<10240x32xf32, #tpu.memory_space<vmem_shared>>) target(%dma_start3A_412 : memref<128x32xf32, #tpu.memory_space<vmem>>) offsets(%dma_start3A_415 : memref<128xi32, #tpu.memory_space<vmem>>) semaphore(%arg14 : memref<!tpu.dma_semaphore, #tpu.memory_space<semaphore_mem>>)
      } else {
      }
      %dma_wait3A_346 = arith.constant 0 : i32
      %dma_wait3A_347 = arith.constant 6 : i32
      %dma_wait3A_348 = arith.constant 0 : i32
      %dma_wait3A_349 = arith.constant 0 : i32
      %dma_wait3A_350 = tpu.memref_slice %arg9[%dma_wait3A_347, %dma_wait3A_348, %dma_wait3A_349] : memref<8x128x32xf32, #tpu.memory_space<vmem>> -> memref<1x128x32xf32, #tpu.memory_space<vmem>>
      %dma_wait3A_351 = tpu.memref_squeeze %dma_wait3A_350 : memref<1x128x32xf32, #tpu.memory_space<vmem>> -> memref<128x32xf32, #tpu.memory_space<vmem>>
      %dma_wait3A_352 = arith.constant 0 : i32
      %dma_wait3A_353 = tpu.memref_slice %arg7[%dma_wait3A_346, %dma_wait3A_352] : memref<80x128xi32, #tpu.memory_space<vmem>> -> memref<1x128xi32, #tpu.memory_space<vmem>>
      %dma_wait3A_354 = tpu.memref_squeeze %dma_wait3A_353 : memref<1x128xi32, #tpu.memory_space<vmem>> -> memref<128xi32, #tpu.memory_space<vmem>>
      %dma_wait3A_355 = arith.constant 0 : i32
      %dma_wait3A_356 = arith.constant 0 : i32
      %dma_wait3A_357 = tpu.memref_slice %arg11[%dma_wait3A_355, %dma_wait3A_356] : memref<10240x32xf32, #tpu.memory_space<vmem_shared>> -> memref<10240x32xf32, #tpu.memory_space<vmem_shared>>
      tpu.wait_indirect_dma semaphore(%arg18 : memref<!tpu.dma_semaphore, #tpu.memory_space<semaphore_mem>>) src(%dma_wait3A_357 : memref<10240x32xf32, #tpu.memory_space<vmem_shared>>) dst(%dma_wait3A_351 : memref<128x32xf32, #tpu.memory_space<vmem>>)
      %dma_start3A_358 = arith.constant 6 : i32
      %dma_start3A_359 = arith.constant 0 : i32
      %dma_start3A_360 = arith.constant 0 : i32
      %dma_start3A_361 = tpu.memref_slice %arg9[%dma_start3A_358, %dma_start3A_359, %dma_start3A_360] : memref<8x128x32xf32, #tpu.memory_space<vmem>> -> memref<1x128x32xf32, #tpu.memory_space<vmem>>
      %dma_start3A_362 = tpu.memref_squeeze %dma_start3A_361 : memref<1x128x32xf32, #tpu.memory_space<vmem>> -> memref<128x32xf32, #tpu.memory_space<vmem>>
      %dma_start3A_363 = arith.constant 0 : i32
      %dma_start3A_364 = tpu.memref_slice %arg8[%add3A_333, %dma_start3A_363] : memref<80x128xi32, #tpu.memory_space<vmem>> -> memref<1x128xi32, #tpu.memory_space<vmem>>
      %dma_start3A_365 = tpu.memref_squeeze %dma_start3A_364 : memref<1x128xi32, #tpu.memory_space<vmem>> -> memref<128xi32, #tpu.memory_space<vmem>>
      %dma_start3A_366 = arith.constant 0 : i32
      %dma_start3A_367 = arith.constant 0 : i32
      %dma_start3A_368 = tpu.memref_slice %arg10[%dma_start3A_366, %dma_start3A_367] : memref<10240x32xf32, #tpu.memory_space<vmem_shared>> -> memref<10240x32xf32, #tpu.memory_space<vmem_shared>>
      tpu.enqueue_indirect_dma source(%dma_start3A_362 : memref<128x32xf32, #tpu.memory_space<vmem>>) target(%dma_start3A_368 : memref<10240x32xf32, #tpu.memory_space<vmem_shared>>) offsets(%dma_start3A_365 : memref<128xi32, #tpu.memory_space<vmem>>) semaphore(%arg26 : memref<!tpu.dma_semaphore, #tpu.memory_space<semaphore_mem>>) {add = true}
      %add3A_369 = arith.constant 7 : i32
      %add3A_370 = arith.addi %mul3A_113, %add3A_369 : i32
      %ge3A_371 = arith.constant 4 : i32
      %ge3A_372 = arith.cmpi sge, %add3A_370, %ge3A_371 : i32
      %convert_element_type3A_373 = arith.extui %ge3A_372 : i1 to i32
      %cond3A_374 = arith.constant 0 : i32
      %cond3A_375 = arith.cmpi ne, %convert_element_type3A_373, %cond3A_374 : i32
      scf.if %cond3A_375 {
        %dma_wait3A_406 = arith.constant 3 : i32
        %dma_wait3A_407 = arith.constant 0 : i32
        %dma_wait3A_408 = arith.constant 0 : i32
        %dma_wait3A_409 = arith.constant 0 : i32
        %dma_wait3A_410 = tpu.memref_slice %arg9[%dma_wait3A_406, %dma_wait3A_408, %dma_wait3A_409] : memref<8x128x32xf32, #tpu.memory_space<vmem>> -> memref<1x128x32xf32, #tpu.memory_space<vmem>>
        %dma_wait3A_411 = tpu.memref_squeeze %dma_wait3A_410 : memref<1x128x32xf32, #tpu.memory_space<vmem>> -> memref<128x32xf32, #tpu.memory_space<vmem>>
        %dma_wait3A_412 = arith.constant 0 : i32
        %dma_wait3A_413 = tpu.memref_slice %arg8[%dma_wait3A_407, %dma_wait3A_412] : memref<80x128xi32, #tpu.memory_space<vmem>> -> memref<1x128xi32, #tpu.memory_space<vmem>>
        %dma_wait3A_414 = tpu.memref_squeeze %dma_wait3A_413 : memref<1x128xi32, #tpu.memory_space<vmem>> -> memref<128xi32, #tpu.memory_space<vmem>>
        %dma_wait3A_415 = arith.constant 0 : i32
        %dma_wait3A_416 = arith.constant 0 : i32
        %dma_wait3A_417 = tpu.memref_slice %arg10[%dma_wait3A_415, %dma_wait3A_416] : memref<10240x32xf32, #tpu.memory_space<vmem_shared>> -> memref<10240x32xf32, #tpu.memory_space<vmem_shared>>
        tpu.wait_indirect_dma semaphore(%arg23 : memref<!tpu.dma_semaphore, #tpu.memory_space<semaphore_mem>>) src(%dma_wait3A_411 : memref<128x32xf32, #tpu.memory_space<vmem>>) dst(%dma_wait3A_417 : memref<10240x32xf32, #tpu.memory_space<vmem_shared>>)
      } else {
      }
      %add3A_376 = arith.constant 4 : i32
      %add3A_377 = arith.addi %add3A_370, %add3A_376 : i32
      %lt3A_378 = arith.constant 80 : i32
      %lt3A_379 = arith.cmpi slt, %add3A_377, %lt3A_378 : i32
      %convert_element_type3A_380 = arith.extui %lt3A_379 : i1 to i32
      %cond3A_381 = arith.constant 0 : i32
      %cond3A_382 = arith.cmpi ne, %convert_element_type3A_380, %cond3A_381 : i32
      scf.if %cond3A_382 {
        %add3A_406 = arith.constant 4 : i32
        %add3A_407 = arith.addi %add3A_370, %add3A_406 : i32
        %dma_start3A_408 = arith.constant 3 : i32
        %dma_start3A_409 = arith.constant 0 : i32
        %dma_start3A_410 = arith.constant 0 : i32
        %dma_start3A_411 = tpu.memref_slice %arg9[%dma_start3A_408, %dma_start3A_409, %dma_start3A_410] : memref<8x128x32xf32, #tpu.memory_space<vmem>> -> memref<1x128x32xf32, #tpu.memory_space<vmem>>
        %dma_start3A_412 = tpu.memref_squeeze %dma_start3A_411 : memref<1x128x32xf32, #tpu.memory_space<vmem>> -> memref<128x32xf32, #tpu.memory_space<vmem>>
        %dma_start3A_413 = arith.constant 0 : i32
        %dma_start3A_414 = tpu.memref_slice %arg7[%add3A_407, %dma_start3A_413] : memref<80x128xi32, #tpu.memory_space<vmem>> -> memref<1x128xi32, #tpu.memory_space<vmem>>
        %dma_start3A_415 = tpu.memref_squeeze %dma_start3A_414 : memref<1x128xi32, #tpu.memory_space<vmem>> -> memref<128xi32, #tpu.memory_space<vmem>>
        %dma_start3A_416 = arith.constant 0 : i32
        %dma_start3A_417 = arith.constant 0 : i32
        %dma_start3A_418 = tpu.memref_slice %arg11[%dma_start3A_416, %dma_start3A_417] : memref<10240x32xf32, #tpu.memory_space<vmem_shared>> -> memref<10240x32xf32, #tpu.memory_space<vmem_shared>>
        tpu.enqueue_indirect_dma source(%dma_start3A_418 : memref<10240x32xf32, #tpu.memory_space<vmem_shared>>) target(%dma_start3A_412 : memref<128x32xf32, #tpu.memory_space<vmem>>) offsets(%dma_start3A_415 : memref<128xi32, #tpu.memory_space<vmem>>) semaphore(%arg15 : memref<!tpu.dma_semaphore, #tpu.memory_space<semaphore_mem>>)
      } else {
      }
      %dma_wait3A_383 = arith.constant 0 : i32
      %dma_wait3A_384 = arith.constant 7 : i32
      %dma_wait3A_385 = arith.constant 0 : i32
      %dma_wait3A_386 = arith.constant 0 : i32
      %dma_wait3A_387 = tpu.memref_slice %arg9[%dma_wait3A_384, %dma_wait3A_385, %dma_wait3A_386] : memref<8x128x32xf32, #tpu.memory_space<vmem>> -> memref<1x128x32xf32, #tpu.memory_space<vmem>>
      %dma_wait3A_388 = tpu.memref_squeeze %dma_wait3A_387 : memref<1x128x32xf32, #tpu.memory_space<vmem>> -> memref<128x32xf32, #tpu.memory_space<vmem>>
      %dma_wait3A_389 = arith.constant 0 : i32
      %dma_wait3A_390 = tpu.memref_slice %arg7[%dma_wait3A_383, %dma_wait3A_389] : memref<80x128xi32, #tpu.memory_space<vmem>> -> memref<1x128xi32, #tpu.memory_space<vmem>>
      %dma_wait3A_391 = tpu.memref_squeeze %dma_wait3A_390 : memref<1x128xi32, #tpu.memory_space<vmem>> -> memref<128xi32, #tpu.memory_space<vmem>>
      %dma_wait3A_392 = arith.constant 0 : i32
      %dma_wait3A_393 = arith.constant 0 : i32
      %dma_wait3A_394 = tpu.memref_slice %arg11[%dma_wait3A_392, %dma_wait3A_393] : memref<10240x32xf32, #tpu.memory_space<vmem_shared>> -> memref<10240x32xf32, #tpu.memory_space<vmem_shared>>
      tpu.wait_indirect_dma semaphore(%arg19 : memref<!tpu.dma_semaphore, #tpu.memory_space<semaphore_mem>>) src(%dma_wait3A_394 : memref<10240x32xf32, #tpu.memory_space<vmem_shared>>) dst(%dma_wait3A_388 : memref<128x32xf32, #tpu.memory_space<vmem>>)
      %dma_start3A_395 = arith.constant 7 : i32
      %dma_start3A_396 = arith.constant 0 : i32
      %dma_start3A_397 = arith.constant 0 : i32
      %dma_start3A_398 = tpu.memref_slice %arg9[%dma_start3A_395, %dma_start3A_396, %dma_start3A_397] : memref<8x128x32xf32, #tpu.memory_space<vmem>> -> memref<1x128x32xf32, #tpu.memory_space<vmem>>
      %dma_start3A_399 = tpu.memref_squeeze %dma_start3A_398 : memref<1x128x32xf32, #tpu.memory_space<vmem>> -> memref<128x32xf32, #tpu.memory_space<vmem>>
      %dma_start3A_400 = arith.constant 0 : i32
      %dma_start3A_401 = tpu.memref_slice %arg8[%add3A_370, %dma_start3A_400] : memref<80x128xi32, #tpu.memory_space<vmem>> -> memref<1x128xi32, #tpu.memory_space<vmem>>
      %dma_start3A_402 = tpu.memref_squeeze %dma_start3A_401 : memref<1x128xi32, #tpu.memory_space<vmem>> -> memref<128xi32, #tpu.memory_space<vmem>>
      %dma_start3A_403 = arith.constant 0 : i32
      %dma_start3A_404 = arith.constant 0 : i32
      %dma_start3A_405 = tpu.memref_slice %arg10[%dma_start3A_403, %dma_start3A_404] : memref<10240x32xf32, #tpu.memory_space<vmem_shared>> -> memref<10240x32xf32, #tpu.memory_space<vmem_shared>>
      tpu.enqueue_indirect_dma source(%dma_start3A_399 : memref<128x32xf32, #tpu.memory_space<vmem>>) target(%dma_start3A_405 : memref<10240x32xf32, #tpu.memory_space<vmem_shared>>) offsets(%dma_start3A_402 : memref<128xi32, #tpu.memory_space<vmem>>) semaphore(%arg27 : memref<!tpu.dma_semaphore, #tpu.memory_space<semaphore_mem>>) {add = true}
    }
    %scan3A_58 = arith.constant 10 : i32
    %dma_wait3A = arith.constant 4 : i32
    %dma_wait3A_59 = arith.constant 0 : i32
    %dma_wait3A_60 = arith.constant 0 : i32
    %dma_wait3A_61 = arith.constant 0 : i32
    %dma_wait3A_62 = tpu.memref_slice %arg9[%dma_wait3A, %dma_wait3A_60, %dma_wait3A_61] : memref<8x128x32xf32, #tpu.memory_space<vmem>> -> memref<1x128x32xf32, #tpu.memory_space<vmem>>
    %dma_wait3A_63 = tpu.memref_squeeze %dma_wait3A_62 : memref<1x128x32xf32, #tpu.memory_space<vmem>> -> memref<128x32xf32, #tpu.memory_space<vmem>>
    %dma_wait3A_64 = arith.constant 0 : i32
    %dma_wait3A_65 = tpu.memref_slice %arg8[%dma_wait3A_59, %dma_wait3A_64] : memref<80x128xi32, #tpu.memory_space<vmem>> -> memref<1x128xi32, #tpu.memory_space<vmem>>
    %dma_wait3A_66 = tpu.memref_squeeze %dma_wait3A_65 : memref<1x128xi32, #tpu.memory_space<vmem>> -> memref<128xi32, #tpu.memory_space<vmem>>
    %dma_wait3A_67 = arith.constant 0 : i32
    %dma_wait3A_68 = arith.constant 0 : i32
    %dma_wait3A_69 = tpu.memref_slice %arg10[%dma_wait3A_67, %dma_wait3A_68] : memref<10240x32xf32, #tpu.memory_space<vmem_shared>> -> memref<10240x32xf32, #tpu.memory_space<vmem_shared>>
    tpu.wait_indirect_dma semaphore(%arg24 : memref<!tpu.dma_semaphore, #tpu.memory_space<semaphore_mem>>) src(%dma_wait3A_63 : memref<128x32xf32, #tpu.memory_space<vmem>>) dst(%dma_wait3A_69 : memref<10240x32xf32, #tpu.memory_space<vmem_shared>>)
    %dma_wait3A_70 = arith.constant 5 : i32
    %dma_wait3A_71 = arith.constant 0 : i32
    %dma_wait3A_72 = arith.constant 0 : i32
    %dma_wait3A_73 = arith.constant 0 : i32
    %dma_wait3A_74 = tpu.memref_slice %arg9[%dma_wait3A_70, %dma_wait3A_72, %dma_wait3A_73] : memref<8x128x32xf32, #tpu.memory_space<vmem>> -> memref<1x128x32xf32, #tpu.memory_space<vmem>>
    %dma_wait3A_75 = tpu.memref_squeeze %dma_wait3A_74 : memref<1x128x32xf32, #tpu.memory_space<vmem>> -> memref<128x32xf32, #tpu.memory_space<vmem>>
    %dma_wait3A_76 = arith.constant 0 : i32
    %dma_wait3A_77 = tpu.memref_slice %arg8[%dma_wait3A_71, %dma_wait3A_76] : memref<80x128xi32, #tpu.memory_space<vmem>> -> memref<1x128xi32, #tpu.memory_space<vmem>>
    %dma_wait3A_78 = tpu.memref_squeeze %dma_wait3A_77 : memref<1x128xi32, #tpu.memory_space<vmem>> -> memref<128xi32, #tpu.memory_space<vmem>>
    %dma_wait3A_79 = arith.constant 0 : i32
    %dma_wait3A_80 = arith.constant 0 : i32
    %dma_wait3A_81 = tpu.memref_slice %arg10[%dma_wait3A_79, %dma_wait3A_80] : memref<10240x32xf32, #tpu.memory_space<vmem_shared>> -> memref<10240x32xf32, #tpu.memory_space<vmem_shared>>
    tpu.wait_indirect_dma semaphore(%arg25 : memref<!tpu.dma_semaphore, #tpu.memory_space<semaphore_mem>>) src(%dma_wait3A_75 : memref<128x32xf32, #tpu.memory_space<vmem>>) dst(%dma_wait3A_81 : memref<10240x32xf32, #tpu.memory_space<vmem_shared>>)
    %dma_wait3A_82 = arith.constant 6 : i32
    %dma_wait3A_83 = arith.constant 0 : i32
    %dma_wait3A_84 = arith.constant 0 : i32
    %dma_wait3A_85 = arith.constant 0 : i32
    %dma_wait3A_86 = tpu.memref_slice %arg9[%dma_wait3A_82, %dma_wait3A_84, %dma_wait3A_85] : memref<8x128x32xf32, #tpu.memory_space<vmem>> -> memref<1x128x32xf32, #tpu.memory_space<vmem>>
    %dma_wait3A_87 = tpu.memref_squeeze %dma_wait3A_86 : memref<1x128x32xf32, #tpu.memory_space<vmem>> -> memref<128x32xf32, #tpu.memory_space<vmem>>
    %dma_wait3A_88 = arith.constant 0 : i32
    %dma_wait3A_89 = tpu.memref_slice %arg8[%dma_wait3A_83, %dma_wait3A_88] : memref<80x128xi32, #tpu.memory_space<vmem>> -> memref<1x128xi32, #tpu.memory_space<vmem>>
    %dma_wait3A_90 = tpu.memref_squeeze %dma_wait3A_89 : memref<1x128xi32, #tpu.memory_space<vmem>> -> memref<128xi32, #tpu.memory_space<vmem>>
    %dma_wait3A_91 = arith.constant 0 : i32
    %dma_wait3A_92 = arith.constant 0 : i32
    %dma_wait3A_93 = tpu.memref_slice %arg10[%dma_wait3A_91, %dma_wait3A_92] : memref<10240x32xf32, #tpu.memory_space<vmem_shared>> -> memref<10240x32xf32, #tpu.memory_space<vmem_shared>>
    tpu.wait_indirect_dma semaphore(%arg26 : memref<!tpu.dma_semaphore, #tpu.memory_space<semaphore_mem>>) src(%dma_wait3A_87 : memref<128x32xf32, #tpu.memory_space<vmem>>) dst(%dma_wait3A_93 : memref<10240x32xf32, #tpu.memory_space<vmem_shared>>)
    %dma_wait3A_94 = arith.constant 7 : i32
    %dma_wait3A_95 = arith.constant 0 : i32
    %dma_wait3A_96 = arith.constant 0 : i32
    %dma_wait3A_97 = arith.constant 0 : i32
    %dma_wait3A_98 = tpu.memref_slice %arg9[%dma_wait3A_94, %dma_wait3A_96, %dma_wait3A_97] : memref<8x128x32xf32, #tpu.memory_space<vmem>> -> memref<1x128x32xf32, #tpu.memory_space<vmem>>
    %dma_wait3A_99 = tpu.memref_squeeze %dma_wait3A_98 : memref<1x128x32xf32, #tpu.memory_space<vmem>> -> memref<128x32xf32, #tpu.memory_space<vmem>>
    %dma_wait3A_100 = arith.constant 0 : i32
    %dma_wait3A_101 = tpu.memref_slice %arg8[%dma_wait3A_95, %dma_wait3A_100] : memref<80x128xi32, #tpu.memory_space<vmem>> -> memref<1x128xi32, #tpu.memory_space<vmem>>
    %dma_wait3A_102 = tpu.memref_squeeze %dma_wait3A_101 : memref<1x128xi32, #tpu.memory_space<vmem>> -> memref<128xi32, #tpu.memory_space<vmem>>
    %dma_wait3A_103 = arith.constant 0 : i32
    %dma_wait3A_104 = arith.constant 0 : i32
    %dma_wait3A_105 = tpu.memref_slice %arg10[%dma_wait3A_103, %dma_wait3A_104] : memref<10240x32xf32, #tpu.memory_space<vmem_shared>> -> memref<10240x32xf32, #tpu.memory_space<vmem_shared>>
    tpu.wait_indirect_dma semaphore(%arg27 : memref<!tpu.dma_semaphore, #tpu.memory_space<semaphore_mem>>) src(%dma_wait3A_99 : memref<128x32xf32, #tpu.memory_space<vmem>>) dst(%dma_wait3A_105 : memref<10240x32xf32, #tpu.memory_space<vmem_shared>>)
    %barrier3A_106 = arith.constant 0 : index
    tpu.barrier barrier_id(%barrier3A_106)
    %mul3A_107 = arith.constant 640 : i32
    %mul3A_108 = arith.muli %arg1, %mul3A_107 : i32
    %mul3A_109 = arith.constant 640 : i32
    %mul3A_110 = arith.muli %arg1, %mul3A_109 : i32
    "tpu.region"() ({
      %run_scoped3A = tpu.sem_alloc : memref<!tpu.dma_semaphore, #tpu.memory_space<semaphore_mem>>
      %dma_start3A_111 = arith.constant 0 : i32
      %dma_start3A_112 = tpu.memref_slice %arg6[%arg0, %mul3A_110, %dma_start3A_111] : memref<2x10240x32xf32, #tpu.memory_space<hbm>> -> memref<1x640x32xf32, #tpu.memory_space<hbm>>
      %dma_start3A_113 = tpu.memref_squeeze %dma_start3A_112 : memref<1x640x32xf32, #tpu.memory_space<hbm>> -> memref<640x32xf32, #tpu.memory_space<hbm>>
      %dma_start3A_114 = arith.constant 0 : i32
      %dma_start3A_115 = tpu.memref_slice %arg10[%mul3A_108, %dma_start3A_114] : memref<10240x32xf32, #tpu.memory_space<vmem_shared>> -> memref<640x32xf32, #tpu.memory_space<vmem_shared>>
      tpu.enqueue_dma source(%dma_start3A_115 : memref<640x32xf32, #tpu.memory_space<vmem_shared>>) target(%dma_start3A_113 : memref<640x32xf32, #tpu.memory_space<hbm>>) target_semaphore(%run_scoped3A : memref<!tpu.dma_semaphore, #tpu.memory_space<semaphore_mem>>)
      %dma_wait3A_116 = arith.constant 0 : i32
      %dma_wait3A_117 = tpu.memref_slice %arg6[%arg0, %mul3A_110, %dma_wait3A_116] : memref<2x10240x32xf32, #tpu.memory_space<hbm>> -> memref<1x640x32xf32, #tpu.memory_space<hbm>>
      %dma_wait3A_118 = tpu.memref_squeeze %dma_wait3A_117 : memref<1x640x32xf32, #tpu.memory_space<hbm>> -> memref<640x32xf32, #tpu.memory_space<hbm>>
      %dma_wait3A_119 = arith.constant 0 : i32
      %dma_wait3A_120 = tpu.memref_slice %arg10[%mul3A_108, %dma_wait3A_119] : memref<10240x32xf32, #tpu.memory_space<vmem_shared>> -> memref<640x32xf32, #tpu.memory_space<vmem_shared>>
      tpu.wait_dma2 semaphore(%run_scoped3A : memref<!tpu.dma_semaphore, #tpu.memory_space<semaphore_mem>>) src(%dma_wait3A_120 : memref<640x32xf32, #tpu.memory_space<vmem_shared>>) dst(%dma_wait3A_118 : memref<640x32xf32, #tpu.memory_space<hbm>>)
      tpu.yield
    }) : () -> ()
    return
  }
}

#map = affine_map<(d0, d1) -> (0, 0, 0)>
#map1 = affine_map<(d0, d1) -> (0, 0)>
module attributes {stable_mosaic.version = 14 : i64} {
  func.func @_sc_deg_body(%arg0: i32, %arg1: i32, %arg2: memref<32x80x128xi32, #tpu.memory_space<hbm>>, %arg3: memref<128x8xf32, #tpu.memory_space<hbm>>, %arg4: memref<640x8xf32, #tpu.memory_space<hbm>>, %arg5: memref<2x10240x8xf32, #tpu.memory_space<hbm>>, %arg6: memref<80x128xi32, #tpu.memory_space<vmem>>, %arg7: memref<128x8xf32, #tpu.memory_space<vmem>>, %arg8: memref<10240x8xf32, #tpu.memory_space<vmem_shared>>) attributes {dimension_semantics = [#tpu.dimension_semantics<core_parallel>, #tpu.dimension_semantics<subcore_parallel>], iteration_bounds = array<i64: 2, 16>, scalar_prefetch = 0 : i64, scratch_operands = 3 : i64, tpu.core_type = #tpu.core_type<sc_vector_subcore>, window_params = [{transform_indices = #map}, {transform_indices = #map1}, {transform_indices = #map1}, {transform_indices = #map}]} {
    %mul3A = arith.constant 16 : i32
    %mul3A_0 = arith.muli %arg0, %mul3A : i32
    %add3A = arith.addi %mul3A_0, %arg1 : i32
    %mul3A_1 = arith.constant 640 : i32
    %mul3A_2 = arith.muli %arg1, %mul3A_1 : i32
    "tpu.region"() ({
      %run_scoped3A = tpu.sem_alloc : memref<!tpu.dma_semaphore, #tpu.memory_space<semaphore_mem>>
      %dma_start3A = arith.constant 0 : i32
      %dma_start3A_13 = tpu.memref_slice %arg8[%mul3A_2, %dma_start3A] : memref<10240x8xf32, #tpu.memory_space<vmem_shared>> -> memref<640x8xf32, #tpu.memory_space<vmem_shared>>
      tpu.enqueue_dma source(%arg4 : memref<640x8xf32, #tpu.memory_space<hbm>>) target(%dma_start3A_13 : memref<640x8xf32, #tpu.memory_space<vmem_shared>>) target_semaphore(%run_scoped3A : memref<!tpu.dma_semaphore, #tpu.memory_space<semaphore_mem>>)
      %dma_wait3A = arith.constant 0 : i32
      %dma_wait3A_14 = tpu.memref_slice %arg8[%mul3A_2, %dma_wait3A] : memref<10240x8xf32, #tpu.memory_space<vmem_shared>> -> memref<640x8xf32, #tpu.memory_space<vmem_shared>>
      tpu.wait_dma2 semaphore(%run_scoped3A : memref<!tpu.dma_semaphore, #tpu.memory_space<semaphore_mem>>) src(%arg4 : memref<640x8xf32, #tpu.memory_space<hbm>>) dst(%dma_wait3A_14 : memref<640x8xf32, #tpu.memory_space<vmem_shared>>)
      tpu.yield
    }) : () -> ()
    "tpu.region"() ({
      %run_scoped3A = tpu.sem_alloc : memref<!tpu.dma_semaphore, #tpu.memory_space<semaphore_mem>>
      tpu.enqueue_dma source(%arg3 : memref<128x8xf32, #tpu.memory_space<hbm>>) target(%arg7 : memref<128x8xf32, #tpu.memory_space<vmem>>) target_semaphore(%run_scoped3A : memref<!tpu.dma_semaphore, #tpu.memory_space<semaphore_mem>>)
      tpu.wait_dma2 semaphore(%run_scoped3A : memref<!tpu.dma_semaphore, #tpu.memory_space<semaphore_mem>>) src(%arg3 : memref<128x8xf32, #tpu.memory_space<hbm>>) dst(%arg7 : memref<128x8xf32, #tpu.memory_space<vmem>>)
      tpu.yield
    }) : () -> ()
    "tpu.region"() ({
      %run_scoped3A = tpu.sem_alloc : memref<!tpu.dma_semaphore, #tpu.memory_space<semaphore_mem>>
      %dma_start3A = arith.constant 0 : i32
      %dma_start3A_13 = arith.constant 0 : i32
      %dma_start3A_14 = tpu.memref_slice %arg2[%add3A, %dma_start3A, %dma_start3A_13] : memref<32x80x128xi32, #tpu.memory_space<hbm>> -> memref<1x80x128xi32, #tpu.memory_space<hbm>>
      %dma_start3A_15 = tpu.memref_squeeze %dma_start3A_14 : memref<1x80x128xi32, #tpu.memory_space<hbm>> -> memref<80x128xi32, #tpu.memory_space<hbm>>
      %dma_start3A_16 = arith.constant 0 : i32
      %dma_start3A_17 = arith.constant 0 : i32
      %dma_start3A_18 = tpu.memref_slice %arg2[%add3A, %dma_start3A_16, %dma_start3A_17] : memref<32x80x128xi32, #tpu.memory_space<hbm>> -> memref<1x80x128xi32, #tpu.memory_space<hbm>>
      %dma_start3A_19 = tpu.memref_squeeze %dma_start3A_18 : memref<1x80x128xi32, #tpu.memory_space<hbm>> -> memref<80x128xi32, #tpu.memory_space<hbm>>
      tpu.enqueue_dma source(%dma_start3A_19 : memref<80x128xi32, #tpu.memory_space<hbm>>) target(%arg6 : memref<80x128xi32, #tpu.memory_space<vmem>>) target_semaphore(%run_scoped3A : memref<!tpu.dma_semaphore, #tpu.memory_space<semaphore_mem>>)
      %dma_wait3A = arith.constant 0 : i32
      %dma_wait3A_20 = arith.constant 0 : i32
      %dma_wait3A_21 = tpu.memref_slice %arg2[%add3A, %dma_wait3A, %dma_wait3A_20] : memref<32x80x128xi32, #tpu.memory_space<hbm>> -> memref<1x80x128xi32, #tpu.memory_space<hbm>>
      %dma_wait3A_22 = tpu.memref_squeeze %dma_wait3A_21 : memref<1x80x128xi32, #tpu.memory_space<hbm>> -> memref<80x128xi32, #tpu.memory_space<hbm>>
      %dma_wait3A_23 = arith.constant 0 : i32
      %dma_wait3A_24 = arith.constant 0 : i32
      %dma_wait3A_25 = tpu.memref_slice %arg2[%add3A, %dma_wait3A_23, %dma_wait3A_24] : memref<32x80x128xi32, #tpu.memory_space<hbm>> -> memref<1x80x128xi32, #tpu.memory_space<hbm>>
      %dma_wait3A_26 = tpu.memref_squeeze %dma_wait3A_25 : memref<1x80x128xi32, #tpu.memory_space<hbm>> -> memref<80x128xi32, #tpu.memory_space<hbm>>
      tpu.wait_dma2 semaphore(%run_scoped3A : memref<!tpu.dma_semaphore, #tpu.memory_space<semaphore_mem>>) src(%dma_wait3A_26 : memref<80x128xi32, #tpu.memory_space<hbm>>) dst(%arg6 : memref<80x128xi32, #tpu.memory_space<vmem>>)
      tpu.yield
    }) : () -> ()
    %barrier3A = arith.constant 0 : index
    tpu.barrier barrier_id(%barrier3A)
    %scan3A = arith.constant 0 : i32
    %scan3A_3 = arith.constant 0 : i32
    %scan3A_4 = arith.constant 80 : i32
    %scan3A_5 = arith.addi %scan3A_3, %scan3A_4 : i32
    %scan3A_6 = arith.constant 1 : i32
    scf.for %scan3A_13 = %scan3A_3 to %scan3A_5 step %scan3A_6  : i32 {
      "tpu.region"() ({
        %run_scoped3A = tpu.sem_alloc : memref<!tpu.dma_semaphore, #tpu.memory_space<semaphore_mem>>
        %dma_start3A = arith.constant 0 : i32
        %dma_start3A_14 = tpu.memref_slice %arg6[%scan3A_13, %dma_start3A] : memref<80x128xi32, #tpu.memory_space<vmem>> -> memref<1x128xi32, #tpu.memory_space<vmem>>
        %dma_start3A_15 = tpu.memref_squeeze %dma_start3A_14 : memref<1x128xi32, #tpu.memory_space<vmem>> -> memref<128xi32, #tpu.memory_space<vmem>>
        %dma_start3A_16 = arith.constant 0 : i32
        %dma_start3A_17 = arith.constant 0 : i32
        %dma_start3A_18 = tpu.memref_slice %arg8[%dma_start3A_16, %dma_start3A_17] : memref<10240x8xf32, #tpu.memory_space<vmem_shared>> -> memref<10240x8xf32, #tpu.memory_space<vmem_shared>>
        tpu.enqueue_indirect_dma source(%arg7 : memref<128x8xf32, #tpu.memory_space<vmem>>) target(%dma_start3A_18 : memref<10240x8xf32, #tpu.memory_space<vmem_shared>>) offsets(%dma_start3A_15 : memref<128xi32, #tpu.memory_space<vmem>>) semaphore(%run_scoped3A : memref<!tpu.dma_semaphore, #tpu.memory_space<semaphore_mem>>) {add = true}
        %dma_wait3A = arith.constant 0 : i32
        %dma_wait3A_19 = tpu.memref_slice %arg6[%scan3A_13, %dma_wait3A] : memref<80x128xi32, #tpu.memory_space<vmem>> -> memref<1x128xi32, #tpu.memory_space<vmem>>
        %dma_wait3A_20 = tpu.memref_squeeze %dma_wait3A_19 : memref<1x128xi32, #tpu.memory_space<vmem>> -> memref<128xi32, #tpu.memory_space<vmem>>
        %dma_wait3A_21 = arith.constant 0 : i32
        %dma_wait3A_22 = arith.constant 0 : i32
        %dma_wait3A_23 = tpu.memref_slice %arg8[%dma_wait3A_21, %dma_wait3A_22] : memref<10240x8xf32, #tpu.memory_space<vmem_shared>> -> memref<10240x8xf32, #tpu.memory_space<vmem_shared>>
        tpu.wait_indirect_dma semaphore(%run_scoped3A : memref<!tpu.dma_semaphore, #tpu.memory_space<semaphore_mem>>) src(%arg7 : memref<128x8xf32, #tpu.memory_space<vmem>>) dst(%dma_wait3A_23 : memref<10240x8xf32, #tpu.memory_space<vmem_shared>>)
        tpu.yield
      }) : () -> ()
    }
    %scan3A_7 = arith.constant 80 : i32
    %barrier3A_8 = arith.constant 0 : index
    tpu.barrier barrier_id(%barrier3A_8)
    %mul3A_9 = arith.constant 640 : i32
    %mul3A_10 = arith.muli %arg1, %mul3A_9 : i32
    %mul3A_11 = arith.constant 640 : i32
    %mul3A_12 = arith.muli %arg1, %mul3A_11 : i32
    "tpu.region"() ({
      %run_scoped3A = tpu.sem_alloc : memref<!tpu.dma_semaphore, #tpu.memory_space<semaphore_mem>>
      %dma_start3A = arith.constant 0 : i32
      %dma_start3A_13 = tpu.memref_slice %arg5[%arg0, %mul3A_12, %dma_start3A] : memref<2x10240x8xf32, #tpu.memory_space<hbm>> -> memref<1x640x8xf32, #tpu.memory_space<hbm>>
      %dma_start3A_14 = tpu.memref_squeeze %dma_start3A_13 : memref<1x640x8xf32, #tpu.memory_space<hbm>> -> memref<640x8xf32, #tpu.memory_space<hbm>>
      %dma_start3A_15 = arith.constant 0 : i32
      %dma_start3A_16 = tpu.memref_slice %arg8[%mul3A_10, %dma_start3A_15] : memref<10240x8xf32, #tpu.memory_space<vmem_shared>> -> memref<640x8xf32, #tpu.memory_space<vmem_shared>>
      tpu.enqueue_dma source(%dma_start3A_16 : memref<640x8xf32, #tpu.memory_space<vmem_shared>>) target(%dma_start3A_14 : memref<640x8xf32, #tpu.memory_space<hbm>>) target_semaphore(%run_scoped3A : memref<!tpu.dma_semaphore, #tpu.memory_space<semaphore_mem>>)
      %dma_wait3A = arith.constant 0 : i32
      %dma_wait3A_17 = tpu.memref_slice %arg5[%arg0, %mul3A_12, %dma_wait3A] : memref<2x10240x8xf32, #tpu.memory_space<hbm>> -> memref<1x640x8xf32, #tpu.memory_space<hbm>>
      %dma_wait3A_18 = tpu.memref_squeeze %dma_wait3A_17 : memref<1x640x8xf32, #tpu.memory_space<hbm>> -> memref<640x8xf32, #tpu.memory_space<hbm>>
      %dma_wait3A_19 = arith.constant 0 : i32
      %dma_wait3A_20 = tpu.memref_slice %arg8[%mul3A_10, %dma_wait3A_19] : memref<10240x8xf32, #tpu.memory_space<vmem_shared>> -> memref<640x8xf32, #tpu.memory_space<vmem_shared>>
      tpu.wait_dma2 semaphore(%run_scoped3A : memref<!tpu.dma_semaphore, #tpu.memory_space<semaphore_mem>>) src(%dma_wait3A_20 : memref<640x8xf32, #tpu.memory_space<vmem_shared>>) dst(%dma_wait3A_18 : memref<640x8xf32, #tpu.memory_space<hbm>>)
      tpu.yield
    }) : () -> ()
    return
  }
}

#map = affine_map<(d0, d1) -> (0, 0)>
#map1 = affine_map<(d0, d1) -> (0, 0, 0)>
module attributes {stable_mosaic.version = 14 : i64} {
  func.func @_sc_agg_body(%arg0: i32, %arg1: i32, %arg2: memref<10240x32xf32, #tpu.memory_space<hbm>>, %arg3: memref<32x80x128xi32, #tpu.memory_space<hbm>>, %arg4: memref<32x80x128xi32, #tpu.memory_space<hbm>>, %arg5: memref<640x32xf32, #tpu.memory_space<hbm>>, %arg6: memref<2x10240x32xf32, #tpu.memory_space<hbm>>, %arg7: memref<80x128xi32, #tpu.memory_space<vmem>>, %arg8: memref<80x128xi32, #tpu.memory_space<vmem>>, %arg9: memref<8x128x32xf32, #tpu.memory_space<vmem>>, %arg10: memref<10240x32xf32, #tpu.memory_space<vmem_shared>>, %arg11: memref<10240x32xf32, #tpu.memory_space<vmem_shared>>, %arg12: memref<!tpu.dma_semaphore, #tpu.memory_space<semaphore_mem>>, %arg13: memref<!tpu.dma_semaphore, #tpu.memory_space<semaphore_mem>>, %arg14: memref<!tpu.dma_semaphore, #tpu.memory_space<semaphore_mem>>, %arg15: memref<!tpu.dma_semaphore, #tpu.memory_space<semaphore_mem>>, %arg16: memref<!tpu.dma_semaphore, #tpu.memory_space<semaphore_mem>>, %arg17: memref<!tpu.dma_semaphore, #tpu.memory_space<semaphore_mem>>, %arg18: memref<!tpu.dma_semaphore, #tpu.memory_space<semaphore_mem>>, %arg19: memref<!tpu.dma_semaphore, #tpu.memory_space<semaphore_mem>>, %arg20: memref<!tpu.dma_semaphore, #tpu.memory_space<semaphore_mem>>, %arg21: memref<!tpu.dma_semaphore, #tpu.memory_space<semaphore_mem>>, %arg22: memref<!tpu.dma_semaphore, #tpu.memory_space<semaphore_mem>>, %arg23: memref<!tpu.dma_semaphore, #tpu.memory_space<semaphore_mem>>, %arg24: memref<!tpu.dma_semaphore, #tpu.memory_space<semaphore_mem>>, %arg25: memref<!tpu.dma_semaphore, #tpu.memory_space<semaphore_mem>>, %arg26: memref<!tpu.dma_semaphore, #tpu.memory_space<semaphore_mem>>, %arg27: memref<!tpu.dma_semaphore, #tpu.memory_space<semaphore_mem>>) attributes {dimension_semantics = [#tpu.dimension_semantics<core_parallel>, #tpu.dimension_semantics<subcore_parallel>], iteration_bounds = array<i64: 2, 16>, scalar_prefetch = 0 : i64, scratch_operands = 21 : i64, tpu.core_type = #tpu.core_type<sc_vector_subcore>, window_params = [{transform_indices = #map}, {transform_indices = #map1}, {transform_indices = #map1}, {transform_indices = #map}, {transform_indices = #map1}]} {
    %mul3A = arith.constant 16 : i32
    %mul3A_0 = arith.muli %arg0, %mul3A : i32
    %add3A = arith.addi %mul3A_0, %arg1 : i32
    %mul3A_1 = arith.constant 640 : i32
    %mul3A_2 = arith.muli %arg1, %mul3A_1 : i32
    "tpu.region"() ({
      %run_scoped3A = tpu.sem_alloc : memref<!tpu.dma_semaphore, #tpu.memory_space<semaphore_mem>>
      %dma_start3A_111 = arith.constant 0 : i32
      %dma_start3A_112 = tpu.memref_slice %arg10[%mul3A_2, %dma_start3A_111] : memref<10240x32xf32, #tpu.memory_space<vmem_shared>> -> memref<640x32xf32, #tpu.memory_space<vmem_shared>>
      tpu.enqueue_dma source(%arg5 : memref<640x32xf32, #tpu.memory_space<hbm>>) target(%dma_start3A_112 : memref<640x32xf32, #tpu.memory_space<vmem_shared>>) target_semaphore(%run_scoped3A : memref<!tpu.dma_semaphore, #tpu.memory_space<semaphore_mem>>)
      %dma_wait3A_113 = arith.constant 0 : i32
      %dma_wait3A_114 = tpu.memref_slice %arg10[%mul3A_2, %dma_wait3A_113] : memref<10240x32xf32, #tpu.memory_space<vmem_shared>> -> memref<640x32xf32, #tpu.memory_space<vmem_shared>>
      tpu.wait_dma2 semaphore(%run_scoped3A : memref<!tpu.dma_semaphore, #tpu.memory_space<semaphore_mem>>) src(%arg5 : memref<640x32xf32, #tpu.memory_space<hbm>>) dst(%dma_wait3A_114 : memref<640x32xf32, #tpu.memory_space<vmem_shared>>)
      tpu.yield
    }) : () -> ()
    %mul3A_3 = arith.constant 640 : i32
    %mul3A_4 = arith.muli %arg1, %mul3A_3 : i32
    %mul3A_5 = arith.constant 640 : i32
    %mul3A_6 = arith.muli %arg1, %mul3A_5 : i32
    "tpu.region"() ({
      %run_scoped3A = tpu.sem_alloc : memref<!tpu.dma_semaphore, #tpu.memory_space<semaphore_mem>>
      %dma_start3A_111 = arith.constant 0 : i32
      %dma_start3A_112 = tpu.memref_slice %arg11[%mul3A_6, %dma_start3A_111] : memref<10240x32xf32, #tpu.memory_space<vmem_shared>> -> memref<640x32xf32, #tpu.memory_space<vmem_shared>>
      %dma_start3A_113 = arith.constant 0 : i32
      %dma_start3A_114 = tpu.memref_slice %arg2[%mul3A_4, %dma_start3A_113] : memref<10240x32xf32, #tpu.memory_space<hbm>> -> memref<640x32xf32, #tpu.memory_space<hbm>>
      tpu.enqueue_dma source(%dma_start3A_114 : memref<640x32xf32, #tpu.memory_space<hbm>>) target(%dma_start3A_112 : memref<640x32xf32, #tpu.memory_space<vmem_shared>>) target_semaphore(%run_scoped3A : memref<!tpu.dma_semaphore, #tpu.memory_space<semaphore_mem>>)
      %dma_wait3A_115 = arith.constant 0 : i32
      %dma_wait3A_116 = tpu.memref_slice %arg11[%mul3A_6, %dma_wait3A_115] : memref<10240x32xf32, #tpu.memory_space<vmem_shared>> -> memref<640x32xf32, #tpu.memory_space<vmem_shared>>
      %dma_wait3A_117 = arith.constant 0 : i32
      %dma_wait3A_118 = tpu.memref_slice %arg2[%mul3A_4, %dma_wait3A_117] : memref<10240x32xf32, #tpu.memory_space<hbm>> -> memref<640x32xf32, #tpu.memory_space<hbm>>
      tpu.wait_dma2 semaphore(%run_scoped3A : memref<!tpu.dma_semaphore, #tpu.memory_space<semaphore_mem>>) src(%dma_wait3A_118 : memref<640x32xf32, #tpu.memory_space<hbm>>) dst(%dma_wait3A_116 : memref<640x32xf32, #tpu.memory_space<vmem_shared>>)
      tpu.yield
    }) : () -> ()
    "tpu.region"() ({
      %run_scoped3A = tpu.sem_alloc : memref<!tpu.dma_semaphore, #tpu.memory_space<semaphore_mem>>
      %dma_start3A_111 = arith.constant 0 : i32
      %dma_start3A_112 = arith.constant 0 : i32
      %dma_start3A_113 = tpu.memref_slice %arg3[%add3A, %dma_start3A_111, %dma_start3A_112] : memref<32x80x128xi32, #tpu.memory_space<hbm>> -> memref<1x80x128xi32, #tpu.memory_space<hbm>>
      %dma_start3A_114 = tpu.memref_squeeze %dma_start3A_113 : memref<1x80x128xi32, #tpu.memory_space<hbm>> -> memref<80x128xi32, #tpu.memory_space<hbm>>
      %dma_start3A_115 = arith.constant 0 : i32
      %dma_start3A_116 = arith.constant 0 : i32
      %dma_start3A_117 = tpu.memref_slice %arg3[%add3A, %dma_start3A_115, %dma_start3A_116] : memref<32x80x128xi32, #tpu.memory_space<hbm>> -> memref<1x80x128xi32, #tpu.memory_space<hbm>>
      %dma_start3A_118 = tpu.memref_squeeze %dma_start3A_117 : memref<1x80x128xi32, #tpu.memory_space<hbm>> -> memref<80x128xi32, #tpu.memory_space<hbm>>
      tpu.enqueue_dma source(%dma_start3A_118 : memref<80x128xi32, #tpu.memory_space<hbm>>) target(%arg7 : memref<80x128xi32, #tpu.memory_space<vmem>>) target_semaphore(%run_scoped3A : memref<!tpu.dma_semaphore, #tpu.memory_space<semaphore_mem>>)
      %dma_wait3A_119 = arith.constant 0 : i32
      %dma_wait3A_120 = arith.constant 0 : i32
      %dma_wait3A_121 = tpu.memref_slice %arg3[%add3A, %dma_wait3A_119, %dma_wait3A_120] : memref<32x80x128xi32, #tpu.memory_space<hbm>> -> memref<1x80x128xi32, #tpu.memory_space<hbm>>
      %dma_wait3A_122 = tpu.memref_squeeze %dma_wait3A_121 : memref<1x80x128xi32, #tpu.memory_space<hbm>> -> memref<80x128xi32, #tpu.memory_space<hbm>>
      %dma_wait3A_123 = arith.constant 0 : i32
      %dma_wait3A_124 = arith.constant 0 : i32
      %dma_wait3A_125 = tpu.memref_slice %arg3[%add3A, %dma_wait3A_123, %dma_wait3A_124] : memref<32x80x128xi32, #tpu.memory_space<hbm>> -> memref<1x80x128xi32, #tpu.memory_space<hbm>>
      %dma_wait3A_126 = tpu.memref_squeeze %dma_wait3A_125 : memref<1x80x128xi32, #tpu.memory_space<hbm>> -> memref<80x128xi32, #tpu.memory_space<hbm>>
      tpu.wait_dma2 semaphore(%run_scoped3A : memref<!tpu.dma_semaphore, #tpu.memory_space<semaphore_mem>>) src(%dma_wait3A_126 : memref<80x128xi32, #tpu.memory_space<hbm>>) dst(%arg7 : memref<80x128xi32, #tpu.memory_space<vmem>>)
      tpu.yield
    }) : () -> ()
    "tpu.region"() ({
      %run_scoped3A = tpu.sem_alloc : memref<!tpu.dma_semaphore, #tpu.memory_space<semaphore_mem>>
      %dma_start3A_111 = arith.constant 0 : i32
      %dma_start3A_112 = arith.constant 0 : i32
      %dma_start3A_113 = tpu.memref_slice %arg4[%add3A, %dma_start3A_111, %dma_start3A_112] : memref<32x80x128xi32, #tpu.memory_space<hbm>> -> memref<1x80x128xi32, #tpu.memory_space<hbm>>
      %dma_start3A_114 = tpu.memref_squeeze %dma_start3A_113 : memref<1x80x128xi32, #tpu.memory_space<hbm>> -> memref<80x128xi32, #tpu.memory_space<hbm>>
      %dma_start3A_115 = arith.constant 0 : i32
      %dma_start3A_116 = arith.constant 0 : i32
      %dma_start3A_117 = tpu.memref_slice %arg4[%add3A, %dma_start3A_115, %dma_start3A_116] : memref<32x80x128xi32, #tpu.memory_space<hbm>> -> memref<1x80x128xi32, #tpu.memory_space<hbm>>
      %dma_start3A_118 = tpu.memref_squeeze %dma_start3A_117 : memref<1x80x128xi32, #tpu.memory_space<hbm>> -> memref<80x128xi32, #tpu.memory_space<hbm>>
      tpu.enqueue_dma source(%dma_start3A_118 : memref<80x128xi32, #tpu.memory_space<hbm>>) target(%arg8 : memref<80x128xi32, #tpu.memory_space<vmem>>) target_semaphore(%run_scoped3A : memref<!tpu.dma_semaphore, #tpu.memory_space<semaphore_mem>>)
      %dma_wait3A_119 = arith.constant 0 : i32
      %dma_wait3A_120 = arith.constant 0 : i32
      %dma_wait3A_121 = tpu.memref_slice %arg4[%add3A, %dma_wait3A_119, %dma_wait3A_120] : memref<32x80x128xi32, #tpu.memory_space<hbm>> -> memref<1x80x128xi32, #tpu.memory_space<hbm>>
      %dma_wait3A_122 = tpu.memref_squeeze %dma_wait3A_121 : memref<1x80x128xi32, #tpu.memory_space<hbm>> -> memref<80x128xi32, #tpu.memory_space<hbm>>
      %dma_wait3A_123 = arith.constant 0 : i32
      %dma_wait3A_124 = arith.constant 0 : i32
      %dma_wait3A_125 = tpu.memref_slice %arg4[%add3A, %dma_wait3A_123, %dma_wait3A_124] : memref<32x80x128xi32, #tpu.memory_space<hbm>> -> memref<1x80x128xi32, #tpu.memory_space<hbm>>
      %dma_wait3A_126 = tpu.memref_squeeze %dma_wait3A_125 : memref<1x80x128xi32, #tpu.memory_space<hbm>> -> memref<80x128xi32, #tpu.memory_space<hbm>>
      tpu.wait_dma2 semaphore(%run_scoped3A : memref<!tpu.dma_semaphore, #tpu.memory_space<semaphore_mem>>) src(%dma_wait3A_126 : memref<80x128xi32, #tpu.memory_space<hbm>>) dst(%arg8 : memref<80x128xi32, #tpu.memory_space<vmem>>)
      tpu.yield
    }) : () -> ()
    %barrier3A = arith.constant 0 : index
    tpu.barrier barrier_id(%barrier3A)
    %dma_start3A = arith.constant 0 : i32
    %dma_start3A_7 = arith.constant 0 : i32
    %dma_start3A_8 = arith.constant 0 : i32
    %dma_start3A_9 = arith.constant 0 : i32
    %dma_start3A_10 = tpu.memref_slice %arg9[%dma_start3A_7, %dma_start3A_8, %dma_start3A_9] : memref<8x128x32xf32, #tpu.memory_space<vmem>> -> memref<1x128x32xf32, #tpu.memory_space<vmem>>
    %dma_start3A_11 = tpu.memref_squeeze %dma_start3A_10 : memref<1x128x32xf32, #tpu.memory_space<vmem>> -> memref<128x32xf32, #tpu.memory_space<vmem>>
    %dma_start3A_12 = arith.constant 0 : i32
    %dma_start3A_13 = tpu.memref_slice %arg7[%dma_start3A, %dma_start3A_12] : memref<80x128xi32, #tpu.memory_space<vmem>> -> memref<1x128xi32, #tpu.memory_space<vmem>>
    %dma_start3A_14 = tpu.memref_squeeze %dma_start3A_13 : memref<1x128xi32, #tpu.memory_space<vmem>> -> memref<128xi32, #tpu.memory_space<vmem>>
    %dma_start3A_15 = arith.constant 0 : i32
    %dma_start3A_16 = arith.constant 0 : i32
    %dma_start3A_17 = tpu.memref_slice %arg11[%dma_start3A_15, %dma_start3A_16] : memref<10240x32xf32, #tpu.memory_space<vmem_shared>> -> memref<10240x32xf32, #tpu.memory_space<vmem_shared>>
    tpu.enqueue_indirect_dma source(%dma_start3A_17 : memref<10240x32xf32, #tpu.memory_space<vmem_shared>>) target(%dma_start3A_11 : memref<128x32xf32, #tpu.memory_space<vmem>>) offsets(%dma_start3A_14 : memref<128xi32, #tpu.memory_space<vmem>>) semaphore(%arg12 : memref<!tpu.dma_semaphore, #tpu.memory_space<semaphore_mem>>)
    %dma_start3A_18 = arith.constant 1 : i32
    %dma_start3A_19 = arith.constant 1 : i32
    %dma_start3A_20 = arith.constant 0 : i32
    %dma_start3A_21 = arith.constant 0 : i32
    %dma_start3A_22 = tpu.memref_slice %arg9[%dma_start3A_19, %dma_start3A_20, %dma_start3A_21] : memref<8x128x32xf32, #tpu.memory_space<vmem>> -> memref<1x128x32xf32, #tpu.memory_space<vmem>>
    %dma_start3A_23 = tpu.memref_squeeze %dma_start3A_22 : memref<1x128x32xf32, #tpu.memory_space<vmem>> -> memref<128x32xf32, #tpu.memory_space<vmem>>
    %dma_start3A_24 = arith.constant 0 : i32
    %dma_start3A_25 = tpu.memref_slice %arg7[%dma_start3A_18, %dma_start3A_24] : memref<80x128xi32, #tpu.memory_space<vmem>> -> memref<1x128xi32, #tpu.memory_space<vmem>>
    %dma_start3A_26 = tpu.memref_squeeze %dma_start3A_25 : memref<1x128xi32, #tpu.memory_space<vmem>> -> memref<128xi32, #tpu.memory_space<vmem>>
    %dma_start3A_27 = arith.constant 0 : i32
    %dma_start3A_28 = arith.constant 0 : i32
    %dma_start3A_29 = tpu.memref_slice %arg11[%dma_start3A_27, %dma_start3A_28] : memref<10240x32xf32, #tpu.memory_space<vmem_shared>> -> memref<10240x32xf32, #tpu.memory_space<vmem_shared>>
    tpu.enqueue_indirect_dma source(%dma_start3A_29 : memref<10240x32xf32, #tpu.memory_space<vmem_shared>>) target(%dma_start3A_23 : memref<128x32xf32, #tpu.memory_space<vmem>>) offsets(%dma_start3A_26 : memref<128xi32, #tpu.memory_space<vmem>>) semaphore(%arg13 : memref<!tpu.dma_semaphore, #tpu.memory_space<semaphore_mem>>)
    %dma_start3A_30 = arith.constant 2 : i32
    %dma_start3A_31 = arith.constant 2 : i32
    %dma_start3A_32 = arith.constant 0 : i32
    %dma_start3A_33 = arith.constant 0 : i32
    %dma_start3A_34 = tpu.memref_slice %arg9[%dma_start3A_31, %dma_start3A_32, %dma_start3A_33] : memref<8x128x32xf32, #tpu.memory_space<vmem>> -> memref<1x128x32xf32, #tpu.memory_space<vmem>>
    %dma_start3A_35 = tpu.memref_squeeze %dma_start3A_34 : memref<1x128x32xf32, #tpu.memory_space<vmem>> -> memref<128x32xf32, #tpu.memory_space<vmem>>
    %dma_start3A_36 = arith.constant 0 : i32
    %dma_start3A_37 = tpu.memref_slice %arg7[%dma_start3A_30, %dma_start3A_36] : memref<80x128xi32, #tpu.memory_space<vmem>> -> memref<1x128xi32, #tpu.memory_space<vmem>>
    %dma_start3A_38 = tpu.memref_squeeze %dma_start3A_37 : memref<1x128xi32, #tpu.memory_space<vmem>> -> memref<128xi32, #tpu.memory_space<vmem>>
    %dma_start3A_39 = arith.constant 0 : i32
    %dma_start3A_40 = arith.constant 0 : i32
    %dma_start3A_41 = tpu.memref_slice %arg11[%dma_start3A_39, %dma_start3A_40] : memref<10240x32xf32, #tpu.memory_space<vmem_shared>> -> memref<10240x32xf32, #tpu.memory_space<vmem_shared>>
    tpu.enqueue_indirect_dma source(%dma_start3A_41 : memref<10240x32xf32, #tpu.memory_space<vmem_shared>>) target(%dma_start3A_35 : memref<128x32xf32, #tpu.memory_space<vmem>>) offsets(%dma_start3A_38 : memref<128xi32, #tpu.memory_space<vmem>>) semaphore(%arg14 : memref<!tpu.dma_semaphore, #tpu.memory_space<semaphore_mem>>)
    %dma_start3A_42 = arith.constant 3 : i32
    %dma_start3A_43 = arith.constant 3 : i32
    %dma_start3A_44 = arith.constant 0 : i32
    %dma_start3A_45 = arith.constant 0 : i32
    %dma_start3A_46 = tpu.memref_slice %arg9[%dma_start3A_43, %dma_start3A_44, %dma_start3A_45] : memref<8x128x32xf32, #tpu.memory_space<vmem>> -> memref<1x128x32xf32, #tpu.memory_space<vmem>>
    %dma_start3A_47 = tpu.memref_squeeze %dma_start3A_46 : memref<1x128x32xf32, #tpu.memory_space<vmem>> -> memref<128x32xf32, #tpu.memory_space<vmem>>
    %dma_start3A_48 = arith.constant 0 : i32
    %dma_start3A_49 = tpu.memref_slice %arg7[%dma_start3A_42, %dma_start3A_48] : memref<80x128xi32, #tpu.memory_space<vmem>> -> memref<1x128xi32, #tpu.memory_space<vmem>>
    %dma_start3A_50 = tpu.memref_squeeze %dma_start3A_49 : memref<1x128xi32, #tpu.memory_space<vmem>> -> memref<128xi32, #tpu.memory_space<vmem>>
    %dma_start3A_51 = arith.constant 0 : i32
    %dma_start3A_52 = arith.constant 0 : i32
    %dma_start3A_53 = tpu.memref_slice %arg11[%dma_start3A_51, %dma_start3A_52] : memref<10240x32xf32, #tpu.memory_space<vmem_shared>> -> memref<10240x32xf32, #tpu.memory_space<vmem_shared>>
    tpu.enqueue_indirect_dma source(%dma_start3A_53 : memref<10240x32xf32, #tpu.memory_space<vmem_shared>>) target(%dma_start3A_47 : memref<128x32xf32, #tpu.memory_space<vmem>>) offsets(%dma_start3A_50 : memref<128xi32, #tpu.memory_space<vmem>>) semaphore(%arg15 : memref<!tpu.dma_semaphore, #tpu.memory_space<semaphore_mem>>)
    %scan3A = arith.constant 0 : i32
    %scan3A_54 = arith.constant 0 : i32
    %scan3A_55 = arith.constant 10 : i32
    %scan3A_56 = arith.addi %scan3A_54, %scan3A_55 : i32
    %scan3A_57 = arith.constant 1 : i32
    scf.for %scan3A_111 = %scan3A_54 to %scan3A_56 step %scan3A_57  : i32 {
      %mul3A_112 = arith.constant 8 : i32
      %mul3A_113 = arith.muli %scan3A_111, %mul3A_112 : i32
      %add3A_114 = arith.constant 0 : i32
      %add3A_115 = arith.addi %mul3A_113, %add3A_114 : i32
      %ge3A = arith.constant 4 : i32
      %ge3A_116 = arith.cmpi sge, %add3A_115, %ge3A : i32
      %convert_element_type3A = arith.extui %ge3A_116 : i1 to i32
      %cond3A = arith.constant 0 : i32
      %cond3A_117 = arith.cmpi ne, %convert_element_type3A, %cond3A : i32
      scf.if %cond3A_117 {
        %dma_wait3A_406 = arith.constant 4 : i32
        %dma_wait3A_407 = arith.constant 0 : i32
        %dma_wait3A_408 = arith.constant 0 : i32
        %dma_wait3A_409 = arith.constant 0 : i32
        %dma_wait3A_410 = tpu.memref_slice %arg9[%dma_wait3A_406, %dma_wait3A_408, %dma_wait3A_409] : memref<8x128x32xf32, #tpu.memory_space<vmem>> -> memref<1x128x32xf32, #tpu.memory_space<vmem>>
        %dma_wait3A_411 = tpu.memref_squeeze %dma_wait3A_410 : memref<1x128x32xf32, #tpu.memory_space<vmem>> -> memref<128x32xf32, #tpu.memory_space<vmem>>
        %dma_wait3A_412 = arith.constant 0 : i32
        %dma_wait3A_413 = tpu.memref_slice %arg8[%dma_wait3A_407, %dma_wait3A_412] : memref<80x128xi32, #tpu.memory_space<vmem>> -> memref<1x128xi32, #tpu.memory_space<vmem>>
        %dma_wait3A_414 = tpu.memref_squeeze %dma_wait3A_413 : memref<1x128xi32, #tpu.memory_space<vmem>> -> memref<128xi32, #tpu.memory_space<vmem>>
        %dma_wait3A_415 = arith.constant 0 : i32
        %dma_wait3A_416 = arith.constant 0 : i32
        %dma_wait3A_417 = tpu.memref_slice %arg10[%dma_wait3A_415, %dma_wait3A_416] : memref<10240x32xf32, #tpu.memory_space<vmem_shared>> -> memref<10240x32xf32, #tpu.memory_space<vmem_shared>>
        tpu.wait_indirect_dma semaphore(%arg24 : memref<!tpu.dma_semaphore, #tpu.memory_space<semaphore_mem>>) src(%dma_wait3A_411 : memref<128x32xf32, #tpu.memory_space<vmem>>) dst(%dma_wait3A_417 : memref<10240x32xf32, #tpu.memory_space<vmem_shared>>)
      } else {
      }
      %add3A_118 = arith.constant 4 : i32
      %add3A_119 = arith.addi %add3A_115, %add3A_118 : i32
      %lt3A = arith.constant 80 : i32
      %lt3A_120 = arith.cmpi slt, %add3A_119, %lt3A : i32
      %convert_element_type3A_121 = arith.extui %lt3A_120 : i1 to i32
      %cond3A_122 = arith.constant 0 : i32
      %cond3A_123 = arith.cmpi ne, %convert_element_type3A_121, %cond3A_122 : i32
      scf.if %cond3A_123 {
        %add3A_406 = arith.constant 4 : i32
        %add3A_407 = arith.addi %add3A_115, %add3A_406 : i32
        %dma_start3A_408 = arith.constant 4 : i32
        %dma_start3A_409 = arith.constant 0 : i32
        %dma_start3A_410 = arith.constant 0 : i32
        %dma_start3A_411 = tpu.memref_slice %arg9[%dma_start3A_408, %dma_start3A_409, %dma_start3A_410] : memref<8x128x32xf32, #tpu.memory_space<vmem>> -> memref<1x128x32xf32, #tpu.memory_space<vmem>>
        %dma_start3A_412 = tpu.memref_squeeze %dma_start3A_411 : memref<1x128x32xf32, #tpu.memory_space<vmem>> -> memref<128x32xf32, #tpu.memory_space<vmem>>
        %dma_start3A_413 = arith.constant 0 : i32
        %dma_start3A_414 = tpu.memref_slice %arg7[%add3A_407, %dma_start3A_413] : memref<80x128xi32, #tpu.memory_space<vmem>> -> memref<1x128xi32, #tpu.memory_space<vmem>>
        %dma_start3A_415 = tpu.memref_squeeze %dma_start3A_414 : memref<1x128xi32, #tpu.memory_space<vmem>> -> memref<128xi32, #tpu.memory_space<vmem>>
        %dma_start3A_416 = arith.constant 0 : i32
        %dma_start3A_417 = arith.constant 0 : i32
        %dma_start3A_418 = tpu.memref_slice %arg11[%dma_start3A_416, %dma_start3A_417] : memref<10240x32xf32, #tpu.memory_space<vmem_shared>> -> memref<10240x32xf32, #tpu.memory_space<vmem_shared>>
        tpu.enqueue_indirect_dma source(%dma_start3A_418 : memref<10240x32xf32, #tpu.memory_space<vmem_shared>>) target(%dma_start3A_412 : memref<128x32xf32, #tpu.memory_space<vmem>>) offsets(%dma_start3A_415 : memref<128xi32, #tpu.memory_space<vmem>>) semaphore(%arg16 : memref<!tpu.dma_semaphore, #tpu.memory_space<semaphore_mem>>)
      } else {
      }
      %dma_wait3A_124 = arith.constant 0 : i32
      %dma_wait3A_125 = arith.constant 0 : i32
      %dma_wait3A_126 = arith.constant 0 : i32
      %dma_wait3A_127 = arith.constant 0 : i32
      %dma_wait3A_128 = tpu.memref_slice %arg9[%dma_wait3A_125, %dma_wait3A_126, %dma_wait3A_127] : memref<8x128x32xf32, #tpu.memory_space<vmem>> -> memref<1x128x32xf32, #tpu.memory_space<vmem>>
      %dma_wait3A_129 = tpu.memref_squeeze %dma_wait3A_128 : memref<1x128x32xf32, #tpu.memory_space<vmem>> -> memref<128x32xf32, #tpu.memory_space<vmem>>
      %dma_wait3A_130 = arith.constant 0 : i32
      %dma_wait3A_131 = tpu.memref_slice %arg7[%dma_wait3A_124, %dma_wait3A_130] : memref<80x128xi32, #tpu.memory_space<vmem>> -> memref<1x128xi32, #tpu.memory_space<vmem>>
      %dma_wait3A_132 = tpu.memref_squeeze %dma_wait3A_131 : memref<1x128xi32, #tpu.memory_space<vmem>> -> memref<128xi32, #tpu.memory_space<vmem>>
      %dma_wait3A_133 = arith.constant 0 : i32
      %dma_wait3A_134 = arith.constant 0 : i32
      %dma_wait3A_135 = tpu.memref_slice %arg11[%dma_wait3A_133, %dma_wait3A_134] : memref<10240x32xf32, #tpu.memory_space<vmem_shared>> -> memref<10240x32xf32, #tpu.memory_space<vmem_shared>>
      tpu.wait_indirect_dma semaphore(%arg12 : memref<!tpu.dma_semaphore, #tpu.memory_space<semaphore_mem>>) src(%dma_wait3A_135 : memref<10240x32xf32, #tpu.memory_space<vmem_shared>>) dst(%dma_wait3A_129 : memref<128x32xf32, #tpu.memory_space<vmem>>)
      %dma_start3A_136 = arith.constant 0 : i32
      %dma_start3A_137 = arith.constant 0 : i32
      %dma_start3A_138 = arith.constant 0 : i32
      %dma_start3A_139 = tpu.memref_slice %arg9[%dma_start3A_136, %dma_start3A_137, %dma_start3A_138] : memref<8x128x32xf32, #tpu.memory_space<vmem>> -> memref<1x128x32xf32, #tpu.memory_space<vmem>>
      %dma_start3A_140 = tpu.memref_squeeze %dma_start3A_139 : memref<1x128x32xf32, #tpu.memory_space<vmem>> -> memref<128x32xf32, #tpu.memory_space<vmem>>
      %dma_start3A_141 = arith.constant 0 : i32
      %dma_start3A_142 = tpu.memref_slice %arg8[%add3A_115, %dma_start3A_141] : memref<80x128xi32, #tpu.memory_space<vmem>> -> memref<1x128xi32, #tpu.memory_space<vmem>>
      %dma_start3A_143 = tpu.memref_squeeze %dma_start3A_142 : memref<1x128xi32, #tpu.memory_space<vmem>> -> memref<128xi32, #tpu.memory_space<vmem>>
      %dma_start3A_144 = arith.constant 0 : i32
      %dma_start3A_145 = arith.constant 0 : i32
      %dma_start3A_146 = tpu.memref_slice %arg10[%dma_start3A_144, %dma_start3A_145] : memref<10240x32xf32, #tpu.memory_space<vmem_shared>> -> memref<10240x32xf32, #tpu.memory_space<vmem_shared>>
      tpu.enqueue_indirect_dma source(%dma_start3A_140 : memref<128x32xf32, #tpu.memory_space<vmem>>) target(%dma_start3A_146 : memref<10240x32xf32, #tpu.memory_space<vmem_shared>>) offsets(%dma_start3A_143 : memref<128xi32, #tpu.memory_space<vmem>>) semaphore(%arg20 : memref<!tpu.dma_semaphore, #tpu.memory_space<semaphore_mem>>) {add = true}
      %add3A_147 = arith.constant 1 : i32
      %add3A_148 = arith.addi %mul3A_113, %add3A_147 : i32
      %ge3A_149 = arith.constant 4 : i32
      %ge3A_150 = arith.cmpi sge, %add3A_148, %ge3A_149 : i32
      %convert_element_type3A_151 = arith.extui %ge3A_150 : i1 to i32
      %cond3A_152 = arith.constant 0 : i32
      %cond3A_153 = arith.cmpi ne, %convert_element_type3A_151, %cond3A_152 : i32
      scf.if %cond3A_153 {
        %dma_wait3A_406 = arith.constant 5 : i32
        %dma_wait3A_407 = arith.constant 0 : i32
        %dma_wait3A_408 = arith.constant 0 : i32
        %dma_wait3A_409 = arith.constant 0 : i32
        %dma_wait3A_410 = tpu.memref_slice %arg9[%dma_wait3A_406, %dma_wait3A_408, %dma_wait3A_409] : memref<8x128x32xf32, #tpu.memory_space<vmem>> -> memref<1x128x32xf32, #tpu.memory_space<vmem>>
        %dma_wait3A_411 = tpu.memref_squeeze %dma_wait3A_410 : memref<1x128x32xf32, #tpu.memory_space<vmem>> -> memref<128x32xf32, #tpu.memory_space<vmem>>
        %dma_wait3A_412 = arith.constant 0 : i32
        %dma_wait3A_413 = tpu.memref_slice %arg8[%dma_wait3A_407, %dma_wait3A_412] : memref<80x128xi32, #tpu.memory_space<vmem>> -> memref<1x128xi32, #tpu.memory_space<vmem>>
        %dma_wait3A_414 = tpu.memref_squeeze %dma_wait3A_413 : memref<1x128xi32, #tpu.memory_space<vmem>> -> memref<128xi32, #tpu.memory_space<vmem>>
        %dma_wait3A_415 = arith.constant 0 : i32
        %dma_wait3A_416 = arith.constant 0 : i32
        %dma_wait3A_417 = tpu.memref_slice %arg10[%dma_wait3A_415, %dma_wait3A_416] : memref<10240x32xf32, #tpu.memory_space<vmem_shared>> -> memref<10240x32xf32, #tpu.memory_space<vmem_shared>>
        tpu.wait_indirect_dma semaphore(%arg25 : memref<!tpu.dma_semaphore, #tpu.memory_space<semaphore_mem>>) src(%dma_wait3A_411 : memref<128x32xf32, #tpu.memory_space<vmem>>) dst(%dma_wait3A_417 : memref<10240x32xf32, #tpu.memory_space<vmem_shared>>)
      } else {
      }
      %add3A_154 = arith.constant 4 : i32
      %add3A_155 = arith.addi %add3A_148, %add3A_154 : i32
      %lt3A_156 = arith.constant 80 : i32
      %lt3A_157 = arith.cmpi slt, %add3A_155, %lt3A_156 : i32
      %convert_element_type3A_158 = arith.extui %lt3A_157 : i1 to i32
      %cond3A_159 = arith.constant 0 : i32
      %cond3A_160 = arith.cmpi ne, %convert_element_type3A_158, %cond3A_159 : i32
      scf.if %cond3A_160 {
        %add3A_406 = arith.constant 4 : i32
        %add3A_407 = arith.addi %add3A_148, %add3A_406 : i32
        %dma_start3A_408 = arith.constant 5 : i32
        %dma_start3A_409 = arith.constant 0 : i32
        %dma_start3A_410 = arith.constant 0 : i32
        %dma_start3A_411 = tpu.memref_slice %arg9[%dma_start3A_408, %dma_start3A_409, %dma_start3A_410] : memref<8x128x32xf32, #tpu.memory_space<vmem>> -> memref<1x128x32xf32, #tpu.memory_space<vmem>>
        %dma_start3A_412 = tpu.memref_squeeze %dma_start3A_411 : memref<1x128x32xf32, #tpu.memory_space<vmem>> -> memref<128x32xf32, #tpu.memory_space<vmem>>
        %dma_start3A_413 = arith.constant 0 : i32
        %dma_start3A_414 = tpu.memref_slice %arg7[%add3A_407, %dma_start3A_413] : memref<80x128xi32, #tpu.memory_space<vmem>> -> memref<1x128xi32, #tpu.memory_space<vmem>>
        %dma_start3A_415 = tpu.memref_squeeze %dma_start3A_414 : memref<1x128xi32, #tpu.memory_space<vmem>> -> memref<128xi32, #tpu.memory_space<vmem>>
        %dma_start3A_416 = arith.constant 0 : i32
        %dma_start3A_417 = arith.constant 0 : i32
        %dma_start3A_418 = tpu.memref_slice %arg11[%dma_start3A_416, %dma_start3A_417] : memref<10240x32xf32, #tpu.memory_space<vmem_shared>> -> memref<10240x32xf32, #tpu.memory_space<vmem_shared>>
        tpu.enqueue_indirect_dma source(%dma_start3A_418 : memref<10240x32xf32, #tpu.memory_space<vmem_shared>>) target(%dma_start3A_412 : memref<128x32xf32, #tpu.memory_space<vmem>>) offsets(%dma_start3A_415 : memref<128xi32, #tpu.memory_space<vmem>>) semaphore(%arg17 : memref<!tpu.dma_semaphore, #tpu.memory_space<semaphore_mem>>)
      } else {
      }
      %dma_wait3A_161 = arith.constant 0 : i32
      %dma_wait3A_162 = arith.constant 1 : i32
      %dma_wait3A_163 = arith.constant 0 : i32
      %dma_wait3A_164 = arith.constant 0 : i32
      %dma_wait3A_165 = tpu.memref_slice %arg9[%dma_wait3A_162, %dma_wait3A_163, %dma_wait3A_164] : memref<8x128x32xf32, #tpu.memory_space<vmem>> -> memref<1x128x32xf32, #tpu.memory_space<vmem>>
      %dma_wait3A_166 = tpu.memref_squeeze %dma_wait3A_165 : memref<1x128x32xf32, #tpu.memory_space<vmem>> -> memref<128x32xf32, #tpu.memory_space<vmem>>
      %dma_wait3A_167 = arith.constant 0 : i32
      %dma_wait3A_168 = tpu.memref_slice %arg7[%dma_wait3A_161, %dma_wait3A_167] : memref<80x128xi32, #tpu.memory_space<vmem>> -> memref<1x128xi32, #tpu.memory_space<vmem>>
      %dma_wait3A_169 = tpu.memref_squeeze %dma_wait3A_168 : memref<1x128xi32, #tpu.memory_space<vmem>> -> memref<128xi32, #tpu.memory_space<vmem>>
      %dma_wait3A_170 = arith.constant 0 : i32
      %dma_wait3A_171 = arith.constant 0 : i32
      %dma_wait3A_172 = tpu.memref_slice %arg11[%dma_wait3A_170, %dma_wait3A_171] : memref<10240x32xf32, #tpu.memory_space<vmem_shared>> -> memref<10240x32xf32, #tpu.memory_space<vmem_shared>>
      tpu.wait_indirect_dma semaphore(%arg13 : memref<!tpu.dma_semaphore, #tpu.memory_space<semaphore_mem>>) src(%dma_wait3A_172 : memref<10240x32xf32, #tpu.memory_space<vmem_shared>>) dst(%dma_wait3A_166 : memref<128x32xf32, #tpu.memory_space<vmem>>)
      %dma_start3A_173 = arith.constant 1 : i32
      %dma_start3A_174 = arith.constant 0 : i32
      %dma_start3A_175 = arith.constant 0 : i32
      %dma_start3A_176 = tpu.memref_slice %arg9[%dma_start3A_173, %dma_start3A_174, %dma_start3A_175] : memref<8x128x32xf32, #tpu.memory_space<vmem>> -> memref<1x128x32xf32, #tpu.memory_space<vmem>>
      %dma_start3A_177 = tpu.memref_squeeze %dma_start3A_176 : memref<1x128x32xf32, #tpu.memory_space<vmem>> -> memref<128x32xf32, #tpu.memory_space<vmem>>
      %dma_start3A_178 = arith.constant 0 : i32
      %dma_start3A_179 = tpu.memref_slice %arg8[%add3A_148, %dma_start3A_178] : memref<80x128xi32, #tpu.memory_space<vmem>> -> memref<1x128xi32, #tpu.memory_space<vmem>>
      %dma_start3A_180 = tpu.memref_squeeze %dma_start3A_179 : memref<1x128xi32, #tpu.memory_space<vmem>> -> memref<128xi32, #tpu.memory_space<vmem>>
      %dma_start3A_181 = arith.constant 0 : i32
      %dma_start3A_182 = arith.constant 0 : i32
      %dma_start3A_183 = tpu.memref_slice %arg10[%dma_start3A_181, %dma_start3A_182] : memref<10240x32xf32, #tpu.memory_space<vmem_shared>> -> memref<10240x32xf32, #tpu.memory_space<vmem_shared>>
      tpu.enqueue_indirect_dma source(%dma_start3A_177 : memref<128x32xf32, #tpu.memory_space<vmem>>) target(%dma_start3A_183 : memref<10240x32xf32, #tpu.memory_space<vmem_shared>>) offsets(%dma_start3A_180 : memref<128xi32, #tpu.memory_space<vmem>>) semaphore(%arg21 : memref<!tpu.dma_semaphore, #tpu.memory_space<semaphore_mem>>) {add = true}
      %add3A_184 = arith.constant 2 : i32
      %add3A_185 = arith.addi %mul3A_113, %add3A_184 : i32
      %ge3A_186 = arith.constant 4 : i32
      %ge3A_187 = arith.cmpi sge, %add3A_185, %ge3A_186 : i32
      %convert_element_type3A_188 = arith.extui %ge3A_187 : i1 to i32
      %cond3A_189 = arith.constant 0 : i32
      %cond3A_190 = arith.cmpi ne, %convert_element_type3A_188, %cond3A_189 : i32
      scf.if %cond3A_190 {
        %dma_wait3A_406 = arith.constant 6 : i32
        %dma_wait3A_407 = arith.constant 0 : i32
        %dma_wait3A_408 = arith.constant 0 : i32
        %dma_wait3A_409 = arith.constant 0 : i32
        %dma_wait3A_410 = tpu.memref_slice %arg9[%dma_wait3A_406, %dma_wait3A_408, %dma_wait3A_409] : memref<8x128x32xf32, #tpu.memory_space<vmem>> -> memref<1x128x32xf32, #tpu.memory_space<vmem>>
        %dma_wait3A_411 = tpu.memref_squeeze %dma_wait3A_410 : memref<1x128x32xf32, #tpu.memory_space<vmem>> -> memref<128x32xf32, #tpu.memory_space<vmem>>
        %dma_wait3A_412 = arith.constant 0 : i32
        %dma_wait3A_413 = tpu.memref_slice %arg8[%dma_wait3A_407, %dma_wait3A_412] : memref<80x128xi32, #tpu.memory_space<vmem>> -> memref<1x128xi32, #tpu.memory_space<vmem>>
        %dma_wait3A_414 = tpu.memref_squeeze %dma_wait3A_413 : memref<1x128xi32, #tpu.memory_space<vmem>> -> memref<128xi32, #tpu.memory_space<vmem>>
        %dma_wait3A_415 = arith.constant 0 : i32
        %dma_wait3A_416 = arith.constant 0 : i32
        %dma_wait3A_417 = tpu.memref_slice %arg10[%dma_wait3A_415, %dma_wait3A_416] : memref<10240x32xf32, #tpu.memory_space<vmem_shared>> -> memref<10240x32xf32, #tpu.memory_space<vmem_shared>>
        tpu.wait_indirect_dma semaphore(%arg26 : memref<!tpu.dma_semaphore, #tpu.memory_space<semaphore_mem>>) src(%dma_wait3A_411 : memref<128x32xf32, #tpu.memory_space<vmem>>) dst(%dma_wait3A_417 : memref<10240x32xf32, #tpu.memory_space<vmem_shared>>)
      } else {
      }
      %add3A_191 = arith.constant 4 : i32
      %add3A_192 = arith.addi %add3A_185, %add3A_191 : i32
      %lt3A_193 = arith.constant 80 : i32
      %lt3A_194 = arith.cmpi slt, %add3A_192, %lt3A_193 : i32
      %convert_element_type3A_195 = arith.extui %lt3A_194 : i1 to i32
      %cond3A_196 = arith.constant 0 : i32
      %cond3A_197 = arith.cmpi ne, %convert_element_type3A_195, %cond3A_196 : i32
      scf.if %cond3A_197 {
        %add3A_406 = arith.constant 4 : i32
        %add3A_407 = arith.addi %add3A_185, %add3A_406 : i32
        %dma_start3A_408 = arith.constant 6 : i32
        %dma_start3A_409 = arith.constant 0 : i32
        %dma_start3A_410 = arith.constant 0 : i32
        %dma_start3A_411 = tpu.memref_slice %arg9[%dma_start3A_408, %dma_start3A_409, %dma_start3A_410] : memref<8x128x32xf32, #tpu.memory_space<vmem>> -> memref<1x128x32xf32, #tpu.memory_space<vmem>>
        %dma_start3A_412 = tpu.memref_squeeze %dma_start3A_411 : memref<1x128x32xf32, #tpu.memory_space<vmem>> -> memref<128x32xf32, #tpu.memory_space<vmem>>
        %dma_start3A_413 = arith.constant 0 : i32
        %dma_start3A_414 = tpu.memref_slice %arg7[%add3A_407, %dma_start3A_413] : memref<80x128xi32, #tpu.memory_space<vmem>> -> memref<1x128xi32, #tpu.memory_space<vmem>>
        %dma_start3A_415 = tpu.memref_squeeze %dma_start3A_414 : memref<1x128xi32, #tpu.memory_space<vmem>> -> memref<128xi32, #tpu.memory_space<vmem>>
        %dma_start3A_416 = arith.constant 0 : i32
        %dma_start3A_417 = arith.constant 0 : i32
        %dma_start3A_418 = tpu.memref_slice %arg11[%dma_start3A_416, %dma_start3A_417] : memref<10240x32xf32, #tpu.memory_space<vmem_shared>> -> memref<10240x32xf32, #tpu.memory_space<vmem_shared>>
        tpu.enqueue_indirect_dma source(%dma_start3A_418 : memref<10240x32xf32, #tpu.memory_space<vmem_shared>>) target(%dma_start3A_412 : memref<128x32xf32, #tpu.memory_space<vmem>>) offsets(%dma_start3A_415 : memref<128xi32, #tpu.memory_space<vmem>>) semaphore(%arg18 : memref<!tpu.dma_semaphore, #tpu.memory_space<semaphore_mem>>)
      } else {
      }
      %dma_wait3A_198 = arith.constant 0 : i32
      %dma_wait3A_199 = arith.constant 2 : i32
      %dma_wait3A_200 = arith.constant 0 : i32
      %dma_wait3A_201 = arith.constant 0 : i32
      %dma_wait3A_202 = tpu.memref_slice %arg9[%dma_wait3A_199, %dma_wait3A_200, %dma_wait3A_201] : memref<8x128x32xf32, #tpu.memory_space<vmem>> -> memref<1x128x32xf32, #tpu.memory_space<vmem>>
      %dma_wait3A_203 = tpu.memref_squeeze %dma_wait3A_202 : memref<1x128x32xf32, #tpu.memory_space<vmem>> -> memref<128x32xf32, #tpu.memory_space<vmem>>
      %dma_wait3A_204 = arith.constant 0 : i32
      %dma_wait3A_205 = tpu.memref_slice %arg7[%dma_wait3A_198, %dma_wait3A_204] : memref<80x128xi32, #tpu.memory_space<vmem>> -> memref<1x128xi32, #tpu.memory_space<vmem>>
      %dma_wait3A_206 = tpu.memref_squeeze %dma_wait3A_205 : memref<1x128xi32, #tpu.memory_space<vmem>> -> memref<128xi32, #tpu.memory_space<vmem>>
      %dma_wait3A_207 = arith.constant 0 : i32
      %dma_wait3A_208 = arith.constant 0 : i32
      %dma_wait3A_209 = tpu.memref_slice %arg11[%dma_wait3A_207, %dma_wait3A_208] : memref<10240x32xf32, #tpu.memory_space<vmem_shared>> -> memref<10240x32xf32, #tpu.memory_space<vmem_shared>>
      tpu.wait_indirect_dma semaphore(%arg14 : memref<!tpu.dma_semaphore, #tpu.memory_space<semaphore_mem>>) src(%dma_wait3A_209 : memref<10240x32xf32, #tpu.memory_space<vmem_shared>>) dst(%dma_wait3A_203 : memref<128x32xf32, #tpu.memory_space<vmem>>)
      %dma_start3A_210 = arith.constant 2 : i32
      %dma_start3A_211 = arith.constant 0 : i32
      %dma_start3A_212 = arith.constant 0 : i32
      %dma_start3A_213 = tpu.memref_slice %arg9[%dma_start3A_210, %dma_start3A_211, %dma_start3A_212] : memref<8x128x32xf32, #tpu.memory_space<vmem>> -> memref<1x128x32xf32, #tpu.memory_space<vmem>>
      %dma_start3A_214 = tpu.memref_squeeze %dma_start3A_213 : memref<1x128x32xf32, #tpu.memory_space<vmem>> -> memref<128x32xf32, #tpu.memory_space<vmem>>
      %dma_start3A_215 = arith.constant 0 : i32
      %dma_start3A_216 = tpu.memref_slice %arg8[%add3A_185, %dma_start3A_215] : memref<80x128xi32, #tpu.memory_space<vmem>> -> memref<1x128xi32, #tpu.memory_space<vmem>>
      %dma_start3A_217 = tpu.memref_squeeze %dma_start3A_216 : memref<1x128xi32, #tpu.memory_space<vmem>> -> memref<128xi32, #tpu.memory_space<vmem>>
      %dma_start3A_218 = arith.constant 0 : i32
      %dma_start3A_219 = arith.constant 0 : i32
      %dma_start3A_220 = tpu.memref_slice %arg10[%dma_start3A_218, %dma_start3A_219] : memref<10240x32xf32, #tpu.memory_space<vmem_shared>> -> memref<10240x32xf32, #tpu.memory_space<vmem_shared>>
      tpu.enqueue_indirect_dma source(%dma_start3A_214 : memref<128x32xf32, #tpu.memory_space<vmem>>) target(%dma_start3A_220 : memref<10240x32xf32, #tpu.memory_space<vmem_shared>>) offsets(%dma_start3A_217 : memref<128xi32, #tpu.memory_space<vmem>>) semaphore(%arg22 : memref<!tpu.dma_semaphore, #tpu.memory_space<semaphore_mem>>) {add = true}
      %add3A_221 = arith.constant 3 : i32
      %add3A_222 = arith.addi %mul3A_113, %add3A_221 : i32
      %ge3A_223 = arith.constant 4 : i32
      %ge3A_224 = arith.cmpi sge, %add3A_222, %ge3A_223 : i32
      %convert_element_type3A_225 = arith.extui %ge3A_224 : i1 to i32
      %cond3A_226 = arith.constant 0 : i32
      %cond3A_227 = arith.cmpi ne, %convert_element_type3A_225, %cond3A_226 : i32
      scf.if %cond3A_227 {
        %dma_wait3A_406 = arith.constant 7 : i32
        %dma_wait3A_407 = arith.constant 0 : i32
        %dma_wait3A_408 = arith.constant 0 : i32
        %dma_wait3A_409 = arith.constant 0 : i32
        %dma_wait3A_410 = tpu.memref_slice %arg9[%dma_wait3A_406, %dma_wait3A_408, %dma_wait3A_409] : memref<8x128x32xf32, #tpu.memory_space<vmem>> -> memref<1x128x32xf32, #tpu.memory_space<vmem>>
        %dma_wait3A_411 = tpu.memref_squeeze %dma_wait3A_410 : memref<1x128x32xf32, #tpu.memory_space<vmem>> -> memref<128x32xf32, #tpu.memory_space<vmem>>
        %dma_wait3A_412 = arith.constant 0 : i32
        %dma_wait3A_413 = tpu.memref_slice %arg8[%dma_wait3A_407, %dma_wait3A_412] : memref<80x128xi32, #tpu.memory_space<vmem>> -> memref<1x128xi32, #tpu.memory_space<vmem>>
        %dma_wait3A_414 = tpu.memref_squeeze %dma_wait3A_413 : memref<1x128xi32, #tpu.memory_space<vmem>> -> memref<128xi32, #tpu.memory_space<vmem>>
        %dma_wait3A_415 = arith.constant 0 : i32
        %dma_wait3A_416 = arith.constant 0 : i32
        %dma_wait3A_417 = tpu.memref_slice %arg10[%dma_wait3A_415, %dma_wait3A_416] : memref<10240x32xf32, #tpu.memory_space<vmem_shared>> -> memref<10240x32xf32, #tpu.memory_space<vmem_shared>>
        tpu.wait_indirect_dma semaphore(%arg27 : memref<!tpu.dma_semaphore, #tpu.memory_space<semaphore_mem>>) src(%dma_wait3A_411 : memref<128x32xf32, #tpu.memory_space<vmem>>) dst(%dma_wait3A_417 : memref<10240x32xf32, #tpu.memory_space<vmem_shared>>)
      } else {
      }
      %add3A_228 = arith.constant 4 : i32
      %add3A_229 = arith.addi %add3A_222, %add3A_228 : i32
      %lt3A_230 = arith.constant 80 : i32
      %lt3A_231 = arith.cmpi slt, %add3A_229, %lt3A_230 : i32
      %convert_element_type3A_232 = arith.extui %lt3A_231 : i1 to i32
      %cond3A_233 = arith.constant 0 : i32
      %cond3A_234 = arith.cmpi ne, %convert_element_type3A_232, %cond3A_233 : i32
      scf.if %cond3A_234 {
        %add3A_406 = arith.constant 4 : i32
        %add3A_407 = arith.addi %add3A_222, %add3A_406 : i32
        %dma_start3A_408 = arith.constant 7 : i32
        %dma_start3A_409 = arith.constant 0 : i32
        %dma_start3A_410 = arith.constant 0 : i32
        %dma_start3A_411 = tpu.memref_slice %arg9[%dma_start3A_408, %dma_start3A_409, %dma_start3A_410] : memref<8x128x32xf32, #tpu.memory_space<vmem>> -> memref<1x128x32xf32, #tpu.memory_space<vmem>>
        %dma_start3A_412 = tpu.memref_squeeze %dma_start3A_411 : memref<1x128x32xf32, #tpu.memory_space<vmem>> -> memref<128x32xf32, #tpu.memory_space<vmem>>
        %dma_start3A_413 = arith.constant 0 : i32
        %dma_start3A_414 = tpu.memref_slice %arg7[%add3A_407, %dma_start3A_413] : memref<80x128xi32, #tpu.memory_space<vmem>> -> memref<1x128xi32, #tpu.memory_space<vmem>>
        %dma_start3A_415 = tpu.memref_squeeze %dma_start3A_414 : memref<1x128xi32, #tpu.memory_space<vmem>> -> memref<128xi32, #tpu.memory_space<vmem>>
        %dma_start3A_416 = arith.constant 0 : i32
        %dma_start3A_417 = arith.constant 0 : i32
        %dma_start3A_418 = tpu.memref_slice %arg11[%dma_start3A_416, %dma_start3A_417] : memref<10240x32xf32, #tpu.memory_space<vmem_shared>> -> memref<10240x32xf32, #tpu.memory_space<vmem_shared>>
        tpu.enqueue_indirect_dma source(%dma_start3A_418 : memref<10240x32xf32, #tpu.memory_space<vmem_shared>>) target(%dma_start3A_412 : memref<128x32xf32, #tpu.memory_space<vmem>>) offsets(%dma_start3A_415 : memref<128xi32, #tpu.memory_space<vmem>>) semaphore(%arg19 : memref<!tpu.dma_semaphore, #tpu.memory_space<semaphore_mem>>)
      } else {
      }
      %dma_wait3A_235 = arith.constant 0 : i32
      %dma_wait3A_236 = arith.constant 3 : i32
      %dma_wait3A_237 = arith.constant 0 : i32
      %dma_wait3A_238 = arith.constant 0 : i32
      %dma_wait3A_239 = tpu.memref_slice %arg9[%dma_wait3A_236, %dma_wait3A_237, %dma_wait3A_238] : memref<8x128x32xf32, #tpu.memory_space<vmem>> -> memref<1x128x32xf32, #tpu.memory_space<vmem>>
      %dma_wait3A_240 = tpu.memref_squeeze %dma_wait3A_239 : memref<1x128x32xf32, #tpu.memory_space<vmem>> -> memref<128x32xf32, #tpu.memory_space<vmem>>
      %dma_wait3A_241 = arith.constant 0 : i32
      %dma_wait3A_242 = tpu.memref_slice %arg7[%dma_wait3A_235, %dma_wait3A_241] : memref<80x128xi32, #tpu.memory_space<vmem>> -> memref<1x128xi32, #tpu.memory_space<vmem>>
      %dma_wait3A_243 = tpu.memref_squeeze %dma_wait3A_242 : memref<1x128xi32, #tpu.memory_space<vmem>> -> memref<128xi32, #tpu.memory_space<vmem>>
      %dma_wait3A_244 = arith.constant 0 : i32
      %dma_wait3A_245 = arith.constant 0 : i32
      %dma_wait3A_246 = tpu.memref_slice %arg11[%dma_wait3A_244, %dma_wait3A_245] : memref<10240x32xf32, #tpu.memory_space<vmem_shared>> -> memref<10240x32xf32, #tpu.memory_space<vmem_shared>>
      tpu.wait_indirect_dma semaphore(%arg15 : memref<!tpu.dma_semaphore, #tpu.memory_space<semaphore_mem>>) src(%dma_wait3A_246 : memref<10240x32xf32, #tpu.memory_space<vmem_shared>>) dst(%dma_wait3A_240 : memref<128x32xf32, #tpu.memory_space<vmem>>)
      %dma_start3A_247 = arith.constant 3 : i32
      %dma_start3A_248 = arith.constant 0 : i32
      %dma_start3A_249 = arith.constant 0 : i32
      %dma_start3A_250 = tpu.memref_slice %arg9[%dma_start3A_247, %dma_start3A_248, %dma_start3A_249] : memref<8x128x32xf32, #tpu.memory_space<vmem>> -> memref<1x128x32xf32, #tpu.memory_space<vmem>>
      %dma_start3A_251 = tpu.memref_squeeze %dma_start3A_250 : memref<1x128x32xf32, #tpu.memory_space<vmem>> -> memref<128x32xf32, #tpu.memory_space<vmem>>
      %dma_start3A_252 = arith.constant 0 : i32
      %dma_start3A_253 = tpu.memref_slice %arg8[%add3A_222, %dma_start3A_252] : memref<80x128xi32, #tpu.memory_space<vmem>> -> memref<1x128xi32, #tpu.memory_space<vmem>>
      %dma_start3A_254 = tpu.memref_squeeze %dma_start3A_253 : memref<1x128xi32, #tpu.memory_space<vmem>> -> memref<128xi32, #tpu.memory_space<vmem>>
      %dma_start3A_255 = arith.constant 0 : i32
      %dma_start3A_256 = arith.constant 0 : i32
      %dma_start3A_257 = tpu.memref_slice %arg10[%dma_start3A_255, %dma_start3A_256] : memref<10240x32xf32, #tpu.memory_space<vmem_shared>> -> memref<10240x32xf32, #tpu.memory_space<vmem_shared>>
      tpu.enqueue_indirect_dma source(%dma_start3A_251 : memref<128x32xf32, #tpu.memory_space<vmem>>) target(%dma_start3A_257 : memref<10240x32xf32, #tpu.memory_space<vmem_shared>>) offsets(%dma_start3A_254 : memref<128xi32, #tpu.memory_space<vmem>>) semaphore(%arg23 : memref<!tpu.dma_semaphore, #tpu.memory_space<semaphore_mem>>) {add = true}
      %add3A_258 = arith.constant 4 : i32
      %add3A_259 = arith.addi %mul3A_113, %add3A_258 : i32
      %ge3A_260 = arith.constant 4 : i32
      %ge3A_261 = arith.cmpi sge, %add3A_259, %ge3A_260 : i32
      %convert_element_type3A_262 = arith.extui %ge3A_261 : i1 to i32
      %cond3A_263 = arith.constant 0 : i32
      %cond3A_264 = arith.cmpi ne, %convert_element_type3A_262, %cond3A_263 : i32
      scf.if %cond3A_264 {
        %dma_wait3A_406 = arith.constant 0 : i32
        %dma_wait3A_407 = arith.constant 0 : i32
        %dma_wait3A_408 = arith.constant 0 : i32
        %dma_wait3A_409 = arith.constant 0 : i32
        %dma_wait3A_410 = tpu.memref_slice %arg9[%dma_wait3A_406, %dma_wait3A_408, %dma_wait3A_409] : memref<8x128x32xf32, #tpu.memory_space<vmem>> -> memref<1x128x32xf32, #tpu.memory_space<vmem>>
        %dma_wait3A_411 = tpu.memref_squeeze %dma_wait3A_410 : memref<1x128x32xf32, #tpu.memory_space<vmem>> -> memref<128x32xf32, #tpu.memory_space<vmem>>
        %dma_wait3A_412 = arith.constant 0 : i32
        %dma_wait3A_413 = tpu.memref_slice %arg8[%dma_wait3A_407, %dma_wait3A_412] : memref<80x128xi32, #tpu.memory_space<vmem>> -> memref<1x128xi32, #tpu.memory_space<vmem>>
        %dma_wait3A_414 = tpu.memref_squeeze %dma_wait3A_413 : memref<1x128xi32, #tpu.memory_space<vmem>> -> memref<128xi32, #tpu.memory_space<vmem>>
        %dma_wait3A_415 = arith.constant 0 : i32
        %dma_wait3A_416 = arith.constant 0 : i32
        %dma_wait3A_417 = tpu.memref_slice %arg10[%dma_wait3A_415, %dma_wait3A_416] : memref<10240x32xf32, #tpu.memory_space<vmem_shared>> -> memref<10240x32xf32, #tpu.memory_space<vmem_shared>>
        tpu.wait_indirect_dma semaphore(%arg20 : memref<!tpu.dma_semaphore, #tpu.memory_space<semaphore_mem>>) src(%dma_wait3A_411 : memref<128x32xf32, #tpu.memory_space<vmem>>) dst(%dma_wait3A_417 : memref<10240x32xf32, #tpu.memory_space<vmem_shared>>)
      } else {
      }
      %add3A_265 = arith.constant 4 : i32
      %add3A_266 = arith.addi %add3A_259, %add3A_265 : i32
      %lt3A_267 = arith.constant 80 : i32
      %lt3A_268 = arith.cmpi slt, %add3A_266, %lt3A_267 : i32
      %convert_element_type3A_269 = arith.extui %lt3A_268 : i1 to i32
      %cond3A_270 = arith.constant 0 : i32
      %cond3A_271 = arith.cmpi ne, %convert_element_type3A_269, %cond3A_270 : i32
      scf.if %cond3A_271 {
        %add3A_406 = arith.constant 4 : i32
        %add3A_407 = arith.addi %add3A_259, %add3A_406 : i32
        %dma_start3A_408 = arith.constant 0 : i32
        %dma_start3A_409 = arith.constant 0 : i32
        %dma_start3A_410 = arith.constant 0 : i32
        %dma_start3A_411 = tpu.memref_slice %arg9[%dma_start3A_408, %dma_start3A_409, %dma_start3A_410] : memref<8x128x32xf32, #tpu.memory_space<vmem>> -> memref<1x128x32xf32, #tpu.memory_space<vmem>>
        %dma_start3A_412 = tpu.memref_squeeze %dma_start3A_411 : memref<1x128x32xf32, #tpu.memory_space<vmem>> -> memref<128x32xf32, #tpu.memory_space<vmem>>
        %dma_start3A_413 = arith.constant 0 : i32
        %dma_start3A_414 = tpu.memref_slice %arg7[%add3A_407, %dma_start3A_413] : memref<80x128xi32, #tpu.memory_space<vmem>> -> memref<1x128xi32, #tpu.memory_space<vmem>>
        %dma_start3A_415 = tpu.memref_squeeze %dma_start3A_414 : memref<1x128xi32, #tpu.memory_space<vmem>> -> memref<128xi32, #tpu.memory_space<vmem>>
        %dma_start3A_416 = arith.constant 0 : i32
        %dma_start3A_417 = arith.constant 0 : i32
        %dma_start3A_418 = tpu.memref_slice %arg11[%dma_start3A_416, %dma_start3A_417] : memref<10240x32xf32, #tpu.memory_space<vmem_shared>> -> memref<10240x32xf32, #tpu.memory_space<vmem_shared>>
        tpu.enqueue_indirect_dma source(%dma_start3A_418 : memref<10240x32xf32, #tpu.memory_space<vmem_shared>>) target(%dma_start3A_412 : memref<128x32xf32, #tpu.memory_space<vmem>>) offsets(%dma_start3A_415 : memref<128xi32, #tpu.memory_space<vmem>>) semaphore(%arg12 : memref<!tpu.dma_semaphore, #tpu.memory_space<semaphore_mem>>)
      } else {
      }
      %dma_wait3A_272 = arith.constant 0 : i32
      %dma_wait3A_273 = arith.constant 4 : i32
      %dma_wait3A_274 = arith.constant 0 : i32
      %dma_wait3A_275 = arith.constant 0 : i32
      %dma_wait3A_276 = tpu.memref_slice %arg9[%dma_wait3A_273, %dma_wait3A_274, %dma_wait3A_275] : memref<8x128x32xf32, #tpu.memory_space<vmem>> -> memref<1x128x32xf32, #tpu.memory_space<vmem>>
      %dma_wait3A_277 = tpu.memref_squeeze %dma_wait3A_276 : memref<1x128x32xf32, #tpu.memory_space<vmem>> -> memref<128x32xf32, #tpu.memory_space<vmem>>
      %dma_wait3A_278 = arith.constant 0 : i32
      %dma_wait3A_279 = tpu.memref_slice %arg7[%dma_wait3A_272, %dma_wait3A_278] : memref<80x128xi32, #tpu.memory_space<vmem>> -> memref<1x128xi32, #tpu.memory_space<vmem>>
      %dma_wait3A_280 = tpu.memref_squeeze %dma_wait3A_279 : memref<1x128xi32, #tpu.memory_space<vmem>> -> memref<128xi32, #tpu.memory_space<vmem>>
      %dma_wait3A_281 = arith.constant 0 : i32
      %dma_wait3A_282 = arith.constant 0 : i32
      %dma_wait3A_283 = tpu.memref_slice %arg11[%dma_wait3A_281, %dma_wait3A_282] : memref<10240x32xf32, #tpu.memory_space<vmem_shared>> -> memref<10240x32xf32, #tpu.memory_space<vmem_shared>>
      tpu.wait_indirect_dma semaphore(%arg16 : memref<!tpu.dma_semaphore, #tpu.memory_space<semaphore_mem>>) src(%dma_wait3A_283 : memref<10240x32xf32, #tpu.memory_space<vmem_shared>>) dst(%dma_wait3A_277 : memref<128x32xf32, #tpu.memory_space<vmem>>)
      %dma_start3A_284 = arith.constant 4 : i32
      %dma_start3A_285 = arith.constant 0 : i32
      %dma_start3A_286 = arith.constant 0 : i32
      %dma_start3A_287 = tpu.memref_slice %arg9[%dma_start3A_284, %dma_start3A_285, %dma_start3A_286] : memref<8x128x32xf32, #tpu.memory_space<vmem>> -> memref<1x128x32xf32, #tpu.memory_space<vmem>>
      %dma_start3A_288 = tpu.memref_squeeze %dma_start3A_287 : memref<1x128x32xf32, #tpu.memory_space<vmem>> -> memref<128x32xf32, #tpu.memory_space<vmem>>
      %dma_start3A_289 = arith.constant 0 : i32
      %dma_start3A_290 = tpu.memref_slice %arg8[%add3A_259, %dma_start3A_289] : memref<80x128xi32, #tpu.memory_space<vmem>> -> memref<1x128xi32, #tpu.memory_space<vmem>>
      %dma_start3A_291 = tpu.memref_squeeze %dma_start3A_290 : memref<1x128xi32, #tpu.memory_space<vmem>> -> memref<128xi32, #tpu.memory_space<vmem>>
      %dma_start3A_292 = arith.constant 0 : i32
      %dma_start3A_293 = arith.constant 0 : i32
      %dma_start3A_294 = tpu.memref_slice %arg10[%dma_start3A_292, %dma_start3A_293] : memref<10240x32xf32, #tpu.memory_space<vmem_shared>> -> memref<10240x32xf32, #tpu.memory_space<vmem_shared>>
      tpu.enqueue_indirect_dma source(%dma_start3A_288 : memref<128x32xf32, #tpu.memory_space<vmem>>) target(%dma_start3A_294 : memref<10240x32xf32, #tpu.memory_space<vmem_shared>>) offsets(%dma_start3A_291 : memref<128xi32, #tpu.memory_space<vmem>>) semaphore(%arg24 : memref<!tpu.dma_semaphore, #tpu.memory_space<semaphore_mem>>) {add = true}
      %add3A_295 = arith.constant 5 : i32
      %add3A_296 = arith.addi %mul3A_113, %add3A_295 : i32
      %ge3A_297 = arith.constant 4 : i32
      %ge3A_298 = arith.cmpi sge, %add3A_296, %ge3A_297 : i32
      %convert_element_type3A_299 = arith.extui %ge3A_298 : i1 to i32
      %cond3A_300 = arith.constant 0 : i32
      %cond3A_301 = arith.cmpi ne, %convert_element_type3A_299, %cond3A_300 : i32
      scf.if %cond3A_301 {
        %dma_wait3A_406 = arith.constant 1 : i32
        %dma_wait3A_407 = arith.constant 0 : i32
        %dma_wait3A_408 = arith.constant 0 : i32
        %dma_wait3A_409 = arith.constant 0 : i32
        %dma_wait3A_410 = tpu.memref_slice %arg9[%dma_wait3A_406, %dma_wait3A_408, %dma_wait3A_409] : memref<8x128x32xf32, #tpu.memory_space<vmem>> -> memref<1x128x32xf32, #tpu.memory_space<vmem>>
        %dma_wait3A_411 = tpu.memref_squeeze %dma_wait3A_410 : memref<1x128x32xf32, #tpu.memory_space<vmem>> -> memref<128x32xf32, #tpu.memory_space<vmem>>
        %dma_wait3A_412 = arith.constant 0 : i32
        %dma_wait3A_413 = tpu.memref_slice %arg8[%dma_wait3A_407, %dma_wait3A_412] : memref<80x128xi32, #tpu.memory_space<vmem>> -> memref<1x128xi32, #tpu.memory_space<vmem>>
        %dma_wait3A_414 = tpu.memref_squeeze %dma_wait3A_413 : memref<1x128xi32, #tpu.memory_space<vmem>> -> memref<128xi32, #tpu.memory_space<vmem>>
        %dma_wait3A_415 = arith.constant 0 : i32
        %dma_wait3A_416 = arith.constant 0 : i32
        %dma_wait3A_417 = tpu.memref_slice %arg10[%dma_wait3A_415, %dma_wait3A_416] : memref<10240x32xf32, #tpu.memory_space<vmem_shared>> -> memref<10240x32xf32, #tpu.memory_space<vmem_shared>>
        tpu.wait_indirect_dma semaphore(%arg21 : memref<!tpu.dma_semaphore, #tpu.memory_space<semaphore_mem>>) src(%dma_wait3A_411 : memref<128x32xf32, #tpu.memory_space<vmem>>) dst(%dma_wait3A_417 : memref<10240x32xf32, #tpu.memory_space<vmem_shared>>)
      } else {
      }
      %add3A_302 = arith.constant 4 : i32
      %add3A_303 = arith.addi %add3A_296, %add3A_302 : i32
      %lt3A_304 = arith.constant 80 : i32
      %lt3A_305 = arith.cmpi slt, %add3A_303, %lt3A_304 : i32
      %convert_element_type3A_306 = arith.extui %lt3A_305 : i1 to i32
      %cond3A_307 = arith.constant 0 : i32
      %cond3A_308 = arith.cmpi ne, %convert_element_type3A_306, %cond3A_307 : i32
      scf.if %cond3A_308 {
        %add3A_406 = arith.constant 4 : i32
        %add3A_407 = arith.addi %add3A_296, %add3A_406 : i32
        %dma_start3A_408 = arith.constant 1 : i32
        %dma_start3A_409 = arith.constant 0 : i32
        %dma_start3A_410 = arith.constant 0 : i32
        %dma_start3A_411 = tpu.memref_slice %arg9[%dma_start3A_408, %dma_start3A_409, %dma_start3A_410] : memref<8x128x32xf32, #tpu.memory_space<vmem>> -> memref<1x128x32xf32, #tpu.memory_space<vmem>>
        %dma_start3A_412 = tpu.memref_squeeze %dma_start3A_411 : memref<1x128x32xf32, #tpu.memory_space<vmem>> -> memref<128x32xf32, #tpu.memory_space<vmem>>
        %dma_start3A_413 = arith.constant 0 : i32
        %dma_start3A_414 = tpu.memref_slice %arg7[%add3A_407, %dma_start3A_413] : memref<80x128xi32, #tpu.memory_space<vmem>> -> memref<1x128xi32, #tpu.memory_space<vmem>>
        %dma_start3A_415 = tpu.memref_squeeze %dma_start3A_414 : memref<1x128xi32, #tpu.memory_space<vmem>> -> memref<128xi32, #tpu.memory_space<vmem>>
        %dma_start3A_416 = arith.constant 0 : i32
        %dma_start3A_417 = arith.constant 0 : i32
        %dma_start3A_418 = tpu.memref_slice %arg11[%dma_start3A_416, %dma_start3A_417] : memref<10240x32xf32, #tpu.memory_space<vmem_shared>> -> memref<10240x32xf32, #tpu.memory_space<vmem_shared>>
        tpu.enqueue_indirect_dma source(%dma_start3A_418 : memref<10240x32xf32, #tpu.memory_space<vmem_shared>>) target(%dma_start3A_412 : memref<128x32xf32, #tpu.memory_space<vmem>>) offsets(%dma_start3A_415 : memref<128xi32, #tpu.memory_space<vmem>>) semaphore(%arg13 : memref<!tpu.dma_semaphore, #tpu.memory_space<semaphore_mem>>)
      } else {
      }
      %dma_wait3A_309 = arith.constant 0 : i32
      %dma_wait3A_310 = arith.constant 5 : i32
      %dma_wait3A_311 = arith.constant 0 : i32
      %dma_wait3A_312 = arith.constant 0 : i32
      %dma_wait3A_313 = tpu.memref_slice %arg9[%dma_wait3A_310, %dma_wait3A_311, %dma_wait3A_312] : memref<8x128x32xf32, #tpu.memory_space<vmem>> -> memref<1x128x32xf32, #tpu.memory_space<vmem>>
      %dma_wait3A_314 = tpu.memref_squeeze %dma_wait3A_313 : memref<1x128x32xf32, #tpu.memory_space<vmem>> -> memref<128x32xf32, #tpu.memory_space<vmem>>
      %dma_wait3A_315 = arith.constant 0 : i32
      %dma_wait3A_316 = tpu.memref_slice %arg7[%dma_wait3A_309, %dma_wait3A_315] : memref<80x128xi32, #tpu.memory_space<vmem>> -> memref<1x128xi32, #tpu.memory_space<vmem>>
      %dma_wait3A_317 = tpu.memref_squeeze %dma_wait3A_316 : memref<1x128xi32, #tpu.memory_space<vmem>> -> memref<128xi32, #tpu.memory_space<vmem>>
      %dma_wait3A_318 = arith.constant 0 : i32
      %dma_wait3A_319 = arith.constant 0 : i32
      %dma_wait3A_320 = tpu.memref_slice %arg11[%dma_wait3A_318, %dma_wait3A_319] : memref<10240x32xf32, #tpu.memory_space<vmem_shared>> -> memref<10240x32xf32, #tpu.memory_space<vmem_shared>>
      tpu.wait_indirect_dma semaphore(%arg17 : memref<!tpu.dma_semaphore, #tpu.memory_space<semaphore_mem>>) src(%dma_wait3A_320 : memref<10240x32xf32, #tpu.memory_space<vmem_shared>>) dst(%dma_wait3A_314 : memref<128x32xf32, #tpu.memory_space<vmem>>)
      %dma_start3A_321 = arith.constant 5 : i32
      %dma_start3A_322 = arith.constant 0 : i32
      %dma_start3A_323 = arith.constant 0 : i32
      %dma_start3A_324 = tpu.memref_slice %arg9[%dma_start3A_321, %dma_start3A_322, %dma_start3A_323] : memref<8x128x32xf32, #tpu.memory_space<vmem>> -> memref<1x128x32xf32, #tpu.memory_space<vmem>>
      %dma_start3A_325 = tpu.memref_squeeze %dma_start3A_324 : memref<1x128x32xf32, #tpu.memory_space<vmem>> -> memref<128x32xf32, #tpu.memory_space<vmem>>
      %dma_start3A_326 = arith.constant 0 : i32
      %dma_start3A_327 = tpu.memref_slice %arg8[%add3A_296, %dma_start3A_326] : memref<80x128xi32, #tpu.memory_space<vmem>> -> memref<1x128xi32, #tpu.memory_space<vmem>>
      %dma_start3A_328 = tpu.memref_squeeze %dma_start3A_327 : memref<1x128xi32, #tpu.memory_space<vmem>> -> memref<128xi32, #tpu.memory_space<vmem>>
      %dma_start3A_329 = arith.constant 0 : i32
      %dma_start3A_330 = arith.constant 0 : i32
      %dma_start3A_331 = tpu.memref_slice %arg10[%dma_start3A_329, %dma_start3A_330] : memref<10240x32xf32, #tpu.memory_space<vmem_shared>> -> memref<10240x32xf32, #tpu.memory_space<vmem_shared>>
      tpu.enqueue_indirect_dma source(%dma_start3A_325 : memref<128x32xf32, #tpu.memory_space<vmem>>) target(%dma_start3A_331 : memref<10240x32xf32, #tpu.memory_space<vmem_shared>>) offsets(%dma_start3A_328 : memref<128xi32, #tpu.memory_space<vmem>>) semaphore(%arg25 : memref<!tpu.dma_semaphore, #tpu.memory_space<semaphore_mem>>) {add = true}
      %add3A_332 = arith.constant 6 : i32
      %add3A_333 = arith.addi %mul3A_113, %add3A_332 : i32
      %ge3A_334 = arith.constant 4 : i32
      %ge3A_335 = arith.cmpi sge, %add3A_333, %ge3A_334 : i32
      %convert_element_type3A_336 = arith.extui %ge3A_335 : i1 to i32
      %cond3A_337 = arith.constant 0 : i32
      %cond3A_338 = arith.cmpi ne, %convert_element_type3A_336, %cond3A_337 : i32
      scf.if %cond3A_338 {
        %dma_wait3A_406 = arith.constant 2 : i32
        %dma_wait3A_407 = arith.constant 0 : i32
        %dma_wait3A_408 = arith.constant 0 : i32
        %dma_wait3A_409 = arith.constant 0 : i32
        %dma_wait3A_410 = tpu.memref_slice %arg9[%dma_wait3A_406, %dma_wait3A_408, %dma_wait3A_409] : memref<8x128x32xf32, #tpu.memory_space<vmem>> -> memref<1x128x32xf32, #tpu.memory_space<vmem>>
        %dma_wait3A_411 = tpu.memref_squeeze %dma_wait3A_410 : memref<1x128x32xf32, #tpu.memory_space<vmem>> -> memref<128x32xf32, #tpu.memory_space<vmem>>
        %dma_wait3A_412 = arith.constant 0 : i32
        %dma_wait3A_413 = tpu.memref_slice %arg8[%dma_wait3A_407, %dma_wait3A_412] : memref<80x128xi32, #tpu.memory_space<vmem>> -> memref<1x128xi32, #tpu.memory_space<vmem>>
        %dma_wait3A_414 = tpu.memref_squeeze %dma_wait3A_413 : memref<1x128xi32, #tpu.memory_space<vmem>> -> memref<128xi32, #tpu.memory_space<vmem>>
        %dma_wait3A_415 = arith.constant 0 : i32
        %dma_wait3A_416 = arith.constant 0 : i32
        %dma_wait3A_417 = tpu.memref_slice %arg10[%dma_wait3A_415, %dma_wait3A_416] : memref<10240x32xf32, #tpu.memory_space<vmem_shared>> -> memref<10240x32xf32, #tpu.memory_space<vmem_shared>>
        tpu.wait_indirect_dma semaphore(%arg22 : memref<!tpu.dma_semaphore, #tpu.memory_space<semaphore_mem>>) src(%dma_wait3A_411 : memref<128x32xf32, #tpu.memory_space<vmem>>) dst(%dma_wait3A_417 : memref<10240x32xf32, #tpu.memory_space<vmem_shared>>)
      } else {
      }
      %add3A_339 = arith.constant 4 : i32
      %add3A_340 = arith.addi %add3A_333, %add3A_339 : i32
      %lt3A_341 = arith.constant 80 : i32
      %lt3A_342 = arith.cmpi slt, %add3A_340, %lt3A_341 : i32
      %convert_element_type3A_343 = arith.extui %lt3A_342 : i1 to i32
      %cond3A_344 = arith.constant 0 : i32
      %cond3A_345 = arith.cmpi ne, %convert_element_type3A_343, %cond3A_344 : i32
      scf.if %cond3A_345 {
        %add3A_406 = arith.constant 4 : i32
        %add3A_407 = arith.addi %add3A_333, %add3A_406 : i32
        %dma_start3A_408 = arith.constant 2 : i32
        %dma_start3A_409 = arith.constant 0 : i32
        %dma_start3A_410 = arith.constant 0 : i32
        %dma_start3A_411 = tpu.memref_slice %arg9[%dma_start3A_408, %dma_start3A_409, %dma_start3A_410] : memref<8x128x32xf32, #tpu.memory_space<vmem>> -> memref<1x128x32xf32, #tpu.memory_space<vmem>>
        %dma_start3A_412 = tpu.memref_squeeze %dma_start3A_411 : memref<1x128x32xf32, #tpu.memory_space<vmem>> -> memref<128x32xf32, #tpu.memory_space<vmem>>
        %dma_start3A_413 = arith.constant 0 : i32
        %dma_start3A_414 = tpu.memref_slice %arg7[%add3A_407, %dma_start3A_413] : memref<80x128xi32, #tpu.memory_space<vmem>> -> memref<1x128xi32, #tpu.memory_space<vmem>>
        %dma_start3A_415 = tpu.memref_squeeze %dma_start3A_414 : memref<1x128xi32, #tpu.memory_space<vmem>> -> memref<128xi32, #tpu.memory_space<vmem>>
        %dma_start3A_416 = arith.constant 0 : i32
        %dma_start3A_417 = arith.constant 0 : i32
        %dma_start3A_418 = tpu.memref_slice %arg11[%dma_start3A_416, %dma_start3A_417] : memref<10240x32xf32, #tpu.memory_space<vmem_shared>> -> memref<10240x32xf32, #tpu.memory_space<vmem_shared>>
        tpu.enqueue_indirect_dma source(%dma_start3A_418 : memref<10240x32xf32, #tpu.memory_space<vmem_shared>>) target(%dma_start3A_412 : memref<128x32xf32, #tpu.memory_space<vmem>>) offsets(%dma_start3A_415 : memref<128xi32, #tpu.memory_space<vmem>>) semaphore(%arg14 : memref<!tpu.dma_semaphore, #tpu.memory_space<semaphore_mem>>)
      } else {
      }
      %dma_wait3A_346 = arith.constant 0 : i32
      %dma_wait3A_347 = arith.constant 6 : i32
      %dma_wait3A_348 = arith.constant 0 : i32
      %dma_wait3A_349 = arith.constant 0 : i32
      %dma_wait3A_350 = tpu.memref_slice %arg9[%dma_wait3A_347, %dma_wait3A_348, %dma_wait3A_349] : memref<8x128x32xf32, #tpu.memory_space<vmem>> -> memref<1x128x32xf32, #tpu.memory_space<vmem>>
      %dma_wait3A_351 = tpu.memref_squeeze %dma_wait3A_350 : memref<1x128x32xf32, #tpu.memory_space<vmem>> -> memref<128x32xf32, #tpu.memory_space<vmem>>
      %dma_wait3A_352 = arith.constant 0 : i32
      %dma_wait3A_353 = tpu.memref_slice %arg7[%dma_wait3A_346, %dma_wait3A_352] : memref<80x128xi32, #tpu.memory_space<vmem>> -> memref<1x128xi32, #tpu.memory_space<vmem>>
      %dma_wait3A_354 = tpu.memref_squeeze %dma_wait3A_353 : memref<1x128xi32, #tpu.memory_space<vmem>> -> memref<128xi32, #tpu.memory_space<vmem>>
      %dma_wait3A_355 = arith.constant 0 : i32
      %dma_wait3A_356 = arith.constant 0 : i32
      %dma_wait3A_357 = tpu.memref_slice %arg11[%dma_wait3A_355, %dma_wait3A_356] : memref<10240x32xf32, #tpu.memory_space<vmem_shared>> -> memref<10240x32xf32, #tpu.memory_space<vmem_shared>>
      tpu.wait_indirect_dma semaphore(%arg18 : memref<!tpu.dma_semaphore, #tpu.memory_space<semaphore_mem>>) src(%dma_wait3A_357 : memref<10240x32xf32, #tpu.memory_space<vmem_shared>>) dst(%dma_wait3A_351 : memref<128x32xf32, #tpu.memory_space<vmem>>)
      %dma_start3A_358 = arith.constant 6 : i32
      %dma_start3A_359 = arith.constant 0 : i32
      %dma_start3A_360 = arith.constant 0 : i32
      %dma_start3A_361 = tpu.memref_slice %arg9[%dma_start3A_358, %dma_start3A_359, %dma_start3A_360] : memref<8x128x32xf32, #tpu.memory_space<vmem>> -> memref<1x128x32xf32, #tpu.memory_space<vmem>>
      %dma_start3A_362 = tpu.memref_squeeze %dma_start3A_361 : memref<1x128x32xf32, #tpu.memory_space<vmem>> -> memref<128x32xf32, #tpu.memory_space<vmem>>
      %dma_start3A_363 = arith.constant 0 : i32
      %dma_start3A_364 = tpu.memref_slice %arg8[%add3A_333, %dma_start3A_363] : memref<80x128xi32, #tpu.memory_space<vmem>> -> memref<1x128xi32, #tpu.memory_space<vmem>>
      %dma_start3A_365 = tpu.memref_squeeze %dma_start3A_364 : memref<1x128xi32, #tpu.memory_space<vmem>> -> memref<128xi32, #tpu.memory_space<vmem>>
      %dma_start3A_366 = arith.constant 0 : i32
      %dma_start3A_367 = arith.constant 0 : i32
      %dma_start3A_368 = tpu.memref_slice %arg10[%dma_start3A_366, %dma_start3A_367] : memref<10240x32xf32, #tpu.memory_space<vmem_shared>> -> memref<10240x32xf32, #tpu.memory_space<vmem_shared>>
      tpu.enqueue_indirect_dma source(%dma_start3A_362 : memref<128x32xf32, #tpu.memory_space<vmem>>) target(%dma_start3A_368 : memref<10240x32xf32, #tpu.memory_space<vmem_shared>>) offsets(%dma_start3A_365 : memref<128xi32, #tpu.memory_space<vmem>>) semaphore(%arg26 : memref<!tpu.dma_semaphore, #tpu.memory_space<semaphore_mem>>) {add = true}
      %add3A_369 = arith.constant 7 : i32
      %add3A_370 = arith.addi %mul3A_113, %add3A_369 : i32
      %ge3A_371 = arith.constant 4 : i32
      %ge3A_372 = arith.cmpi sge, %add3A_370, %ge3A_371 : i32
      %convert_element_type3A_373 = arith.extui %ge3A_372 : i1 to i32
      %cond3A_374 = arith.constant 0 : i32
      %cond3A_375 = arith.cmpi ne, %convert_element_type3A_373, %cond3A_374 : i32
      scf.if %cond3A_375 {
        %dma_wait3A_406 = arith.constant 3 : i32
        %dma_wait3A_407 = arith.constant 0 : i32
        %dma_wait3A_408 = arith.constant 0 : i32
        %dma_wait3A_409 = arith.constant 0 : i32
        %dma_wait3A_410 = tpu.memref_slice %arg9[%dma_wait3A_406, %dma_wait3A_408, %dma_wait3A_409] : memref<8x128x32xf32, #tpu.memory_space<vmem>> -> memref<1x128x32xf32, #tpu.memory_space<vmem>>
        %dma_wait3A_411 = tpu.memref_squeeze %dma_wait3A_410 : memref<1x128x32xf32, #tpu.memory_space<vmem>> -> memref<128x32xf32, #tpu.memory_space<vmem>>
        %dma_wait3A_412 = arith.constant 0 : i32
        %dma_wait3A_413 = tpu.memref_slice %arg8[%dma_wait3A_407, %dma_wait3A_412] : memref<80x128xi32, #tpu.memory_space<vmem>> -> memref<1x128xi32, #tpu.memory_space<vmem>>
        %dma_wait3A_414 = tpu.memref_squeeze %dma_wait3A_413 : memref<1x128xi32, #tpu.memory_space<vmem>> -> memref<128xi32, #tpu.memory_space<vmem>>
        %dma_wait3A_415 = arith.constant 0 : i32
        %dma_wait3A_416 = arith.constant 0 : i32
        %dma_wait3A_417 = tpu.memref_slice %arg10[%dma_wait3A_415, %dma_wait3A_416] : memref<10240x32xf32, #tpu.memory_space<vmem_shared>> -> memref<10240x32xf32, #tpu.memory_space<vmem_shared>>
        tpu.wait_indirect_dma semaphore(%arg23 : memref<!tpu.dma_semaphore, #tpu.memory_space<semaphore_mem>>) src(%dma_wait3A_411 : memref<128x32xf32, #tpu.memory_space<vmem>>) dst(%dma_wait3A_417 : memref<10240x32xf32, #tpu.memory_space<vmem_shared>>)
      } else {
      }
      %add3A_376 = arith.constant 4 : i32
      %add3A_377 = arith.addi %add3A_370, %add3A_376 : i32
      %lt3A_378 = arith.constant 80 : i32
      %lt3A_379 = arith.cmpi slt, %add3A_377, %lt3A_378 : i32
      %convert_element_type3A_380 = arith.extui %lt3A_379 : i1 to i32
      %cond3A_381 = arith.constant 0 : i32
      %cond3A_382 = arith.cmpi ne, %convert_element_type3A_380, %cond3A_381 : i32
      scf.if %cond3A_382 {
        %add3A_406 = arith.constant 4 : i32
        %add3A_407 = arith.addi %add3A_370, %add3A_406 : i32
        %dma_start3A_408 = arith.constant 3 : i32
        %dma_start3A_409 = arith.constant 0 : i32
        %dma_start3A_410 = arith.constant 0 : i32
        %dma_start3A_411 = tpu.memref_slice %arg9[%dma_start3A_408, %dma_start3A_409, %dma_start3A_410] : memref<8x128x32xf32, #tpu.memory_space<vmem>> -> memref<1x128x32xf32, #tpu.memory_space<vmem>>
        %dma_start3A_412 = tpu.memref_squeeze %dma_start3A_411 : memref<1x128x32xf32, #tpu.memory_space<vmem>> -> memref<128x32xf32, #tpu.memory_space<vmem>>
        %dma_start3A_413 = arith.constant 0 : i32
        %dma_start3A_414 = tpu.memref_slice %arg7[%add3A_407, %dma_start3A_413] : memref<80x128xi32, #tpu.memory_space<vmem>> -> memref<1x128xi32, #tpu.memory_space<vmem>>
        %dma_start3A_415 = tpu.memref_squeeze %dma_start3A_414 : memref<1x128xi32, #tpu.memory_space<vmem>> -> memref<128xi32, #tpu.memory_space<vmem>>
        %dma_start3A_416 = arith.constant 0 : i32
        %dma_start3A_417 = arith.constant 0 : i32
        %dma_start3A_418 = tpu.memref_slice %arg11[%dma_start3A_416, %dma_start3A_417] : memref<10240x32xf32, #tpu.memory_space<vmem_shared>> -> memref<10240x32xf32, #tpu.memory_space<vmem_shared>>
        tpu.enqueue_indirect_dma source(%dma_start3A_418 : memref<10240x32xf32, #tpu.memory_space<vmem_shared>>) target(%dma_start3A_412 : memref<128x32xf32, #tpu.memory_space<vmem>>) offsets(%dma_start3A_415 : memref<128xi32, #tpu.memory_space<vmem>>) semaphore(%arg15 : memref<!tpu.dma_semaphore, #tpu.memory_space<semaphore_mem>>)
      } else {
      }
      %dma_wait3A_383 = arith.constant 0 : i32
      %dma_wait3A_384 = arith.constant 7 : i32
      %dma_wait3A_385 = arith.constant 0 : i32
      %dma_wait3A_386 = arith.constant 0 : i32
      %dma_wait3A_387 = tpu.memref_slice %arg9[%dma_wait3A_384, %dma_wait3A_385, %dma_wait3A_386] : memref<8x128x32xf32, #tpu.memory_space<vmem>> -> memref<1x128x32xf32, #tpu.memory_space<vmem>>
      %dma_wait3A_388 = tpu.memref_squeeze %dma_wait3A_387 : memref<1x128x32xf32, #tpu.memory_space<vmem>> -> memref<128x32xf32, #tpu.memory_space<vmem>>
      %dma_wait3A_389 = arith.constant 0 : i32
      %dma_wait3A_390 = tpu.memref_slice %arg7[%dma_wait3A_383, %dma_wait3A_389] : memref<80x128xi32, #tpu.memory_space<vmem>> -> memref<1x128xi32, #tpu.memory_space<vmem>>
      %dma_wait3A_391 = tpu.memref_squeeze %dma_wait3A_390 : memref<1x128xi32, #tpu.memory_space<vmem>> -> memref<128xi32, #tpu.memory_space<vmem>>
      %dma_wait3A_392 = arith.constant 0 : i32
      %dma_wait3A_393 = arith.constant 0 : i32
      %dma_wait3A_394 = tpu.memref_slice %arg11[%dma_wait3A_392, %dma_wait3A_393] : memref<10240x32xf32, #tpu.memory_space<vmem_shared>> -> memref<10240x32xf32, #tpu.memory_space<vmem_shared>>
      tpu.wait_indirect_dma semaphore(%arg19 : memref<!tpu.dma_semaphore, #tpu.memory_space<semaphore_mem>>) src(%dma_wait3A_394 : memref<10240x32xf32, #tpu.memory_space<vmem_shared>>) dst(%dma_wait3A_388 : memref<128x32xf32, #tpu.memory_space<vmem>>)
      %dma_start3A_395 = arith.constant 7 : i32
      %dma_start3A_396 = arith.constant 0 : i32
      %dma_start3A_397 = arith.constant 0 : i32
      %dma_start3A_398 = tpu.memref_slice %arg9[%dma_start3A_395, %dma_start3A_396, %dma_start3A_397] : memref<8x128x32xf32, #tpu.memory_space<vmem>> -> memref<1x128x32xf32, #tpu.memory_space<vmem>>
      %dma_start3A_399 = tpu.memref_squeeze %dma_start3A_398 : memref<1x128x32xf32, #tpu.memory_space<vmem>> -> memref<128x32xf32, #tpu.memory_space<vmem>>
      %dma_start3A_400 = arith.constant 0 : i32
      %dma_start3A_401 = tpu.memref_slice %arg8[%add3A_370, %dma_start3A_400] : memref<80x128xi32, #tpu.memory_space<vmem>> -> memref<1x128xi32, #tpu.memory_space<vmem>>
      %dma_start3A_402 = tpu.memref_squeeze %dma_start3A_401 : memref<1x128xi32, #tpu.memory_space<vmem>> -> memref<128xi32, #tpu.memory_space<vmem>>
      %dma_start3A_403 = arith.constant 0 : i32
      %dma_start3A_404 = arith.constant 0 : i32
      %dma_start3A_405 = tpu.memref_slice %arg10[%dma_start3A_403, %dma_start3A_404] : memref<10240x32xf32, #tpu.memory_space<vmem_shared>> -> memref<10240x32xf32, #tpu.memory_space<vmem_shared>>
      tpu.enqueue_indirect_dma source(%dma_start3A_399 : memref<128x32xf32, #tpu.memory_space<vmem>>) target(%dma_start3A_405 : memref<10240x32xf32, #tpu.memory_space<vmem_shared>>) offsets(%dma_start3A_402 : memref<128xi32, #tpu.memory_space<vmem>>) semaphore(%arg27 : memref<!tpu.dma_semaphore, #tpu.memory_space<semaphore_mem>>) {add = true}
    }
    %scan3A_58 = arith.constant 10 : i32
    %dma_wait3A = arith.constant 4 : i32
    %dma_wait3A_59 = arith.constant 0 : i32
    %dma_wait3A_60 = arith.constant 0 : i32
    %dma_wait3A_61 = arith.constant 0 : i32
    %dma_wait3A_62 = tpu.memref_slice %arg9[%dma_wait3A, %dma_wait3A_60, %dma_wait3A_61] : memref<8x128x32xf32, #tpu.memory_space<vmem>> -> memref<1x128x32xf32, #tpu.memory_space<vmem>>
    %dma_wait3A_63 = tpu.memref_squeeze %dma_wait3A_62 : memref<1x128x32xf32, #tpu.memory_space<vmem>> -> memref<128x32xf32, #tpu.memory_space<vmem>>
    %dma_wait3A_64 = arith.constant 0 : i32
    %dma_wait3A_65 = tpu.memref_slice %arg8[%dma_wait3A_59, %dma_wait3A_64] : memref<80x128xi32, #tpu.memory_space<vmem>> -> memref<1x128xi32, #tpu.memory_space<vmem>>
    %dma_wait3A_66 = tpu.memref_squeeze %dma_wait3A_65 : memref<1x128xi32, #tpu.memory_space<vmem>> -> memref<128xi32, #tpu.memory_space<vmem>>
    %dma_wait3A_67 = arith.constant 0 : i32
    %dma_wait3A_68 = arith.constant 0 : i32
    %dma_wait3A_69 = tpu.memref_slice %arg10[%dma_wait3A_67, %dma_wait3A_68] : memref<10240x32xf32, #tpu.memory_space<vmem_shared>> -> memref<10240x32xf32, #tpu.memory_space<vmem_shared>>
    tpu.wait_indirect_dma semaphore(%arg24 : memref<!tpu.dma_semaphore, #tpu.memory_space<semaphore_mem>>) src(%dma_wait3A_63 : memref<128x32xf32, #tpu.memory_space<vmem>>) dst(%dma_wait3A_69 : memref<10240x32xf32, #tpu.memory_space<vmem_shared>>)
    %dma_wait3A_70 = arith.constant 5 : i32
    %dma_wait3A_71 = arith.constant 0 : i32
    %dma_wait3A_72 = arith.constant 0 : i32
    %dma_wait3A_73 = arith.constant 0 : i32
    %dma_wait3A_74 = tpu.memref_slice %arg9[%dma_wait3A_70, %dma_wait3A_72, %dma_wait3A_73] : memref<8x128x32xf32, #tpu.memory_space<vmem>> -> memref<1x128x32xf32, #tpu.memory_space<vmem>>
    %dma_wait3A_75 = tpu.memref_squeeze %dma_wait3A_74 : memref<1x128x32xf32, #tpu.memory_space<vmem>> -> memref<128x32xf32, #tpu.memory_space<vmem>>
    %dma_wait3A_76 = arith.constant 0 : i32
    %dma_wait3A_77 = tpu.memref_slice %arg8[%dma_wait3A_71, %dma_wait3A_76] : memref<80x128xi32, #tpu.memory_space<vmem>> -> memref<1x128xi32, #tpu.memory_space<vmem>>
    %dma_wait3A_78 = tpu.memref_squeeze %dma_wait3A_77 : memref<1x128xi32, #tpu.memory_space<vmem>> -> memref<128xi32, #tpu.memory_space<vmem>>
    %dma_wait3A_79 = arith.constant 0 : i32
    %dma_wait3A_80 = arith.constant 0 : i32
    %dma_wait3A_81 = tpu.memref_slice %arg10[%dma_wait3A_79, %dma_wait3A_80] : memref<10240x32xf32, #tpu.memory_space<vmem_shared>> -> memref<10240x32xf32, #tpu.memory_space<vmem_shared>>
    tpu.wait_indirect_dma semaphore(%arg25 : memref<!tpu.dma_semaphore, #tpu.memory_space<semaphore_mem>>) src(%dma_wait3A_75 : memref<128x32xf32, #tpu.memory_space<vmem>>) dst(%dma_wait3A_81 : memref<10240x32xf32, #tpu.memory_space<vmem_shared>>)
    %dma_wait3A_82 = arith.constant 6 : i32
    %dma_wait3A_83 = arith.constant 0 : i32
    %dma_wait3A_84 = arith.constant 0 : i32
    %dma_wait3A_85 = arith.constant 0 : i32
    %dma_wait3A_86 = tpu.memref_slice %arg9[%dma_wait3A_82, %dma_wait3A_84, %dma_wait3A_85] : memref<8x128x32xf32, #tpu.memory_space<vmem>> -> memref<1x128x32xf32, #tpu.memory_space<vmem>>
    %dma_wait3A_87 = tpu.memref_squeeze %dma_wait3A_86 : memref<1x128x32xf32, #tpu.memory_space<vmem>> -> memref<128x32xf32, #tpu.memory_space<vmem>>
    %dma_wait3A_88 = arith.constant 0 : i32
    %dma_wait3A_89 = tpu.memref_slice %arg8[%dma_wait3A_83, %dma_wait3A_88] : memref<80x128xi32, #tpu.memory_space<vmem>> -> memref<1x128xi32, #tpu.memory_space<vmem>>
    %dma_wait3A_90 = tpu.memref_squeeze %dma_wait3A_89 : memref<1x128xi32, #tpu.memory_space<vmem>> -> memref<128xi32, #tpu.memory_space<vmem>>
    %dma_wait3A_91 = arith.constant 0 : i32
    %dma_wait3A_92 = arith.constant 0 : i32
    %dma_wait3A_93 = tpu.memref_slice %arg10[%dma_wait3A_91, %dma_wait3A_92] : memref<10240x32xf32, #tpu.memory_space<vmem_shared>> -> memref<10240x32xf32, #tpu.memory_space<vmem_shared>>
    tpu.wait_indirect_dma semaphore(%arg26 : memref<!tpu.dma_semaphore, #tpu.memory_space<semaphore_mem>>) src(%dma_wait3A_87 : memref<128x32xf32, #tpu.memory_space<vmem>>) dst(%dma_wait3A_93 : memref<10240x32xf32, #tpu.memory_space<vmem_shared>>)
    %dma_wait3A_94 = arith.constant 7 : i32
    %dma_wait3A_95 = arith.constant 0 : i32
    %dma_wait3A_96 = arith.constant 0 : i32
    %dma_wait3A_97 = arith.constant 0 : i32
    %dma_wait3A_98 = tpu.memref_slice %arg9[%dma_wait3A_94, %dma_wait3A_96, %dma_wait3A_97] : memref<8x128x32xf32, #tpu.memory_space<vmem>> -> memref<1x128x32xf32, #tpu.memory_space<vmem>>
    %dma_wait3A_99 = tpu.memref_squeeze %dma_wait3A_98 : memref<1x128x32xf32, #tpu.memory_space<vmem>> -> memref<128x32xf32, #tpu.memory_space<vmem>>
    %dma_wait3A_100 = arith.constant 0 : i32
    %dma_wait3A_101 = tpu.memref_slice %arg8[%dma_wait3A_95, %dma_wait3A_100] : memref<80x128xi32, #tpu.memory_space<vmem>> -> memref<1x128xi32, #tpu.memory_space<vmem>>
    %dma_wait3A_102 = tpu.memref_squeeze %dma_wait3A_101 : memref<1x128xi32, #tpu.memory_space<vmem>> -> memref<128xi32, #tpu.memory_space<vmem>>
    %dma_wait3A_103 = arith.constant 0 : i32
    %dma_wait3A_104 = arith.constant 0 : i32
    %dma_wait3A_105 = tpu.memref_slice %arg10[%dma_wait3A_103, %dma_wait3A_104] : memref<10240x32xf32, #tpu.memory_space<vmem_shared>> -> memref<10240x32xf32, #tpu.memory_space<vmem_shared>>
    tpu.wait_indirect_dma semaphore(%arg27 : memref<!tpu.dma_semaphore, #tpu.memory_space<semaphore_mem>>) src(%dma_wait3A_99 : memref<128x32xf32, #tpu.memory_space<vmem>>) dst(%dma_wait3A_105 : memref<10240x32xf32, #tpu.memory_space<vmem_shared>>)
    %barrier3A_106 = arith.constant 0 : index
    tpu.barrier barrier_id(%barrier3A_106)
    %mul3A_107 = arith.constant 640 : i32
    %mul3A_108 = arith.muli %arg1, %mul3A_107 : i32
    %mul3A_109 = arith.constant 640 : i32
    %mul3A_110 = arith.muli %arg1, %mul3A_109 : i32
    "tpu.region"() ({
      %run_scoped3A = tpu.sem_alloc : memref<!tpu.dma_semaphore, #tpu.memory_space<semaphore_mem>>
      %dma_start3A_111 = arith.constant 0 : i32
      %dma_start3A_112 = tpu.memref_slice %arg6[%arg0, %mul3A_110, %dma_start3A_111] : memref<2x10240x32xf32, #tpu.memory_space<hbm>> -> memref<1x640x32xf32, #tpu.memory_space<hbm>>
      %dma_start3A_113 = tpu.memref_squeeze %dma_start3A_112 : memref<1x640x32xf32, #tpu.memory_space<hbm>> -> memref<640x32xf32, #tpu.memory_space<hbm>>
      %dma_start3A_114 = arith.constant 0 : i32
      %dma_start3A_115 = tpu.memref_slice %arg10[%mul3A_108, %dma_start3A_114] : memref<10240x32xf32, #tpu.memory_space<vmem_shared>> -> memref<640x32xf32, #tpu.memory_space<vmem_shared>>
      tpu.enqueue_dma source(%dma_start3A_115 : memref<640x32xf32, #tpu.memory_space<vmem_shared>>) target(%dma_start3A_113 : memref<640x32xf32, #tpu.memory_space<hbm>>) target_semaphore(%run_scoped3A : memref<!tpu.dma_semaphore, #tpu.memory_space<semaphore_mem>>)
      %dma_wait3A_116 = arith.constant 0 : i32
      %dma_wait3A_117 = tpu.memref_slice %arg6[%arg0, %mul3A_110, %dma_wait3A_116] : memref<2x10240x32xf32, #tpu.memory_space<hbm>> -> memref<1x640x32xf32, #tpu.memory_space<hbm>>
      %dma_wait3A_118 = tpu.memref_squeeze %dma_wait3A_117 : memref<1x640x32xf32, #tpu.memory_space<hbm>> -> memref<640x32xf32, #tpu.memory_space<hbm>>
      %dma_wait3A_119 = arith.constant 0 : i32
      %dma_wait3A_120 = tpu.memref_slice %arg10[%mul3A_108, %dma_wait3A_119] : memref<10240x32xf32, #tpu.memory_space<vmem_shared>> -> memref<640x32xf32, #tpu.memory_space<vmem_shared>>
      tpu.wait_dma2 semaphore(%run_scoped3A : memref<!tpu.dma_semaphore, #tpu.memory_space<semaphore_mem>>) src(%dma_wait3A_120 : memref<640x32xf32, #tpu.memory_space<vmem_shared>>) dst(%dma_wait3A_118 : memref<640x32xf32, #tpu.memory_space<hbm>>)
      tpu.yield
    }) : () -> ()
    return
  }
}

#map = affine_map<(d0, d1) -> (0, 0)>
#map1 = affine_map<(d0, d1) -> (0, 0, 0)>
module attributes {stable_mosaic.version = 14 : i64} {
  func.func @_sc_agg_body(%arg0: i32, %arg1: i32, %arg2: memref<10240x32xf32, #tpu.memory_space<hbm>>, %arg3: memref<32x80x128xi32, #tpu.memory_space<hbm>>, %arg4: memref<32x80x128xi32, #tpu.memory_space<hbm>>, %arg5: memref<640x32xf32, #tpu.memory_space<hbm>>, %arg6: memref<2x10240x32xf32, #tpu.memory_space<hbm>>, %arg7: memref<80x128xi32, #tpu.memory_space<vmem>>, %arg8: memref<80x128xi32, #tpu.memory_space<vmem>>, %arg9: memref<8x128x32xf32, #tpu.memory_space<vmem>>, %arg10: memref<10240x32xf32, #tpu.memory_space<vmem_shared>>, %arg11: memref<10240x32xf32, #tpu.memory_space<vmem_shared>>, %arg12: memref<!tpu.dma_semaphore, #tpu.memory_space<semaphore_mem>>, %arg13: memref<!tpu.dma_semaphore, #tpu.memory_space<semaphore_mem>>, %arg14: memref<!tpu.dma_semaphore, #tpu.memory_space<semaphore_mem>>, %arg15: memref<!tpu.dma_semaphore, #tpu.memory_space<semaphore_mem>>, %arg16: memref<!tpu.dma_semaphore, #tpu.memory_space<semaphore_mem>>, %arg17: memref<!tpu.dma_semaphore, #tpu.memory_space<semaphore_mem>>, %arg18: memref<!tpu.dma_semaphore, #tpu.memory_space<semaphore_mem>>, %arg19: memref<!tpu.dma_semaphore, #tpu.memory_space<semaphore_mem>>, %arg20: memref<!tpu.dma_semaphore, #tpu.memory_space<semaphore_mem>>, %arg21: memref<!tpu.dma_semaphore, #tpu.memory_space<semaphore_mem>>, %arg22: memref<!tpu.dma_semaphore, #tpu.memory_space<semaphore_mem>>, %arg23: memref<!tpu.dma_semaphore, #tpu.memory_space<semaphore_mem>>, %arg24: memref<!tpu.dma_semaphore, #tpu.memory_space<semaphore_mem>>, %arg25: memref<!tpu.dma_semaphore, #tpu.memory_space<semaphore_mem>>, %arg26: memref<!tpu.dma_semaphore, #tpu.memory_space<semaphore_mem>>, %arg27: memref<!tpu.dma_semaphore, #tpu.memory_space<semaphore_mem>>) attributes {dimension_semantics = [#tpu.dimension_semantics<core_parallel>, #tpu.dimension_semantics<subcore_parallel>], iteration_bounds = array<i64: 2, 16>, scalar_prefetch = 0 : i64, scratch_operands = 21 : i64, tpu.core_type = #tpu.core_type<sc_vector_subcore>, window_params = [{transform_indices = #map}, {transform_indices = #map1}, {transform_indices = #map1}, {transform_indices = #map}, {transform_indices = #map1}]} {
    %mul3A = arith.constant 16 : i32
    %mul3A_0 = arith.muli %arg0, %mul3A : i32
    %add3A = arith.addi %mul3A_0, %arg1 : i32
    %mul3A_1 = arith.constant 640 : i32
    %mul3A_2 = arith.muli %arg1, %mul3A_1 : i32
    "tpu.region"() ({
      %run_scoped3A = tpu.sem_alloc : memref<!tpu.dma_semaphore, #tpu.memory_space<semaphore_mem>>
      %dma_start3A_111 = arith.constant 0 : i32
      %dma_start3A_112 = tpu.memref_slice %arg10[%mul3A_2, %dma_start3A_111] : memref<10240x32xf32, #tpu.memory_space<vmem_shared>> -> memref<640x32xf32, #tpu.memory_space<vmem_shared>>
      tpu.enqueue_dma source(%arg5 : memref<640x32xf32, #tpu.memory_space<hbm>>) target(%dma_start3A_112 : memref<640x32xf32, #tpu.memory_space<vmem_shared>>) target_semaphore(%run_scoped3A : memref<!tpu.dma_semaphore, #tpu.memory_space<semaphore_mem>>)
      %dma_wait3A_113 = arith.constant 0 : i32
      %dma_wait3A_114 = tpu.memref_slice %arg10[%mul3A_2, %dma_wait3A_113] : memref<10240x32xf32, #tpu.memory_space<vmem_shared>> -> memref<640x32xf32, #tpu.memory_space<vmem_shared>>
      tpu.wait_dma2 semaphore(%run_scoped3A : memref<!tpu.dma_semaphore, #tpu.memory_space<semaphore_mem>>) src(%arg5 : memref<640x32xf32, #tpu.memory_space<hbm>>) dst(%dma_wait3A_114 : memref<640x32xf32, #tpu.memory_space<vmem_shared>>)
      tpu.yield
    }) : () -> ()
    %mul3A_3 = arith.constant 640 : i32
    %mul3A_4 = arith.muli %arg1, %mul3A_3 : i32
    %mul3A_5 = arith.constant 640 : i32
    %mul3A_6 = arith.muli %arg1, %mul3A_5 : i32
    "tpu.region"() ({
      %run_scoped3A = tpu.sem_alloc : memref<!tpu.dma_semaphore, #tpu.memory_space<semaphore_mem>>
      %dma_start3A_111 = arith.constant 0 : i32
      %dma_start3A_112 = tpu.memref_slice %arg11[%mul3A_6, %dma_start3A_111] : memref<10240x32xf32, #tpu.memory_space<vmem_shared>> -> memref<640x32xf32, #tpu.memory_space<vmem_shared>>
      %dma_start3A_113 = arith.constant 0 : i32
      %dma_start3A_114 = tpu.memref_slice %arg2[%mul3A_4, %dma_start3A_113] : memref<10240x32xf32, #tpu.memory_space<hbm>> -> memref<640x32xf32, #tpu.memory_space<hbm>>
      tpu.enqueue_dma source(%dma_start3A_114 : memref<640x32xf32, #tpu.memory_space<hbm>>) target(%dma_start3A_112 : memref<640x32xf32, #tpu.memory_space<vmem_shared>>) target_semaphore(%run_scoped3A : memref<!tpu.dma_semaphore, #tpu.memory_space<semaphore_mem>>)
      %dma_wait3A_115 = arith.constant 0 : i32
      %dma_wait3A_116 = tpu.memref_slice %arg11[%mul3A_6, %dma_wait3A_115] : memref<10240x32xf32, #tpu.memory_space<vmem_shared>> -> memref<640x32xf32, #tpu.memory_space<vmem_shared>>
      %dma_wait3A_117 = arith.constant 0 : i32
      %dma_wait3A_118 = tpu.memref_slice %arg2[%mul3A_4, %dma_wait3A_117] : memref<10240x32xf32, #tpu.memory_space<hbm>> -> memref<640x32xf32, #tpu.memory_space<hbm>>
      tpu.wait_dma2 semaphore(%run_scoped3A : memref<!tpu.dma_semaphore, #tpu.memory_space<semaphore_mem>>) src(%dma_wait3A_118 : memref<640x32xf32, #tpu.memory_space<hbm>>) dst(%dma_wait3A_116 : memref<640x32xf32, #tpu.memory_space<vmem_shared>>)
      tpu.yield
    }) : () -> ()
    "tpu.region"() ({
      %run_scoped3A = tpu.sem_alloc : memref<!tpu.dma_semaphore, #tpu.memory_space<semaphore_mem>>
      %dma_start3A_111 = arith.constant 0 : i32
      %dma_start3A_112 = arith.constant 0 : i32
      %dma_start3A_113 = tpu.memref_slice %arg3[%add3A, %dma_start3A_111, %dma_start3A_112] : memref<32x80x128xi32, #tpu.memory_space<hbm>> -> memref<1x80x128xi32, #tpu.memory_space<hbm>>
      %dma_start3A_114 = tpu.memref_squeeze %dma_start3A_113 : memref<1x80x128xi32, #tpu.memory_space<hbm>> -> memref<80x128xi32, #tpu.memory_space<hbm>>
      %dma_start3A_115 = arith.constant 0 : i32
      %dma_start3A_116 = arith.constant 0 : i32
      %dma_start3A_117 = tpu.memref_slice %arg3[%add3A, %dma_start3A_115, %dma_start3A_116] : memref<32x80x128xi32, #tpu.memory_space<hbm>> -> memref<1x80x128xi32, #tpu.memory_space<hbm>>
      %dma_start3A_118 = tpu.memref_squeeze %dma_start3A_117 : memref<1x80x128xi32, #tpu.memory_space<hbm>> -> memref<80x128xi32, #tpu.memory_space<hbm>>
      tpu.enqueue_dma source(%dma_start3A_118 : memref<80x128xi32, #tpu.memory_space<hbm>>) target(%arg7 : memref<80x128xi32, #tpu.memory_space<vmem>>) target_semaphore(%run_scoped3A : memref<!tpu.dma_semaphore, #tpu.memory_space<semaphore_mem>>)
      %dma_wait3A_119 = arith.constant 0 : i32
      %dma_wait3A_120 = arith.constant 0 : i32
      %dma_wait3A_121 = tpu.memref_slice %arg3[%add3A, %dma_wait3A_119, %dma_wait3A_120] : memref<32x80x128xi32, #tpu.memory_space<hbm>> -> memref<1x80x128xi32, #tpu.memory_space<hbm>>
      %dma_wait3A_122 = tpu.memref_squeeze %dma_wait3A_121 : memref<1x80x128xi32, #tpu.memory_space<hbm>> -> memref<80x128xi32, #tpu.memory_space<hbm>>
      %dma_wait3A_123 = arith.constant 0 : i32
      %dma_wait3A_124 = arith.constant 0 : i32
      %dma_wait3A_125 = tpu.memref_slice %arg3[%add3A, %dma_wait3A_123, %dma_wait3A_124] : memref<32x80x128xi32, #tpu.memory_space<hbm>> -> memref<1x80x128xi32, #tpu.memory_space<hbm>>
      %dma_wait3A_126 = tpu.memref_squeeze %dma_wait3A_125 : memref<1x80x128xi32, #tpu.memory_space<hbm>> -> memref<80x128xi32, #tpu.memory_space<hbm>>
      tpu.wait_dma2 semaphore(%run_scoped3A : memref<!tpu.dma_semaphore, #tpu.memory_space<semaphore_mem>>) src(%dma_wait3A_126 : memref<80x128xi32, #tpu.memory_space<hbm>>) dst(%arg7 : memref<80x128xi32, #tpu.memory_space<vmem>>)
      tpu.yield
    }) : () -> ()
    "tpu.region"() ({
      %run_scoped3A = tpu.sem_alloc : memref<!tpu.dma_semaphore, #tpu.memory_space<semaphore_mem>>
      %dma_start3A_111 = arith.constant 0 : i32
      %dma_start3A_112 = arith.constant 0 : i32
      %dma_start3A_113 = tpu.memref_slice %arg4[%add3A, %dma_start3A_111, %dma_start3A_112] : memref<32x80x128xi32, #tpu.memory_space<hbm>> -> memref<1x80x128xi32, #tpu.memory_space<hbm>>
      %dma_start3A_114 = tpu.memref_squeeze %dma_start3A_113 : memref<1x80x128xi32, #tpu.memory_space<hbm>> -> memref<80x128xi32, #tpu.memory_space<hbm>>
      %dma_start3A_115 = arith.constant 0 : i32
      %dma_start3A_116 = arith.constant 0 : i32
      %dma_start3A_117 = tpu.memref_slice %arg4[%add3A, %dma_start3A_115, %dma_start3A_116] : memref<32x80x128xi32, #tpu.memory_space<hbm>> -> memref<1x80x128xi32, #tpu.memory_space<hbm>>
      %dma_start3A_118 = tpu.memref_squeeze %dma_start3A_117 : memref<1x80x128xi32, #tpu.memory_space<hbm>> -> memref<80x128xi32, #tpu.memory_space<hbm>>
      tpu.enqueue_dma source(%dma_start3A_118 : memref<80x128xi32, #tpu.memory_space<hbm>>) target(%arg8 : memref<80x128xi32, #tpu.memory_space<vmem>>) target_semaphore(%run_scoped3A : memref<!tpu.dma_semaphore, #tpu.memory_space<semaphore_mem>>)
      %dma_wait3A_119 = arith.constant 0 : i32
      %dma_wait3A_120 = arith.constant 0 : i32
      %dma_wait3A_121 = tpu.memref_slice %arg4[%add3A, %dma_wait3A_119, %dma_wait3A_120] : memref<32x80x128xi32, #tpu.memory_space<hbm>> -> memref<1x80x128xi32, #tpu.memory_space<hbm>>
      %dma_wait3A_122 = tpu.memref_squeeze %dma_wait3A_121 : memref<1x80x128xi32, #tpu.memory_space<hbm>> -> memref<80x128xi32, #tpu.memory_space<hbm>>
      %dma_wait3A_123 = arith.constant 0 : i32
      %dma_wait3A_124 = arith.constant 0 : i32
      %dma_wait3A_125 = tpu.memref_slice %arg4[%add3A, %dma_wait3A_123, %dma_wait3A_124] : memref<32x80x128xi32, #tpu.memory_space<hbm>> -> memref<1x80x128xi32, #tpu.memory_space<hbm>>
      %dma_wait3A_126 = tpu.memref_squeeze %dma_wait3A_125 : memref<1x80x128xi32, #tpu.memory_space<hbm>> -> memref<80x128xi32, #tpu.memory_space<hbm>>
      tpu.wait_dma2 semaphore(%run_scoped3A : memref<!tpu.dma_semaphore, #tpu.memory_space<semaphore_mem>>) src(%dma_wait3A_126 : memref<80x128xi32, #tpu.memory_space<hbm>>) dst(%arg8 : memref<80x128xi32, #tpu.memory_space<vmem>>)
      tpu.yield
    }) : () -> ()
    %barrier3A = arith.constant 0 : index
    tpu.barrier barrier_id(%barrier3A)
    %dma_start3A = arith.constant 0 : i32
    %dma_start3A_7 = arith.constant 0 : i32
    %dma_start3A_8 = arith.constant 0 : i32
    %dma_start3A_9 = arith.constant 0 : i32
    %dma_start3A_10 = tpu.memref_slice %arg9[%dma_start3A_7, %dma_start3A_8, %dma_start3A_9] : memref<8x128x32xf32, #tpu.memory_space<vmem>> -> memref<1x128x32xf32, #tpu.memory_space<vmem>>
    %dma_start3A_11 = tpu.memref_squeeze %dma_start3A_10 : memref<1x128x32xf32, #tpu.memory_space<vmem>> -> memref<128x32xf32, #tpu.memory_space<vmem>>
    %dma_start3A_12 = arith.constant 0 : i32
    %dma_start3A_13 = tpu.memref_slice %arg7[%dma_start3A, %dma_start3A_12] : memref<80x128xi32, #tpu.memory_space<vmem>> -> memref<1x128xi32, #tpu.memory_space<vmem>>
    %dma_start3A_14 = tpu.memref_squeeze %dma_start3A_13 : memref<1x128xi32, #tpu.memory_space<vmem>> -> memref<128xi32, #tpu.memory_space<vmem>>
    %dma_start3A_15 = arith.constant 0 : i32
    %dma_start3A_16 = arith.constant 0 : i32
    %dma_start3A_17 = tpu.memref_slice %arg11[%dma_start3A_15, %dma_start3A_16] : memref<10240x32xf32, #tpu.memory_space<vmem_shared>> -> memref<10240x32xf32, #tpu.memory_space<vmem_shared>>
    tpu.enqueue_indirect_dma source(%dma_start3A_17 : memref<10240x32xf32, #tpu.memory_space<vmem_shared>>) target(%dma_start3A_11 : memref<128x32xf32, #tpu.memory_space<vmem>>) offsets(%dma_start3A_14 : memref<128xi32, #tpu.memory_space<vmem>>) semaphore(%arg12 : memref<!tpu.dma_semaphore, #tpu.memory_space<semaphore_mem>>)
    %dma_start3A_18 = arith.constant 1 : i32
    %dma_start3A_19 = arith.constant 1 : i32
    %dma_start3A_20 = arith.constant 0 : i32
    %dma_start3A_21 = arith.constant 0 : i32
    %dma_start3A_22 = tpu.memref_slice %arg9[%dma_start3A_19, %dma_start3A_20, %dma_start3A_21] : memref<8x128x32xf32, #tpu.memory_space<vmem>> -> memref<1x128x32xf32, #tpu.memory_space<vmem>>
    %dma_start3A_23 = tpu.memref_squeeze %dma_start3A_22 : memref<1x128x32xf32, #tpu.memory_space<vmem>> -> memref<128x32xf32, #tpu.memory_space<vmem>>
    %dma_start3A_24 = arith.constant 0 : i32
    %dma_start3A_25 = tpu.memref_slice %arg7[%dma_start3A_18, %dma_start3A_24] : memref<80x128xi32, #tpu.memory_space<vmem>> -> memref<1x128xi32, #tpu.memory_space<vmem>>
    %dma_start3A_26 = tpu.memref_squeeze %dma_start3A_25 : memref<1x128xi32, #tpu.memory_space<vmem>> -> memref<128xi32, #tpu.memory_space<vmem>>
    %dma_start3A_27 = arith.constant 0 : i32
    %dma_start3A_28 = arith.constant 0 : i32
    %dma_start3A_29 = tpu.memref_slice %arg11[%dma_start3A_27, %dma_start3A_28] : memref<10240x32xf32, #tpu.memory_space<vmem_shared>> -> memref<10240x32xf32, #tpu.memory_space<vmem_shared>>
    tpu.enqueue_indirect_dma source(%dma_start3A_29 : memref<10240x32xf32, #tpu.memory_space<vmem_shared>>) target(%dma_start3A_23 : memref<128x32xf32, #tpu.memory_space<vmem>>) offsets(%dma_start3A_26 : memref<128xi32, #tpu.memory_space<vmem>>) semaphore(%arg13 : memref<!tpu.dma_semaphore, #tpu.memory_space<semaphore_mem>>)
    %dma_start3A_30 = arith.constant 2 : i32
    %dma_start3A_31 = arith.constant 2 : i32
    %dma_start3A_32 = arith.constant 0 : i32
    %dma_start3A_33 = arith.constant 0 : i32
    %dma_start3A_34 = tpu.memref_slice %arg9[%dma_start3A_31, %dma_start3A_32, %dma_start3A_33] : memref<8x128x32xf32, #tpu.memory_space<vmem>> -> memref<1x128x32xf32, #tpu.memory_space<vmem>>
    %dma_start3A_35 = tpu.memref_squeeze %dma_start3A_34 : memref<1x128x32xf32, #tpu.memory_space<vmem>> -> memref<128x32xf32, #tpu.memory_space<vmem>>
    %dma_start3A_36 = arith.constant 0 : i32
    %dma_start3A_37 = tpu.memref_slice %arg7[%dma_start3A_30, %dma_start3A_36] : memref<80x128xi32, #tpu.memory_space<vmem>> -> memref<1x128xi32, #tpu.memory_space<vmem>>
    %dma_start3A_38 = tpu.memref_squeeze %dma_start3A_37 : memref<1x128xi32, #tpu.memory_space<vmem>> -> memref<128xi32, #tpu.memory_space<vmem>>
    %dma_start3A_39 = arith.constant 0 : i32
    %dma_start3A_40 = arith.constant 0 : i32
    %dma_start3A_41 = tpu.memref_slice %arg11[%dma_start3A_39, %dma_start3A_40] : memref<10240x32xf32, #tpu.memory_space<vmem_shared>> -> memref<10240x32xf32, #tpu.memory_space<vmem_shared>>
    tpu.enqueue_indirect_dma source(%dma_start3A_41 : memref<10240x32xf32, #tpu.memory_space<vmem_shared>>) target(%dma_start3A_35 : memref<128x32xf32, #tpu.memory_space<vmem>>) offsets(%dma_start3A_38 : memref<128xi32, #tpu.memory_space<vmem>>) semaphore(%arg14 : memref<!tpu.dma_semaphore, #tpu.memory_space<semaphore_mem>>)
    %dma_start3A_42 = arith.constant 3 : i32
    %dma_start3A_43 = arith.constant 3 : i32
    %dma_start3A_44 = arith.constant 0 : i32
    %dma_start3A_45 = arith.constant 0 : i32
    %dma_start3A_46 = tpu.memref_slice %arg9[%dma_start3A_43, %dma_start3A_44, %dma_start3A_45] : memref<8x128x32xf32, #tpu.memory_space<vmem>> -> memref<1x128x32xf32, #tpu.memory_space<vmem>>
    %dma_start3A_47 = tpu.memref_squeeze %dma_start3A_46 : memref<1x128x32xf32, #tpu.memory_space<vmem>> -> memref<128x32xf32, #tpu.memory_space<vmem>>
    %dma_start3A_48 = arith.constant 0 : i32
    %dma_start3A_49 = tpu.memref_slice %arg7[%dma_start3A_42, %dma_start3A_48] : memref<80x128xi32, #tpu.memory_space<vmem>> -> memref<1x128xi32, #tpu.memory_space<vmem>>
    %dma_start3A_50 = tpu.memref_squeeze %dma_start3A_49 : memref<1x128xi32, #tpu.memory_space<vmem>> -> memref<128xi32, #tpu.memory_space<vmem>>
    %dma_start3A_51 = arith.constant 0 : i32
    %dma_start3A_52 = arith.constant 0 : i32
    %dma_start3A_53 = tpu.memref_slice %arg11[%dma_start3A_51, %dma_start3A_52] : memref<10240x32xf32, #tpu.memory_space<vmem_shared>> -> memref<10240x32xf32, #tpu.memory_space<vmem_shared>>
    tpu.enqueue_indirect_dma source(%dma_start3A_53 : memref<10240x32xf32, #tpu.memory_space<vmem_shared>>) target(%dma_start3A_47 : memref<128x32xf32, #tpu.memory_space<vmem>>) offsets(%dma_start3A_50 : memref<128xi32, #tpu.memory_space<vmem>>) semaphore(%arg15 : memref<!tpu.dma_semaphore, #tpu.memory_space<semaphore_mem>>)
    %scan3A = arith.constant 0 : i32
    %scan3A_54 = arith.constant 0 : i32
    %scan3A_55 = arith.constant 10 : i32
    %scan3A_56 = arith.addi %scan3A_54, %scan3A_55 : i32
    %scan3A_57 = arith.constant 1 : i32
    scf.for %scan3A_111 = %scan3A_54 to %scan3A_56 step %scan3A_57  : i32 {
      %mul3A_112 = arith.constant 8 : i32
      %mul3A_113 = arith.muli %scan3A_111, %mul3A_112 : i32
      %add3A_114 = arith.constant 0 : i32
      %add3A_115 = arith.addi %mul3A_113, %add3A_114 : i32
      %ge3A = arith.constant 4 : i32
      %ge3A_116 = arith.cmpi sge, %add3A_115, %ge3A : i32
      %convert_element_type3A = arith.extui %ge3A_116 : i1 to i32
      %cond3A = arith.constant 0 : i32
      %cond3A_117 = arith.cmpi ne, %convert_element_type3A, %cond3A : i32
      scf.if %cond3A_117 {
        %dma_wait3A_406 = arith.constant 4 : i32
        %dma_wait3A_407 = arith.constant 0 : i32
        %dma_wait3A_408 = arith.constant 0 : i32
        %dma_wait3A_409 = arith.constant 0 : i32
        %dma_wait3A_410 = tpu.memref_slice %arg9[%dma_wait3A_406, %dma_wait3A_408, %dma_wait3A_409] : memref<8x128x32xf32, #tpu.memory_space<vmem>> -> memref<1x128x32xf32, #tpu.memory_space<vmem>>
        %dma_wait3A_411 = tpu.memref_squeeze %dma_wait3A_410 : memref<1x128x32xf32, #tpu.memory_space<vmem>> -> memref<128x32xf32, #tpu.memory_space<vmem>>
        %dma_wait3A_412 = arith.constant 0 : i32
        %dma_wait3A_413 = tpu.memref_slice %arg8[%dma_wait3A_407, %dma_wait3A_412] : memref<80x128xi32, #tpu.memory_space<vmem>> -> memref<1x128xi32, #tpu.memory_space<vmem>>
        %dma_wait3A_414 = tpu.memref_squeeze %dma_wait3A_413 : memref<1x128xi32, #tpu.memory_space<vmem>> -> memref<128xi32, #tpu.memory_space<vmem>>
        %dma_wait3A_415 = arith.constant 0 : i32
        %dma_wait3A_416 = arith.constant 0 : i32
        %dma_wait3A_417 = tpu.memref_slice %arg10[%dma_wait3A_415, %dma_wait3A_416] : memref<10240x32xf32, #tpu.memory_space<vmem_shared>> -> memref<10240x32xf32, #tpu.memory_space<vmem_shared>>
        tpu.wait_indirect_dma semaphore(%arg24 : memref<!tpu.dma_semaphore, #tpu.memory_space<semaphore_mem>>) src(%dma_wait3A_411 : memref<128x32xf32, #tpu.memory_space<vmem>>) dst(%dma_wait3A_417 : memref<10240x32xf32, #tpu.memory_space<vmem_shared>>)
      } else {
      }
      %add3A_118 = arith.constant 4 : i32
      %add3A_119 = arith.addi %add3A_115, %add3A_118 : i32
      %lt3A = arith.constant 80 : i32
      %lt3A_120 = arith.cmpi slt, %add3A_119, %lt3A : i32
      %convert_element_type3A_121 = arith.extui %lt3A_120 : i1 to i32
      %cond3A_122 = arith.constant 0 : i32
      %cond3A_123 = arith.cmpi ne, %convert_element_type3A_121, %cond3A_122 : i32
      scf.if %cond3A_123 {
        %add3A_406 = arith.constant 4 : i32
        %add3A_407 = arith.addi %add3A_115, %add3A_406 : i32
        %dma_start3A_408 = arith.constant 4 : i32
        %dma_start3A_409 = arith.constant 0 : i32
        %dma_start3A_410 = arith.constant 0 : i32
        %dma_start3A_411 = tpu.memref_slice %arg9[%dma_start3A_408, %dma_start3A_409, %dma_start3A_410] : memref<8x128x32xf32, #tpu.memory_space<vmem>> -> memref<1x128x32xf32, #tpu.memory_space<vmem>>
        %dma_start3A_412 = tpu.memref_squeeze %dma_start3A_411 : memref<1x128x32xf32, #tpu.memory_space<vmem>> -> memref<128x32xf32, #tpu.memory_space<vmem>>
        %dma_start3A_413 = arith.constant 0 : i32
        %dma_start3A_414 = tpu.memref_slice %arg7[%add3A_407, %dma_start3A_413] : memref<80x128xi32, #tpu.memory_space<vmem>> -> memref<1x128xi32, #tpu.memory_space<vmem>>
        %dma_start3A_415 = tpu.memref_squeeze %dma_start3A_414 : memref<1x128xi32, #tpu.memory_space<vmem>> -> memref<128xi32, #tpu.memory_space<vmem>>
        %dma_start3A_416 = arith.constant 0 : i32
        %dma_start3A_417 = arith.constant 0 : i32
        %dma_start3A_418 = tpu.memref_slice %arg11[%dma_start3A_416, %dma_start3A_417] : memref<10240x32xf32, #tpu.memory_space<vmem_shared>> -> memref<10240x32xf32, #tpu.memory_space<vmem_shared>>
        tpu.enqueue_indirect_dma source(%dma_start3A_418 : memref<10240x32xf32, #tpu.memory_space<vmem_shared>>) target(%dma_start3A_412 : memref<128x32xf32, #tpu.memory_space<vmem>>) offsets(%dma_start3A_415 : memref<128xi32, #tpu.memory_space<vmem>>) semaphore(%arg16 : memref<!tpu.dma_semaphore, #tpu.memory_space<semaphore_mem>>)
      } else {
      }
      %dma_wait3A_124 = arith.constant 0 : i32
      %dma_wait3A_125 = arith.constant 0 : i32
      %dma_wait3A_126 = arith.constant 0 : i32
      %dma_wait3A_127 = arith.constant 0 : i32
      %dma_wait3A_128 = tpu.memref_slice %arg9[%dma_wait3A_125, %dma_wait3A_126, %dma_wait3A_127] : memref<8x128x32xf32, #tpu.memory_space<vmem>> -> memref<1x128x32xf32, #tpu.memory_space<vmem>>
      %dma_wait3A_129 = tpu.memref_squeeze %dma_wait3A_128 : memref<1x128x32xf32, #tpu.memory_space<vmem>> -> memref<128x32xf32, #tpu.memory_space<vmem>>
      %dma_wait3A_130 = arith.constant 0 : i32
      %dma_wait3A_131 = tpu.memref_slice %arg7[%dma_wait3A_124, %dma_wait3A_130] : memref<80x128xi32, #tpu.memory_space<vmem>> -> memref<1x128xi32, #tpu.memory_space<vmem>>
      %dma_wait3A_132 = tpu.memref_squeeze %dma_wait3A_131 : memref<1x128xi32, #tpu.memory_space<vmem>> -> memref<128xi32, #tpu.memory_space<vmem>>
      %dma_wait3A_133 = arith.constant 0 : i32
      %dma_wait3A_134 = arith.constant 0 : i32
      %dma_wait3A_135 = tpu.memref_slice %arg11[%dma_wait3A_133, %dma_wait3A_134] : memref<10240x32xf32, #tpu.memory_space<vmem_shared>> -> memref<10240x32xf32, #tpu.memory_space<vmem_shared>>
      tpu.wait_indirect_dma semaphore(%arg12 : memref<!tpu.dma_semaphore, #tpu.memory_space<semaphore_mem>>) src(%dma_wait3A_135 : memref<10240x32xf32, #tpu.memory_space<vmem_shared>>) dst(%dma_wait3A_129 : memref<128x32xf32, #tpu.memory_space<vmem>>)
      %dma_start3A_136 = arith.constant 0 : i32
      %dma_start3A_137 = arith.constant 0 : i32
      %dma_start3A_138 = arith.constant 0 : i32
      %dma_start3A_139 = tpu.memref_slice %arg9[%dma_start3A_136, %dma_start3A_137, %dma_start3A_138] : memref<8x128x32xf32, #tpu.memory_space<vmem>> -> memref<1x128x32xf32, #tpu.memory_space<vmem>>
      %dma_start3A_140 = tpu.memref_squeeze %dma_start3A_139 : memref<1x128x32xf32, #tpu.memory_space<vmem>> -> memref<128x32xf32, #tpu.memory_space<vmem>>
      %dma_start3A_141 = arith.constant 0 : i32
      %dma_start3A_142 = tpu.memref_slice %arg8[%add3A_115, %dma_start3A_141] : memref<80x128xi32, #tpu.memory_space<vmem>> -> memref<1x128xi32, #tpu.memory_space<vmem>>
      %dma_start3A_143 = tpu.memref_squeeze %dma_start3A_142 : memref<1x128xi32, #tpu.memory_space<vmem>> -> memref<128xi32, #tpu.memory_space<vmem>>
      %dma_start3A_144 = arith.constant 0 : i32
      %dma_start3A_145 = arith.constant 0 : i32
      %dma_start3A_146 = tpu.memref_slice %arg10[%dma_start3A_144, %dma_start3A_145] : memref<10240x32xf32, #tpu.memory_space<vmem_shared>> -> memref<10240x32xf32, #tpu.memory_space<vmem_shared>>
      tpu.enqueue_indirect_dma source(%dma_start3A_140 : memref<128x32xf32, #tpu.memory_space<vmem>>) target(%dma_start3A_146 : memref<10240x32xf32, #tpu.memory_space<vmem_shared>>) offsets(%dma_start3A_143 : memref<128xi32, #tpu.memory_space<vmem>>) semaphore(%arg20 : memref<!tpu.dma_semaphore, #tpu.memory_space<semaphore_mem>>) {add = true}
      %add3A_147 = arith.constant 1 : i32
      %add3A_148 = arith.addi %mul3A_113, %add3A_147 : i32
      %ge3A_149 = arith.constant 4 : i32
      %ge3A_150 = arith.cmpi sge, %add3A_148, %ge3A_149 : i32
      %convert_element_type3A_151 = arith.extui %ge3A_150 : i1 to i32
      %cond3A_152 = arith.constant 0 : i32
      %cond3A_153 = arith.cmpi ne, %convert_element_type3A_151, %cond3A_152 : i32
      scf.if %cond3A_153 {
        %dma_wait3A_406 = arith.constant 5 : i32
        %dma_wait3A_407 = arith.constant 0 : i32
        %dma_wait3A_408 = arith.constant 0 : i32
        %dma_wait3A_409 = arith.constant 0 : i32
        %dma_wait3A_410 = tpu.memref_slice %arg9[%dma_wait3A_406, %dma_wait3A_408, %dma_wait3A_409] : memref<8x128x32xf32, #tpu.memory_space<vmem>> -> memref<1x128x32xf32, #tpu.memory_space<vmem>>
        %dma_wait3A_411 = tpu.memref_squeeze %dma_wait3A_410 : memref<1x128x32xf32, #tpu.memory_space<vmem>> -> memref<128x32xf32, #tpu.memory_space<vmem>>
        %dma_wait3A_412 = arith.constant 0 : i32
        %dma_wait3A_413 = tpu.memref_slice %arg8[%dma_wait3A_407, %dma_wait3A_412] : memref<80x128xi32, #tpu.memory_space<vmem>> -> memref<1x128xi32, #tpu.memory_space<vmem>>
        %dma_wait3A_414 = tpu.memref_squeeze %dma_wait3A_413 : memref<1x128xi32, #tpu.memory_space<vmem>> -> memref<128xi32, #tpu.memory_space<vmem>>
        %dma_wait3A_415 = arith.constant 0 : i32
        %dma_wait3A_416 = arith.constant 0 : i32
        %dma_wait3A_417 = tpu.memref_slice %arg10[%dma_wait3A_415, %dma_wait3A_416] : memref<10240x32xf32, #tpu.memory_space<vmem_shared>> -> memref<10240x32xf32, #tpu.memory_space<vmem_shared>>
        tpu.wait_indirect_dma semaphore(%arg25 : memref<!tpu.dma_semaphore, #tpu.memory_space<semaphore_mem>>) src(%dma_wait3A_411 : memref<128x32xf32, #tpu.memory_space<vmem>>) dst(%dma_wait3A_417 : memref<10240x32xf32, #tpu.memory_space<vmem_shared>>)
      } else {
      }
      %add3A_154 = arith.constant 4 : i32
      %add3A_155 = arith.addi %add3A_148, %add3A_154 : i32
      %lt3A_156 = arith.constant 80 : i32
      %lt3A_157 = arith.cmpi slt, %add3A_155, %lt3A_156 : i32
      %convert_element_type3A_158 = arith.extui %lt3A_157 : i1 to i32
      %cond3A_159 = arith.constant 0 : i32
      %cond3A_160 = arith.cmpi ne, %convert_element_type3A_158, %cond3A_159 : i32
      scf.if %cond3A_160 {
        %add3A_406 = arith.constant 4 : i32
        %add3A_407 = arith.addi %add3A_148, %add3A_406 : i32
        %dma_start3A_408 = arith.constant 5 : i32
        %dma_start3A_409 = arith.constant 0 : i32
        %dma_start3A_410 = arith.constant 0 : i32
        %dma_start3A_411 = tpu.memref_slice %arg9[%dma_start3A_408, %dma_start3A_409, %dma_start3A_410] : memref<8x128x32xf32, #tpu.memory_space<vmem>> -> memref<1x128x32xf32, #tpu.memory_space<vmem>>
        %dma_start3A_412 = tpu.memref_squeeze %dma_start3A_411 : memref<1x128x32xf32, #tpu.memory_space<vmem>> -> memref<128x32xf32, #tpu.memory_space<vmem>>
        %dma_start3A_413 = arith.constant 0 : i32
        %dma_start3A_414 = tpu.memref_slice %arg7[%add3A_407, %dma_start3A_413] : memref<80x128xi32, #tpu.memory_space<vmem>> -> memref<1x128xi32, #tpu.memory_space<vmem>>
        %dma_start3A_415 = tpu.memref_squeeze %dma_start3A_414 : memref<1x128xi32, #tpu.memory_space<vmem>> -> memref<128xi32, #tpu.memory_space<vmem>>
        %dma_start3A_416 = arith.constant 0 : i32
        %dma_start3A_417 = arith.constant 0 : i32
        %dma_start3A_418 = tpu.memref_slice %arg11[%dma_start3A_416, %dma_start3A_417] : memref<10240x32xf32, #tpu.memory_space<vmem_shared>> -> memref<10240x32xf32, #tpu.memory_space<vmem_shared>>
        tpu.enqueue_indirect_dma source(%dma_start3A_418 : memref<10240x32xf32, #tpu.memory_space<vmem_shared>>) target(%dma_start3A_412 : memref<128x32xf32, #tpu.memory_space<vmem>>) offsets(%dma_start3A_415 : memref<128xi32, #tpu.memory_space<vmem>>) semaphore(%arg17 : memref<!tpu.dma_semaphore, #tpu.memory_space<semaphore_mem>>)
      } else {
      }
      %dma_wait3A_161 = arith.constant 0 : i32
      %dma_wait3A_162 = arith.constant 1 : i32
      %dma_wait3A_163 = arith.constant 0 : i32
      %dma_wait3A_164 = arith.constant 0 : i32
      %dma_wait3A_165 = tpu.memref_slice %arg9[%dma_wait3A_162, %dma_wait3A_163, %dma_wait3A_164] : memref<8x128x32xf32, #tpu.memory_space<vmem>> -> memref<1x128x32xf32, #tpu.memory_space<vmem>>
      %dma_wait3A_166 = tpu.memref_squeeze %dma_wait3A_165 : memref<1x128x32xf32, #tpu.memory_space<vmem>> -> memref<128x32xf32, #tpu.memory_space<vmem>>
      %dma_wait3A_167 = arith.constant 0 : i32
      %dma_wait3A_168 = tpu.memref_slice %arg7[%dma_wait3A_161, %dma_wait3A_167] : memref<80x128xi32, #tpu.memory_space<vmem>> -> memref<1x128xi32, #tpu.memory_space<vmem>>
      %dma_wait3A_169 = tpu.memref_squeeze %dma_wait3A_168 : memref<1x128xi32, #tpu.memory_space<vmem>> -> memref<128xi32, #tpu.memory_space<vmem>>
      %dma_wait3A_170 = arith.constant 0 : i32
      %dma_wait3A_171 = arith.constant 0 : i32
      %dma_wait3A_172 = tpu.memref_slice %arg11[%dma_wait3A_170, %dma_wait3A_171] : memref<10240x32xf32, #tpu.memory_space<vmem_shared>> -> memref<10240x32xf32, #tpu.memory_space<vmem_shared>>
      tpu.wait_indirect_dma semaphore(%arg13 : memref<!tpu.dma_semaphore, #tpu.memory_space<semaphore_mem>>) src(%dma_wait3A_172 : memref<10240x32xf32, #tpu.memory_space<vmem_shared>>) dst(%dma_wait3A_166 : memref<128x32xf32, #tpu.memory_space<vmem>>)
      %dma_start3A_173 = arith.constant 1 : i32
      %dma_start3A_174 = arith.constant 0 : i32
      %dma_start3A_175 = arith.constant 0 : i32
      %dma_start3A_176 = tpu.memref_slice %arg9[%dma_start3A_173, %dma_start3A_174, %dma_start3A_175] : memref<8x128x32xf32, #tpu.memory_space<vmem>> -> memref<1x128x32xf32, #tpu.memory_space<vmem>>
      %dma_start3A_177 = tpu.memref_squeeze %dma_start3A_176 : memref<1x128x32xf32, #tpu.memory_space<vmem>> -> memref<128x32xf32, #tpu.memory_space<vmem>>
      %dma_start3A_178 = arith.constant 0 : i32
      %dma_start3A_179 = tpu.memref_slice %arg8[%add3A_148, %dma_start3A_178] : memref<80x128xi32, #tpu.memory_space<vmem>> -> memref<1x128xi32, #tpu.memory_space<vmem>>
      %dma_start3A_180 = tpu.memref_squeeze %dma_start3A_179 : memref<1x128xi32, #tpu.memory_space<vmem>> -> memref<128xi32, #tpu.memory_space<vmem>>
      %dma_start3A_181 = arith.constant 0 : i32
      %dma_start3A_182 = arith.constant 0 : i32
      %dma_start3A_183 = tpu.memref_slice %arg10[%dma_start3A_181, %dma_start3A_182] : memref<10240x32xf32, #tpu.memory_space<vmem_shared>> -> memref<10240x32xf32, #tpu.memory_space<vmem_shared>>
      tpu.enqueue_indirect_dma source(%dma_start3A_177 : memref<128x32xf32, #tpu.memory_space<vmem>>) target(%dma_start3A_183 : memref<10240x32xf32, #tpu.memory_space<vmem_shared>>) offsets(%dma_start3A_180 : memref<128xi32, #tpu.memory_space<vmem>>) semaphore(%arg21 : memref<!tpu.dma_semaphore, #tpu.memory_space<semaphore_mem>>) {add = true}
      %add3A_184 = arith.constant 2 : i32
      %add3A_185 = arith.addi %mul3A_113, %add3A_184 : i32
      %ge3A_186 = arith.constant 4 : i32
      %ge3A_187 = arith.cmpi sge, %add3A_185, %ge3A_186 : i32
      %convert_element_type3A_188 = arith.extui %ge3A_187 : i1 to i32
      %cond3A_189 = arith.constant 0 : i32
      %cond3A_190 = arith.cmpi ne, %convert_element_type3A_188, %cond3A_189 : i32
      scf.if %cond3A_190 {
        %dma_wait3A_406 = arith.constant 6 : i32
        %dma_wait3A_407 = arith.constant 0 : i32
        %dma_wait3A_408 = arith.constant 0 : i32
        %dma_wait3A_409 = arith.constant 0 : i32
        %dma_wait3A_410 = tpu.memref_slice %arg9[%dma_wait3A_406, %dma_wait3A_408, %dma_wait3A_409] : memref<8x128x32xf32, #tpu.memory_space<vmem>> -> memref<1x128x32xf32, #tpu.memory_space<vmem>>
        %dma_wait3A_411 = tpu.memref_squeeze %dma_wait3A_410 : memref<1x128x32xf32, #tpu.memory_space<vmem>> -> memref<128x32xf32, #tpu.memory_space<vmem>>
        %dma_wait3A_412 = arith.constant 0 : i32
        %dma_wait3A_413 = tpu.memref_slice %arg8[%dma_wait3A_407, %dma_wait3A_412] : memref<80x128xi32, #tpu.memory_space<vmem>> -> memref<1x128xi32, #tpu.memory_space<vmem>>
        %dma_wait3A_414 = tpu.memref_squeeze %dma_wait3A_413 : memref<1x128xi32, #tpu.memory_space<vmem>> -> memref<128xi32, #tpu.memory_space<vmem>>
        %dma_wait3A_415 = arith.constant 0 : i32
        %dma_wait3A_416 = arith.constant 0 : i32
        %dma_wait3A_417 = tpu.memref_slice %arg10[%dma_wait3A_415, %dma_wait3A_416] : memref<10240x32xf32, #tpu.memory_space<vmem_shared>> -> memref<10240x32xf32, #tpu.memory_space<vmem_shared>>
        tpu.wait_indirect_dma semaphore(%arg26 : memref<!tpu.dma_semaphore, #tpu.memory_space<semaphore_mem>>) src(%dma_wait3A_411 : memref<128x32xf32, #tpu.memory_space<vmem>>) dst(%dma_wait3A_417 : memref<10240x32xf32, #tpu.memory_space<vmem_shared>>)
      } else {
      }
      %add3A_191 = arith.constant 4 : i32
      %add3A_192 = arith.addi %add3A_185, %add3A_191 : i32
      %lt3A_193 = arith.constant 80 : i32
      %lt3A_194 = arith.cmpi slt, %add3A_192, %lt3A_193 : i32
      %convert_element_type3A_195 = arith.extui %lt3A_194 : i1 to i32
      %cond3A_196 = arith.constant 0 : i32
      %cond3A_197 = arith.cmpi ne, %convert_element_type3A_195, %cond3A_196 : i32
      scf.if %cond3A_197 {
        %add3A_406 = arith.constant 4 : i32
        %add3A_407 = arith.addi %add3A_185, %add3A_406 : i32
        %dma_start3A_408 = arith.constant 6 : i32
        %dma_start3A_409 = arith.constant 0 : i32
        %dma_start3A_410 = arith.constant 0 : i32
        %dma_start3A_411 = tpu.memref_slice %arg9[%dma_start3A_408, %dma_start3A_409, %dma_start3A_410] : memref<8x128x32xf32, #tpu.memory_space<vmem>> -> memref<1x128x32xf32, #tpu.memory_space<vmem>>
        %dma_start3A_412 = tpu.memref_squeeze %dma_start3A_411 : memref<1x128x32xf32, #tpu.memory_space<vmem>> -> memref<128x32xf32, #tpu.memory_space<vmem>>
        %dma_start3A_413 = arith.constant 0 : i32
        %dma_start3A_414 = tpu.memref_slice %arg7[%add3A_407, %dma_start3A_413] : memref<80x128xi32, #tpu.memory_space<vmem>> -> memref<1x128xi32, #tpu.memory_space<vmem>>
        %dma_start3A_415 = tpu.memref_squeeze %dma_start3A_414 : memref<1x128xi32, #tpu.memory_space<vmem>> -> memref<128xi32, #tpu.memory_space<vmem>>
        %dma_start3A_416 = arith.constant 0 : i32
        %dma_start3A_417 = arith.constant 0 : i32
        %dma_start3A_418 = tpu.memref_slice %arg11[%dma_start3A_416, %dma_start3A_417] : memref<10240x32xf32, #tpu.memory_space<vmem_shared>> -> memref<10240x32xf32, #tpu.memory_space<vmem_shared>>
        tpu.enqueue_indirect_dma source(%dma_start3A_418 : memref<10240x32xf32, #tpu.memory_space<vmem_shared>>) target(%dma_start3A_412 : memref<128x32xf32, #tpu.memory_space<vmem>>) offsets(%dma_start3A_415 : memref<128xi32, #tpu.memory_space<vmem>>) semaphore(%arg18 : memref<!tpu.dma_semaphore, #tpu.memory_space<semaphore_mem>>)
      } else {
      }
      %dma_wait3A_198 = arith.constant 0 : i32
      %dma_wait3A_199 = arith.constant 2 : i32
      %dma_wait3A_200 = arith.constant 0 : i32
      %dma_wait3A_201 = arith.constant 0 : i32
      %dma_wait3A_202 = tpu.memref_slice %arg9[%dma_wait3A_199, %dma_wait3A_200, %dma_wait3A_201] : memref<8x128x32xf32, #tpu.memory_space<vmem>> -> memref<1x128x32xf32, #tpu.memory_space<vmem>>
      %dma_wait3A_203 = tpu.memref_squeeze %dma_wait3A_202 : memref<1x128x32xf32, #tpu.memory_space<vmem>> -> memref<128x32xf32, #tpu.memory_space<vmem>>
      %dma_wait3A_204 = arith.constant 0 : i32
      %dma_wait3A_205 = tpu.memref_slice %arg7[%dma_wait3A_198, %dma_wait3A_204] : memref<80x128xi32, #tpu.memory_space<vmem>> -> memref<1x128xi32, #tpu.memory_space<vmem>>
      %dma_wait3A_206 = tpu.memref_squeeze %dma_wait3A_205 : memref<1x128xi32, #tpu.memory_space<vmem>> -> memref<128xi32, #tpu.memory_space<vmem>>
      %dma_wait3A_207 = arith.constant 0 : i32
      %dma_wait3A_208 = arith.constant 0 : i32
      %dma_wait3A_209 = tpu.memref_slice %arg11[%dma_wait3A_207, %dma_wait3A_208] : memref<10240x32xf32, #tpu.memory_space<vmem_shared>> -> memref<10240x32xf32, #tpu.memory_space<vmem_shared>>
      tpu.wait_indirect_dma semaphore(%arg14 : memref<!tpu.dma_semaphore, #tpu.memory_space<semaphore_mem>>) src(%dma_wait3A_209 : memref<10240x32xf32, #tpu.memory_space<vmem_shared>>) dst(%dma_wait3A_203 : memref<128x32xf32, #tpu.memory_space<vmem>>)
      %dma_start3A_210 = arith.constant 2 : i32
      %dma_start3A_211 = arith.constant 0 : i32
      %dma_start3A_212 = arith.constant 0 : i32
      %dma_start3A_213 = tpu.memref_slice %arg9[%dma_start3A_210, %dma_start3A_211, %dma_start3A_212] : memref<8x128x32xf32, #tpu.memory_space<vmem>> -> memref<1x128x32xf32, #tpu.memory_space<vmem>>
      %dma_start3A_214 = tpu.memref_squeeze %dma_start3A_213 : memref<1x128x32xf32, #tpu.memory_space<vmem>> -> memref<128x32xf32, #tpu.memory_space<vmem>>
      %dma_start3A_215 = arith.constant 0 : i32
      %dma_start3A_216 = tpu.memref_slice %arg8[%add3A_185, %dma_start3A_215] : memref<80x128xi32, #tpu.memory_space<vmem>> -> memref<1x128xi32, #tpu.memory_space<vmem>>
      %dma_start3A_217 = tpu.memref_squeeze %dma_start3A_216 : memref<1x128xi32, #tpu.memory_space<vmem>> -> memref<128xi32, #tpu.memory_space<vmem>>
      %dma_start3A_218 = arith.constant 0 : i32
      %dma_start3A_219 = arith.constant 0 : i32
      %dma_start3A_220 = tpu.memref_slice %arg10[%dma_start3A_218, %dma_start3A_219] : memref<10240x32xf32, #tpu.memory_space<vmem_shared>> -> memref<10240x32xf32, #tpu.memory_space<vmem_shared>>
      tpu.enqueue_indirect_dma source(%dma_start3A_214 : memref<128x32xf32, #tpu.memory_space<vmem>>) target(%dma_start3A_220 : memref<10240x32xf32, #tpu.memory_space<vmem_shared>>) offsets(%dma_start3A_217 : memref<128xi32, #tpu.memory_space<vmem>>) semaphore(%arg22 : memref<!tpu.dma_semaphore, #tpu.memory_space<semaphore_mem>>) {add = true}
      %add3A_221 = arith.constant 3 : i32
      %add3A_222 = arith.addi %mul3A_113, %add3A_221 : i32
      %ge3A_223 = arith.constant 4 : i32
      %ge3A_224 = arith.cmpi sge, %add3A_222, %ge3A_223 : i32
      %convert_element_type3A_225 = arith.extui %ge3A_224 : i1 to i32
      %cond3A_226 = arith.constant 0 : i32
      %cond3A_227 = arith.cmpi ne, %convert_element_type3A_225, %cond3A_226 : i32
      scf.if %cond3A_227 {
        %dma_wait3A_406 = arith.constant 7 : i32
        %dma_wait3A_407 = arith.constant 0 : i32
        %dma_wait3A_408 = arith.constant 0 : i32
        %dma_wait3A_409 = arith.constant 0 : i32
        %dma_wait3A_410 = tpu.memref_slice %arg9[%dma_wait3A_406, %dma_wait3A_408, %dma_wait3A_409] : memref<8x128x32xf32, #tpu.memory_space<vmem>> -> memref<1x128x32xf32, #tpu.memory_space<vmem>>
        %dma_wait3A_411 = tpu.memref_squeeze %dma_wait3A_410 : memref<1x128x32xf32, #tpu.memory_space<vmem>> -> memref<128x32xf32, #tpu.memory_space<vmem>>
        %dma_wait3A_412 = arith.constant 0 : i32
        %dma_wait3A_413 = tpu.memref_slice %arg8[%dma_wait3A_407, %dma_wait3A_412] : memref<80x128xi32, #tpu.memory_space<vmem>> -> memref<1x128xi32, #tpu.memory_space<vmem>>
        %dma_wait3A_414 = tpu.memref_squeeze %dma_wait3A_413 : memref<1x128xi32, #tpu.memory_space<vmem>> -> memref<128xi32, #tpu.memory_space<vmem>>
        %dma_wait3A_415 = arith.constant 0 : i32
        %dma_wait3A_416 = arith.constant 0 : i32
        %dma_wait3A_417 = tpu.memref_slice %arg10[%dma_wait3A_415, %dma_wait3A_416] : memref<10240x32xf32, #tpu.memory_space<vmem_shared>> -> memref<10240x32xf32, #tpu.memory_space<vmem_shared>>
        tpu.wait_indirect_dma semaphore(%arg27 : memref<!tpu.dma_semaphore, #tpu.memory_space<semaphore_mem>>) src(%dma_wait3A_411 : memref<128x32xf32, #tpu.memory_space<vmem>>) dst(%dma_wait3A_417 : memref<10240x32xf32, #tpu.memory_space<vmem_shared>>)
      } else {
      }
      %add3A_228 = arith.constant 4 : i32
      %add3A_229 = arith.addi %add3A_222, %add3A_228 : i32
      %lt3A_230 = arith.constant 80 : i32
      %lt3A_231 = arith.cmpi slt, %add3A_229, %lt3A_230 : i32
      %convert_element_type3A_232 = arith.extui %lt3A_231 : i1 to i32
      %cond3A_233 = arith.constant 0 : i32
      %cond3A_234 = arith.cmpi ne, %convert_element_type3A_232, %cond3A_233 : i32
      scf.if %cond3A_234 {
        %add3A_406 = arith.constant 4 : i32
        %add3A_407 = arith.addi %add3A_222, %add3A_406 : i32
        %dma_start3A_408 = arith.constant 7 : i32
        %dma_start3A_409 = arith.constant 0 : i32
        %dma_start3A_410 = arith.constant 0 : i32
        %dma_start3A_411 = tpu.memref_slice %arg9[%dma_start3A_408, %dma_start3A_409, %dma_start3A_410] : memref<8x128x32xf32, #tpu.memory_space<vmem>> -> memref<1x128x32xf32, #tpu.memory_space<vmem>>
        %dma_start3A_412 = tpu.memref_squeeze %dma_start3A_411 : memref<1x128x32xf32, #tpu.memory_space<vmem>> -> memref<128x32xf32, #tpu.memory_space<vmem>>
        %dma_start3A_413 = arith.constant 0 : i32
        %dma_start3A_414 = tpu.memref_slice %arg7[%add3A_407, %dma_start3A_413] : memref<80x128xi32, #tpu.memory_space<vmem>> -> memref<1x128xi32, #tpu.memory_space<vmem>>
        %dma_start3A_415 = tpu.memref_squeeze %dma_start3A_414 : memref<1x128xi32, #tpu.memory_space<vmem>> -> memref<128xi32, #tpu.memory_space<vmem>>
        %dma_start3A_416 = arith.constant 0 : i32
        %dma_start3A_417 = arith.constant 0 : i32
        %dma_start3A_418 = tpu.memref_slice %arg11[%dma_start3A_416, %dma_start3A_417] : memref<10240x32xf32, #tpu.memory_space<vmem_shared>> -> memref<10240x32xf32, #tpu.memory_space<vmem_shared>>
        tpu.enqueue_indirect_dma source(%dma_start3A_418 : memref<10240x32xf32, #tpu.memory_space<vmem_shared>>) target(%dma_start3A_412 : memref<128x32xf32, #tpu.memory_space<vmem>>) offsets(%dma_start3A_415 : memref<128xi32, #tpu.memory_space<vmem>>) semaphore(%arg19 : memref<!tpu.dma_semaphore, #tpu.memory_space<semaphore_mem>>)
      } else {
      }
      %dma_wait3A_235 = arith.constant 0 : i32
      %dma_wait3A_236 = arith.constant 3 : i32
      %dma_wait3A_237 = arith.constant 0 : i32
      %dma_wait3A_238 = arith.constant 0 : i32
      %dma_wait3A_239 = tpu.memref_slice %arg9[%dma_wait3A_236, %dma_wait3A_237, %dma_wait3A_238] : memref<8x128x32xf32, #tpu.memory_space<vmem>> -> memref<1x128x32xf32, #tpu.memory_space<vmem>>
      %dma_wait3A_240 = tpu.memref_squeeze %dma_wait3A_239 : memref<1x128x32xf32, #tpu.memory_space<vmem>> -> memref<128x32xf32, #tpu.memory_space<vmem>>
      %dma_wait3A_241 = arith.constant 0 : i32
      %dma_wait3A_242 = tpu.memref_slice %arg7[%dma_wait3A_235, %dma_wait3A_241] : memref<80x128xi32, #tpu.memory_space<vmem>> -> memref<1x128xi32, #tpu.memory_space<vmem>>
      %dma_wait3A_243 = tpu.memref_squeeze %dma_wait3A_242 : memref<1x128xi32, #tpu.memory_space<vmem>> -> memref<128xi32, #tpu.memory_space<vmem>>
      %dma_wait3A_244 = arith.constant 0 : i32
      %dma_wait3A_245 = arith.constant 0 : i32
      %dma_wait3A_246 = tpu.memref_slice %arg11[%dma_wait3A_244, %dma_wait3A_245] : memref<10240x32xf32, #tpu.memory_space<vmem_shared>> -> memref<10240x32xf32, #tpu.memory_space<vmem_shared>>
      tpu.wait_indirect_dma semaphore(%arg15 : memref<!tpu.dma_semaphore, #tpu.memory_space<semaphore_mem>>) src(%dma_wait3A_246 : memref<10240x32xf32, #tpu.memory_space<vmem_shared>>) dst(%dma_wait3A_240 : memref<128x32xf32, #tpu.memory_space<vmem>>)
      %dma_start3A_247 = arith.constant 3 : i32
      %dma_start3A_248 = arith.constant 0 : i32
      %dma_start3A_249 = arith.constant 0 : i32
      %dma_start3A_250 = tpu.memref_slice %arg9[%dma_start3A_247, %dma_start3A_248, %dma_start3A_249] : memref<8x128x32xf32, #tpu.memory_space<vmem>> -> memref<1x128x32xf32, #tpu.memory_space<vmem>>
      %dma_start3A_251 = tpu.memref_squeeze %dma_start3A_250 : memref<1x128x32xf32, #tpu.memory_space<vmem>> -> memref<128x32xf32, #tpu.memory_space<vmem>>
      %dma_start3A_252 = arith.constant 0 : i32
      %dma_start3A_253 = tpu.memref_slice %arg8[%add3A_222, %dma_start3A_252] : memref<80x128xi32, #tpu.memory_space<vmem>> -> memref<1x128xi32, #tpu.memory_space<vmem>>
      %dma_start3A_254 = tpu.memref_squeeze %dma_start3A_253 : memref<1x128xi32, #tpu.memory_space<vmem>> -> memref<128xi32, #tpu.memory_space<vmem>>
      %dma_start3A_255 = arith.constant 0 : i32
      %dma_start3A_256 = arith.constant 0 : i32
      %dma_start3A_257 = tpu.memref_slice %arg10[%dma_start3A_255, %dma_start3A_256] : memref<10240x32xf32, #tpu.memory_space<vmem_shared>> -> memref<10240x32xf32, #tpu.memory_space<vmem_shared>>
      tpu.enqueue_indirect_dma source(%dma_start3A_251 : memref<128x32xf32, #tpu.memory_space<vmem>>) target(%dma_start3A_257 : memref<10240x32xf32, #tpu.memory_space<vmem_shared>>) offsets(%dma_start3A_254 : memref<128xi32, #tpu.memory_space<vmem>>) semaphore(%arg23 : memref<!tpu.dma_semaphore, #tpu.memory_space<semaphore_mem>>) {add = true}
      %add3A_258 = arith.constant 4 : i32
      %add3A_259 = arith.addi %mul3A_113, %add3A_258 : i32
      %ge3A_260 = arith.constant 4 : i32
      %ge3A_261 = arith.cmpi sge, %add3A_259, %ge3A_260 : i32
      %convert_element_type3A_262 = arith.extui %ge3A_261 : i1 to i32
      %cond3A_263 = arith.constant 0 : i32
      %cond3A_264 = arith.cmpi ne, %convert_element_type3A_262, %cond3A_263 : i32
      scf.if %cond3A_264 {
        %dma_wait3A_406 = arith.constant 0 : i32
        %dma_wait3A_407 = arith.constant 0 : i32
        %dma_wait3A_408 = arith.constant 0 : i32
        %dma_wait3A_409 = arith.constant 0 : i32
        %dma_wait3A_410 = tpu.memref_slice %arg9[%dma_wait3A_406, %dma_wait3A_408, %dma_wait3A_409] : memref<8x128x32xf32, #tpu.memory_space<vmem>> -> memref<1x128x32xf32, #tpu.memory_space<vmem>>
        %dma_wait3A_411 = tpu.memref_squeeze %dma_wait3A_410 : memref<1x128x32xf32, #tpu.memory_space<vmem>> -> memref<128x32xf32, #tpu.memory_space<vmem>>
        %dma_wait3A_412 = arith.constant 0 : i32
        %dma_wait3A_413 = tpu.memref_slice %arg8[%dma_wait3A_407, %dma_wait3A_412] : memref<80x128xi32, #tpu.memory_space<vmem>> -> memref<1x128xi32, #tpu.memory_space<vmem>>
        %dma_wait3A_414 = tpu.memref_squeeze %dma_wait3A_413 : memref<1x128xi32, #tpu.memory_space<vmem>> -> memref<128xi32, #tpu.memory_space<vmem>>
        %dma_wait3A_415 = arith.constant 0 : i32
        %dma_wait3A_416 = arith.constant 0 : i32
        %dma_wait3A_417 = tpu.memref_slice %arg10[%dma_wait3A_415, %dma_wait3A_416] : memref<10240x32xf32, #tpu.memory_space<vmem_shared>> -> memref<10240x32xf32, #tpu.memory_space<vmem_shared>>
        tpu.wait_indirect_dma semaphore(%arg20 : memref<!tpu.dma_semaphore, #tpu.memory_space<semaphore_mem>>) src(%dma_wait3A_411 : memref<128x32xf32, #tpu.memory_space<vmem>>) dst(%dma_wait3A_417 : memref<10240x32xf32, #tpu.memory_space<vmem_shared>>)
      } else {
      }
      %add3A_265 = arith.constant 4 : i32
      %add3A_266 = arith.addi %add3A_259, %add3A_265 : i32
      %lt3A_267 = arith.constant 80 : i32
      %lt3A_268 = arith.cmpi slt, %add3A_266, %lt3A_267 : i32
      %convert_element_type3A_269 = arith.extui %lt3A_268 : i1 to i32
      %cond3A_270 = arith.constant 0 : i32
      %cond3A_271 = arith.cmpi ne, %convert_element_type3A_269, %cond3A_270 : i32
      scf.if %cond3A_271 {
        %add3A_406 = arith.constant 4 : i32
        %add3A_407 = arith.addi %add3A_259, %add3A_406 : i32
        %dma_start3A_408 = arith.constant 0 : i32
        %dma_start3A_409 = arith.constant 0 : i32
        %dma_start3A_410 = arith.constant 0 : i32
        %dma_start3A_411 = tpu.memref_slice %arg9[%dma_start3A_408, %dma_start3A_409, %dma_start3A_410] : memref<8x128x32xf32, #tpu.memory_space<vmem>> -> memref<1x128x32xf32, #tpu.memory_space<vmem>>
        %dma_start3A_412 = tpu.memref_squeeze %dma_start3A_411 : memref<1x128x32xf32, #tpu.memory_space<vmem>> -> memref<128x32xf32, #tpu.memory_space<vmem>>
        %dma_start3A_413 = arith.constant 0 : i32
        %dma_start3A_414 = tpu.memref_slice %arg7[%add3A_407, %dma_start3A_413] : memref<80x128xi32, #tpu.memory_space<vmem>> -> memref<1x128xi32, #tpu.memory_space<vmem>>
        %dma_start3A_415 = tpu.memref_squeeze %dma_start3A_414 : memref<1x128xi32, #tpu.memory_space<vmem>> -> memref<128xi32, #tpu.memory_space<vmem>>
        %dma_start3A_416 = arith.constant 0 : i32
        %dma_start3A_417 = arith.constant 0 : i32
        %dma_start3A_418 = tpu.memref_slice %arg11[%dma_start3A_416, %dma_start3A_417] : memref<10240x32xf32, #tpu.memory_space<vmem_shared>> -> memref<10240x32xf32, #tpu.memory_space<vmem_shared>>
        tpu.enqueue_indirect_dma source(%dma_start3A_418 : memref<10240x32xf32, #tpu.memory_space<vmem_shared>>) target(%dma_start3A_412 : memref<128x32xf32, #tpu.memory_space<vmem>>) offsets(%dma_start3A_415 : memref<128xi32, #tpu.memory_space<vmem>>) semaphore(%arg12 : memref<!tpu.dma_semaphore, #tpu.memory_space<semaphore_mem>>)
      } else {
      }
      %dma_wait3A_272 = arith.constant 0 : i32
      %dma_wait3A_273 = arith.constant 4 : i32
      %dma_wait3A_274 = arith.constant 0 : i32
      %dma_wait3A_275 = arith.constant 0 : i32
      %dma_wait3A_276 = tpu.memref_slice %arg9[%dma_wait3A_273, %dma_wait3A_274, %dma_wait3A_275] : memref<8x128x32xf32, #tpu.memory_space<vmem>> -> memref<1x128x32xf32, #tpu.memory_space<vmem>>
      %dma_wait3A_277 = tpu.memref_squeeze %dma_wait3A_276 : memref<1x128x32xf32, #tpu.memory_space<vmem>> -> memref<128x32xf32, #tpu.memory_space<vmem>>
      %dma_wait3A_278 = arith.constant 0 : i32
      %dma_wait3A_279 = tpu.memref_slice %arg7[%dma_wait3A_272, %dma_wait3A_278] : memref<80x128xi32, #tpu.memory_space<vmem>> -> memref<1x128xi32, #tpu.memory_space<vmem>>
      %dma_wait3A_280 = tpu.memref_squeeze %dma_wait3A_279 : memref<1x128xi32, #tpu.memory_space<vmem>> -> memref<128xi32, #tpu.memory_space<vmem>>
      %dma_wait3A_281 = arith.constant 0 : i32
      %dma_wait3A_282 = arith.constant 0 : i32
      %dma_wait3A_283 = tpu.memref_slice %arg11[%dma_wait3A_281, %dma_wait3A_282] : memref<10240x32xf32, #tpu.memory_space<vmem_shared>> -> memref<10240x32xf32, #tpu.memory_space<vmem_shared>>
      tpu.wait_indirect_dma semaphore(%arg16 : memref<!tpu.dma_semaphore, #tpu.memory_space<semaphore_mem>>) src(%dma_wait3A_283 : memref<10240x32xf32, #tpu.memory_space<vmem_shared>>) dst(%dma_wait3A_277 : memref<128x32xf32, #tpu.memory_space<vmem>>)
      %dma_start3A_284 = arith.constant 4 : i32
      %dma_start3A_285 = arith.constant 0 : i32
      %dma_start3A_286 = arith.constant 0 : i32
      %dma_start3A_287 = tpu.memref_slice %arg9[%dma_start3A_284, %dma_start3A_285, %dma_start3A_286] : memref<8x128x32xf32, #tpu.memory_space<vmem>> -> memref<1x128x32xf32, #tpu.memory_space<vmem>>
      %dma_start3A_288 = tpu.memref_squeeze %dma_start3A_287 : memref<1x128x32xf32, #tpu.memory_space<vmem>> -> memref<128x32xf32, #tpu.memory_space<vmem>>
      %dma_start3A_289 = arith.constant 0 : i32
      %dma_start3A_290 = tpu.memref_slice %arg8[%add3A_259, %dma_start3A_289] : memref<80x128xi32, #tpu.memory_space<vmem>> -> memref<1x128xi32, #tpu.memory_space<vmem>>
      %dma_start3A_291 = tpu.memref_squeeze %dma_start3A_290 : memref<1x128xi32, #tpu.memory_space<vmem>> -> memref<128xi32, #tpu.memory_space<vmem>>
      %dma_start3A_292 = arith.constant 0 : i32
      %dma_start3A_293 = arith.constant 0 : i32
      %dma_start3A_294 = tpu.memref_slice %arg10[%dma_start3A_292, %dma_start3A_293] : memref<10240x32xf32, #tpu.memory_space<vmem_shared>> -> memref<10240x32xf32, #tpu.memory_space<vmem_shared>>
      tpu.enqueue_indirect_dma source(%dma_start3A_288 : memref<128x32xf32, #tpu.memory_space<vmem>>) target(%dma_start3A_294 : memref<10240x32xf32, #tpu.memory_space<vmem_shared>>) offsets(%dma_start3A_291 : memref<128xi32, #tpu.memory_space<vmem>>) semaphore(%arg24 : memref<!tpu.dma_semaphore, #tpu.memory_space<semaphore_mem>>) {add = true}
      %add3A_295 = arith.constant 5 : i32
      %add3A_296 = arith.addi %mul3A_113, %add3A_295 : i32
      %ge3A_297 = arith.constant 4 : i32
      %ge3A_298 = arith.cmpi sge, %add3A_296, %ge3A_297 : i32
      %convert_element_type3A_299 = arith.extui %ge3A_298 : i1 to i32
      %cond3A_300 = arith.constant 0 : i32
      %cond3A_301 = arith.cmpi ne, %convert_element_type3A_299, %cond3A_300 : i32
      scf.if %cond3A_301 {
        %dma_wait3A_406 = arith.constant 1 : i32
        %dma_wait3A_407 = arith.constant 0 : i32
        %dma_wait3A_408 = arith.constant 0 : i32
        %dma_wait3A_409 = arith.constant 0 : i32
        %dma_wait3A_410 = tpu.memref_slice %arg9[%dma_wait3A_406, %dma_wait3A_408, %dma_wait3A_409] : memref<8x128x32xf32, #tpu.memory_space<vmem>> -> memref<1x128x32xf32, #tpu.memory_space<vmem>>
        %dma_wait3A_411 = tpu.memref_squeeze %dma_wait3A_410 : memref<1x128x32xf32, #tpu.memory_space<vmem>> -> memref<128x32xf32, #tpu.memory_space<vmem>>
        %dma_wait3A_412 = arith.constant 0 : i32
        %dma_wait3A_413 = tpu.memref_slice %arg8[%dma_wait3A_407, %dma_wait3A_412] : memref<80x128xi32, #tpu.memory_space<vmem>> -> memref<1x128xi32, #tpu.memory_space<vmem>>
        %dma_wait3A_414 = tpu.memref_squeeze %dma_wait3A_413 : memref<1x128xi32, #tpu.memory_space<vmem>> -> memref<128xi32, #tpu.memory_space<vmem>>
        %dma_wait3A_415 = arith.constant 0 : i32
        %dma_wait3A_416 = arith.constant 0 : i32
        %dma_wait3A_417 = tpu.memref_slice %arg10[%dma_wait3A_415, %dma_wait3A_416] : memref<10240x32xf32, #tpu.memory_space<vmem_shared>> -> memref<10240x32xf32, #tpu.memory_space<vmem_shared>>
        tpu.wait_indirect_dma semaphore(%arg21 : memref<!tpu.dma_semaphore, #tpu.memory_space<semaphore_mem>>) src(%dma_wait3A_411 : memref<128x32xf32, #tpu.memory_space<vmem>>) dst(%dma_wait3A_417 : memref<10240x32xf32, #tpu.memory_space<vmem_shared>>)
      } else {
      }
      %add3A_302 = arith.constant 4 : i32
      %add3A_303 = arith.addi %add3A_296, %add3A_302 : i32
      %lt3A_304 = arith.constant 80 : i32
      %lt3A_305 = arith.cmpi slt, %add3A_303, %lt3A_304 : i32
      %convert_element_type3A_306 = arith.extui %lt3A_305 : i1 to i32
      %cond3A_307 = arith.constant 0 : i32
      %cond3A_308 = arith.cmpi ne, %convert_element_type3A_306, %cond3A_307 : i32
      scf.if %cond3A_308 {
        %add3A_406 = arith.constant 4 : i32
        %add3A_407 = arith.addi %add3A_296, %add3A_406 : i32
        %dma_start3A_408 = arith.constant 1 : i32
        %dma_start3A_409 = arith.constant 0 : i32
        %dma_start3A_410 = arith.constant 0 : i32
        %dma_start3A_411 = tpu.memref_slice %arg9[%dma_start3A_408, %dma_start3A_409, %dma_start3A_410] : memref<8x128x32xf32, #tpu.memory_space<vmem>> -> memref<1x128x32xf32, #tpu.memory_space<vmem>>
        %dma_start3A_412 = tpu.memref_squeeze %dma_start3A_411 : memref<1x128x32xf32, #tpu.memory_space<vmem>> -> memref<128x32xf32, #tpu.memory_space<vmem>>
        %dma_start3A_413 = arith.constant 0 : i32
        %dma_start3A_414 = tpu.memref_slice %arg7[%add3A_407, %dma_start3A_413] : memref<80x128xi32, #tpu.memory_space<vmem>> -> memref<1x128xi32, #tpu.memory_space<vmem>>
        %dma_start3A_415 = tpu.memref_squeeze %dma_start3A_414 : memref<1x128xi32, #tpu.memory_space<vmem>> -> memref<128xi32, #tpu.memory_space<vmem>>
        %dma_start3A_416 = arith.constant 0 : i32
        %dma_start3A_417 = arith.constant 0 : i32
        %dma_start3A_418 = tpu.memref_slice %arg11[%dma_start3A_416, %dma_start3A_417] : memref<10240x32xf32, #tpu.memory_space<vmem_shared>> -> memref<10240x32xf32, #tpu.memory_space<vmem_shared>>
        tpu.enqueue_indirect_dma source(%dma_start3A_418 : memref<10240x32xf32, #tpu.memory_space<vmem_shared>>) target(%dma_start3A_412 : memref<128x32xf32, #tpu.memory_space<vmem>>) offsets(%dma_start3A_415 : memref<128xi32, #tpu.memory_space<vmem>>) semaphore(%arg13 : memref<!tpu.dma_semaphore, #tpu.memory_space<semaphore_mem>>)
      } else {
      }
      %dma_wait3A_309 = arith.constant 0 : i32
      %dma_wait3A_310 = arith.constant 5 : i32
      %dma_wait3A_311 = arith.constant 0 : i32
      %dma_wait3A_312 = arith.constant 0 : i32
      %dma_wait3A_313 = tpu.memref_slice %arg9[%dma_wait3A_310, %dma_wait3A_311, %dma_wait3A_312] : memref<8x128x32xf32, #tpu.memory_space<vmem>> -> memref<1x128x32xf32, #tpu.memory_space<vmem>>
      %dma_wait3A_314 = tpu.memref_squeeze %dma_wait3A_313 : memref<1x128x32xf32, #tpu.memory_space<vmem>> -> memref<128x32xf32, #tpu.memory_space<vmem>>
      %dma_wait3A_315 = arith.constant 0 : i32
      %dma_wait3A_316 = tpu.memref_slice %arg7[%dma_wait3A_309, %dma_wait3A_315] : memref<80x128xi32, #tpu.memory_space<vmem>> -> memref<1x128xi32, #tpu.memory_space<vmem>>
      %dma_wait3A_317 = tpu.memref_squeeze %dma_wait3A_316 : memref<1x128xi32, #tpu.memory_space<vmem>> -> memref<128xi32, #tpu.memory_space<vmem>>
      %dma_wait3A_318 = arith.constant 0 : i32
      %dma_wait3A_319 = arith.constant 0 : i32
      %dma_wait3A_320 = tpu.memref_slice %arg11[%dma_wait3A_318, %dma_wait3A_319] : memref<10240x32xf32, #tpu.memory_space<vmem_shared>> -> memref<10240x32xf32, #tpu.memory_space<vmem_shared>>
      tpu.wait_indirect_dma semaphore(%arg17 : memref<!tpu.dma_semaphore, #tpu.memory_space<semaphore_mem>>) src(%dma_wait3A_320 : memref<10240x32xf32, #tpu.memory_space<vmem_shared>>) dst(%dma_wait3A_314 : memref<128x32xf32, #tpu.memory_space<vmem>>)
      %dma_start3A_321 = arith.constant 5 : i32
      %dma_start3A_322 = arith.constant 0 : i32
      %dma_start3A_323 = arith.constant 0 : i32
      %dma_start3A_324 = tpu.memref_slice %arg9[%dma_start3A_321, %dma_start3A_322, %dma_start3A_323] : memref<8x128x32xf32, #tpu.memory_space<vmem>> -> memref<1x128x32xf32, #tpu.memory_space<vmem>>
      %dma_start3A_325 = tpu.memref_squeeze %dma_start3A_324 : memref<1x128x32xf32, #tpu.memory_space<vmem>> -> memref<128x32xf32, #tpu.memory_space<vmem>>
      %dma_start3A_326 = arith.constant 0 : i32
      %dma_start3A_327 = tpu.memref_slice %arg8[%add3A_296, %dma_start3A_326] : memref<80x128xi32, #tpu.memory_space<vmem>> -> memref<1x128xi32, #tpu.memory_space<vmem>>
      %dma_start3A_328 = tpu.memref_squeeze %dma_start3A_327 : memref<1x128xi32, #tpu.memory_space<vmem>> -> memref<128xi32, #tpu.memory_space<vmem>>
      %dma_start3A_329 = arith.constant 0 : i32
      %dma_start3A_330 = arith.constant 0 : i32
      %dma_start3A_331 = tpu.memref_slice %arg10[%dma_start3A_329, %dma_start3A_330] : memref<10240x32xf32, #tpu.memory_space<vmem_shared>> -> memref<10240x32xf32, #tpu.memory_space<vmem_shared>>
      tpu.enqueue_indirect_dma source(%dma_start3A_325 : memref<128x32xf32, #tpu.memory_space<vmem>>) target(%dma_start3A_331 : memref<10240x32xf32, #tpu.memory_space<vmem_shared>>) offsets(%dma_start3A_328 : memref<128xi32, #tpu.memory_space<vmem>>) semaphore(%arg25 : memref<!tpu.dma_semaphore, #tpu.memory_space<semaphore_mem>>) {add = true}
      %add3A_332 = arith.constant 6 : i32
      %add3A_333 = arith.addi %mul3A_113, %add3A_332 : i32
      %ge3A_334 = arith.constant 4 : i32
      %ge3A_335 = arith.cmpi sge, %add3A_333, %ge3A_334 : i32
      %convert_element_type3A_336 = arith.extui %ge3A_335 : i1 to i32
      %cond3A_337 = arith.constant 0 : i32
      %cond3A_338 = arith.cmpi ne, %convert_element_type3A_336, %cond3A_337 : i32
      scf.if %cond3A_338 {
        %dma_wait3A_406 = arith.constant 2 : i32
        %dma_wait3A_407 = arith.constant 0 : i32
        %dma_wait3A_408 = arith.constant 0 : i32
        %dma_wait3A_409 = arith.constant 0 : i32
        %dma_wait3A_410 = tpu.memref_slice %arg9[%dma_wait3A_406, %dma_wait3A_408, %dma_wait3A_409] : memref<8x128x32xf32, #tpu.memory_space<vmem>> -> memref<1x128x32xf32, #tpu.memory_space<vmem>>
        %dma_wait3A_411 = tpu.memref_squeeze %dma_wait3A_410 : memref<1x128x32xf32, #tpu.memory_space<vmem>> -> memref<128x32xf32, #tpu.memory_space<vmem>>
        %dma_wait3A_412 = arith.constant 0 : i32
        %dma_wait3A_413 = tpu.memref_slice %arg8[%dma_wait3A_407, %dma_wait3A_412] : memref<80x128xi32, #tpu.memory_space<vmem>> -> memref<1x128xi32, #tpu.memory_space<vmem>>
        %dma_wait3A_414 = tpu.memref_squeeze %dma_wait3A_413 : memref<1x128xi32, #tpu.memory_space<vmem>> -> memref<128xi32, #tpu.memory_space<vmem>>
        %dma_wait3A_415 = arith.constant 0 : i32
        %dma_wait3A_416 = arith.constant 0 : i32
        %dma_wait3A_417 = tpu.memref_slice %arg10[%dma_wait3A_415, %dma_wait3A_416] : memref<10240x32xf32, #tpu.memory_space<vmem_shared>> -> memref<10240x32xf32, #tpu.memory_space<vmem_shared>>
        tpu.wait_indirect_dma semaphore(%arg22 : memref<!tpu.dma_semaphore, #tpu.memory_space<semaphore_mem>>) src(%dma_wait3A_411 : memref<128x32xf32, #tpu.memory_space<vmem>>) dst(%dma_wait3A_417 : memref<10240x32xf32, #tpu.memory_space<vmem_shared>>)
      } else {
      }
      %add3A_339 = arith.constant 4 : i32
      %add3A_340 = arith.addi %add3A_333, %add3A_339 : i32
      %lt3A_341 = arith.constant 80 : i32
      %lt3A_342 = arith.cmpi slt, %add3A_340, %lt3A_341 : i32
      %convert_element_type3A_343 = arith.extui %lt3A_342 : i1 to i32
      %cond3A_344 = arith.constant 0 : i32
      %cond3A_345 = arith.cmpi ne, %convert_element_type3A_343, %cond3A_344 : i32
      scf.if %cond3A_345 {
        %add3A_406 = arith.constant 4 : i32
        %add3A_407 = arith.addi %add3A_333, %add3A_406 : i32
        %dma_start3A_408 = arith.constant 2 : i32
        %dma_start3A_409 = arith.constant 0 : i32
        %dma_start3A_410 = arith.constant 0 : i32
        %dma_start3A_411 = tpu.memref_slice %arg9[%dma_start3A_408, %dma_start3A_409, %dma_start3A_410] : memref<8x128x32xf32, #tpu.memory_space<vmem>> -> memref<1x128x32xf32, #tpu.memory_space<vmem>>
        %dma_start3A_412 = tpu.memref_squeeze %dma_start3A_411 : memref<1x128x32xf32, #tpu.memory_space<vmem>> -> memref<128x32xf32, #tpu.memory_space<vmem>>
        %dma_start3A_413 = arith.constant 0 : i32
        %dma_start3A_414 = tpu.memref_slice %arg7[%add3A_407, %dma_start3A_413] : memref<80x128xi32, #tpu.memory_space<vmem>> -> memref<1x128xi32, #tpu.memory_space<vmem>>
        %dma_start3A_415 = tpu.memref_squeeze %dma_start3A_414 : memref<1x128xi32, #tpu.memory_space<vmem>> -> memref<128xi32, #tpu.memory_space<vmem>>
        %dma_start3A_416 = arith.constant 0 : i32
        %dma_start3A_417 = arith.constant 0 : i32
        %dma_start3A_418 = tpu.memref_slice %arg11[%dma_start3A_416, %dma_start3A_417] : memref<10240x32xf32, #tpu.memory_space<vmem_shared>> -> memref<10240x32xf32, #tpu.memory_space<vmem_shared>>
        tpu.enqueue_indirect_dma source(%dma_start3A_418 : memref<10240x32xf32, #tpu.memory_space<vmem_shared>>) target(%dma_start3A_412 : memref<128x32xf32, #tpu.memory_space<vmem>>) offsets(%dma_start3A_415 : memref<128xi32, #tpu.memory_space<vmem>>) semaphore(%arg14 : memref<!tpu.dma_semaphore, #tpu.memory_space<semaphore_mem>>)
      } else {
      }
      %dma_wait3A_346 = arith.constant 0 : i32
      %dma_wait3A_347 = arith.constant 6 : i32
      %dma_wait3A_348 = arith.constant 0 : i32
      %dma_wait3A_349 = arith.constant 0 : i32
      %dma_wait3A_350 = tpu.memref_slice %arg9[%dma_wait3A_347, %dma_wait3A_348, %dma_wait3A_349] : memref<8x128x32xf32, #tpu.memory_space<vmem>> -> memref<1x128x32xf32, #tpu.memory_space<vmem>>
      %dma_wait3A_351 = tpu.memref_squeeze %dma_wait3A_350 : memref<1x128x32xf32, #tpu.memory_space<vmem>> -> memref<128x32xf32, #tpu.memory_space<vmem>>
      %dma_wait3A_352 = arith.constant 0 : i32
      %dma_wait3A_353 = tpu.memref_slice %arg7[%dma_wait3A_346, %dma_wait3A_352] : memref<80x128xi32, #tpu.memory_space<vmem>> -> memref<1x128xi32, #tpu.memory_space<vmem>>
      %dma_wait3A_354 = tpu.memref_squeeze %dma_wait3A_353 : memref<1x128xi32, #tpu.memory_space<vmem>> -> memref<128xi32, #tpu.memory_space<vmem>>
      %dma_wait3A_355 = arith.constant 0 : i32
      %dma_wait3A_356 = arith.constant 0 : i32
      %dma_wait3A_357 = tpu.memref_slice %arg11[%dma_wait3A_355, %dma_wait3A_356] : memref<10240x32xf32, #tpu.memory_space<vmem_shared>> -> memref<10240x32xf32, #tpu.memory_space<vmem_shared>>
      tpu.wait_indirect_dma semaphore(%arg18 : memref<!tpu.dma_semaphore, #tpu.memory_space<semaphore_mem>>) src(%dma_wait3A_357 : memref<10240x32xf32, #tpu.memory_space<vmem_shared>>) dst(%dma_wait3A_351 : memref<128x32xf32, #tpu.memory_space<vmem>>)
      %dma_start3A_358 = arith.constant 6 : i32
      %dma_start3A_359 = arith.constant 0 : i32
      %dma_start3A_360 = arith.constant 0 : i32
      %dma_start3A_361 = tpu.memref_slice %arg9[%dma_start3A_358, %dma_start3A_359, %dma_start3A_360] : memref<8x128x32xf32, #tpu.memory_space<vmem>> -> memref<1x128x32xf32, #tpu.memory_space<vmem>>
      %dma_start3A_362 = tpu.memref_squeeze %dma_start3A_361 : memref<1x128x32xf32, #tpu.memory_space<vmem>> -> memref<128x32xf32, #tpu.memory_space<vmem>>
      %dma_start3A_363 = arith.constant 0 : i32
      %dma_start3A_364 = tpu.memref_slice %arg8[%add3A_333, %dma_start3A_363] : memref<80x128xi32, #tpu.memory_space<vmem>> -> memref<1x128xi32, #tpu.memory_space<vmem>>
      %dma_start3A_365 = tpu.memref_squeeze %dma_start3A_364 : memref<1x128xi32, #tpu.memory_space<vmem>> -> memref<128xi32, #tpu.memory_space<vmem>>
      %dma_start3A_366 = arith.constant 0 : i32
      %dma_start3A_367 = arith.constant 0 : i32
      %dma_start3A_368 = tpu.memref_slice %arg10[%dma_start3A_366, %dma_start3A_367] : memref<10240x32xf32, #tpu.memory_space<vmem_shared>> -> memref<10240x32xf32, #tpu.memory_space<vmem_shared>>
      tpu.enqueue_indirect_dma source(%dma_start3A_362 : memref<128x32xf32, #tpu.memory_space<vmem>>) target(%dma_start3A_368 : memref<10240x32xf32, #tpu.memory_space<vmem_shared>>) offsets(%dma_start3A_365 : memref<128xi32, #tpu.memory_space<vmem>>) semaphore(%arg26 : memref<!tpu.dma_semaphore, #tpu.memory_space<semaphore_mem>>) {add = true}
      %add3A_369 = arith.constant 7 : i32
      %add3A_370 = arith.addi %mul3A_113, %add3A_369 : i32
      %ge3A_371 = arith.constant 4 : i32
      %ge3A_372 = arith.cmpi sge, %add3A_370, %ge3A_371 : i32
      %convert_element_type3A_373 = arith.extui %ge3A_372 : i1 to i32
      %cond3A_374 = arith.constant 0 : i32
      %cond3A_375 = arith.cmpi ne, %convert_element_type3A_373, %cond3A_374 : i32
      scf.if %cond3A_375 {
        %dma_wait3A_406 = arith.constant 3 : i32
        %dma_wait3A_407 = arith.constant 0 : i32
        %dma_wait3A_408 = arith.constant 0 : i32
        %dma_wait3A_409 = arith.constant 0 : i32
        %dma_wait3A_410 = tpu.memref_slice %arg9[%dma_wait3A_406, %dma_wait3A_408, %dma_wait3A_409] : memref<8x128x32xf32, #tpu.memory_space<vmem>> -> memref<1x128x32xf32, #tpu.memory_space<vmem>>
        %dma_wait3A_411 = tpu.memref_squeeze %dma_wait3A_410 : memref<1x128x32xf32, #tpu.memory_space<vmem>> -> memref<128x32xf32, #tpu.memory_space<vmem>>
        %dma_wait3A_412 = arith.constant 0 : i32
        %dma_wait3A_413 = tpu.memref_slice %arg8[%dma_wait3A_407, %dma_wait3A_412] : memref<80x128xi32, #tpu.memory_space<vmem>> -> memref<1x128xi32, #tpu.memory_space<vmem>>
        %dma_wait3A_414 = tpu.memref_squeeze %dma_wait3A_413 : memref<1x128xi32, #tpu.memory_space<vmem>> -> memref<128xi32, #tpu.memory_space<vmem>>
        %dma_wait3A_415 = arith.constant 0 : i32
        %dma_wait3A_416 = arith.constant 0 : i32
        %dma_wait3A_417 = tpu.memref_slice %arg10[%dma_wait3A_415, %dma_wait3A_416] : memref<10240x32xf32, #tpu.memory_space<vmem_shared>> -> memref<10240x32xf32, #tpu.memory_space<vmem_shared>>
        tpu.wait_indirect_dma semaphore(%arg23 : memref<!tpu.dma_semaphore, #tpu.memory_space<semaphore_mem>>) src(%dma_wait3A_411 : memref<128x32xf32, #tpu.memory_space<vmem>>) dst(%dma_wait3A_417 : memref<10240x32xf32, #tpu.memory_space<vmem_shared>>)
      } else {
      }
      %add3A_376 = arith.constant 4 : i32
      %add3A_377 = arith.addi %add3A_370, %add3A_376 : i32
      %lt3A_378 = arith.constant 80 : i32
      %lt3A_379 = arith.cmpi slt, %add3A_377, %lt3A_378 : i32
      %convert_element_type3A_380 = arith.extui %lt3A_379 : i1 to i32
      %cond3A_381 = arith.constant 0 : i32
      %cond3A_382 = arith.cmpi ne, %convert_element_type3A_380, %cond3A_381 : i32
      scf.if %cond3A_382 {
        %add3A_406 = arith.constant 4 : i32
        %add3A_407 = arith.addi %add3A_370, %add3A_406 : i32
        %dma_start3A_408 = arith.constant 3 : i32
        %dma_start3A_409 = arith.constant 0 : i32
        %dma_start3A_410 = arith.constant 0 : i32
        %dma_start3A_411 = tpu.memref_slice %arg9[%dma_start3A_408, %dma_start3A_409, %dma_start3A_410] : memref<8x128x32xf32, #tpu.memory_space<vmem>> -> memref<1x128x32xf32, #tpu.memory_space<vmem>>
        %dma_start3A_412 = tpu.memref_squeeze %dma_start3A_411 : memref<1x128x32xf32, #tpu.memory_space<vmem>> -> memref<128x32xf32, #tpu.memory_space<vmem>>
        %dma_start3A_413 = arith.constant 0 : i32
        %dma_start3A_414 = tpu.memref_slice %arg7[%add3A_407, %dma_start3A_413] : memref<80x128xi32, #tpu.memory_space<vmem>> -> memref<1x128xi32, #tpu.memory_space<vmem>>
        %dma_start3A_415 = tpu.memref_squeeze %dma_start3A_414 : memref<1x128xi32, #tpu.memory_space<vmem>> -> memref<128xi32, #tpu.memory_space<vmem>>
        %dma_start3A_416 = arith.constant 0 : i32
        %dma_start3A_417 = arith.constant 0 : i32
        %dma_start3A_418 = tpu.memref_slice %arg11[%dma_start3A_416, %dma_start3A_417] : memref<10240x32xf32, #tpu.memory_space<vmem_shared>> -> memref<10240x32xf32, #tpu.memory_space<vmem_shared>>
        tpu.enqueue_indirect_dma source(%dma_start3A_418 : memref<10240x32xf32, #tpu.memory_space<vmem_shared>>) target(%dma_start3A_412 : memref<128x32xf32, #tpu.memory_space<vmem>>) offsets(%dma_start3A_415 : memref<128xi32, #tpu.memory_space<vmem>>) semaphore(%arg15 : memref<!tpu.dma_semaphore, #tpu.memory_space<semaphore_mem>>)
      } else {
      }
      %dma_wait3A_383 = arith.constant 0 : i32
      %dma_wait3A_384 = arith.constant 7 : i32
      %dma_wait3A_385 = arith.constant 0 : i32
      %dma_wait3A_386 = arith.constant 0 : i32
      %dma_wait3A_387 = tpu.memref_slice %arg9[%dma_wait3A_384, %dma_wait3A_385, %dma_wait3A_386] : memref<8x128x32xf32, #tpu.memory_space<vmem>> -> memref<1x128x32xf32, #tpu.memory_space<vmem>>
      %dma_wait3A_388 = tpu.memref_squeeze %dma_wait3A_387 : memref<1x128x32xf32, #tpu.memory_space<vmem>> -> memref<128x32xf32, #tpu.memory_space<vmem>>
      %dma_wait3A_389 = arith.constant 0 : i32
      %dma_wait3A_390 = tpu.memref_slice %arg7[%dma_wait3A_383, %dma_wait3A_389] : memref<80x128xi32, #tpu.memory_space<vmem>> -> memref<1x128xi32, #tpu.memory_space<vmem>>
      %dma_wait3A_391 = tpu.memref_squeeze %dma_wait3A_390 : memref<1x128xi32, #tpu.memory_space<vmem>> -> memref<128xi32, #tpu.memory_space<vmem>>
      %dma_wait3A_392 = arith.constant 0 : i32
      %dma_wait3A_393 = arith.constant 0 : i32
      %dma_wait3A_394 = tpu.memref_slice %arg11[%dma_wait3A_392, %dma_wait3A_393] : memref<10240x32xf32, #tpu.memory_space<vmem_shared>> -> memref<10240x32xf32, #tpu.memory_space<vmem_shared>>
      tpu.wait_indirect_dma semaphore(%arg19 : memref<!tpu.dma_semaphore, #tpu.memory_space<semaphore_mem>>) src(%dma_wait3A_394 : memref<10240x32xf32, #tpu.memory_space<vmem_shared>>) dst(%dma_wait3A_388 : memref<128x32xf32, #tpu.memory_space<vmem>>)
      %dma_start3A_395 = arith.constant 7 : i32
      %dma_start3A_396 = arith.constant 0 : i32
      %dma_start3A_397 = arith.constant 0 : i32
      %dma_start3A_398 = tpu.memref_slice %arg9[%dma_start3A_395, %dma_start3A_396, %dma_start3A_397] : memref<8x128x32xf32, #tpu.memory_space<vmem>> -> memref<1x128x32xf32, #tpu.memory_space<vmem>>
      %dma_start3A_399 = tpu.memref_squeeze %dma_start3A_398 : memref<1x128x32xf32, #tpu.memory_space<vmem>> -> memref<128x32xf32, #tpu.memory_space<vmem>>
      %dma_start3A_400 = arith.constant 0 : i32
      %dma_start3A_401 = tpu.memref_slice %arg8[%add3A_370, %dma_start3A_400] : memref<80x128xi32, #tpu.memory_space<vmem>> -> memref<1x128xi32, #tpu.memory_space<vmem>>
      %dma_start3A_402 = tpu.memref_squeeze %dma_start3A_401 : memref<1x128xi32, #tpu.memory_space<vmem>> -> memref<128xi32, #tpu.memory_space<vmem>>
      %dma_start3A_403 = arith.constant 0 : i32
      %dma_start3A_404 = arith.constant 0 : i32
      %dma_start3A_405 = tpu.memref_slice %arg10[%dma_start3A_403, %dma_start3A_404] : memref<10240x32xf32, #tpu.memory_space<vmem_shared>> -> memref<10240x32xf32, #tpu.memory_space<vmem_shared>>
      tpu.enqueue_indirect_dma source(%dma_start3A_399 : memref<128x32xf32, #tpu.memory_space<vmem>>) target(%dma_start3A_405 : memref<10240x32xf32, #tpu.memory_space<vmem_shared>>) offsets(%dma_start3A_402 : memref<128xi32, #tpu.memory_space<vmem>>) semaphore(%arg27 : memref<!tpu.dma_semaphore, #tpu.memory_space<semaphore_mem>>) {add = true}
    }
    %scan3A_58 = arith.constant 10 : i32
    %dma_wait3A = arith.constant 4 : i32
    %dma_wait3A_59 = arith.constant 0 : i32
    %dma_wait3A_60 = arith.constant 0 : i32
    %dma_wait3A_61 = arith.constant 0 : i32
    %dma_wait3A_62 = tpu.memref_slice %arg9[%dma_wait3A, %dma_wait3A_60, %dma_wait3A_61] : memref<8x128x32xf32, #tpu.memory_space<vmem>> -> memref<1x128x32xf32, #tpu.memory_space<vmem>>
    %dma_wait3A_63 = tpu.memref_squeeze %dma_wait3A_62 : memref<1x128x32xf32, #tpu.memory_space<vmem>> -> memref<128x32xf32, #tpu.memory_space<vmem>>
    %dma_wait3A_64 = arith.constant 0 : i32
    %dma_wait3A_65 = tpu.memref_slice %arg8[%dma_wait3A_59, %dma_wait3A_64] : memref<80x128xi32, #tpu.memory_space<vmem>> -> memref<1x128xi32, #tpu.memory_space<vmem>>
    %dma_wait3A_66 = tpu.memref_squeeze %dma_wait3A_65 : memref<1x128xi32, #tpu.memory_space<vmem>> -> memref<128xi32, #tpu.memory_space<vmem>>
    %dma_wait3A_67 = arith.constant 0 : i32
    %dma_wait3A_68 = arith.constant 0 : i32
    %dma_wait3A_69 = tpu.memref_slice %arg10[%dma_wait3A_67, %dma_wait3A_68] : memref<10240x32xf32, #tpu.memory_space<vmem_shared>> -> memref<10240x32xf32, #tpu.memory_space<vmem_shared>>
    tpu.wait_indirect_dma semaphore(%arg24 : memref<!tpu.dma_semaphore, #tpu.memory_space<semaphore_mem>>) src(%dma_wait3A_63 : memref<128x32xf32, #tpu.memory_space<vmem>>) dst(%dma_wait3A_69 : memref<10240x32xf32, #tpu.memory_space<vmem_shared>>)
    %dma_wait3A_70 = arith.constant 5 : i32
    %dma_wait3A_71 = arith.constant 0 : i32
    %dma_wait3A_72 = arith.constant 0 : i32
    %dma_wait3A_73 = arith.constant 0 : i32
    %dma_wait3A_74 = tpu.memref_slice %arg9[%dma_wait3A_70, %dma_wait3A_72, %dma_wait3A_73] : memref<8x128x32xf32, #tpu.memory_space<vmem>> -> memref<1x128x32xf32, #tpu.memory_space<vmem>>
    %dma_wait3A_75 = tpu.memref_squeeze %dma_wait3A_74 : memref<1x128x32xf32, #tpu.memory_space<vmem>> -> memref<128x32xf32, #tpu.memory_space<vmem>>
    %dma_wait3A_76 = arith.constant 0 : i32
    %dma_wait3A_77 = tpu.memref_slice %arg8[%dma_wait3A_71, %dma_wait3A_76] : memref<80x128xi32, #tpu.memory_space<vmem>> -> memref<1x128xi32, #tpu.memory_space<vmem>>
    %dma_wait3A_78 = tpu.memref_squeeze %dma_wait3A_77 : memref<1x128xi32, #tpu.memory_space<vmem>> -> memref<128xi32, #tpu.memory_space<vmem>>
    %dma_wait3A_79 = arith.constant 0 : i32
    %dma_wait3A_80 = arith.constant 0 : i32
    %dma_wait3A_81 = tpu.memref_slice %arg10[%dma_wait3A_79, %dma_wait3A_80] : memref<10240x32xf32, #tpu.memory_space<vmem_shared>> -> memref<10240x32xf32, #tpu.memory_space<vmem_shared>>
    tpu.wait_indirect_dma semaphore(%arg25 : memref<!tpu.dma_semaphore, #tpu.memory_space<semaphore_mem>>) src(%dma_wait3A_75 : memref<128x32xf32, #tpu.memory_space<vmem>>) dst(%dma_wait3A_81 : memref<10240x32xf32, #tpu.memory_space<vmem_shared>>)
    %dma_wait3A_82 = arith.constant 6 : i32
    %dma_wait3A_83 = arith.constant 0 : i32
    %dma_wait3A_84 = arith.constant 0 : i32
    %dma_wait3A_85 = arith.constant 0 : i32
    %dma_wait3A_86 = tpu.memref_slice %arg9[%dma_wait3A_82, %dma_wait3A_84, %dma_wait3A_85] : memref<8x128x32xf32, #tpu.memory_space<vmem>> -> memref<1x128x32xf32, #tpu.memory_space<vmem>>
    %dma_wait3A_87 = tpu.memref_squeeze %dma_wait3A_86 : memref<1x128x32xf32, #tpu.memory_space<vmem>> -> memref<128x32xf32, #tpu.memory_space<vmem>>
    %dma_wait3A_88 = arith.constant 0 : i32
    %dma_wait3A_89 = tpu.memref_slice %arg8[%dma_wait3A_83, %dma_wait3A_88] : memref<80x128xi32, #tpu.memory_space<vmem>> -> memref<1x128xi32, #tpu.memory_space<vmem>>
    %dma_wait3A_90 = tpu.memref_squeeze %dma_wait3A_89 : memref<1x128xi32, #tpu.memory_space<vmem>> -> memref<128xi32, #tpu.memory_space<vmem>>
    %dma_wait3A_91 = arith.constant 0 : i32
    %dma_wait3A_92 = arith.constant 0 : i32
    %dma_wait3A_93 = tpu.memref_slice %arg10[%dma_wait3A_91, %dma_wait3A_92] : memref<10240x32xf32, #tpu.memory_space<vmem_shared>> -> memref<10240x32xf32, #tpu.memory_space<vmem_shared>>
    tpu.wait_indirect_dma semaphore(%arg26 : memref<!tpu.dma_semaphore, #tpu.memory_space<semaphore_mem>>) src(%dma_wait3A_87 : memref<128x32xf32, #tpu.memory_space<vmem>>) dst(%dma_wait3A_93 : memref<10240x32xf32, #tpu.memory_space<vmem_shared>>)
    %dma_wait3A_94 = arith.constant 7 : i32
    %dma_wait3A_95 = arith.constant 0 : i32
    %dma_wait3A_96 = arith.constant 0 : i32
    %dma_wait3A_97 = arith.constant 0 : i32
    %dma_wait3A_98 = tpu.memref_slice %arg9[%dma_wait3A_94, %dma_wait3A_96, %dma_wait3A_97] : memref<8x128x32xf32, #tpu.memory_space<vmem>> -> memref<1x128x32xf32, #tpu.memory_space<vmem>>
    %dma_wait3A_99 = tpu.memref_squeeze %dma_wait3A_98 : memref<1x128x32xf32, #tpu.memory_space<vmem>> -> memref<128x32xf32, #tpu.memory_space<vmem>>
    %dma_wait3A_100 = arith.constant 0 : i32
    %dma_wait3A_101 = tpu.memref_slice %arg8[%dma_wait3A_95, %dma_wait3A_100] : memref<80x128xi32, #tpu.memory_space<vmem>> -> memref<1x128xi32, #tpu.memory_space<vmem>>
    %dma_wait3A_102 = tpu.memref_squeeze %dma_wait3A_101 : memref<1x128xi32, #tpu.memory_space<vmem>> -> memref<128xi32, #tpu.memory_space<vmem>>
    %dma_wait3A_103 = arith.constant 0 : i32
    %dma_wait3A_104 = arith.constant 0 : i32
    %dma_wait3A_105 = tpu.memref_slice %arg10[%dma_wait3A_103, %dma_wait3A_104] : memref<10240x32xf32, #tpu.memory_space<vmem_shared>> -> memref<10240x32xf32, #tpu.memory_space<vmem_shared>>
    tpu.wait_indirect_dma semaphore(%arg27 : memref<!tpu.dma_semaphore, #tpu.memory_space<semaphore_mem>>) src(%dma_wait3A_99 : memref<128x32xf32, #tpu.memory_space<vmem>>) dst(%dma_wait3A_105 : memref<10240x32xf32, #tpu.memory_space<vmem_shared>>)
    %barrier3A_106 = arith.constant 0 : index
    tpu.barrier barrier_id(%barrier3A_106)
    %mul3A_107 = arith.constant 640 : i32
    %mul3A_108 = arith.muli %arg1, %mul3A_107 : i32
    %mul3A_109 = arith.constant 640 : i32
    %mul3A_110 = arith.muli %arg1, %mul3A_109 : i32
    "tpu.region"() ({
      %run_scoped3A = tpu.sem_alloc : memref<!tpu.dma_semaphore, #tpu.memory_space<semaphore_mem>>
      %dma_start3A_111 = arith.constant 0 : i32
      %dma_start3A_112 = tpu.memref_slice %arg6[%arg0, %mul3A_110, %dma_start3A_111] : memref<2x10240x32xf32, #tpu.memory_space<hbm>> -> memref<1x640x32xf32, #tpu.memory_space<hbm>>
      %dma_start3A_113 = tpu.memref_squeeze %dma_start3A_112 : memref<1x640x32xf32, #tpu.memory_space<hbm>> -> memref<640x32xf32, #tpu.memory_space<hbm>>
      %dma_start3A_114 = arith.constant 0 : i32
      %dma_start3A_115 = tpu.memref_slice %arg10[%mul3A_108, %dma_start3A_114] : memref<10240x32xf32, #tpu.memory_space<vmem_shared>> -> memref<640x32xf32, #tpu.memory_space<vmem_shared>>
      tpu.enqueue_dma source(%dma_start3A_115 : memref<640x32xf32, #tpu.memory_space<vmem_shared>>) target(%dma_start3A_113 : memref<640x32xf32, #tpu.memory_space<hbm>>) target_semaphore(%run_scoped3A : memref<!tpu.dma_semaphore, #tpu.memory_space<semaphore_mem>>)
      %dma_wait3A_116 = arith.constant 0 : i32
      %dma_wait3A_117 = tpu.memref_slice %arg6[%arg0, %mul3A_110, %dma_wait3A_116] : memref<2x10240x32xf32, #tpu.memory_space<hbm>> -> memref<1x640x32xf32, #tpu.memory_space<hbm>>
      %dma_wait3A_118 = tpu.memref_squeeze %dma_wait3A_117 : memref<1x640x32xf32, #tpu.memory_space<hbm>> -> memref<640x32xf32, #tpu.memory_space<hbm>>
      %dma_wait3A_119 = arith.constant 0 : i32
      %dma_wait3A_120 = tpu.memref_slice %arg10[%mul3A_108, %dma_wait3A_119] : memref<10240x32xf32, #tpu.memory_space<vmem_shared>> -> memref<640x32xf32, #tpu.memory_space<vmem_shared>>
      tpu.wait_dma2 semaphore(%run_scoped3A : memref<!tpu.dma_semaphore, #tpu.memory_space<semaphore_mem>>) src(%dma_wait3A_120 : memref<640x32xf32, #tpu.memory_space<vmem_shared>>) dst(%dma_wait3A_118 : memref<640x32xf32, #tpu.memory_space<hbm>>)
      tpu.yield
    }) : () -> ()
    return
  }
}

module attributes {stable_mosaic.version = 14 : i64} {
  func.func @_tc_in_body(%arg0: i32, %arg1: memref<1024x128xf32, #tpu.memory_space<vmem>>, %arg2: memref<128x32xf32, #tpu.memory_space<vmem>>, %arg3: memref<1024x8xf32, #tpu.memory_space<vmem>>, %arg4: memref<1024x8xf32, #tpu.memory_space<vmem>>, %arg5: memref<1024x32xf32, #tpu.memory_space<vmem>>, %arg6: memref<1024x1xf32, #tpu.memory_space<vmem>>) attributes {dimension_semantics = [#tpu.dimension_semantics<arbitrary>], iteration_bounds = array<i64: 10>, scalar_prefetch = 0 : i64, scratch_operands = 0 : i64, tpu.core_type = #tpu.core_type<tc>, window_params = [{transform_indices = @transform_0, window_bounds = array<i64: 1024, 128>}, {pipeline_mode = #tpu.pipeline_mode<synchronous>, transform_indices = @transform_1, window_bounds = array<i64: 128, 32>}, {transform_indices = @transform_2, window_bounds = array<i64: 1024, 8>}, {transform_indices = @transform_3, window_bounds = array<i64: 1024, 8>}, {transform_indices = @transform_4, window_bounds = array<i64: 1024, 32>}, {transform_indices = @transform_5, window_bounds = array<i64: 1024, 1>}]} {
    %get3A = arith.constant 0 : index
    %get3A_0 = arith.constant 0 : index
    %get3A_1 = vector.load %arg3[%get3A, %get3A_0] : memref<1024x8xf32, #tpu.memory_space<vmem>>, vector<1024x1xf32>
    %get3A_2 = arith.constant 0 : index
    %get3A_3 = arith.constant 0 : index
    %get3A_4 = vector.load %arg4[%get3A_2, %get3A_3] : memref<1024x8xf32, #tpu.memory_space<vmem>>, vector<1024x1xf32>
    %add3A = arith.addf %get3A_1, %get3A_4 : vector<1024x1xf32>
    %add3A_5 = arith.constant 1.000000e+00 : f32
    %add3A_6 = vector.broadcast %add3A_5 : f32 to vector<1024x1xf32>
    %add3A_7 = arith.addf %add3A, %add3A_6 : vector<1024x1xf32>
    %rsqrt3A = math.rsqrt %add3A_7 : vector<1024x1xf32>
    %get3A_8 = arith.constant 0 : index
    %get3A_9 = arith.constant 0 : index
    %get3A_10 = vector.load %arg1[%get3A_8, %get3A_9] : memref<1024x128xf32, #tpu.memory_space<vmem>>, vector<1024x128xf32>
    %get3A_11 = arith.constant 0 : index
    %get3A_12 = arith.constant 0 : index
    %get3A_13 = vector.load %arg2[%get3A_11, %get3A_12] : memref<128x32xf32, #tpu.memory_space<vmem>>, vector<128x32xf32>
    %dot_general3A = arith.constant dense<0.000000e+00> : vector<1024x32xf32>
    %dot_general3A_14 = tpu.matmul %get3A_10, %get3A_13, %dot_general3A {dimension_numbers = #tpu.dot_dimension_numbers<[1], [0], [0], [1], [0, 0, 1, 1], [], []>, transpose_lhs_hint = false} : vector<1024x128xf32>, vector<128x32xf32>, vector<1024x32xf32> -> vector<1024x32xf32>
    %mul3A = vector.broadcast %rsqrt3A : vector<1024x1xf32> to vector<1024x32xf32>
    %mul3A_15 = arith.mulf %dot_general3A_14, %mul3A : vector<1024x32xf32>
    %swap3A = arith.constant 0 : index
    %swap3A_16 = arith.constant 0 : index
    %swap3A_17 = vector.load %arg5[%swap3A, %swap3A_16] : memref<1024x32xf32, #tpu.memory_space<vmem>>, vector<1024x32xf32>
    tpu.vector_store %arg5[%swap3A, %swap3A_16], %mul3A_15 {strides = array<i32>} : memref<1024x32xf32, #tpu.memory_space<vmem>>, vector<1024x32xf32>,
    %swap3A_18 = arith.constant 0 : index
    %swap3A_19 = arith.constant 0 : index
    %swap3A_20 = vector.load %arg6[%swap3A_18, %swap3A_19] : memref<1024x1xf32, #tpu.memory_space<vmem>>, vector<1024x1xf32>
    tpu.vector_store %arg6[%swap3A_18, %swap3A_19], %rsqrt3A {strides = array<i32>} : memref<1024x1xf32, #tpu.memory_space<vmem>>, vector<1024x1xf32>,
    return
  }
  func.func @transform_0(%arg0: i32) -> (i32, i32) {
    %c0_i32 = arith.constant 0 : i32
    %c0_i32_0 = arith.constant 0 : i32
    return %arg0, %c0_i32 : i32, i32
  }
  func.func @transform_1(%arg0: i32) -> (i32, i32) {
    %c0_i32 = arith.constant 0 : i32
    %c0_i32_0 = arith.constant 0 : i32
    %c0_i32_1 = arith.constant 0 : i32
    return %c0_i32, %c0_i32_0 : i32, i32
  }
  func.func @transform_2(%arg0: i32) -> (i32, i32) {
    %c0_i32 = arith.constant 0 : i32
    %c0_i32_0 = arith.constant 0 : i32
    return %arg0, %c0_i32 : i32, i32
  }
  func.func @transform_3(%arg0: i32) -> (i32, i32) {
    %c0_i32 = arith.constant 0 : i32
    %c0_i32_0 = arith.constant 0 : i32
    return %arg0, %c0_i32 : i32, i32
  }
  func.func @transform_4(%arg0: i32) -> (i32, i32) {
    %c0_i32 = arith.constant 0 : i32
    %c0_i32_0 = arith.constant 0 : i32
    return %arg0, %c0_i32 : i32, i32
  }
  func.func @transform_5(%arg0: i32) -> (i32, i32) {
    %c0_i32 = arith.constant 0 : i32
    %c0_i32_0 = arith.constant 0 : i32
    return %arg0, %c0_i32 : i32, i32
  }
}

module attributes {stable_mosaic.version = 14 : i64} {
  func.func @_tc_mid_body(%arg0: i32, %arg1: memref<1024x32xf32, #tpu.memory_space<vmem>>, %arg2: memref<1024x32xf32, #tpu.memory_space<vmem>>, %arg3: memref<1024x32xf32, #tpu.memory_space<vmem>>, %arg4: memref<1024x1xf32, #tpu.memory_space<vmem>>, %arg5: memref<1x32xf32, #tpu.memory_space<vmem>>, %arg6: memref<1x32xf32, #tpu.memory_space<vmem>>, %arg7: memref<1x32xf32, #tpu.memory_space<vmem>>, %arg8: memref<32x32xf32, #tpu.memory_space<vmem>>, %arg9: memref<1024x32xf32, #tpu.memory_space<vmem>>) attributes {dimension_semantics = [#tpu.dimension_semantics<arbitrary>], iteration_bounds = array<i64: 10>, scalar_prefetch = 0 : i64, scratch_operands = 0 : i64, tpu.core_type = #tpu.core_type<tc>, window_params = [{transform_indices = @transform_0, window_bounds = array<i64: 1024, 32>}, {transform_indices = @transform_1, window_bounds = array<i64: 1024, 32>}, {transform_indices = @transform_2, window_bounds = array<i64: 1024, 32>}, {transform_indices = @transform_3, window_bounds = array<i64: 1024, 1>}, {pipeline_mode = #tpu.pipeline_mode<synchronous>, transform_indices = @transform_4, window_bounds = array<i64: 1, 32>}, {pipeline_mode = #tpu.pipeline_mode<synchronous>, transform_indices = @transform_5, window_bounds = array<i64: 1, 32>}, {pipeline_mode = #tpu.pipeline_mode<synchronous>, transform_indices = @transform_6, window_bounds = array<i64: 1, 32>}, {pipeline_mode = #tpu.pipeline_mode<synchronous>, transform_indices = @transform_7, window_bounds = array<i64: 32, 32>}, {transform_indices = @transform_8, window_bounds = array<i64: 1024, 32>}]} {
    %get3A = arith.constant 0 : index
    %get3A_0 = arith.constant 0 : index
    %get3A_1 = vector.load %arg4[%get3A, %get3A_0] : memref<1024x1xf32, #tpu.memory_space<vmem>>, vector<1024x1xf32>
    %get3A_2 = arith.constant 0 : index
    %get3A_3 = arith.constant 0 : index
    %get3A_4 = vector.load %arg1[%get3A_2, %get3A_3] : memref<1024x32xf32, #tpu.memory_space<vmem>>, vector<1024x32xf32>
    %get3A_5 = arith.constant 0 : index
    %get3A_6 = arith.constant 0 : index
    %get3A_7 = vector.load %arg2[%get3A_5, %get3A_6] : memref<1024x32xf32, #tpu.memory_space<vmem>>, vector<1024x32xf32>
    %add3A = arith.addf %get3A_4, %get3A_7 : vector<1024x32xf32>
    %get3A_8 = arith.constant 0 : index
    %get3A_9 = arith.constant 0 : index
    %get3A_10 = vector.load %arg3[%get3A_8, %get3A_9] : memref<1024x32xf32, #tpu.memory_space<vmem>>, vector<1024x32xf32>
    %add3A_11 = arith.addf %add3A, %get3A_10 : vector<1024x32xf32>
    %mul3A = vector.broadcast %get3A_1 : vector<1024x1xf32> to vector<1024x32xf32>
    %mul3A_12 = arith.mulf %mul3A, %add3A_11 : vector<1024x32xf32>
    %get3A_13 = arith.constant 0 : index
    %get3A_14 = arith.constant 0 : index
    %get3A_15 = vector.load %arg5[%get3A_13, %get3A_14] : memref<1x32xf32, #tpu.memory_space<vmem>>, vector<1x32xf32>
    %add3A_16 = vector.broadcast %get3A_15 : vector<1x32xf32> to vector<1024x32xf32>
    %add3A_17 = arith.addf %mul3A_12, %add3A_16 : vector<1024x32xf32>
    %reduce_sum3A = arith.constant dense<0.000000e+00> : vector<1024xf32>
    %reduce_sum3A_18 = vector.multi_reduction <add>, %add3A_17, %reduce_sum3A [1] : vector<1024x32xf32> to vector<1024xf32>
    %broadcast_in_dim3A = vector.shape_cast %reduce_sum3A_18 : vector<1024xf32> to vector<1024x1xf32>
    %div3A = arith.constant 3.200000e+01 : f32
    %div3A_19 = vector.broadcast %div3A : f32 to vector<1024x1xf32>
    %div3A_20 = arith.divf %broadcast_in_dim3A, %div3A_19 : vector<1024x1xf32>
    %sub3A = vector.broadcast %div3A_20 : vector<1024x1xf32> to vector<1024x32xf32>
    %sub3A_21 = arith.subf %add3A_17, %sub3A : vector<1024x32xf32>
    %mul3A_22 = arith.mulf %sub3A_21, %sub3A_21 : vector<1024x32xf32>
    %reduce_sum3A_23 = arith.constant dense<0.000000e+00> : vector<1024xf32>
    %reduce_sum3A_24 = vector.multi_reduction <add>, %mul3A_22, %reduce_sum3A_23 [1] : vector<1024x32xf32> to vector<1024xf32>
    %broadcast_in_dim3A_25 = vector.shape_cast %reduce_sum3A_24 : vector<1024xf32> to vector<1024x1xf32>
    %div3A_26 = arith.constant 3.200000e+01 : f32
    %div3A_27 = vector.broadcast %div3A_26 : f32 to vector<1024x1xf32>
    %div3A_28 = arith.divf %broadcast_in_dim3A_25, %div3A_27 : vector<1024x1xf32>
    %add3A_29 = arith.constant 9.99999974E-6 : f32
    %add3A_30 = vector.broadcast %add3A_29 : f32 to vector<1024x1xf32>
    %add3A_31 = arith.addf %div3A_28, %add3A_30 : vector<1024x1xf32>
    %rsqrt3A = math.rsqrt %add3A_31 : vector<1024x1xf32>
    %mul3A_32 = vector.broadcast %rsqrt3A : vector<1024x1xf32> to vector<1024x32xf32>
    %mul3A_33 = arith.mulf %sub3A_21, %mul3A_32 : vector<1024x32xf32>
    %get3A_34 = arith.constant 0 : index
    %get3A_35 = arith.constant 0 : index
    %get3A_36 = vector.load %arg6[%get3A_34, %get3A_35] : memref<1x32xf32, #tpu.memory_space<vmem>>, vector<1x32xf32>
    %mul3A_37 = vector.broadcast %get3A_36 : vector<1x32xf32> to vector<1024x32xf32>
    %mul3A_38 = arith.mulf %mul3A_33, %mul3A_37 : vector<1024x32xf32>
    %get3A_39 = arith.constant 0 : index
    %get3A_40 = arith.constant 0 : index
    %get3A_41 = vector.load %arg7[%get3A_39, %get3A_40] : memref<1x32xf32, #tpu.memory_space<vmem>>, vector<1x32xf32>
    %add3A_42 = vector.broadcast %get3A_41 : vector<1x32xf32> to vector<1024x32xf32>
    %add3A_43 = arith.addf %mul3A_38, %add3A_42 : vector<1024x32xf32>
    %max3A = arith.constant 0.000000e+00 : f32
    %max3A_44 = vector.broadcast %max3A : f32 to vector<1024x32xf32>
    %max3A_45 = arith.maximumf %add3A_43, %max3A_44 : vector<1024x32xf32>
    %get3A_46 = arith.constant 0 : index
    %get3A_47 = arith.constant 0 : index
    %get3A_48 = vector.load %arg8[%get3A_46, %get3A_47] : memref<32x32xf32, #tpu.memory_space<vmem>>, vector<32x32xf32>
    %dot_general3A = arith.constant dense<0.000000e+00> : vector<1024x32xf32>
    %dot_general3A_49 = tpu.matmul %max3A_45, %get3A_48, %dot_general3A {dimension_numbers = #tpu.dot_dimension_numbers<[1], [0], [0], [1], [0, 0, 1, 1], [], []>, transpose_lhs_hint = false} : vector<1024x32xf32>, vector<32x32xf32>, vector<1024x32xf32> -> vector<1024x32xf32>
    %mul3A_50 = vector.broadcast %get3A_1 : vector<1024x1xf32> to vector<1024x32xf32>
    %mul3A_51 = arith.mulf %dot_general3A_49, %mul3A_50 : vector<1024x32xf32>
    %swap3A = arith.constant 0 : index
    %swap3A_52 = arith.constant 0 : index
    %swap3A_53 = vector.load %arg9[%swap3A, %swap3A_52] : memref<1024x32xf32, #tpu.memory_space<vmem>>, vector<1024x32xf32>
    tpu.vector_store %arg9[%swap3A, %swap3A_52], %mul3A_51 {strides = array<i32>} : memref<1024x32xf32, #tpu.memory_space<vmem>>, vector<1024x32xf32>,
    return
  }
  func.func @transform_0(%arg0: i32) -> (i32, i32) {
    %c0_i32 = arith.constant 0 : i32
    %c0_i32_0 = arith.constant 0 : i32
    return %arg0, %c0_i32 : i32, i32
  }
  func.func @transform_1(%arg0: i32) -> (i32, i32) {
    %c0_i32 = arith.constant 0 : i32
    %c0_i32_0 = arith.constant 0 : i32
    return %arg0, %c0_i32 : i32, i32
  }
  func.func @transform_2(%arg0: i32) -> (i32, i32) {
    %c0_i32 = arith.constant 0 : i32
    %c0_i32_0 = arith.constant 0 : i32
    return %arg0, %c0_i32 : i32, i32
  }
  func.func @transform_3(%arg0: i32) -> (i32, i32) {
    %c0_i32 = arith.constant 0 : i32
    %c0_i32_0 = arith.constant 0 : i32
    return %arg0, %c0_i32 : i32, i32
  }
  func.func @transform_4(%arg0: i32) -> (i32, i32) {
    %c0_i32 = arith.constant 0 : i32
    %c0_i32_0 = arith.constant 0 : i32
    %c0_i32_1 = arith.constant 0 : i32
    return %c0_i32, %c0_i32_0 : i32, i32
  }
  func.func @transform_5(%arg0: i32) -> (i32, i32) {
    %c0_i32 = arith.constant 0 : i32
    %c0_i32_0 = arith.constant 0 : i32
    %c0_i32_1 = arith.constant 0 : i32
    return %c0_i32, %c0_i32_0 : i32, i32
  }
  func.func @transform_6(%arg0: i32) -> (i32, i32) {
    %c0_i32 = arith.constant 0 : i32
    %c0_i32_0 = arith.constant 0 : i32
    %c0_i32_1 = arith.constant 0 : i32
    return %c0_i32, %c0_i32_0 : i32, i32
  }
  func.func @transform_7(%arg0: i32) -> (i32, i32) {
    %c0_i32 = arith.constant 0 : i32
    %c0_i32_0 = arith.constant 0 : i32
    %c0_i32_1 = arith.constant 0 : i32
    return %c0_i32, %c0_i32_0 : i32, i32
  }
  func.func @transform_8(%arg0: i32) -> (i32, i32) {
    %c0_i32 = arith.constant 0 : i32
    %c0_i32_0 = arith.constant 0 : i32
    return %arg0, %c0_i32 : i32, i32
  }
}

module attributes {stable_mosaic.version = 14 : i64} {
  func.func @_tc_mid_body(%arg0: i32, %arg1: memref<1024x32xf32, #tpu.memory_space<vmem>>, %arg2: memref<1024x32xf32, #tpu.memory_space<vmem>>, %arg3: memref<1024x32xf32, #tpu.memory_space<vmem>>, %arg4: memref<1024x1xf32, #tpu.memory_space<vmem>>, %arg5: memref<1x32xf32, #tpu.memory_space<vmem>>, %arg6: memref<1x32xf32, #tpu.memory_space<vmem>>, %arg7: memref<1x32xf32, #tpu.memory_space<vmem>>, %arg8: memref<32x32xf32, #tpu.memory_space<vmem>>, %arg9: memref<1024x32xf32, #tpu.memory_space<vmem>>) attributes {dimension_semantics = [#tpu.dimension_semantics<arbitrary>], iteration_bounds = array<i64: 10>, scalar_prefetch = 0 : i64, scratch_operands = 0 : i64, tpu.core_type = #tpu.core_type<tc>, window_params = [{transform_indices = @transform_0, window_bounds = array<i64: 1024, 32>}, {transform_indices = @transform_1, window_bounds = array<i64: 1024, 32>}, {transform_indices = @transform_2, window_bounds = array<i64: 1024, 32>}, {transform_indices = @transform_3, window_bounds = array<i64: 1024, 1>}, {pipeline_mode = #tpu.pipeline_mode<synchronous>, transform_indices = @transform_4, window_bounds = array<i64: 1, 32>}, {pipeline_mode = #tpu.pipeline_mode<synchronous>, transform_indices = @transform_5, window_bounds = array<i64: 1, 32>}, {pipeline_mode = #tpu.pipeline_mode<synchronous>, transform_indices = @transform_6, window_bounds = array<i64: 1, 32>}, {pipeline_mode = #tpu.pipeline_mode<synchronous>, transform_indices = @transform_7, window_bounds = array<i64: 32, 32>}, {transform_indices = @transform_8, window_bounds = array<i64: 1024, 32>}]} {
    %get3A = arith.constant 0 : index
    %get3A_0 = arith.constant 0 : index
    %get3A_1 = vector.load %arg4[%get3A, %get3A_0] : memref<1024x1xf32, #tpu.memory_space<vmem>>, vector<1024x1xf32>
    %get3A_2 = arith.constant 0 : index
    %get3A_3 = arith.constant 0 : index
    %get3A_4 = vector.load %arg1[%get3A_2, %get3A_3] : memref<1024x32xf32, #tpu.memory_space<vmem>>, vector<1024x32xf32>
    %get3A_5 = arith.constant 0 : index
    %get3A_6 = arith.constant 0 : index
    %get3A_7 = vector.load %arg2[%get3A_5, %get3A_6] : memref<1024x32xf32, #tpu.memory_space<vmem>>, vector<1024x32xf32>
    %add3A = arith.addf %get3A_4, %get3A_7 : vector<1024x32xf32>
    %get3A_8 = arith.constant 0 : index
    %get3A_9 = arith.constant 0 : index
    %get3A_10 = vector.load %arg3[%get3A_8, %get3A_9] : memref<1024x32xf32, #tpu.memory_space<vmem>>, vector<1024x32xf32>
    %add3A_11 = arith.addf %add3A, %get3A_10 : vector<1024x32xf32>
    %mul3A = vector.broadcast %get3A_1 : vector<1024x1xf32> to vector<1024x32xf32>
    %mul3A_12 = arith.mulf %mul3A, %add3A_11 : vector<1024x32xf32>
    %get3A_13 = arith.constant 0 : index
    %get3A_14 = arith.constant 0 : index
    %get3A_15 = vector.load %arg5[%get3A_13, %get3A_14] : memref<1x32xf32, #tpu.memory_space<vmem>>, vector<1x32xf32>
    %add3A_16 = vector.broadcast %get3A_15 : vector<1x32xf32> to vector<1024x32xf32>
    %add3A_17 = arith.addf %mul3A_12, %add3A_16 : vector<1024x32xf32>
    %reduce_sum3A = arith.constant dense<0.000000e+00> : vector<1024xf32>
    %reduce_sum3A_18 = vector.multi_reduction <add>, %add3A_17, %reduce_sum3A [1] : vector<1024x32xf32> to vector<1024xf32>
    %broadcast_in_dim3A = vector.shape_cast %reduce_sum3A_18 : vector<1024xf32> to vector<1024x1xf32>
    %div3A = arith.constant 3.200000e+01 : f32
    %div3A_19 = vector.broadcast %div3A : f32 to vector<1024x1xf32>
    %div3A_20 = arith.divf %broadcast_in_dim3A, %div3A_19 : vector<1024x1xf32>
    %sub3A = vector.broadcast %div3A_20 : vector<1024x1xf32> to vector<1024x32xf32>
    %sub3A_21 = arith.subf %add3A_17, %sub3A : vector<1024x32xf32>
    %mul3A_22 = arith.mulf %sub3A_21, %sub3A_21 : vector<1024x32xf32>
    %reduce_sum3A_23 = arith.constant dense<0.000000e+00> : vector<1024xf32>
    %reduce_sum3A_24 = vector.multi_reduction <add>, %mul3A_22, %reduce_sum3A_23 [1] : vector<1024x32xf32> to vector<1024xf32>
    %broadcast_in_dim3A_25 = vector.shape_cast %reduce_sum3A_24 : vector<1024xf32> to vector<1024x1xf32>
    %div3A_26 = arith.constant 3.200000e+01 : f32
    %div3A_27 = vector.broadcast %div3A_26 : f32 to vector<1024x1xf32>
    %div3A_28 = arith.divf %broadcast_in_dim3A_25, %div3A_27 : vector<1024x1xf32>
    %add3A_29 = arith.constant 9.99999974E-6 : f32
    %add3A_30 = vector.broadcast %add3A_29 : f32 to vector<1024x1xf32>
    %add3A_31 = arith.addf %div3A_28, %add3A_30 : vector<1024x1xf32>
    %rsqrt3A = math.rsqrt %add3A_31 : vector<1024x1xf32>
    %mul3A_32 = vector.broadcast %rsqrt3A : vector<1024x1xf32> to vector<1024x32xf32>
    %mul3A_33 = arith.mulf %sub3A_21, %mul3A_32 : vector<1024x32xf32>
    %get3A_34 = arith.constant 0 : index
    %get3A_35 = arith.constant 0 : index
    %get3A_36 = vector.load %arg6[%get3A_34, %get3A_35] : memref<1x32xf32, #tpu.memory_space<vmem>>, vector<1x32xf32>
    %mul3A_37 = vector.broadcast %get3A_36 : vector<1x32xf32> to vector<1024x32xf32>
    %mul3A_38 = arith.mulf %mul3A_33, %mul3A_37 : vector<1024x32xf32>
    %get3A_39 = arith.constant 0 : index
    %get3A_40 = arith.constant 0 : index
    %get3A_41 = vector.load %arg7[%get3A_39, %get3A_40] : memref<1x32xf32, #tpu.memory_space<vmem>>, vector<1x32xf32>
    %add3A_42 = vector.broadcast %get3A_41 : vector<1x32xf32> to vector<1024x32xf32>
    %add3A_43 = arith.addf %mul3A_38, %add3A_42 : vector<1024x32xf32>
    %max3A = arith.constant 0.000000e+00 : f32
    %max3A_44 = vector.broadcast %max3A : f32 to vector<1024x32xf32>
    %max3A_45 = arith.maximumf %add3A_43, %max3A_44 : vector<1024x32xf32>
    %mul3A_46 = vector.broadcast %get3A_1 : vector<1024x1xf32> to vector<1024x32xf32>
    %mul3A_47 = arith.mulf %max3A_45, %mul3A_46 : vector<1024x32xf32>
    %swap3A = arith.constant 0 : index
    %swap3A_48 = arith.constant 0 : index
    %swap3A_49 = vector.load %arg9[%swap3A, %swap3A_48] : memref<1024x32xf32, #tpu.memory_space<vmem>>, vector<1024x32xf32>
    tpu.vector_store %arg9[%swap3A, %swap3A_48], %mul3A_47 {strides = array<i32>} : memref<1024x32xf32, #tpu.memory_space<vmem>>, vector<1024x32xf32>,
    return
  }
  func.func @transform_0(%arg0: i32) -> (i32, i32) {
    %c0_i32 = arith.constant 0 : i32
    %c0_i32_0 = arith.constant 0 : i32
    return %arg0, %c0_i32 : i32, i32
  }
  func.func @transform_1(%arg0: i32) -> (i32, i32) {
    %c0_i32 = arith.constant 0 : i32
    %c0_i32_0 = arith.constant 0 : i32
    return %arg0, %c0_i32 : i32, i32
  }
  func.func @transform_2(%arg0: i32) -> (i32, i32) {
    %c0_i32 = arith.constant 0 : i32
    %c0_i32_0 = arith.constant 0 : i32
    return %arg0, %c0_i32 : i32, i32
  }
  func.func @transform_3(%arg0: i32) -> (i32, i32) {
    %c0_i32 = arith.constant 0 : i32
    %c0_i32_0 = arith.constant 0 : i32
    return %arg0, %c0_i32 : i32, i32
  }
  func.func @transform_4(%arg0: i32) -> (i32, i32) {
    %c0_i32 = arith.constant 0 : i32
    %c0_i32_0 = arith.constant 0 : i32
    %c0_i32_1 = arith.constant 0 : i32
    return %c0_i32, %c0_i32_0 : i32, i32
  }
  func.func @transform_5(%arg0: i32) -> (i32, i32) {
    %c0_i32 = arith.constant 0 : i32
    %c0_i32_0 = arith.constant 0 : i32
    %c0_i32_1 = arith.constant 0 : i32
    return %c0_i32, %c0_i32_0 : i32, i32
  }
  func.func @transform_6(%arg0: i32) -> (i32, i32) {
    %c0_i32 = arith.constant 0 : i32
    %c0_i32_0 = arith.constant 0 : i32
    %c0_i32_1 = arith.constant 0 : i32
    return %c0_i32, %c0_i32_0 : i32, i32
  }
  func.func @transform_7(%arg0: i32) -> (i32, i32) {
    %c0_i32 = arith.constant 0 : i32
    %c0_i32_0 = arith.constant 0 : i32
    %c0_i32_1 = arith.constant 0 : i32
    return %c0_i32, %c0_i32_0 : i32, i32
  }
  func.func @transform_8(%arg0: i32) -> (i32, i32) {
    %c0_i32 = arith.constant 0 : i32
    %c0_i32_0 = arith.constant 0 : i32
    return %arg0, %c0_i32 : i32, i32
  }
}

module attributes {stable_mosaic.version = 14 : i64} {
  func.func @_tc_fin_body(%arg0: i32, %arg1: memref<1024x32xf32, #tpu.memory_space<vmem>>, %arg2: memref<1024x32xf32, #tpu.memory_space<vmem>>, %arg3: memref<1024x32xf32, #tpu.memory_space<vmem>>, %arg4: memref<1024x1xf32, #tpu.memory_space<vmem>>, %arg5: memref<32x2xf32, #tpu.memory_space<vmem>>, %arg6: memref<1x2xf32, #tpu.memory_space<vmem>>, %arg7: memref<1024x2xf32, #tpu.memory_space<vmem>>) attributes {dimension_semantics = [#tpu.dimension_semantics<arbitrary>], iteration_bounds = array<i64: 10>, scalar_prefetch = 0 : i64, scratch_operands = 0 : i64, tpu.core_type = #tpu.core_type<tc>, window_params = [{transform_indices = @transform_0, window_bounds = array<i64: 1024, 32>}, {transform_indices = @transform_1, window_bounds = array<i64: 1024, 32>}, {transform_indices = @transform_2, window_bounds = array<i64: 1024, 32>}, {transform_indices = @transform_3, window_bounds = array<i64: 1024, 1>}, {pipeline_mode = #tpu.pipeline_mode<synchronous>, transform_indices = @transform_4, window_bounds = array<i64: 32, 2>}, {pipeline_mode = #tpu.pipeline_mode<synchronous>, transform_indices = @transform_5, window_bounds = array<i64: 1, 2>}, {transform_indices = @transform_6, window_bounds = array<i64: 1024, 2>}]} {
    %get3A = arith.constant 0 : index
    %get3A_0 = arith.constant 0 : index
    %get3A_1 = vector.load %arg4[%get3A, %get3A_0] : memref<1024x1xf32, #tpu.memory_space<vmem>>, vector<1024x1xf32>
    %get3A_2 = arith.constant 0 : index
    %get3A_3 = arith.constant 0 : index
    %get3A_4 = vector.load %arg1[%get3A_2, %get3A_3] : memref<1024x32xf32, #tpu.memory_space<vmem>>, vector<1024x32xf32>
    %get3A_5 = arith.constant 0 : index
    %get3A_6 = arith.constant 0 : index
    %get3A_7 = vector.load %arg2[%get3A_5, %get3A_6] : memref<1024x32xf32, #tpu.memory_space<vmem>>, vector<1024x32xf32>
    %add3A = arith.addf %get3A_4, %get3A_7 : vector<1024x32xf32>
    %get3A_8 = arith.constant 0 : index
    %get3A_9 = arith.constant 0 : index
    %get3A_10 = vector.load %arg3[%get3A_8, %get3A_9] : memref<1024x32xf32, #tpu.memory_space<vmem>>, vector<1024x32xf32>
    %add3A_11 = arith.addf %add3A, %get3A_10 : vector<1024x32xf32>
    %mul3A = vector.broadcast %get3A_1 : vector<1024x1xf32> to vector<1024x32xf32>
    %mul3A_12 = arith.mulf %mul3A, %add3A_11 : vector<1024x32xf32>
    %get3A_13 = arith.constant 0 : index
    %get3A_14 = arith.constant 0 : index
    %get3A_15 = vector.load %arg5[%get3A_13, %get3A_14] : memref<32x2xf32, #tpu.memory_space<vmem>>, vector<32x2xf32>
    %dot_general3A = arith.constant dense<0.000000e+00> : vector<1024x2xf32>
    %dot_general3A_16 = tpu.matmul %mul3A_12, %get3A_15, %dot_general3A {dimension_numbers = #tpu.dot_dimension_numbers<[1], [0], [0], [1], [0, 0, 1, 1], [], []>, transpose_lhs_hint = false} : vector<1024x32xf32>, vector<32x2xf32>, vector<1024x2xf32> -> vector<1024x2xf32>
    %get3A_17 = arith.constant 0 : index
    %get3A_18 = arith.constant 0 : index
    %get3A_19 = vector.load %arg6[%get3A_17, %get3A_18] : memref<1x2xf32, #tpu.memory_space<vmem>>, vector<1x2xf32>
    %add3A_20 = vector.broadcast %get3A_19 : vector<1x2xf32> to vector<1024x2xf32>
    %add3A_21 = arith.addf %dot_general3A_16, %add3A_20 : vector<1024x2xf32>
    %swap3A = arith.constant 0 : index
    %swap3A_22 = arith.constant 0 : index
    %swap3A_23 = vector.load %arg7[%swap3A, %swap3A_22] : memref<1024x2xf32, #tpu.memory_space<vmem>>, vector<1024x2xf32>
    tpu.vector_store %arg7[%swap3A, %swap3A_22], %add3A_21 {strides = array<i32>} : memref<1024x2xf32, #tpu.memory_space<vmem>>, vector<1024x2xf32>,
    return
  }
  func.func @transform_0(%arg0: i32) -> (i32, i32) {
    %c0_i32 = arith.constant 0 : i32
    %c0_i32_0 = arith.constant 0 : i32
    return %arg0, %c0_i32 : i32, i32
  }
  func.func @transform_1(%arg0: i32) -> (i32, i32) {
    %c0_i32 = arith.constant 0 : i32
    %c0_i32_0 = arith.constant 0 : i32
    return %arg0, %c0_i32 : i32, i32
  }
  func.func @transform_2(%arg0: i32) -> (i32, i32) {
    %c0_i32 = arith.constant 0 : i32
    %c0_i32_0 = arith.constant 0 : i32
    return %arg0, %c0_i32 : i32, i32
  }
  func.func @transform_3(%arg0: i32) -> (i32, i32) {
    %c0_i32 = arith.constant 0 : i32
    %c0_i32_0 = arith.constant 0 : i32
    return %arg0, %c0_i32 : i32, i32
  }
  func.func @transform_4(%arg0: i32) -> (i32, i32) {
    %c0_i32 = arith.constant 0 : i32
    %c0_i32_0 = arith.constant 0 : i32
    %c0_i32_1 = arith.constant 0 : i32
    return %c0_i32, %c0_i32_0 : i32, i32
  }
  func.func @transform_5(%arg0: i32) -> (i32, i32) {
    %c0_i32 = arith.constant 0 : i32
    %c0_i32_0 = arith.constant 0 : i32
    %c0_i32_1 = arith.constant 0 : i32
    return %c0_i32, %c0_i32_0 : i32, i32
  }
  func.func @transform_6(%arg0: i32) -> (i32, i32) {
    %c0_i32 = arith.constant 0 : i32
    %c0_i32_0 = arith.constant 0 : i32
    return %arg0, %c0_i32 : i32, i32
  }
}

</mosaic_0001>

<sc_bundles>
// kernel: kernel.10.cloned.1.call-start
scs
__scs_entry_jumppad:
0x0: {  	(pc) =	sbr.rel $0x88, $3  }
0x1: {  	(tag) =	ssettag $0x0;
	lr =	simm.s32 $0x1  }
0x2: {  	[smem:$0x3F95] =	sst lr;
	_ =	strace $0xD0000000  }
0x3: {  	_ = 	snop  }
0x4: {  	_ = 	snop  }
0x5: {  	_ = 	snop  }
0x6: {  	_ = 	snop  }
0x7: {  	_ = 	snop  }
__scs_overlays_trampoline_lowered:
0x8: {  	[smem:$0x3FA4] =	sst s0  }
0x9: {  	[smem:$0x3FA5] =	sst s1  }
0xa: {  	[smem:$0x3FA6] =	sst s2  }
0xb: {  	[smem:$0x3FA7] =	sst s3  }
0xc: {  	[smem:$0x3FA8] =	sst s4  }
0xd: {  	[smem:$0x3FA9] =	sst s5  }
0xe: {  	[smem:$0x3FAA] =	sst s6  }
0xf: {  	[smem:$0x3FAB] =	sst s7  }
0x10: {  	[smem:$0x3FAC] =	sst s8  }
0x11: {  	[smem:$0x3FAD] =	sst s9;
	s0 =	simm.s32 @!p0 $0x0  }
0x12: {  	s1 =	sld [smem:$0x3F93];
	s0 =	simm.s32 @p0 $0x1  }
0x13: {  	[smem:$0x3FAE] =	sst s0;
	s0 =	simm.s32 @!p1 $0x0  }
0x14: {  	s2 =	sld [smem:$0x3F92];
	s0 =	simm.s32 @p1 $0x1  }
0x15: {  	[smem:$0x3FAF] =	sst s0;
	s0 =	simm.s32 @!p2 $0x0  }
0x16: {  	s3 =	sld [smem:$0x3FDB];
	s0 =	simm.s32 @p2 $0x1  }
0x17: {  	s4 =	simm.s32 $0x1BF5;
	[smem:$0x3FB1] =	sst s0  }
0x18: {  	s0 =	sld [smem:$0x3F94];
	_ =	swait.ge [sflag:s4], $0x0  }
0x19: {  	s7 =	sld [smem:$0x3F95]  }
0x1a: {  	s8 =	sadd.s32 $0xFFFFE003, lr  }
0x1b: {  	s9 =	sadd.s32 $0xFFFFFEF7, lr;
	s5 =	simm.s32 $0xFFFFFFFF;
	p2 =	slt.u32 s8, $0xFFFFF086  }
0x1c: {  	p1 =	slt.u32 s9, $0xF7A;
	s5 =	simm.s32 @!p2 $0x0  }
0x1d: {  	s5 =	simm.s32 @p1 $0x1;
	p0 =	seq.s32 s7, s2  }
0x1e: {  	s7 =	smul.u32 @!p0 $0xF7A, s2;
	p2 =	seq.s32 @!p0 s5, $0x0  }
0x1f: {  	s9 =	smul.u32 $0xF7A, s1;
	s8 =	simm.s32 @!p0 $0x1BF5;
	p2 =	por !p2, p0  }
0x20: {  	[sflag:s8] =	ssyncset.s32 @!p0 $0xFFFFF086;
	s6 =	sadd.s32 @!p0 s3, s7;
	s7 =	simm.s32 @!p0 $0x108  }
0x21: {  	s3 =	sadd.s32 s3, s9;
	s6 =	sadd.s32 @!p0 $0x88, s6;
	s7 =	simm.s32 @p2 $0x1082  }
0x22: {  	[simem:s7], [sflag:s8] =	dma.local @!p0 [hbm:s6], $0xF7A  }
0x23: {  	s9 =	sor.u32 $0xD0000000, s2;
	s6 =	simm.s32 $0x108;
	_ =	swait.ge @!p0 [sflag:s8], $0x0  }
0x24: {  	s3 =	sadd.s32 $0x88, s3;
	s6 =	simm.s32 @!p1 $0x1082;
	[sflag:s4] =	ssyncset.s32 $0xFFFFF086  }
0x25: {  	[simem:s6], [sflag:s4] =	dma.local [hbm:s3], $0xF7A  }
0x26: {  	[smem:$0x3F95] =	sst s1;
	(tag) =	ssettag s2;
	_ =	strace s9  }
0x27: {  	s1 =	sld [smem:$0x3FA5]  }
0x28: {  	s2 =	sld [smem:$0x3FA6]  }
0x29: {  	s4 =	sld [smem:$0x3FA8]  }
0x2a: {  	p0 =	seq.s32 s5, $0x0;
	s5 =	sld [smem:$0x3FA9]  }
0x2b: {  	s6 =	sld [smem:$0x3FAA]  }
0x2c: {  	s7 =	sld [smem:$0x3FAB]  }
0x2d: {  	s3 =	simm.s32 $0x108;
	s8 =	sld [smem:$0x3FAC]  }
0x2e: {  	s3 =	simm.s32 @!p0 $0x1082;
	s9 =	sld [smem:$0x3FAD]  }
0x2f: {  	lr =	sadd.s32 s0, s3;
	s0 =	sld [smem:$0x3FA4]  }
0x30: {  	s3 =	sld [smem:$0x3FA7]  }
0x31: {  	[smem:$0x3FB0] =	sst s10  }
0x32: {  	s10 =	sld [smem:$0x3FAE];
	_ =	sdelay $0x3  }
0x33: {  	p0 =	seq.s32 s10, $0x1;
	s10 =	sld [smem:$0x3FB0];
	_ =	sdelay $0x3  }
0x34: {  	[smem:$0x3FB0] =	sst s10  }
0x35: {  	s10 =	sld [smem:$0x3FAF];
	_ =	sdelay $0x3  }
0x36: {  	p1 =	seq.s32 s10, $0x1;
	s10 =	sld [smem:$0x3FB0];
	_ =	sdelay $0x3  }
0x37: {  	[smem:$0x3FB0] =	sst s10  }
0x38: {  	s10 =	sld [smem:$0x3FB1]  }
0x39: {  	_ = 	snop;
	(pc) =	sbr.ind lr, $3  }
0x3a: {  	_ = 	snop  }
0x3b: {  	_ = 	snop  }
0x3c: {  	p2 =	seq.s32 s10, $0x1;
	s10 =	sld [smem:$0x3FB0]  }
0x3d: {  	_ =	shalt  }
0x3e: {  	_ =	shalt  }
0x3f: {  	_ =	shalt  }
0x40: {  	_ =	shalt  }
0x41: {  	_ =	shalt  }
0x42: {  	_ =	shalt  }
0x43: {  	_ =	shalt  }
0x44: {  	_ =	shalt  }
0x45: {  	_ =	shalt  }
0x46: {  	_ =	shalt  }
0x47: {  	_ =	shalt  }
0x48: {  	_ =	shalt  }
0x49: {  	_ =	shalt  }
0x4a: {  	_ =	shalt  }
0x4b: {  	_ =	shalt  }
0x4c: {  	_ =	shalt  }
0x4d: {  	_ =	shalt  }
0x4e: {  	_ =	shalt  }
0x4f: {  	_ =	shalt  }
0x50: {  	_ =	shalt  }
0x51: {  	_ =	shalt  }
0x52: {  	_ =	shalt  }
0x53: {  	_ =	shalt  }
0x54: {  	_ =	shalt  }
0x55: {  	_ =	shalt  }
0x56: {  	_ =	shalt  }
0x57: {  	_ =	shalt  }
0x58: {  	_ =	shalt  }
0x59: {  	_ =	shalt  }
0x5a: {  	_ =	shalt  }
0x5b: {  	_ =	shalt  }
0x5c: {  	_ =	shalt  }
0x5d: {  	_ =	shalt  }
0x5e: {  	_ =	shalt  }
0x5f: {  	_ =	shalt  }
0x60: {  	_ =	shalt  }
0x61: {  	_ =	shalt  }
0x62: {  	_ =	shalt  }
0x63: {  	_ =	shalt  }
0x64: {  	_ =	shalt  }
0x65: {  	_ =	shalt  }
0x66: {  	_ =	shalt  }
0x67: {  	_ =	shalt  }
0x68: {  	_ =	shalt  }
0x69: {  	_ =	shalt  }
0x6a: {  	_ =	shalt  }
0x6b: {  	_ =	shalt  }
0x6c: {  	_ =	shalt  }
0x6d: {  	_ =	shalt  }
0x6e: {  	_ =	shalt  }
0x6f: {  	_ =	shalt  }
0x70: {  	_ =	shalt  }
0x71: {  	_ =	shalt  }
0x72: {  	_ =	shalt  }
0x73: {  	_ =	shalt  }
0x74: {  	_ =	shalt  }
0x75: {  	_ =	shalt  }
0x76: {  	_ =	shalt  }
0x77: {  	_ =	shalt  }
0x78: {  	_ =	shalt  }
0x79: {  	_ =	shalt  }
0x7a: {  	_ =	shalt  }
0x7b: {  	_ =	shalt  }
0x7c: {  	_ =	shalt  }
0x7d: {  	_ =	shalt  }
0x7e: {  	_ =	shalt  }
0x7f: {  	_ =	shalt  }
0x80: {  	_ =	shalt  }
0x81: {  	_ =	shalt  }
0x82: {  	_ =	shalt  }
0x83: {  	_ =	shalt  }
0x84: {  	_ =	shalt  }
0x85: {  	_ =	shalt  }
0x86: {  	_ =	shalt  }
0x87: {  	_ =	shalt  }
.Lfunc_end0:
.L_simem_size_0:
called_computation_lowered:
.L_overlay_start_0:
0x88: {  	s2 =	sld [smem:$0x3FD9]  }
0x89: {  	s3 =	sld [smem:$0x3FFE];
	_ =	sdelay $0x1  }
0x8a: {  	s1 =	srdreg.scid  }
0x8b: {  	s0 =	sand.u32 $0x1, s1  }
0x8c: {  	s17 =	sshll.u32 s0, $0xA;
	s2 =	sadd.s32 s3, s2  }
0x8d: {  	s2 =	sadd.s32 s2, s17  }
0x8e: {  	[smem:$0x3FBC] =	sst s2  }
0x8f: {  	_ = 	snop  }
0x90: {  	s2 =	sld [smem:$0x3FD0];
	(tm) =	ssettm $0x1  }
0x91: {  	s18 =	sld [smem:$0x3FFB];
	_ =	sdelay $0x3  }
0x92: {  	_ =	strace s18  }
0x93: {  	s3 =	sld [smem:$0x3FFC];
	_ =	sdelay $0x3  }
0x94: {  	_ =	strace s3  }
0x95: {  	s3 =	sld [smem:$0x3FFD];
	_ =	sdelay $0x3  }
0x96: {  	_ =	strace s3  }
0x97: {  	_ =	strace $0x8FFFFFFF  }
0x98: {  	s19 =	sld [smem:$0x3FDB];
	_ =	sdelay $0x1  }
0x99: {  	s4 =	simm.s32 $_scs_section_size  }
0x9a: {  	s5 =	simm.s32 $_size__tile_overlayer_lowered;
	s6 =	simm.s32 $_tile_overlayer_lowered  }
0x9b: {  	s22 =	simm.s32 $0x1BFF;
	s21 =	sshll.u32 s6, $0x1;
	s3 =	sadd.s32 s4, s19  }
0x9c: {  	s7 =	simm.s32 $0x0;
	s20 =	sshll.u32 s5, $0x1;
	s5 =	sadd.s32 s21, s3  }
0x9d: {  	[timem:s7], [sflag:s22] =	dma.local [hbm:s5], s20  }
0x9e: {  	_ =	swait.ge [sflag:s22], s20  }
0x9f: {  	s4 =	ssub.s32 $0x0, s20;
	[sflag:s22] =	ssyncset.done $0x0  }
0xa0: {  	[sflag:s22] =	ssyncadd.s32 s4;
	_ =	sdelay $0x1  }
0xa1: {  	s23 =	simm.s32 $0x1B8B  }
0xa2: {  	_ =	swait.ge [sflag:s23], $0x1  }
0xa3: {  	[sflag:s23] =	ssyncset.done $0x0  }
0xa4: {  	s25 =	simm.s32 $0x1B8E;
	s24 =	sld [smem:$0x3FFE];
	[sflag:s23] =	ssyncadd.s32 $0xFFFFFFFF  }
0xa5: {  	s26 =	simm.s32 $execute0_lowered;
	[smem:$0x3FD2] =	sst s25  }
0xa6: {  	s5 =	sshll.u32 s26, $0x1;
	_ =	strace $0x80000046;
	[dreg:$0x1] =	wrdreg $0xFFFFFFFF  }
0xa7: {  	s28 =	simm.s32 $_size_execute0_lowered;
	s3 =	sadd.s32 s3, s5;
	[dreg:$0x0] =	wrdreg $0x0  }
0xa8: {  	s5 =	sshll.u32 s28, $0x1;
	[dreg:$0x2] =	wrdreg s3  }
0xa9: {  	[dreg:$0x3] =	wrdreg s5  }
0xaa: {  	[dreg:$0x4] =	wrdreg $0xC0  }
0xab: {  	_ =	task [dreg:s7], $0x5FFFF  }
0xac: {  	[dreg:$0x1] =	wrdreg $0xFFFFFFFF  }
0xad: {  	[dreg:$0x0] =	wrdreg $0x60  }
0xae: {  	[dreg:$0x2] =	wrdreg s24  }
0xaf: {  	[dreg:$0x3] =	wrdreg s2  }
0xb0: {  	[dreg:$0x4] =	wrdreg $0x2C000  }
0xb1: {  	[dreg:$0x5] =	wrdreg $0x9  }
0xb2: {  	_ =	task.clear_ibuf [dreg:s7], $0x6FFFF;
	_ =	strace $0x90000046  }
0xb3: {  	s29 =	simm.s32 $0x9;
	_ =	strace $0x80000048  }
0xb4: {  	_ =	swait.ge [sflag:s29], $0x1  }
0xb5: {  	[sflag:s29] =	ssyncadd.s32 $0xFFFFFFFF  }
0xb6: {  	_ =	strace $0x90000048  }
0xb7: {  	_ =	sfence  }
0xb8: {  	s30 =	sld [smem:$0x0];
	_ =	sdelay $0x2  }
0xb9: {  	s31 =	sshll.u32 s1, $0xD;
	s1 =	sshrl.u32 s1, $0x2  }
0xba: {  	s3 =	sand.u32 $0x4000, s31;
	s1 =	sadd.s32 s1, s30  }
0xbb: {  	s0 =	sor.u32 s3, s0;
	s1 =	sshll.u32 s1, $0x11  }
0xbc: {  	s0 =	sor.u32 s1, s0  }
0xbd: {  	s0 =	sadd.s32 $0x8F2B, s0  }
0xbe: {  	[sflag:s0] =	ssyncadd.remote.s32 $0x1  }
0xbf: {  	_ =	sfence.sel $0xFFFF  }
0xc0: {  	[dreg:$0x0] =	wrdreg $0xFFFFFFFF;
	(pc) =	sbr.abs _section_cstart, $3  }
0xc1: {  	[dreg:$0x1] =	wrdreg $0xFFFFFFFF  }
0xc2: {  	_ =	task.clear_ibuf [dreg:s7], $0x2FFFF;
	_ =	strace $0x9FFFFFFF  }
0xc3: {  	(tm) =	ssettm $0x7FFFFFFF  }
tec
execute0_lowered:
.L_overlay_start_1:
0x0: {  	(tag) =	ssettag $0x1  }
0x1: {  	s6 =	rddreg [dreg:$0x0]  }
0x2: {  	s2 =	rddreg [dreg:$0x1]  }
0x3: {  	s0 =	srdreg.scid;
	s3 =	rddreg [dreg:$0x2]  }
0x4: {  	s1 =	stileid.u32;
	s4 =	simm.s32 $0x0;
	s12 =	simm.s32 $0x2800  }
0x5: {  	s13 =	simm.s32 $0x80;
	s5 =	sand.u32 $0x1, s0;
	s0 =	rddreg [dreg:$0x3]  }
0x6: {  	s14 =	simm.s32 $0x0;
	s8 =	smul.u32 $0x1400, s1;
	[smem:$0x7FF] =	sst s4  }
0x7: {  	s31 =	sshll.u32 s1, $0x6;
	s7 =	sshll.u32 s5, $0x4;
	s9 =	smul.u32 $0x14000, s5  }
0x8: {  	_ =	strace $0x80000047;
	s10 =	ssub.s32 $0x2, s5;
	s7 =	sor.u32 s1, s7  }
0x9: {  	s5 =	sadd.s32 $0xDC00, s6;
	s7 =	smul.u32 $0x500, s7;
	s9 =	sadd.s32 s8, s9  }
0xa: {  	s30 =	sshrl.u32 s10, $0x1;
	s11 =	sadd.s32 s8, s3;
	s9 =	sshrl.u32 s9, $0x3  }
0xb: {  	s10 =	ssub.s32 s10, s30;
	s7 =	sadd.s32 s7, s6;
	s9 =	sadd.s32 s9, s6  }
0xc: {  	s6 =	sor.u32 $0x1C01, s31;
	s7 =	sadd.s32 $0x3C00, s7;
	s8 =	sadd.s32 $0xDE00, s9  }
0xd: {  	s9 =	smax.u32 s10, $0x1;
	s10 =	sshrl.u32 s11, $0x3;
	s11 =	simm.s32 $0x1  }
.LBB2_1:
0xe: {  	[spmem:s10], [sflag:s6] =	dma.local [hbm:s2], $0x280  }
0xf: {  	_ =	swait.ge [sflag:s11], $0x280  }
0x10: {  	[sflag:s11] =	ssyncset.done $0x0  }
0x11: {  	[sflag:s11] =	ssyncadd.s32 $0xFFFFFD80  }
0x12: {  	[tilespmem:s12], [sflag:$0x1] =	stream.linear.gather [hbm4b:s5+s4], $0x400, $0x38;
	[tilespmem:$0x4000] =	vst v63  }
0x13: {  	_ =	swait.ge [sflag:s11], $0x400  }
0x14: {  	[sflag:s11] =	ssyncset.done $0x0  }
0x15: {  	[sflag:s11] =	ssyncadd.s32 $0xFFFFFC00  }
0x16: {  	[tilespmem:s4], [sflag:$0x1] =	stream.linear.gather [hbm4b:s7+s4], $0x2800, $0x38;
	[tilespmem:$0x4000] =	vst v63  }
0x17: {  	_ =	swait.ge [sflag:s11], $0x2800  }
0x18: {  	[sflag:s11] =	ssyncset.done $0x0  }
0x19: {  	[sflag:s11] =	ssyncadd.s32 $0xFFFFD800  }
0x1a: {  	s15 =	simm.s32 $0x0;
	[bflag:$0x0] =	sbarrier.arrive $0xFFFF  }
0x1b: {  	[spmem:s3] =	stream.indirect.scatter.add.f32 [tilespmem:s12], [sflag:$0x1], $0x8, s15, s13, $0xb8;
	[tilespmem:$0x4000] =	vst v63  }
0x1c: {  	_ =	swait.ge [sflag:s11], $0x400  }
0x1d: {  	s15 =	simm.s32 $0x200;
	[sflag:s11] =	ssyncset.done $0x0  }
.LBB2_2:
0x1e: {  	s16 =	sshra.s32 s15, $0x2;
	[sflag:s11] =	ssyncadd.s32 $0xFFFFFC00;
	p0 =	sne.s32 s15, $0x9E00  }
0x1f: {  	[spmem:s3] =	stream.indirect.scatter.add.f32 [tilespmem:s12], [sflag:$0x1], $0x8, s16, s13, $0xb8;
	[tilespmem:$0x4000] =	vst v63  }
.Ltmp0:
0x20: {  	_ = 	snop;
	(pc) =	sbr.rel @p0 .LBB2_2-.Ltmp0, $4  }
0x21: {  	_ = 	snop  }
0x22: {  	s15 =	sadd.s32 $0x200, s15  }
0x23: {  	_ =	swait.ge [sflag:s11], $0x400  }
0x24: {  	[sflag:s11] =	ssyncset.done $0x0  }
0x25: {  	s14 =	sadd.s32 $0x1, s14  }
0x26: {  	[sflag:s11] =	ssyncadd.s32 $0xFFFFFC00;
	p0 =	sne.s32 s14, s9  }
.Ltmp1:
0x27: {  	[bflag:$0x0] =	sbarrier.arrive $0xFFFF;
	(pc) =	sbr.rel @p0 .LBB2_1-.Ltmp1, $4  }
0x28: {  	[hbm:s8], [sflag:s6] =	dma.local [spmem:s10], $0x280  }
0x29: {  	_ =	swait.ge [sflag:s11], $0x280  }
0x2a: {  	[sflag:s11] =	ssyncset.done $0x0  }
0x2b: {  	[sflag:s11] =	ssyncadd.s32 $0xFFFFFD80  }
0x2c: {  	_ =	sfence.sel $0x180000  }
0x2d: {  	[bflag:$0x0] =	sbarrier.arrive $0xFFFF  }
0x2e: {  	p0 =	sne.s32 s1, $0x0;
	_ =	strace $0x90000047  }
0x2f: {  	s0 =	sadd.s32 @!p0 $0x100000, s0;
	[bflag:$0x2] =	sbarrier.arrive $0xFFFF  }
0x30: {  	[sflag:s0] =	ssyncadd.tile.s32 @!p0 $0x1;
	_ =	shalt  }
.Lfunc_end2:
_tile_overlayer_lowered:
.L_overlay_start_2:
0x31: {  	(tag) =	ssettag $0x2  }
0x32: {  	s0 =	rddreg [dreg:$0x0];
	s2 =	stileid.u32  }
0x33: {  	s1 =	rddreg [dreg:$0x1];
	p0 =	sne.s32 s2, $0x0  }
0x34: {  	s3 =	rddreg [dreg:$0x2];
	[bflag:$0x3] =	sbarrier.arrive $0xFFFF;
	s2 =	simm.s32 @!p0 $0x1C01  }
0x35: {  	[timem:s3], [sflag:s2] =	dma.local @!p0 [hbm:s0], s1  }
0x36: {  	s0 =	simm.s32 @!p0 $0x1  }
0x37: {  	_ =	swait.ge @!p0 [sflag:s0], s1  }
0x38: {  	s1 =	ssub.s32 @!p0 $0x0, s1;
	[sflag:s0] =	ssyncset.done @!p0 $0x0  }
0x39: {  	[sflag:s0] =	ssyncadd.s32 @!p0 s1  }
0x3a: {  	[bflag:$0x3] =	sbarrier.arrive $0xFFFF  }
0x3b: {  	_ =	shalt  }

// kernel: kernel.13.cloned.1.call-start
scs
__scs_entry_jumppad:
0x0: {  	(pc) =	sbr.rel $0x88, $3  }
0x1: {  	(tag) =	ssettag $0x0;
	lr =	simm.s32 $0x1  }
0x2: {  	[smem:$0x3F95] =	sst lr;
	_ =	strace $0xD0000000  }
0x3: {  	_ = 	snop  }
0x4: {  	_ = 	snop  }
0x5: {  	_ = 	snop  }
0x6: {  	_ = 	snop  }
0x7: {  	_ = 	snop  }
__scs_overlays_trampoline_lowered:
0x8: {  	[smem:$0x3FA4] =	sst s0  }
0x9: {  	[smem:$0x3FA5] =	sst s1  }
0xa: {  	[smem:$0x3FA6] =	sst s2  }
0xb: {  	[smem:$0x3FA7] =	sst s3  }
0xc: {  	[smem:$0x3FA8] =	sst s4  }
0xd: {  	[smem:$0x3FA9] =	sst s5  }
0xe: {  	[smem:$0x3FAA] =	sst s6  }
0xf: {  	[smem:$0x3FAB] =	sst s7  }
0x10: {  	[smem:$0x3FAC] =	sst s8  }
0x11: {  	[smem:$0x3FAD] =	sst s9;
	s0 =	simm.s32 @!p0 $0x0  }
0x12: {  	s1 =	sld [smem:$0x3F93];
	s0 =	simm.s32 @p0 $0x1  }
0x13: {  	[smem:$0x3FAE] =	sst s0;
	s0 =	simm.s32 @!p1 $0x0  }
0x14: {  	s2 =	sld [smem:$0x3F92];
	s0 =	simm.s32 @p1 $0x1  }
0x15: {  	[smem:$0x3FAF] =	sst s0;
	s0 =	simm.s32 @!p2 $0x0  }
0x16: {  	s3 =	sld [smem:$0x3FDB];
	s0 =	simm.s32 @p2 $0x1  }
0x17: {  	s4 =	simm.s32 $0x1BF5;
	[smem:$0x3FB1] =	sst s0  }
0x18: {  	s0 =	sld [smem:$0x3F94];
	_ =	swait.ge [sflag:s4], $0x0  }
0x19: {  	s7 =	sld [smem:$0x3F95]  }
0x1a: {  	s8 =	sadd.s32 $0xFFFFE003, lr  }
0x1b: {  	s9 =	sadd.s32 $0xFFFFFEF7, lr;
	s5 =	simm.s32 $0xFFFFFFFF;
	p2 =	slt.u32 s8, $0xFFFFF086  }
0x1c: {  	p1 =	slt.u32 s9, $0xF7A;
	s5 =	simm.s32 @!p2 $0x0  }
0x1d: {  	s5 =	simm.s32 @p1 $0x1;
	p0 =	seq.s32 s7, s2  }
0x1e: {  	s7 =	smul.u32 @!p0 $0xF7A, s2;
	p2 =	seq.s32 @!p0 s5, $0x0  }
0x1f: {  	s9 =	smul.u32 $0xF7A, s1;
	s8 =	simm.s32 @!p0 $0x1BF5;
	p2 =	por !p2, p0  }
0x20: {  	[sflag:s8] =	ssyncset.s32 @!p0 $0xFFFFF086;
	s6 =	sadd.s32 @!p0 s3, s7;
	s7 =	simm.s32 @!p0 $0x108  }
0x21: {  	s3 =	sadd.s32 s3, s9;
	s6 =	sadd.s32 @!p0 $0x88, s6;
	s7 =	simm.s32 @p2 $0x1082  }
0x22: {  	[simem:s7], [sflag:s8] =	dma.local @!p0 [hbm:s6], $0xF7A  }
0x23: {  	s9 =	sor.u32 $0xD0000000, s2;
	s6 =	simm.s32 $0x108;
	_ =	swait.ge @!p0 [sflag:s8], $0x0  }
0x24: {  	s3 =	sadd.s32 $0x88, s3;
	s6 =	simm.s32 @!p1 $0x1082;
	[sflag:s4] =	ssyncset.s32 $0xFFFFF086  }
0x25: {  	[simem:s6], [sflag:s4] =	dma.local [hbm:s3], $0xF7A  }
0x26: {  	[smem:$0x3F95] =	sst s1;
	(tag) =	ssettag s2;
	_ =	strace s9  }
0x27: {  	s1 =	sld [smem:$0x3FA5]  }
0x28: {  	s2 =	sld [smem:$0x3FA6]  }
0x29: {  	s4 =	sld [smem:$0x3FA8]  }
0x2a: {  	p0 =	seq.s32 s5, $0x0;
	s5 =	sld [smem:$0x3FA9]  }
0x2b: {  	s6 =	sld [smem:$0x3FAA]  }
0x2c: {  	s7 =	sld [smem:$0x3FAB]  }
0x2d: {  	s3 =	simm.s32 $0x108;
	s8 =	sld [smem:$0x3FAC]  }
0x2e: {  	s3 =	simm.s32 @!p0 $0x1082;
	s9 =	sld [smem:$0x3FAD]  }
0x2f: {  	lr =	sadd.s32 s0, s3;
	s0 =	sld [smem:$0x3FA4]  }
0x30: {  	s3 =	sld [smem:$0x3FA7]  }
0x31: {  	[smem:$0x3FB0] =	sst s10  }
0x32: {  	s10 =	sld [smem:$0x3FAE];
	_ =	sdelay $0x3  }
0x33: {  	p0 =	seq.s32 s10, $0x1;
	s10 =	sld [smem:$0x3FB0];
	_ =	sdelay $0x3  }
0x34: {  	[smem:$0x3FB0] =	sst s10  }
0x35: {  	s10 =	sld [smem:$0x3FAF];
	_ =	sdelay $0x3  }
0x36: {  	p1 =	seq.s32 s10, $0x1;
	s10 =	sld [smem:$0x3FB0];
	_ =	sdelay $0x3  }
0x37: {  	[smem:$0x3FB0] =	sst s10  }
0x38: {  	s10 =	sld [smem:$0x3FB1]  }
0x39: {  	_ = 	snop;
	(pc) =	sbr.ind lr, $3  }
0x3a: {  	_ = 	snop  }
0x3b: {  	_ = 	snop  }
0x3c: {  	p2 =	seq.s32 s10, $0x1;
	s10 =	sld [smem:$0x3FB0]  }
0x3d: {  	_ =	shalt  }
0x3e: {  	_ =	shalt  }
0x3f: {  	_ =	shalt  }
0x40: {  	_ =	shalt  }
0x41: {  	_ =	shalt  }
0x42: {  	_ =	shalt  }
0x43: {  	_ =	shalt  }
0x44: {  	_ =	shalt  }
0x45: {  	_ =	shalt  }
0x46: {  	_ =	shalt  }
0x47: {  	_ =	shalt  }
0x48: {  	_ =	shalt  }
0x49: {  	_ =	shalt  }
0x4a: {  	_ =	shalt  }
0x4b: {  	_ =	shalt  }
0x4c: {  	_ =	shalt  }
0x4d: {  	_ =	shalt  }
0x4e: {  	_ =	shalt  }
0x4f: {  	_ =	shalt  }
0x50: {  	_ =	shalt  }
0x51: {  	_ =	shalt  }
0x52: {  	_ =	shalt  }
0x53: {  	_ =	shalt  }
0x54: {  	_ =	shalt  }
0x55: {  	_ =	shalt  }
0x56: {  	_ =	shalt  }
0x57: {  	_ =	shalt  }
0x58: {  	_ =	shalt  }
0x59: {  	_ =	shalt  }
0x5a: {  	_ =	shalt  }
0x5b: {  	_ =	shalt  }
0x5c: {  	_ =	shalt  }
0x5d: {  	_ =	shalt  }
0x5e: {  	_ =	shalt  }
0x5f: {  	_ =	shalt  }
0x60: {  	_ =	shalt  }
0x61: {  	_ =	shalt  }
0x62: {  	_ =	shalt  }
0x63: {  	_ =	shalt  }
0x64: {  	_ =	shalt  }
0x65: {  	_ =	shalt  }
0x66: {  	_ =	shalt  }
0x67: {  	_ =	shalt  }
0x68: {  	_ =	shalt  }
0x69: {  	_ =	shalt  }
0x6a: {  	_ =	shalt  }
0x6b: {  	_ =	shalt  }
0x6c: {  	_ =	shalt  }
0x6d: {  	_ =	shalt  }
0x6e: {  	_ =	shalt  }
0x6f: {  	_ =	shalt  }
0x70: {  	_ =	shalt  }
0x71: {  	_ =	shalt  }
0x72: {  	_ =	shalt  }
0x73: {  	_ =	shalt  }
0x74: {  	_ =	shalt  }
0x75: {  	_ =	shalt  }
0x76: {  	_ =	shalt  }
0x77: {  	_ =	shalt  }
0x78: {  	_ =	shalt  }
0x79: {  	_ =	shalt  }
0x7a: {  	_ =	shalt  }
0x7b: {  	_ =	shalt  }
0x7c: {  	_ =	shalt  }
0x7d: {  	_ =	shalt  }
0x7e: {  	_ =	shalt  }
0x7f: {  	_ =	shalt  }
0x80: {  	_ =	shalt  }
0x81: {  	_ =	shalt  }
0x82: {  	_ =	shalt  }
0x83: {  	_ =	shalt  }
0x84: {  	_ =	shalt  }
0x85: {  	_ =	shalt  }
0x86: {  	_ =	shalt  }
0x87: {  	_ =	shalt  }
.Lfunc_end0:
.L_simem_size_0:
called_computation.1_lowered:
.L_overlay_start_0:
0x88: {  	s2 =	sld [smem:$0x3FD9]  }
0x89: {  	s3 =	sld [smem:$0x3FFE];
	_ =	sdelay $0x1  }
0x8a: {  	s1 =	srdreg.scid  }
0x8b: {  	s0 =	sand.u32 $0x1, s1  }
0x8c: {  	s16 =	sshll.u32 s0, $0xA;
	s2 =	sadd.s32 s3, s2  }
0x8d: {  	s2 =	sadd.s32 s2, s16  }
0x8e: {  	[smem:$0x3FBC] =	sst s2  }
0x8f: {  	_ = 	snop  }
0x90: {  	(tm) =	ssettm $0x1  }
0x91: {  	s17 =	sld [smem:$0x3FFB];
	_ =	sdelay $0x3  }
0x92: {  	_ =	strace s17  }
0x93: {  	s2 =	sld [smem:$0x3FFC];
	_ =	sdelay $0x3  }
0x94: {  	_ =	strace s2  }
0x95: {  	s2 =	sld [smem:$0x3FFD];
	_ =	sdelay $0x3  }
0x96: {  	_ =	strace s2  }
0x97: {  	_ =	strace $0x8FFFFFFF  }
0x98: {  	s18 =	sld [smem:$0x3FDB];
	_ =	sdelay $0x1  }
0x99: {  	s19 =	simm.s32 $_scs_section_size  }
0x9a: {  	s4 =	simm.s32 $_size__tile_overlayer_lowered;
	s5 =	simm.s32 $_tile_overlayer_lowered  }
0x9b: {  	s22 =	simm.s32 $0x1BFF;
	s21 =	sshll.u32 s5, $0x1;
	s2 =	sadd.s32 s19, s18  }
0x9c: {  	s6 =	simm.s32 $0x0;
	s20 =	sshll.u32 s4, $0x1;
	s4 =	sadd.s32 s21, s2  }
0x9d: {  	[timem:s6], [sflag:s22] =	dma.local [hbm:s4], s20  }
0x9e: {  	_ =	swait.ge [sflag:s22], s20  }
0x9f: {  	s3 =	ssub.s32 $0x0, s20;
	[sflag:s22] =	ssyncset.done $0x0  }
0xa0: {  	[sflag:s22] =	ssyncadd.s32 s3;
	_ =	sdelay $0x1  }
0xa1: {  	s23 =	simm.s32 $0x1B8B  }
0xa2: {  	_ =	swait.ge [sflag:s23], $0x1  }
0xa3: {  	[sflag:s23] =	ssyncset.done $0x0  }
0xa4: {  	s25 =	simm.s32 $0x1B8E;
	s24 =	sld [smem:$0x3FFE];
	[sflag:s23] =	ssyncadd.s32 $0xFFFFFFFF  }
0xa5: {  	s26 =	simm.s32 $execute0_lowered;
	[smem:$0x3FD2] =	sst s25  }
0xa6: {  	s4 =	sshll.u32 s26, $0x1;
	_ =	strace $0x80000049;
	[dreg:$0x1] =	wrdreg $0xFFFFFFFF  }
0xa7: {  	s28 =	simm.s32 $_size_execute0_lowered;
	s2 =	sadd.s32 s2, s4;
	[dreg:$0x0] =	wrdreg $0x0  }
0xa8: {  	s4 =	sshll.u32 s28, $0x1;
	[dreg:$0x2] =	wrdreg s2  }
0xa9: {  	[dreg:$0x3] =	wrdreg s4  }
0xaa: {  	[dreg:$0x4] =	wrdreg $0xC0  }
0xab: {  	_ =	task [dreg:s6], $0x5FFFF  }
0xac: {  	[dreg:$0x1] =	wrdreg $0xFFFFFFFF  }
0xad: {  	[dreg:$0x0] =	wrdreg $0x60  }
0xae: {  	[dreg:$0x2] =	wrdreg s24  }
0xaf: {  	[dreg:$0x3] =	wrdreg $0xD0000  }
0xb0: {  	[dreg:$0x4] =	wrdreg $0x120000  }
0xb1: {  	[dreg:$0x5] =	wrdreg $0x9  }
0xb2: {  	_ =	task.clear_ibuf [dreg:s6], $0x6FFFF;
	_ =	strace $0x90000049  }
0xb3: {  	s29 =	simm.s32 $0x9;
	_ =	strace $0x8000004B  }
0xb4: {  	_ =	swait.ge [sflag:s29], $0x1  }
0xb5: {  	[sflag:s29] =	ssyncadd.s32 $0xFFFFFFFF  }
0xb6: {  	_ =	strace $0x9000004B  }
0xb7: {  	_ =	sfence  }
0xb8: {  	s30 =	sld [smem:$0x0];
	_ =	sdelay $0x2  }
0xb9: {  	s31 =	sshll.u32 s1, $0xD;
	s1 =	sshrl.u32 s1, $0x2  }
0xba: {  	s3 =	sand.u32 $0x4000, s31;
	s1 =	sadd.s32 s1, s30  }
0xbb: {  	s0 =	sor.u32 s3, s0;
	s1 =	sshll.u32 s1, $0x11  }
0xbc: {  	s0 =	sor.u32 s1, s0  }
0xbd: {  	s0 =	sadd.s32 $0x8F2B, s0  }
0xbe: {  	[sflag:s0] =	ssyncadd.remote.s32 $0x1  }
0xbf: {  	_ =	sfence.sel $0xFFFF  }
0xc0: {  	[dreg:$0x0] =	wrdreg $0xFFFFFFFF;
	(pc) =	sbr.abs _section_cstart, $3  }
0xc1: {  	[dreg:$0x1] =	wrdreg $0xFFFFFFFF  }
0xc2: {  	_ =	task.clear_ibuf [dreg:s6], $0x2FFFF;
	_ =	strace $0x9FFFFFFF  }
0xc3: {  	(tm) =	ssettm $0x7FFFFFFF  }
tec
execute0_lowered:
.L_overlay_start_1:
0x0: {  	(tag) =	ssettag $0x1  }
0x1: {  	s1 =	rddreg [dreg:$0x0]  }
0x2: {  	s0 =	srdreg.scid;
	s2 =	rddreg [dreg:$0x1]  }
0x3: {  	s8 =	stileid.u32;
	s3 =	rddreg [dreg:$0x2]  }
0x4: {  	s6 =	simm.s32 $0x0;
	s16 =	simm.s32 $0x80;
	s17 =	simm.s32 $0x5000  }
0x5: {  	s18 =	simm.s32 $0x6000;
	s25 =	simm.s32 $0x9000;
	s26 =	simm.s32 $0xB000  }
0x6: {  	s28 =	simm.s32 $0xC000;
	s29 =	simm.s32 $0x4;
	s30 =	simm.s32 $0x9  }
0x7: {  	s31 =	simm.s32 $0x6;
	[smem:$0x7FF] =	sst s6;
	s9 =	sadd.s32 $0xDC00, s1  }
0x8: {  	s0 =	sand.u32 $0x1, s0;
	_ =	strace $0x8000004A;
	[dreg:$0x6] =	wrdreg s9  }
0x9: {  	s5 =	smul.u32 $0x5000, s8;
	s4 =	sshll.u32 s0, $0x4;
	[dreg:$0x4] =	wrdreg s25  }
0xa: {  	s20 =	smul.u32 $0x50000, s0;
	s0 =	ssub.s32 $0x2, s0;
	[dreg:$0x5] =	wrdreg s26  }
0xb: {  	s25 =	simm.s32 $0x2;
	s26 =	simm.s32 $0x3;
	s4 =	sor.u32 s8, s4  }
0xc: {  	s7 =	sshrl.u32 s5, $0x3;
	s21 =	sshrl.u32 s0, $0x1;
	s8 =	sshll.u32 s8, $0x6  }
0xd: {  	s22 =	sadd.s32 s5, s2;
	s4 =	smul.u32 $0x500, s4;
	s7 =	sadd.s32 s7, s1  }
0xe: {  	s6 =	sadd.s32 s5, s20;
	s0 =	ssub.s32 s0, s21;
	s5 =	sadd.s32 s5, s3  }
0xf: {  	s20 =	simm.s32 $0x7000;
	s6 =	sshrl.u32 s6, $0x3;
	s7 =	sadd.s32 $0x6CE00, s7  }
0x10: {  	s0 =	smax.u32 s0, $0x1;
	s24 =	sshrl.u32 s5, $0x3;
	[dreg:$0x8] =	wrdreg s7  }
0x11: {  	s5 =	simm.s32 $0x0;
	s4 =	sadd.s32 s4, s1;
	[dreg:$0xc] =	wrdreg s0  }
0x12: {  	s1 =	sadd.s32 s6, s1;
	s6 =	sor.u32 $0x1C11, s8;
	[dreg:$0xe] =	wrdreg s24  }
0x13: {  	s7 =	sshrl.u32 s22, $0x3;
	s8 =	simm.s32 $0x11;
	[dreg:$0x7] =	wrdreg s6  }
0x14: {  	s22 =	simm.s32 $0x8000;
	s23 =	sadd.s32 $0x12E00, s4;
	[dreg:$0xd] =	wrdreg s7  }
0x15: {  	s24 =	simm.s32 $0xA000;
	s4 =	sadd.s32 $0x3C00, s4;
	[dreg:$0x9] =	wrdreg s23  }
0x16: {  	s0 =	simm.s32 $0x8;
	s1 =	sadd.s32 $0x76E00, s1;
	[dreg:$0xa] =	wrdreg s4  }
0x17: {  	[dreg:$0xb] =	wrdreg s1;
	s23 =	simm.s32 $0x1;
	s1 =	simm.s32 $0xB  }
.LBB2_1:
0x18: {  	[dreg:$0xf] =	wrdreg s5  }
0x19: {  	s4 =	rddreg [dreg:$0x6]  }
0x1a: {  	[spmem:s7], [sflag:s6] =	dma.local [hbm:s4], $0xA00  }
0x1b: {  	_ =	swait.ge [sflag:s8], $0xA00  }
0x1c: {  	[sflag:s8] =	ssyncset.done $0x0;
	s11 =	rddreg [dreg:$0x8]  }
0x1d: {  	s12 =	rddreg [dreg:$0xe];
	[sflag:s8] =	ssyncadd.s32 $0xFFFFF600  }
0x1e: {  	[spmem:s12], [sflag:s6] =	dma.local [hbm:s11], $0xA00  }
0x1f: {  	_ =	swait.ge [sflag:s8], $0xA00  }
0x20: {  	[sflag:s8] =	ssyncset.done $0x0  }
0x21: {  	s13 =	simm.s32 $0x0;
	s14 =	rddreg [dreg:$0x9];
	[sflag:s8] =	ssyncadd.s32 $0xFFFFF600  }
0x22: {  	[tilespmem:s13], [sflag:$0x11] =	stream.linear.gather [hbm4b:s14+s13], $0x2800, $0x38;
	[tilespmem:$0x17000] =	vst v63  }
0x23: {  	_ =	swait.ge [sflag:s8], $0x2800  }
0x24: {  	[sflag:s8] =	ssyncset.done $0x0  }
0x25: {  	s19 =	simm.s32 $0x2800;
	s15 =	rddreg [dreg:$0xa];
	[sflag:s8] =	ssyncadd.s32 $0xFFFFD800  }
0x26: {  	[tilespmem:s19], [sflag:$0x11] =	stream.linear.gather [hbm4b:s15+s13], $0x2800, $0x38;
	[tilespmem:$0x17000] =	vst v63  }
0x27: {  	_ =	swait.ge [sflag:s8], $0x2800  }
0x28: {  	[sflag:s8] =	ssyncset.done $0x0  }
0x29: {  	[sflag:s8] =	ssyncadd.s32 $0xFFFFD800  }
0x2a: {  	[bflag:$0x0] =	sbarrier.arrive $0xFFFF  }
0x2b: {  	[tilespmem:s17], [sflag:$0x1] =	stream.indirect.gather [spmem:s3], $0x20, s13, s16, $0xb8;
	[tilespmem:$0x17000] =	vst v63  }
0x2c: {  	_ = 	snop  }
0x2d: {  	[tilespmem:s18], [sflag:$0x2] =	stream.indirect.gather [spmem:s3], $0x20, s16, s16, $0xb8;
	[tilespmem:$0x17000] =	vst v63  }
0x2e: {  	s21 =	simm.s32 $0x100;
	p0 =	por $0x1, $0x1  }
0x2f: {  	[tilespmem:s20], [sflag:$0x3] =	stream.indirect.gather [spmem:s3], $0x20, s21, s16, $0xb8;
	[tilespmem:$0x17000] =	vst v63  }
0x30: {  	s5 =	simm.s32 $0x180;
	s4 =	simm.s32 @!p0 $0xD  }
0x31: {  	[tilespmem:s22], [sflag:$0x4] =	stream.indirect.gather [spmem:s3], $0x20, s5, s16, $0xb8;
	[tilespmem:$0x17000] =	vst v63  }
0x32: {  	_ =	swait.ge @!p0 [sflag:s4], $0x1000  }
0x33: {  	[sflag:s4] =	ssyncset.done @!p0 $0x0  }
0x34: {  	s7 =	simm.s32 $0x200;
	s6 =	rddreg [dreg:$0x4];
	[sflag:s4] =	ssyncadd.s32 @!p0 $0xFFFFF000  }
0x35: {  	[tilespmem:s6], [sflag:$0x5] =	stream.indirect.gather [spmem:s3], $0x20, s7, s16, $0xb8;
	[tilespmem:$0x17000] =	vst v63  }
0x36: {  	_ =	swait.ge [sflag:s23], $0x1000  }
0x37: {  	[sflag:s23] =	ssyncset.done $0x0  }
0x38: {  	s9 =	simm.s32 $0x2800;
	s8 =	simm.s32 @!p0 $0xE;
	[sflag:s23] =	ssyncadd.s32 $0xFFFFF000  }
0x39: {  	[spmem:s2] =	stream.indirect.scatter.add.f32 [tilespmem:s17], [sflag:$0x9], $0x20, s9, s16, $0xb8;
	[tilespmem:$0x17000] =	vst v63  }
0x3a: {  	_ =	swait.ge @!p0 [sflag:s8], $0x1000  }
0x3b: {  	[sflag:s8] =	ssyncset.done @!p0 $0x0  }
0x3c: {  	s10 =	simm.s32 $0x280;
	[sflag:s8] =	ssyncadd.s32 @!p0 $0xFFFFF000  }
0x3d: {  	[tilespmem:s24], [sflag:$0x6] =	stream.indirect.gather [spmem:s3], $0x20, s10, s16, $0xb8;
	[tilespmem:$0x17000] =	vst v63  }
0x3e: {  	_ =	swait.ge [sflag:s25], $0x1000  }
0x3f: {  	[sflag:s25] =	ssyncset.done $0x0  }
0x40: {  	s11 =	simm.s32 $0x2880;
	s8 =	simm.s32 @!p0 $0xF;
	[sflag:s25] =	ssyncadd.s32 $0xFFFFF000  }
0x41: {  	[spmem:s2] =	stream.indirect.scatter.add.f32 [tilespmem:s18], [sflag:$0xA], $0x20, s11, s16, $0xb8;
	[tilespmem:$0x17000] =	vst v63  }
0x42: {  	_ =	swait.ge @!p0 [sflag:s8], $0x1000  }
0x43: {  	[sflag:s8] =	ssyncset.done @!p0 $0x0  }
0x44: {  	s13 =	simm.s32 $0x300;
	s12 =	rddreg [dreg:$0x5];
	[sflag:s8] =	ssyncadd.s32 @!p0 $0xFFFFF000  }
0x45: {  	[tilespmem:s12], [sflag:$0x7] =	stream.indirect.gather [spmem:s3], $0x20, s13, s16, $0xb8;
	[tilespmem:$0x17000] =	vst v63  }
0x46: {  	_ =	swait.ge [sflag:s26], $0x1000  }
0x47: {  	[sflag:s26] =	ssyncset.done $0x0  }
0x48: {  	s14 =	simm.s32 $0x2900;
	s8 =	simm.s32 @!p0 $0x10;
	[sflag:s26] =	ssyncadd.s32 $0xFFFFF000  }
0x49: {  	[spmem:s2] =	stream.indirect.scatter.add.f32 [tilespmem:s20], [sflag:$0xB], $0x20, s14, s16, $0xb8;
	[tilespmem:$0x17000] =	vst v63  }
0x4a: {  	_ =	swait.ge @!p0 [sflag:s8], $0x1000  }
0x4b: {  	[sflag:s8] =	ssyncset.done @!p0 $0x0  }
0x4c: {  	s15 =	simm.s32 $0x380;
	[sflag:s8] =	ssyncadd.s32 @!p0 $0xFFFFF000  }
0x4d: {  	[tilespmem:s28], [sflag:$0x8] =	stream.indirect.gather [spmem:s3], $0x20, s15, s16, $0xb8;
	[tilespmem:$0x17000] =	vst v63  }
0x4e: {  	_ =	swait.ge [sflag:s29], $0x1000  }
0x4f: {  	[sflag:s29] =	ssyncset.done $0x0  }
0x50: {  	s19 =	simm.s32 $0x2980;
	[sflag:s29] =	ssyncadd.s32 $0xFFFFF000  }
0x51: {  	[spmem:s2] =	stream.indirect.scatter.add.f32 [tilespmem:s22], [sflag:$0xC], $0x20, s19, s16, $0xb8;
	[tilespmem:$0x17000] =	vst v63  }
0x52: {  	_ =	swait.ge [sflag:s30], $0x1000  }
0x53: {  	p0 =	por $0x0, $0x0;
	[sflag:s30] =	ssyncset.done $0x0  }
0x54: {  	s4 =	simm.s32 @p0 $0x5;
	[sflag:s30] =	ssyncadd.s32 $0xFFFFF000  }
0x55: {  	_ =	swait.ge @p0 [sflag:s4], $0x1000  }
0x56: {  	s8 =	simm.s32 @p0 $0x2A00;
	s9 =	simm.s32 @p0 $0xA;
	[sflag:s4] =	ssyncset.done @p0 $0x0  }
0x57: {  	s10 =	simm.s32 @p0 $0x9000;
	[sflag:s4] =	ssyncadd.s32 @p0 $0xFFFFF000;
	s4 =	simm.s32 @p0 $0x80  }
0x58: {  	[spmem:s2] =	stream.indirect.scatter.add.f32 @p0 [tilespmem:s10], [sflag:$0xD], $0x20, s8, s4, $0xb8;
	[tilespmem:$0x17000] =	vst v63  }
0x59: {  	_ =	swait.ge @p0 [sflag:s9], $0x1000  }
0x5a: {  	s8 =	simm.s32 @!p0 $0x400;
	[sflag:s9] =	ssyncset.done @p0 $0x0  }
0x5b: {  	s10 =	simm.s32 @!p0 $0x5000;
	[sflag:s9] =	ssyncadd.s32 @p0 $0xFFFFF000;
	s9 =	simm.s32 @!p0 $0x80  }
0x5c: {  	[tilespmem:s10], [sflag:$0x1] =	stream.indirect.gather @!p0 [spmem:s3], $0x20, s8, s9, $0xb8;
	[tilespmem:$0x17000] =	vst v63  }
0x5d: {  	s8 =	simm.s32 @!p0 $0x5  }
0x5e: {  	_ =	swait.ge @!p0 [sflag:s8], $0x1000  }
0x5f: {  	[sflag:s8] =	ssyncset.done @!p0 $0x0  }
0x60: {  	s10 =	simm.s32 @!p0 $0x2A00;
	[sflag:s8] =	ssyncadd.s32 @!p0 $0xFFFFF000;
	s8 =	simm.s32 @!p0 $0x9000  }
0x61: {  	[spmem:s2] =	stream.indirect.scatter.add.f32 @!p0 [tilespmem:s8], [sflag:$0xD], $0x20, s10, s9, $0xb8;
	[tilespmem:$0x17000] =	vst v63  }
0x62: {  	s8 =	simm.s32 @!p0 $0xA  }
0x63: {  	_ =	swait.ge @!p0 [sflag:s8], $0x1000  }
0x64: {  	[sflag:s8] =	ssyncset.done @!p0 $0x0  }
0x65: {  	s10 =	simm.s32 @!p0 $0x480;
	[sflag:s8] =	ssyncadd.s32 @!p0 $0xFFFFF000;
	s8 =	simm.s32 @!p0 $0x6000  }
0x66: {  	[tilespmem:s8], [sflag:$0x2] =	stream.indirect.gather @!p0 [spmem:s3], $0x20, s10, s9, $0xb8;
	[tilespmem:$0x17000] =	vst v63  }
0x67: {  	_ =	swait.ge [sflag:s31], $0x1000  }
0x68: {  	[sflag:s31] =	ssyncset.done $0x0  }
0x69: {  	s21 =	simm.s32 $0x2A80;
	[sflag:s31] =	ssyncadd.s32 $0xFFFFF000  }
0x6a: {  	[spmem:s2] =	stream.indirect.scatter.add.f32 [tilespmem:s24], [sflag:$0xE], $0x20, s21, s16, $0xb8;
	[tilespmem:$0x17000] =	vst v63  }
0x6b: {  	_ =	swait.ge [sflag:s1], $0x1000  }
0x6c: {  	[sflag:s1] =	ssyncset.done $0x0  }
0x6d: {  	s8 =	simm.s32 @p0 $0x7;
	[sflag:s1] =	ssyncadd.s32 $0xFFFFF000  }
0x6e: {  	_ =	swait.ge @p0 [sflag:s8], $0x1000  }
0x6f: {  	[sflag:s8] =	ssyncset.done @p0 $0x0  }
0x70: {  	s10 =	simm.s32 @p0 $0x2B00;
	[sflag:s8] =	ssyncadd.s32 @p0 $0xFFFFF000;
	s8 =	simm.s32 @p0 $0xB000  }
0x71: {  	[spmem:s2] =	stream.indirect.scatter.add.f32 @p0 [tilespmem:s8], [sflag:$0xF], $0x20, s10, s4, $0xb8;
	[tilespmem:$0x17000] =	vst v63  }
0x72: {  	s4 =	simm.s32 @p0 $0xC  }
0x73: {  	_ =	swait.ge @p0 [sflag:s4], $0x1000  }
0x74: {  	[sflag:s4] =	ssyncset.done @p0 $0x0  }
0x75: {  	s8 =	simm.s32 @!p0 $0x500;
	[sflag:s4] =	ssyncadd.s32 @p0 $0xFFFFF000;
	s4 =	simm.s32 @!p0 $0x7000  }
0x76: {  	[tilespmem:s4], [sflag:$0x3] =	stream.indirect.gather @!p0 [spmem:s3], $0x20, s8, s9, $0xb8;
	[tilespmem:$0x17000] =	vst v63  }
0x77: {  	s4 =	simm.s32 @!p0 $0x7  }
0x78: {  	_ =	swait.ge @!p0 [sflag:s4], $0x1000  }
0x79: {  	[sflag:s4] =	ssyncset.done @!p0 $0x0  }
0x7a: {  	s8 =	simm.s32 @!p0 $0x2B00;
	[sflag:s4] =	ssyncadd.s32 @!p0 $0xFFFFF000;
	s4 =	simm.s32 @!p0 $0xB000  }
0x7b: {  	[spmem:s2] =	stream.indirect.scatter.add.f32 @!p0 [tilespmem:s4], [sflag:$0xF], $0x20, s8, s9, $0xb8;
	[tilespmem:$0x17000] =	vst v63  }
0x7c: {  	s4 =	simm.s32 @!p0 $0xC  }
0x7d: {  	_ =	swait.ge @!p0 [sflag:s4], $0x1000  }
0x7e: {  	[sflag:s4] =	ssyncset.done @!p0 $0x0  }
0x7f: {  	s8 =	simm.s32 @!p0 $0x580;
	[sflag:s4] =	ssyncadd.s32 @!p0 $0xFFFFF000;
	s4 =	simm.s32 @!p0 $0x8000  }
0x80: {  	[tilespmem:s4], [sflag:$0x4] =	stream.indirect.gather @!p0 [spmem:s3], $0x20, s8, s9, $0xb8;
	[tilespmem:$0x17000] =	vst v63  }
0x81: {  	p1 =	por $0x0, $0x0;
	s8 =	simm.s32 $0x1000;
	_ =	swait.ge [sflag:s0], $0x1000  }
0x82: {  	s9 =	simm.s32 $0x2000;
	s4 =	simm.s32 $0x2B80;
	[sflag:s0] =	ssyncset.done $0x0  }
.LBB2_2:
0x83: {  	s10 =	simm.s32 @!p1 $0xD;
	[sflag:s0] =	ssyncadd.s32 $0xFFFFF000  }
0x84: {  	[spmem:s2] =	stream.indirect.scatter.add.f32 [tilespmem:s28], [sflag:$0x10], $0x20, s4, s16, $0xb8;
	[tilespmem:$0x17000] =	vst v63  }
0x85: {  	_ =	swait.ge @!p1 [sflag:s10], $0x1000  }
0x86: {  	[sflag:s10] =	ssyncset.done @!p1 $0x0  }
0x87: {  	[sflag:s10] =	ssyncadd.s32 @!p1 $0xFFFFF000;
	s10 =	sshra.s32 s8, $0x2  }
0x88: {  	s19 =	rddreg [dreg:$0x4];
	s14 =	sadd.s32 $0x200, s10  }
0x89: {  	[tilespmem:s19], [sflag:$0x5] =	stream.indirect.gather [spmem:s3], $0x20, s14, s16, $0xb8;
	[tilespmem:$0x17000] =	vst v63  }
0x8a: {  	_ =	swait.ge [sflag:s23], $0x1000  }
0x8b: {  	[sflag:s23] =	ssyncset.done $0x0  }
0x8c: {  	s21 =	sadd.s32 $0x2800, s10;
	s14 =	simm.s32 @!p1 $0xE;
	[sflag:s23] =	ssyncadd.s32 $0xFFFFF000  }
0x8d: {  	[spmem:s2] =	stream.indirect.scatter.add.f32 [tilespmem:s17], [sflag:$0x9], $0x20, s21, s16, $0xb8;
	[tilespmem:$0x17000] =	vst v63  }
0x8e: {  	_ =	swait.ge @!p1 [sflag:s14], $0x1000  }
0x8f: {  	[sflag:s14] =	ssyncset.done @!p1 $0x0  }
0x90: {  	s5 =	sadd.s32 $0x280, s10;
	[sflag:s14] =	ssyncadd.s32 @!p1 $0xFFFFF000  }
0x91: {  	[tilespmem:s24], [sflag:$0x6] =	stream.indirect.gather [spmem:s3], $0x20, s5, s16, $0xb8;
	[tilespmem:$0x17000] =	vst v63  }
0x92: {  	_ =	swait.ge [sflag:s25], $0x1000  }
0x93: {  	[sflag:s25] =	ssyncset.done $0x0  }
0x94: {  	s6 =	sadd.s32 $0x2880, s10;
	s14 =	simm.s32 @!p1 $0xF;
	[sflag:s25] =	ssyncadd.s32 $0xFFFFF000  }
0x95: {  	[spmem:s2] =	stream.indirect.scatter.add.f32 [tilespmem:s18], [sflag:$0xA], $0x20, s6, s16, $0xb8;
	[tilespmem:$0x17000] =	vst v63  }
0x96: {  	_ =	swait.ge @!p1 [sflag:s14], $0x1000  }
0x97: {  	[sflag:s14] =	ssyncset.done @!p1 $0x0  }
0x98: {  	s12 =	sadd.s32 $0x300, s10;
	s7 =	rddreg [dreg:$0x5];
	[sflag:s14] =	ssyncadd.s32 @!p1 $0xFFFFF000  }
0x99: {  	[tilespmem:s7], [sflag:$0x7] =	stream.indirect.gather [spmem:s3], $0x20, s12, s16, $0xb8;
	[tilespmem:$0x17000] =	vst v63  }
0x9a: {  	_ =	swait.ge [sflag:s26], $0x1000  }
0x9b: {  	[sflag:s26] =	ssyncset.done $0x0  }
0x9c: {  	s13 =	sadd.s32 $0x2900, s10;
	s14 =	simm.s32 @!p1 $0x10;
	[sflag:s26] =	ssyncadd.s32 $0xFFFFF000  }
0x9d: {  	[spmem:s2] =	stream.indirect.scatter.add.f32 [tilespmem:s20], [sflag:$0xB], $0x20, s13, s16, $0xb8;
	[tilespmem:$0x17000] =	vst v63  }
0x9e: {  	_ =	swait.ge @!p1 [sflag:s14], $0x1000  }
0x9f: {  	[sflag:s14] =	ssyncset.done @!p1 $0x0  }
0xa0: {  	s15 =	sadd.s32 $0x380, s10;
	[sflag:s14] =	ssyncadd.s32 @!p1 $0xFFFFF000  }
0xa1: {  	[tilespmem:s28], [sflag:$0x8] =	stream.indirect.gather [spmem:s3], $0x20, s15, s16, $0xb8;
	[tilespmem:$0x17000] =	vst v63  }
0xa2: {  	_ =	swait.ge [sflag:s29], $0x1000  }
0xa3: {  	[sflag:s29] =	ssyncset.done $0x0  }
0xa4: {  	s19 =	sadd.s32 $0x2980, s10;
	[sflag:s29] =	ssyncadd.s32 $0xFFFFF000  }
0xa5: {  	[spmem:s2] =	stream.indirect.scatter.add.f32 [tilespmem:s22], [sflag:$0xC], $0x20, s19, s16, $0xb8;
	[tilespmem:$0x17000] =	vst v63  }
0xa6: {  	_ =	swait.ge [sflag:s30], $0x1000  }
0xa7: {  	s11 =	smov.u32 s9;
	p1 =	seq.s32 s8, $0x9000;
	[sflag:s30] =	ssyncset.done $0x0  }
0xa8: {  	s4 =	simm.s32 @p1 $0x5;
	s14 =	sshra.s32 @p1 s8, $0x2;
	[sflag:s30] =	ssyncadd.s32 $0xFFFFF000  }
0xa9: {  	s8 =	sshra.s32 @!p1 s8, $0x2;
	s21 =	simm.s32 @p1 $0xA;
	_ =	swait.ge @p1 [sflag:s4], $0x1000  }
0xaa: {  	s15 =	simm.s32 @p1 $0x80;
	s7 =	simm.s32 @!p1 $0x5;
	[sflag:s4] =	ssyncset.done @p1 $0x0  }
0xab: {  	s19 =	sadd.s32 @p1 $0x2A00, s14;
	[sflag:s4] =	ssyncadd.s32 @p1 $0xFFFFF000;
	s4 =	simm.s32 @p1 $0x9000  }
0xac: {  	[spmem:s2] =	stream.indirect.scatter.add.f32 @p1 [tilespmem:s4], [sflag:$0xD], $0x20, s19, s15, $0xb8;
	[tilespmem:$0x17000] =	vst v63  }
0xad: {  	s5 =	sadd.s32 @!p1 $0x400, s8;
	s12 =	sadd.s32 @!p1 $0x2A00, s8;
	_ =	swait.ge @p1 [sflag:s21], $0x1000  }
0xae: {  	s6 =	sadd.s32 @!p1 $0x480, s8;
	s13 =	sadd.s32 @p1 $0x2B00, s14;
	[sflag:s21] =	ssyncset.done @p1 $0x0  }
0xaf: {  	s14 =	simm.s32 @!p1 $0x80;
	s4 =	simm.s32 @!p1 $0x5000;
	[sflag:s21] =	ssyncadd.s32 @p1 $0xFFFFF000  }
0xb0: {  	[tilespmem:s4], [sflag:$0x1] =	stream.indirect.gather @!p1 [spmem:s3], $0x20, s5, s14, $0xb8;
	[tilespmem:$0x17000] =	vst v63  }
0xb1: {  	s19 =	sadd.s32 @!p1 $0x2B00, s8;
	s5 =	sadd.s32 @!p1 $0x500, s8;
	_ =	swait.ge @!p1 [sflag:s7], $0x1000  }
0xb2: {  	s4 =	sadd.s32 @!p1 $0x580, s8;
	s8 =	smov.u32 s11;
	[sflag:s7] =	ssyncset.done @!p1 $0x0  }
0xb3: {  	s11 =	simm.s32 @!p1 $0xA;
	[sflag:s7] =	ssyncadd.s32 @!p1 $0xFFFFF000;
	s7 =	simm.s32 @!p1 $0x9000  }
0xb4: {  	[spmem:s2] =	stream.indirect.scatter.add.f32 @!p1 [tilespmem:s7], [sflag:$0xD], $0x20, s12, s14, $0xb8;
	[tilespmem:$0x17000] =	vst v63  }
0xb5: {  	_ =	swait.ge @!p1 [sflag:s11], $0x1000  }
0xb6: {  	[sflag:s11] =	ssyncset.done @!p1 $0x0  }
0xb7: {  	s7 =	simm.s32 @!p1 $0x6000;
	[sflag:s11] =	ssyncadd.s32 @!p1 $0xFFFFF000  }
0xb8: {  	[tilespmem:s7], [sflag:$0x2] =	stream.indirect.gather @!p1 [spmem:s3], $0x20, s6, s14, $0xb8;
	[tilespmem:$0x17000] =	vst v63  }
0xb9: {  	_ =	swait.ge [sflag:s31], $0x1000  }
0xba: {  	[sflag:s31] =	ssyncset.done $0x0  }
0xbb: {  	s21 =	sadd.s32 $0x2A80, s10;
	[sflag:s31] =	ssyncadd.s32 $0xFFFFF000  }
0xbc: {  	[spmem:s2] =	stream.indirect.scatter.add.f32 [tilespmem:s24], [sflag:$0xE], $0x20, s21, s16, $0xb8;
	[tilespmem:$0x17000] =	vst v63  }
0xbd: {  	_ =	swait.ge [sflag:s1], $0x1000  }
0xbe: {  	[sflag:s1] =	ssyncset.done $0x0  }
0xbf: {  	s6 =	simm.s32 @p1 $0x7;
	[sflag:s1] =	ssyncadd.s32 $0xFFFFF000  }
0xc0: {  	_ =	swait.ge @p1 [sflag:s6], $0x1000  }
0xc1: {  	[sflag:s6] =	ssyncset.done @p1 $0x0  }
0xc2: {  	s7 =	simm.s32 @p1 $0xC;
	[sflag:s6] =	ssyncadd.s32 @p1 $0xFFFFF000;
	s6 =	simm.s32 @p1 $0xB000  }
0xc3: {  	[spmem:s2] =	stream.indirect.scatter.add.f32 @p1 [tilespmem:s6], [sflag:$0xF], $0x20, s13, s15, $0xb8;
	[tilespmem:$0x17000] =	vst v63  }
0xc4: {  	_ =	swait.ge @p1 [sflag:s7], $0x1000  }
0xc5: {  	[sflag:s7] =	ssyncset.done @p1 $0x0  }
0xc6: {  	s6 =	simm.s32 @!p1 $0x7000;
	[sflag:s7] =	ssyncadd.s32 @p1 $0xFFFFF000;
	s7 =	simm.s32 @!p1 $0x7  }
0xc7: {  	[tilespmem:s6], [sflag:$0x3] =	stream.indirect.gather @!p1 [spmem:s3], $0x20, s5, s14, $0xb8;
	[tilespmem:$0x17000] =	vst v63  }
0xc8: {  	_ =	swait.ge @!p1 [sflag:s7], $0x1000  }
0xc9: {  	s9 =	sadd.s32 $0x1000, s9;
	[sflag:s7] =	ssyncset.done @!p1 $0x0  }
0xca: {  	s5 =	simm.s32 @!p1 $0xB000;
	s6 =	simm.s32 @!p1 $0xC;
	[sflag:s7] =	ssyncadd.s32 @!p1 $0xFFFFF000  }
0xcb: {  	[spmem:s2] =	stream.indirect.scatter.add.f32 @!p1 [tilespmem:s5], [sflag:$0xF], $0x20, s19, s14, $0xb8;
	[tilespmem:$0x17000] =	vst v63  }
0xcc: {  	p0 =	sne.s32 s9, $0xA000;
	_ =	swait.ge @!p1 [sflag:s6], $0x1000  }
.Ltmp0:
0xcd: {  	[sflag:s6] =	ssyncset.done @!p1 $0x0;
	(pc) =	sbr.rel @p0 .LBB2_2-.Ltmp0, $4  }
0xce: {  	s5 =	simm.s32 @!p1 $0x8000;
	[sflag:s6] =	ssyncadd.s32 @!p1 $0xFFFFF000  }
0xcf: {  	[tilespmem:s5], [sflag:$0x4] =	stream.indirect.gather @!p1 [spmem:s3], $0x20, s4, s14, $0xb8;
	[tilespmem:$0x17000] =	vst v63  }
0xd0: {  	_ =	swait.ge [sflag:s0], $0x1000  }
0xd1: {  	p1 =	seq.s32 s8, $0x0;
	s4 =	sadd.s32 $0x2B80, s10;
	[sflag:s0] =	ssyncset.done $0x0  }
0xd2: {  	s5 =	simm.s32 @!p1 $0xD;
	[sflag:s0] =	ssyncadd.s32 $0xFFFFF000  }
0xd3: {  	[spmem:s2] =	stream.indirect.scatter.add.f32 [tilespmem:s28], [sflag:$0x10], $0x20, s4, s16, $0xb8;
	[tilespmem:$0x17000] =	vst v63  }
0xd4: {  	_ =	swait.ge @!p1 [sflag:s5], $0x1000  }
0xd5: {  	s9 =	sshra.s32 s8, $0x2;
	[sflag:s5] =	ssyncset.done @!p1 $0x0  }
0xd6: {  	s6 =	sadd.s32 $0x200, s9;
	s21 =	rddreg [dreg:$0x4];
	[sflag:s5] =	ssyncadd.s32 @!p1 $0xFFFFF000  }
0xd7: {  	[tilespmem:s21], [sflag:$0x5] =	stream.indirect.gather [spmem:s3], $0x20, s6, s16, $0xb8;
	[tilespmem:$0x17000] =	vst v63  }
0xd8: {  	_ =	swait.ge [sflag:s23], $0x1000  }
0xd9: {  	[sflag:s23] =	ssyncset.done $0x0  }
0xda: {  	s7 =	sadd.s32 $0x2800, s9;
	s5 =	simm.s32 @!p1 $0xE;
	[sflag:s23] =	ssyncadd.s32 $0xFFFFF000  }
0xdb: {  	[spmem:s2] =	stream.indirect.scatter.add.f32 [tilespmem:s17], [sflag:$0x9], $0x20, s7, s16, $0xb8;
	[tilespmem:$0x17000] =	vst v63  }
0xdc: {  	_ =	swait.ge @!p1 [sflag:s5], $0x1000  }
0xdd: {  	[sflag:s5] =	ssyncset.done @!p1 $0x0  }
0xde: {  	s10 =	sadd.s32 $0x280, s9;
	[sflag:s5] =	ssyncadd.s32 @!p1 $0xFFFFF000  }
0xdf: {  	[tilespmem:s24], [sflag:$0x6] =	stream.indirect.gather [spmem:s3], $0x20, s10, s16, $0xb8;
	[tilespmem:$0x17000] =	vst v63  }
0xe0: {  	_ =	swait.ge [sflag:s25], $0x1000  }
0xe1: {  	[sflag:s25] =	ssyncset.done $0x0  }
0xe2: {  	s11 =	sadd.s32 $0x2880, s9;
	s5 =	simm.s32 @!p1 $0xF;
	[sflag:s25] =	ssyncadd.s32 $0xFFFFF000  }
0xe3: {  	[spmem:s2] =	stream.indirect.scatter.add.f32 [tilespmem:s18], [sflag:$0xA], $0x20, s11, s16, $0xb8;
	[tilespmem:$0x17000] =	vst v63  }
0xe4: {  	_ =	swait.ge @!p1 [sflag:s5], $0x1000  }
0xe5: {  	[sflag:s5] =	ssyncset.done @!p1 $0x0  }
0xe6: {  	s13 =	sadd.s32 $0x300, s9;
	s12 =	rddreg [dreg:$0x5];
	[sflag:s5] =	ssyncadd.s32 @!p1 $0xFFFFF000  }
0xe7: {  	[tilespmem:s12], [sflag:$0x7] =	stream.indirect.gather [spmem:s3], $0x20, s13, s16, $0xb8;
	[tilespmem:$0x17000] =	vst v63  }
0xe8: {  	_ =	swait.ge [sflag:s26], $0x1000  }
0xe9: {  	[sflag:s26] =	ssyncset.done $0x0  }
0xea: {  	s14 =	sadd.s32 $0x2900, s9;
	s5 =	simm.s32 @!p1 $0x10;
	[sflag:s26] =	ssyncadd.s32 $0xFFFFF000  }
0xeb: {  	[spmem:s2] =	stream.indirect.scatter.add.f32 [tilespmem:s20], [sflag:$0xB], $0x20, s14, s16, $0xb8;
	[tilespmem:$0x17000] =	vst v63  }
0xec: {  	_ =	swait.ge @!p1 [sflag:s5], $0x1000  }
0xed: {  	[sflag:s5] =	ssyncset.done @!p1 $0x0  }
0xee: {  	s15 =	sadd.s32 $0x380, s9;
	[sflag:s5] =	ssyncadd.s32 @!p1 $0xFFFFF000  }
0xef: {  	[tilespmem:s28], [sflag:$0x8] =	stream.indirect.gather [spmem:s3], $0x20, s15, s16, $0xb8;
	[tilespmem:$0x17000] =	vst v63  }
0xf0: {  	_ =	swait.ge [sflag:s29], $0x1000  }
0xf1: {  	[sflag:s29] =	ssyncset.done $0x0  }
0xf2: {  	s19 =	sadd.s32 $0x2980, s9;
	[sflag:s29] =	ssyncadd.s32 $0xFFFFF000  }
0xf3: {  	[spmem:s2] =	stream.indirect.scatter.add.f32 [tilespmem:s22], [sflag:$0xC], $0x20, s19, s16, $0xb8;
	[tilespmem:$0x17000] =	vst v63  }
0xf4: {  	_ =	swait.ge [sflag:s30], $0x1000  }
0xf5: {  	p0 =	seq.s32 s8, $0x9000;
	[sflag:s30] =	ssyncset.done $0x0  }
0xf6: {  	s4 =	simm.s32 @p0 $0x5;
	[sflag:s30] =	ssyncadd.s32 $0xFFFFF000  }
0xf7: {  	s7 =	simm.s32 @p0 $0xA;
	_ =	swait.ge @p0 [sflag:s4], $0x1000  }
0xf8: {  	s10 =	simm.s32 @p0 $0x9000;
	s5 =	sshra.s32 @p0 s8, $0x2;
	[sflag:s4] =	ssyncset.done @p0 $0x0  }
0xf9: {  	s6 =	sadd.s32 @p0 $0x2A00, s5;
	[sflag:s4] =	ssyncadd.s32 @p0 $0xFFFFF000;
	s4 =	simm.s32 @p0 $0x80  }
0xfa: {  	[spmem:s2] =	stream.indirect.scatter.add.f32 @p0 [tilespmem:s10], [sflag:$0xD], $0x20, s6, s4, $0xb8;
	[tilespmem:$0x17000] =	vst v63  }
0xfb: {  	_ =	swait.ge @p0 [sflag:s7], $0x1000  }
0xfc: {  	s6 =	sshra.s32 @!p0 s8, $0x2;
	s10 =	simm.s32 @!p0 $0x5000;
	[sflag:s7] =	ssyncset.done @p0 $0x0  }
0xfd: {  	s8 =	sadd.s32 @!p0 $0x400, s6;
	[sflag:s7] =	ssyncadd.s32 @p0 $0xFFFFF000;
	s7 =	simm.s32 @!p0 $0x80  }
0xfe: {  	[tilespmem:s10], [sflag:$0x1] =	stream.indirect.gather @!p0 [spmem:s3], $0x20, s8, s7, $0xb8;
	[tilespmem:$0x17000] =	vst v63  }
0xff: {  	s8 =	simm.s32 @!p0 $0x5  }
0x100: {  	_ =	swait.ge @!p0 [sflag:s8], $0x1000  }
0x101: {  	[sflag:s8] =	ssyncset.done @!p0 $0x0  }
0x102: {  	s10 =	sadd.s32 @!p0 $0x2A00, s6;
	[sflag:s8] =	ssyncadd.s32 @!p0 $0xFFFFF000;
	s8 =	simm.s32 @!p0 $0x9000  }
0x103: {  	[spmem:s2] =	stream.indirect.scatter.add.f32 @!p0 [tilespmem:s8], [sflag:$0xD], $0x20, s10, s7, $0xb8;
	[tilespmem:$0x17000] =	vst v63  }
0x104: {  	s8 =	simm.s32 @!p0 $0xA  }
0x105: {  	_ =	swait.ge @!p0 [sflag:s8], $0x1000  }
0x106: {  	[sflag:s8] =	ssyncset.done @!p0 $0x0  }
0x107: {  	s10 =	sadd.s32 @!p0 $0x480, s6;
	[sflag:s8] =	ssyncadd.s32 @!p0 $0xFFFFF000;
	s8 =	simm.s32 @!p0 $0x6000  }
0x108: {  	[tilespmem:s8], [sflag:$0x2] =	stream.indirect.gather @!p0 [spmem:s3], $0x20, s10, s7, $0xb8;
	[tilespmem:$0x17000] =	vst v63  }
0x109: {  	_ =	swait.ge [sflag:s31], $0x1000  }
0x10a: {  	[sflag:s31] =	ssyncset.done $0x0  }
0x10b: {  	s21 =	sadd.s32 $0x2A80, s9;
	[sflag:s31] =	ssyncadd.s32 $0xFFFFF000  }
0x10c: {  	[spmem:s2] =	stream.indirect.scatter.add.f32 [tilespmem:s24], [sflag:$0xE], $0x20, s21, s16, $0xb8;
	[tilespmem:$0x17000] =	vst v63  }
0x10d: {  	_ =	swait.ge [sflag:s1], $0x1000  }
0x10e: {  	[sflag:s1] =	ssyncset.done $0x0  }
0x10f: {  	s8 =	simm.s32 @p0 $0x7;
	[sflag:s1] =	ssyncadd.s32 $0xFFFFF000  }
0x110: {  	_ =	swait.ge @p0 [sflag:s8], $0x1000  }
0x111: {  	[sflag:s8] =	ssyncset.done @p0 $0x0  }
0x112: {  	s5 =	sadd.s32 @p0 $0x2B00, s5;
	[sflag:s8] =	ssyncadd.s32 @p0 $0xFFFFF000;
	s8 =	simm.s32 @p0 $0xB000  }
0x113: {  	[spmem:s2] =	stream.indirect.scatter.add.f32 @p0 [tilespmem:s8], [sflag:$0xF], $0x20, s5, s4, $0xb8;
	[tilespmem:$0x17000] =	vst v63  }
0x114: {  	s4 =	simm.s32 @p0 $0xC  }
0x115: {  	_ =	swait.ge @p0 [sflag:s4], $0x1000  }
0x116: {  	[sflag:s4] =	ssyncset.done @p0 $0x0  }
0x117: {  	s5 =	sadd.s32 @!p0 $0x500, s6;
	[sflag:s4] =	ssyncadd.s32 @p0 $0xFFFFF000;
	s4 =	simm.s32 @!p0 $0x7000  }
0x118: {  	[tilespmem:s4], [sflag:$0x3] =	stream.indirect.gather @!p0 [spmem:s3], $0x20, s5, s7, $0xb8;
	[tilespmem:$0x17000] =	vst v63  }
0x119: {  	s4 =	simm.s32 @!p0 $0x7  }
0x11a: {  	_ =	swait.ge @!p0 [sflag:s4], $0x1000  }
0x11b: {  	[sflag:s4] =	ssyncset.done @!p0 $0x0  }
0x11c: {  	s5 =	sadd.s32 @!p0 $0x2B00, s6;
	[sflag:s4] =	ssyncadd.s32 @!p0 $0xFFFFF000;
	s4 =	simm.s32 @!p0 $0xB000  }
0x11d: {  	[spmem:s2] =	stream.indirect.scatter.add.f32 @!p0 [tilespmem:s4], [sflag:$0xF], $0x20, s5, s7, $0xb8;
	[tilespmem:$0x17000] =	vst v63  }
0x11e: {  	s4 =	simm.s32 @!p0 $0xC  }
0x11f: {  	_ =	swait.ge @!p0 [sflag:s4], $0x1000  }
0x120: {  	[sflag:s4] =	ssyncset.done @!p0 $0x0  }
0x121: {  	s5 =	sadd.s32 @!p0 $0x580, s6;
	[sflag:s4] =	ssyncadd.s32 @!p0 $0xFFFFF000;
	s4 =	simm.s32 @!p0 $0x8000  }
0x122: {  	[tilespmem:s4], [sflag:$0x4] =	stream.indirect.gather @!p0 [spmem:s3], $0x20, s5, s7, $0xb8;
	[tilespmem:$0x17000] =	vst v63  }
0x123: {  	_ =	swait.ge [sflag:s0], $0x1000  }
0x124: {  	[sflag:s0] =	ssyncset.done $0x0  }
0x125: {  	s11 =	simm.s32 $0xD;
	s10 =	sadd.s32 $0x2B80, s9;
	[sflag:s0] =	ssyncadd.s32 $0xFFFFF000  }
0x126: {  	[spmem:s2] =	stream.indirect.scatter.add.f32 [tilespmem:s28], [sflag:$0x10], $0x20, s10, s16, $0xb8;
	[tilespmem:$0x17000] =	vst v63  }
0x127: {  	_ =	swait.ge [sflag:s11], $0x1000  }
0x128: {  	[sflag:s11] =	ssyncset.done $0x0  }
0x129: {  	s12 =	simm.s32 $0xE;
	[sflag:s11] =	ssyncadd.s32 $0xFFFFF000  }
0x12a: {  	_ =	swait.ge [sflag:s12], $0x1000  }
0x12b: {  	[sflag:s12] =	ssyncset.done $0x0  }
0x12c: {  	s13 =	simm.s32 $0xF;
	[sflag:s12] =	ssyncadd.s32 $0xFFFFF000  }
0x12d: {  	_ =	swait.ge [sflag:s13], $0x1000  }
0x12e: {  	[sflag:s13] =	ssyncset.done $0x0  }
0x12f: {  	s14 =	simm.s32 $0x10;
	[sflag:s13] =	ssyncadd.s32 $0xFFFFF000  }
0x130: {  	_ =	swait.ge [sflag:s14], $0x1000  }
0x131: {  	[sflag:s14] =	ssyncset.done $0x0  }
0x132: {  	[sflag:s14] =	ssyncadd.s32 $0xFFFFF000  }
0x133: {  	[bflag:$0x0] =	sbarrier.arrive $0xFFFF  }
0x134: {  	s6 =	rddreg [dreg:$0x7]  }
0x135: {  	s15 =	rddreg [dreg:$0xb]  }
0x136: {  	s8 =	simm.s32 $0x11;
	s7 =	rddreg [dreg:$0xd]  }
0x137: {  	[hbm:s15], [sflag:s6] =	dma.local [spmem:s7], $0xA00  }
0x138: {  	_ =	swait.ge [sflag:s8], $0xA00  }
0x139: {  	s19 =	rddreg [dreg:$0xf]  }
0x13a: {  	s21 =	rddreg [dreg:$0xc];
	s5 =	sadd.s32 $0x1, s19  }
0x13b: {  	p0 =	sne.s32 s5, s21  }
.Ltmp1:
0x13c: {  	_ = 	snop;
	(pc) =	sbr.rel @p0 .LBB2_1-.Ltmp1, $3  }
0x13d: {  	_ =	sdelay $0x1  }
0x13e: {  	[sflag:s8] =	ssyncset.done $0x0  }
0x13f: {  	[sflag:s8] =	ssyncadd.s32 $0xFFFFF600  }
0x140: {  	_ =	sfence.sel $0x180000  }
0x141: {  	[bflag:$0x0] =	sbarrier.arrive $0xFFFF  }
0x142: {  	_ =	strace $0x9000004A  }
0x143: {  	s0 =	stileid.u32;
	[bflag:$0x2] =	sbarrier.arrive $0xFFFF  }
0x144: {  	p0 =	sne.s32 s0, $0x0;
	s0 =	rddreg [dreg:$0x3]  }
0x145: {  	s0 =	sadd.s32 @!p0 $0x100000, s0  }
0x146: {  	[sflag:s0] =	ssyncadd.tile.s32 @!p0 $0x1;
	_ =	shalt  }
.Lfunc_end2:
_tile_overlayer_lowered:
.L_overlay_start_2:
0x147: {  	(tag) =	ssettag $0x2  }
0x148: {  	s0 =	rddreg [dreg:$0x0];
	s2 =	stileid.u32  }
0x149: {  	s1 =	rddreg [dreg:$0x1];
	p0 =	sne.s32 s2, $0x0  }
0x14a: {  	s3 =	rddreg [dreg:$0x2];
	[bflag:$0x3] =	sbarrier.arrive $0xFFFF;
	s2 =	simm.s32 @!p0 $0x1C11  }
0x14b: {  	[timem:s3], [sflag:s2] =	dma.local @!p0 [hbm:s0], s1  }
0x14c: {  	s0 =	simm.s32 @!p0 $0x11  }
0x14d: {  	_ =	swait.ge @!p0 [sflag:s0], s1  }
0x14e: {  	s1 =	ssub.s32 @!p0 $0x0, s1;
	[sflag:s0] =	ssyncset.done @!p0 $0x0  }
0x14f: {  	[sflag:s0] =	ssyncadd.s32 @!p0 s1  }
0x150: {  	[bflag:$0x3] =	sbarrier.arrive $0xFFFF  }
0x151: {  	_ =	shalt  }

// kernel: kernel.16.cloned.1.call-start
scs
__scs_entry_jumppad:
0x0: {  	(pc) =	sbr.rel $0x88, $3  }
0x1: {  	(tag) =	ssettag $0x0;
	lr =	simm.s32 $0x1  }
0x2: {  	[smem:$0x3F95] =	sst lr;
	_ =	strace $0xD0000000  }
0x3: {  	_ = 	snop  }
0x4: {  	_ = 	snop  }
0x5: {  	_ = 	snop  }
0x6: {  	_ = 	snop  }
0x7: {  	_ = 	snop  }
__scs_overlays_trampoline_lowered:
0x8: {  	[smem:$0x3FA4] =	sst s0  }
0x9: {  	[smem:$0x3FA5] =	sst s1  }
0xa: {  	[smem:$0x3FA6] =	sst s2  }
0xb: {  	[smem:$0x3FA7] =	sst s3  }
0xc: {  	[smem:$0x3FA8] =	sst s4  }
0xd: {  	[smem:$0x3FA9] =	sst s5  }
0xe: {  	[smem:$0x3FAA] =	sst s6  }
0xf: {  	[smem:$0x3FAB] =	sst s7  }
0x10: {  	[smem:$0x3FAC] =	sst s8  }
0x11: {  	[smem:$0x3FAD] =	sst s9;
	s0 =	simm.s32 @!p0 $0x0  }
0x12: {  	s1 =	sld [smem:$0x3F93];
	s0 =	simm.s32 @p0 $0x1  }
0x13: {  	[smem:$0x3FAE] =	sst s0;
	s0 =	simm.s32 @!p1 $0x0  }
0x14: {  	s2 =	sld [smem:$0x3F92];
	s0 =	simm.s32 @p1 $0x1  }
0x15: {  	[smem:$0x3FAF] =	sst s0;
	s0 =	simm.s32 @!p2 $0x0  }
0x16: {  	s3 =	sld [smem:$0x3FDB];
	s0 =	simm.s32 @p2 $0x1  }
0x17: {  	s4 =	simm.s32 $0x1BF5;
	[smem:$0x3FB1] =	sst s0  }
0x18: {  	s0 =	sld [smem:$0x3F94];
	_ =	swait.ge [sflag:s4], $0x0  }
0x19: {  	s7 =	sld [smem:$0x3F95]  }
0x1a: {  	s8 =	sadd.s32 $0xFFFFE003, lr  }
0x1b: {  	s9 =	sadd.s32 $0xFFFFFEF7, lr;
	s5 =	simm.s32 $0xFFFFFFFF;
	p2 =	slt.u32 s8, $0xFFFFF086  }
0x1c: {  	p1 =	slt.u32 s9, $0xF7A;
	s5 =	simm.s32 @!p2 $0x0  }
0x1d: {  	s5 =	simm.s32 @p1 $0x1;
	p0 =	seq.s32 s7, s2  }
0x1e: {  	s7 =	smul.u32 @!p0 $0xF7A, s2;
	p2 =	seq.s32 @!p0 s5, $0x0  }
0x1f: {  	s9 =	smul.u32 $0xF7A, s1;
	s8 =	simm.s32 @!p0 $0x1BF5;
	p2 =	por !p2, p0  }
0x20: {  	[sflag:s8] =	ssyncset.s32 @!p0 $0xFFFFF086;
	s6 =	sadd.s32 @!p0 s3, s7;
	s7 =	simm.s32 @!p0 $0x108  }
0x21: {  	s3 =	sadd.s32 s3, s9;
	s6 =	sadd.s32 @!p0 $0x88, s6;
	s7 =	simm.s32 @p2 $0x1082  }
0x22: {  	[simem:s7], [sflag:s8] =	dma.local @!p0 [hbm:s6], $0xF7A  }
0x23: {  	s9 =	sor.u32 $0xD0000000, s2;
	s6 =	simm.s32 $0x108;
	_ =	swait.ge @!p0 [sflag:s8], $0x0  }
0x24: {  	s3 =	sadd.s32 $0x88, s3;
	s6 =	simm.s32 @!p1 $0x1082;
	[sflag:s4] =	ssyncset.s32 $0xFFFFF086  }
0x25: {  	[simem:s6], [sflag:s4] =	dma.local [hbm:s3], $0xF7A  }
0x26: {  	[smem:$0x3F95] =	sst s1;
	(tag) =	ssettag s2;
	_ =	strace s9  }
0x27: {  	s1 =	sld [smem:$0x3FA5]  }
0x28: {  	s2 =	sld [smem:$0x3FA6]  }
0x29: {  	s4 =	sld [smem:$0x3FA8]  }
0x2a: {  	p0 =	seq.s32 s5, $0x0;
	s5 =	sld [smem:$0x3FA9]  }
0x2b: {  	s6 =	sld [smem:$0x3FAA]  }
0x2c: {  	s7 =	sld [smem:$0x3FAB]  }
0x2d: {  	s3 =	simm.s32 $0x108;
	s8 =	sld [smem:$0x3FAC]  }
0x2e: {  	s3 =	simm.s32 @!p0 $0x1082;
	s9 =	sld [smem:$0x3FAD]  }
0x2f: {  	lr =	sadd.s32 s0, s3;
	s0 =	sld [smem:$0x3FA4]  }
0x30: {  	s3 =	sld [smem:$0x3FA7]  }
0x31: {  	[smem:$0x3FB0] =	sst s10  }
0x32: {  	s10 =	sld [smem:$0x3FAE];
	_ =	sdelay $0x3  }
0x33: {  	p0 =	seq.s32 s10, $0x1;
	s10 =	sld [smem:$0x3FB0];
	_ =	sdelay $0x3  }
0x34: {  	[smem:$0x3FB0] =	sst s10  }
0x35: {  	s10 =	sld [smem:$0x3FAF];
	_ =	sdelay $0x3  }
0x36: {  	p1 =	seq.s32 s10, $0x1;
	s10 =	sld [smem:$0x3FB0];
	_ =	sdelay $0x3  }
0x37: {  	[smem:$0x3FB0] =	sst s10  }
0x38: {  	s10 =	sld [smem:$0x3FB1]  }
0x39: {  	_ = 	snop;
	(pc) =	sbr.ind lr, $3  }
0x3a: {  	_ = 	snop  }
0x3b: {  	_ = 	snop  }
0x3c: {  	p2 =	seq.s32 s10, $0x1;
	s10 =	sld [smem:$0x3FB0]  }
0x3d: {  	_ =	shalt  }
0x3e: {  	_ =	shalt  }
0x3f: {  	_ =	shalt  }
0x40: {  	_ =	shalt  }
0x41: {  	_ =	shalt  }
0x42: {  	_ =	shalt  }
0x43: {  	_ =	shalt  }
0x44: {  	_ =	shalt  }
0x45: {  	_ =	shalt  }
0x46: {  	_ =	shalt  }
0x47: {  	_ =	shalt  }
0x48: {  	_ =	shalt  }
0x49: {  	_ =	shalt  }
0x4a: {  	_ =	shalt  }
0x4b: {  	_ =	shalt  }
0x4c: {  	_ =	shalt  }
0x4d: {  	_ =	shalt  }
0x4e: {  	_ =	shalt  }
0x4f: {  	_ =	shalt  }
0x50: {  	_ =	shalt  }
0x51: {  	_ =	shalt  }
0x52: {  	_ =	shalt  }
0x53: {  	_ =	shalt  }
0x54: {  	_ =	shalt  }
0x55: {  	_ =	shalt  }
0x56: {  	_ =	shalt  }
0x57: {  	_ =	shalt  }
0x58: {  	_ =	shalt  }
0x59: {  	_ =	shalt  }
0x5a: {  	_ =	shalt  }
0x5b: {  	_ =	shalt  }
0x5c: {  	_ =	shalt  }
0x5d: {  	_ =	shalt  }
0x5e: {  	_ =	shalt  }
0x5f: {  	_ =	shalt  }
0x60: {  	_ =	shalt  }
0x61: {  	_ =	shalt  }
0x62: {  	_ =	shalt  }
0x63: {  	_ =	shalt  }
0x64: {  	_ =	shalt  }
0x65: {  	_ =	shalt  }
0x66: {  	_ =	shalt  }
0x67: {  	_ =	shalt  }
0x68: {  	_ =	shalt  }
0x69: {  	_ =	shalt  }
0x6a: {  	_ =	shalt  }
0x6b: {  	_ =	shalt  }
0x6c: {  	_ =	shalt  }
0x6d: {  	_ =	shalt  }
0x6e: {  	_ =	shalt  }
0x6f: {  	_ =	shalt  }
0x70: {  	_ =	shalt  }
0x71: {  	_ =	shalt  }
0x72: {  	_ =	shalt  }
0x73: {  	_ =	shalt  }
0x74: {  	_ =	shalt  }
0x75: {  	_ =	shalt  }
0x76: {  	_ =	shalt  }
0x77: {  	_ =	shalt  }
0x78: {  	_ =	shalt  }
0x79: {  	_ =	shalt  }
0x7a: {  	_ =	shalt  }
0x7b: {  	_ =	shalt  }
0x7c: {  	_ =	shalt  }
0x7d: {  	_ =	shalt  }
0x7e: {  	_ =	shalt  }
0x7f: {  	_ =	shalt  }
0x80: {  	_ =	shalt  }
0x81: {  	_ =	shalt  }
0x82: {  	_ =	shalt  }
0x83: {  	_ =	shalt  }
0x84: {  	_ =	shalt  }
0x85: {  	_ =	shalt  }
0x86: {  	_ =	shalt  }
0x87: {  	_ =	shalt  }
.Lfunc_end0:
.L_simem_size_0:
called_computation.2_lowered:
.L_overlay_start_0:
0x88: {  	s2 =	sld [smem:$0x3FD9]  }
0x89: {  	s3 =	sld [smem:$0x3FFE];
	_ =	sdelay $0x1  }
0x8a: {  	s1 =	srdreg.scid  }
0x8b: {  	s0 =	sand.u32 $0x1, s1  }
0x8c: {  	s16 =	sshll.u32 s0, $0xA;
	s2 =	sadd.s32 s3, s2  }
0x8d: {  	s2 =	sadd.s32 s2, s16  }
0x8e: {  	[smem:$0x3FBC] =	sst s2  }
0x8f: {  	_ = 	snop  }
0x90: {  	(tm) =	ssettm $0x1  }
0x91: {  	s17 =	sld [smem:$0x3FFB];
	_ =	sdelay $0x3  }
0x92: {  	_ =	strace s17  }
0x93: {  	s2 =	sld [smem:$0x3FFC];
	_ =	sdelay $0x3  }
0x94: {  	_ =	strace s2  }
0x95: {  	s2 =	sld [smem:$0x3FFD];
	_ =	sdelay $0x3  }
0x96: {  	_ =	strace s2  }
0x97: {  	_ =	strace $0x8FFFFFFF  }
0x98: {  	s18 =	sld [smem:$0x3FDB];
	_ =	sdelay $0x1  }
0x99: {  	s19 =	simm.s32 $_scs_section_size  }
0x9a: {  	s4 =	simm.s32 $_size__tile_overlayer_lowered;
	s5 =	simm.s32 $_tile_overlayer_lowered  }
0x9b: {  	s22 =	simm.s32 $0x1BFF;
	s21 =	sshll.u32 s5, $0x1;
	s2 =	sadd.s32 s19, s18  }
0x9c: {  	s6 =	simm.s32 $0x0;
	s20 =	sshll.u32 s4, $0x1;
	s4 =	sadd.s32 s21, s2  }
0x9d: {  	[timem:s6], [sflag:s22] =	dma.local [hbm:s4], s20  }
0x9e: {  	_ =	swait.ge [sflag:s22], s20  }
0x9f: {  	s3 =	ssub.s32 $0x0, s20;
	[sflag:s22] =	ssyncset.done $0x0  }
0xa0: {  	[sflag:s22] =	ssyncadd.s32 s3;
	_ =	sdelay $0x1  }
0xa1: {  	s23 =	simm.s32 $0x1B8B  }
0xa2: {  	_ =	swait.ge [sflag:s23], $0x1  }
0xa3: {  	[sflag:s23] =	ssyncset.done $0x0  }
0xa4: {  	s25 =	simm.s32 $0x1B8E;
	s24 =	sld [smem:$0x3FFE];
	[sflag:s23] =	ssyncadd.s32 $0xFFFFFFFF  }
0xa5: {  	s26 =	simm.s32 $execute0_lowered;
	[smem:$0x3FD2] =	sst s25  }
0xa6: {  	s4 =	sshll.u32 s26, $0x1;
	_ =	strace $0x8000004C;
	[dreg:$0x1] =	wrdreg $0xFFFFFFFF  }
0xa7: {  	s28 =	simm.s32 $_size_execute0_lowered;
	s2 =	sadd.s32 s2, s4;
	[dreg:$0x0] =	wrdreg $0x0  }
0xa8: {  	s4 =	sshll.u32 s28, $0x1;
	[dreg:$0x2] =	wrdreg s2  }
0xa9: {  	[dreg:$0x3] =	wrdreg s4  }
0xaa: {  	[dreg:$0x4] =	wrdreg $0xC0  }
0xab: {  	_ =	task [dreg:s6], $0x5FFFF  }
0xac: {  	[dreg:$0x1] =	wrdreg $0xFFFFFFFF  }
0xad: {  	[dreg:$0x0] =	wrdreg $0x60  }
0xae: {  	[dreg:$0x2] =	wrdreg s24  }
0xaf: {  	[dreg:$0x3] =	wrdreg $0xD0000  }
0xb0: {  	[dreg:$0x4] =	wrdreg $0x120000  }
0xb1: {  	[dreg:$0x5] =	wrdreg $0x9  }
0xb2: {  	_ =	task.clear_ibuf [dreg:s6], $0x6FFFF;
	_ =	strace $0x9000004C  }
0xb3: {  	s29 =	simm.s32 $0x9;
	_ =	strace $0x8000004E  }
0xb4: {  	_ =	swait.ge [sflag:s29], $0x1  }
0xb5: {  	[sflag:s29] =	ssyncadd.s32 $0xFFFFFFFF  }
0xb6: {  	_ =	strace $0x9000004E  }
0xb7: {  	_ =	sfence  }
0xb8: {  	s30 =	sld [smem:$0x0];
	_ =	sdelay $0x2  }
0xb9: {  	s31 =	sshll.u32 s1, $0xD;
	s1 =	sshrl.u32 s1, $0x2  }
0xba: {  	s3 =	sand.u32 $0x4000, s31;
	s1 =	sadd.s32 s1, s30  }
0xbb: {  	s0 =	sor.u32 s3, s0;
	s1 =	sshll.u32 s1, $0x11  }
0xbc: {  	s0 =	sor.u32 s1, s0  }
0xbd: {  	s0 =	sadd.s32 $0x8F2B, s0  }
0xbe: {  	[sflag:s0] =	ssyncadd.remote.s32 $0x1  }
0xbf: {  	_ =	sfence.sel $0xFFFF  }
0xc0: {  	[dreg:$0x0] =	wrdreg $0xFFFFFFFF;
	(pc) =	sbr.abs _section_cstart, $3  }
0xc1: {  	[dreg:$0x1] =	wrdreg $0xFFFFFFFF  }
0xc2: {  	_ =	task.clear_ibuf [dreg:s6], $0x2FFFF;
	_ =	strace $0x9FFFFFFF  }
0xc3: {  	(tm) =	ssettm $0x7FFFFFFF  }
tec
execute0_lowered:
.L_overlay_start_1:
0x0: {  	(tag) =	ssettag $0x1  }
0x1: {  	s1 =	rddreg [dreg:$0x0]  }
0x2: {  	s0 =	srdreg.scid;
	s2 =	rddreg [dreg:$0x1]  }
0x3: {  	s8 =	stileid.u32;
	s3 =	rddreg [dreg:$0x2]  }
0x4: {  	s6 =	simm.s32 $0x0;
	s16 =	simm.s32 $0x80;
	s17 =	simm.s32 $0x5000  }
0x5: {  	s18 =	simm.s32 $0x6000;
	s25 =	simm.s32 $0x9000;
	s26 =	simm.s32 $0xB000  }
0x6: {  	s28 =	simm.s32 $0xC000;
	s29 =	simm.s32 $0x4;
	s30 =	simm.s32 $0x9  }
0x7: {  	s31 =	simm.s32 $0x6;
	[smem:$0x7FF] =	sst s6;
	s9 =	sadd.s32 $0xDC00, s1  }
0x8: {  	s0 =	sand.u32 $0x1, s0;
	_ =	strace $0x8000004D;
	[dreg:$0x6] =	wrdreg s9  }
0x9: {  	s5 =	smul.u32 $0x5000, s8;
	s4 =	sshll.u32 s0, $0x4;
	[dreg:$0x4] =	wrdreg s25  }
0xa: {  	s20 =	smul.u32 $0x50000, s0;
	s0 =	ssub.s32 $0x2, s0;
	[dreg:$0x5] =	wrdreg s26  }
0xb: {  	s25 =	simm.s32 $0x2;
	s26 =	simm.s32 $0x3;
	s4 =	sor.u32 s8, s4  }
0xc: {  	s7 =	sshrl.u32 s5, $0x3;
	s21 =	sshrl.u32 s0, $0x1;
	s8 =	sshll.u32 s8, $0x6  }
0xd: {  	s22 =	sadd.s32 s5, s2;
	s4 =	smul.u32 $0x500, s4;
	s7 =	sadd.s32 s7, s1  }
0xe: {  	s6 =	sadd.s32 s5, s20;
	s0 =	ssub.s32 s0, s21;
	s5 =	sadd.s32 s5, s3  }
0xf: {  	s20 =	simm.s32 $0x7000;
	s6 =	sshrl.u32 s6, $0x3;
	s7 =	sadd.s32 $0x44E00, s7  }
0x10: {  	s0 =	smax.u32 s0, $0x1;
	s24 =	sshrl.u32 s5, $0x3;
	[dreg:$0x8] =	wrdreg s7  }
0x11: {  	s5 =	simm.s32 $0x0;
	s4 =	sadd.s32 s4, s1;
	[dreg:$0xc] =	wrdreg s0  }
0x12: {  	s1 =	sadd.s32 s6, s1;
	s6 =	sor.u32 $0x1C11, s8;
	[dreg:$0xe] =	wrdreg s24  }
0x13: {  	s7 =	sshrl.u32 s22, $0x3;
	s8 =	simm.s32 $0x11;
	[dreg:$0x7] =	wrdreg s6  }
0x14: {  	s22 =	simm.s32 $0x8000;
	s23 =	sadd.s32 $0x12E00, s4;
	[dreg:$0xd] =	wrdreg s7  }
0x15: {  	s24 =	simm.s32 $0xA000;
	s4 =	sadd.s32 $0x3C00, s4;
	[dreg:$0x9] =	wrdreg s23  }
0x16: {  	s0 =	simm.s32 $0x8;
	s1 =	sadd.s32 $0x4EE00, s1;
	[dreg:$0xa] =	wrdreg s4  }
0x17: {  	[dreg:$0xb] =	wrdreg s1;
	s23 =	simm.s32 $0x1;
	s1 =	simm.s32 $0xB  }
.LBB2_1:
0x18: {  	[dreg:$0xf] =	wrdreg s5  }
0x19: {  	s4 =	rddreg [dreg:$0x6]  }
0x1a: {  	[spmem:s7], [sflag:s6] =	dma.local [hbm:s4], $0xA00  }
0x1b: {  	_ =	swait.ge [sflag:s8], $0xA00  }
0x1c: {  	[sflag:s8] =	ssyncset.done $0x0;
	s11 =	rddreg [dreg:$0x8]  }
0x1d: {  	s12 =	rddreg [dreg:$0xe];
	[sflag:s8] =	ssyncadd.s32 $0xFFFFF600  }
0x1e: {  	[spmem:s12], [sflag:s6] =	dma.local [hbm:s11], $0xA00  }
0x1f: {  	_ =	swait.ge [sflag:s8], $0xA00  }
0x20: {  	[sflag:s8] =	ssyncset.done $0x0  }
0x21: {  	s13 =	simm.s32 $0x0;
	s14 =	rddreg [dreg:$0x9];
	[sflag:s8] =	ssyncadd.s32 $0xFFFFF600  }
0x22: {  	[tilespmem:s13], [sflag:$0x11] =	stream.linear.gather [hbm4b:s14+s13], $0x2800, $0x38;
	[tilespmem:$0x17000] =	vst v63  }
0x23: {  	_ =	swait.ge [sflag:s8], $0x2800  }
0x24: {  	[sflag:s8] =	ssyncset.done $0x0  }
0x25: {  	s19 =	simm.s32 $0x2800;
	s15 =	rddreg [dreg:$0xa];
	[sflag:s8] =	ssyncadd.s32 $0xFFFFD800  }
0x26: {  	[tilespmem:s19], [sflag:$0x11] =	stream.linear.gather [hbm4b:s15+s13], $0x2800, $0x38;
	[tilespmem:$0x17000] =	vst v63  }
0x27: {  	_ =	swait.ge [sflag:s8], $0x2800  }
0x28: {  	[sflag:s8] =	ssyncset.done $0x0  }
0x29: {  	[sflag:s8] =	ssyncadd.s32 $0xFFFFD800  }
0x2a: {  	[bflag:$0x0] =	sbarrier.arrive $0xFFFF  }
0x2b: {  	[tilespmem:s17], [sflag:$0x1] =	stream.indirect.gather [spmem:s3], $0x20, s13, s16, $0xb8;
	[tilespmem:$0x17000] =	vst v63  }
0x2c: {  	_ = 	snop  }
0x2d: {  	[tilespmem:s18], [sflag:$0x2] =	stream.indirect.gather [spmem:s3], $0x20, s16, s16, $0xb8;
	[tilespmem:$0x17000] =	vst v63  }
0x2e: {  	s21 =	simm.s32 $0x100;
	p0 =	por $0x1, $0x1  }
0x2f: {  	[tilespmem:s20], [sflag:$0x3] =	stream.indirect.gather [spmem:s3], $0x20, s21, s16, $0xb8;
	[tilespmem:$0x17000] =	vst v63  }
0x30: {  	s5 =	simm.s32 $0x180;
	s4 =	simm.s32 @!p0 $0xD  }
0x31: {  	[tilespmem:s22], [sflag:$0x4] =	stream.indirect.gather [spmem:s3], $0x20, s5, s16, $0xb8;
	[tilespmem:$0x17000] =	vst v63  }
0x32: {  	_ =	swait.ge @!p0 [sflag:s4], $0x1000  }
0x33: {  	[sflag:s4] =	ssyncset.done @!p0 $0x0  }
0x34: {  	s7 =	simm.s32 $0x200;
	s6 =	rddreg [dreg:$0x4];
	[sflag:s4] =	ssyncadd.s32 @!p0 $0xFFFFF000  }
0x35: {  	[tilespmem:s6], [sflag:$0x5] =	stream.indirect.gather [spmem:s3], $0x20, s7, s16, $0xb8;
	[tilespmem:$0x17000] =	vst v63  }
0x36: {  	_ =	swait.ge [sflag:s23], $0x1000  }
0x37: {  	[sflag:s23] =	ssyncset.done $0x0  }
0x38: {  	s9 =	simm.s32 $0x2800;
	s8 =	simm.s32 @!p0 $0xE;
	[sflag:s23] =	ssyncadd.s32 $0xFFFFF000  }
0x39: {  	[spmem:s2] =	stream.indirect.scatter.add.f32 [tilespmem:s17], [sflag:$0x9], $0x20, s9, s16, $0xb8;
	[tilespmem:$0x17000] =	vst v63  }
0x3a: {  	_ =	swait.ge @!p0 [sflag:s8], $0x1000  }
0x3b: {  	[sflag:s8] =	ssyncset.done @!p0 $0x0  }
0x3c: {  	s10 =	simm.s32 $0x280;
	[sflag:s8] =	ssyncadd.s32 @!p0 $0xFFFFF000  }
0x3d: {  	[tilespmem:s24], [sflag:$0x6] =	stream.indirect.gather [spmem:s3], $0x20, s10, s16, $0xb8;
	[tilespmem:$0x17000] =	vst v63  }
0x3e: {  	_ =	swait.ge [sflag:s25], $0x1000  }
0x3f: {  	[sflag:s25] =	ssyncset.done $0x0  }
0x40: {  	s11 =	simm.s32 $0x2880;
	s8 =	simm.s32 @!p0 $0xF;
	[sflag:s25] =	ssyncadd.s32 $0xFFFFF000  }
0x41: {  	[spmem:s2] =	stream.indirect.scatter.add.f32 [tilespmem:s18], [sflag:$0xA], $0x20, s11, s16, $0xb8;
	[tilespmem:$0x17000] =	vst v63  }
0x42: {  	_ =	swait.ge @!p0 [sflag:s8], $0x1000  }
0x43: {  	[sflag:s8] =	ssyncset.done @!p0 $0x0  }
0x44: {  	s13 =	simm.s32 $0x300;
	s12 =	rddreg [dreg:$0x5];
	[sflag:s8] =	ssyncadd.s32 @!p0 $0xFFFFF000  }
0x45: {  	[tilespmem:s12], [sflag:$0x7] =	stream.indirect.gather [spmem:s3], $0x20, s13, s16, $0xb8;
	[tilespmem:$0x17000] =	vst v63  }
0x46: {  	_ =	swait.ge [sflag:s26], $0x1000  }
0x47: {  	[sflag:s26] =	ssyncset.done $0x0  }
0x48: {  	s14 =	simm.s32 $0x2900;
	s8 =	simm.s32 @!p0 $0x10;
	[sflag:s26] =	ssyncadd.s32 $0xFFFFF000  }
0x49: {  	[spmem:s2] =	stream.indirect.scatter.add.f32 [tilespmem:s20], [sflag:$0xB], $0x20, s14, s16, $0xb8;
	[tilespmem:$0x17000] =	vst v63  }
0x4a: {  	_ =	swait.ge @!p0 [sflag:s8], $0x1000  }
0x4b: {  	[sflag:s8] =	ssyncset.done @!p0 $0x0  }
0x4c: {  	s15 =	simm.s32 $0x380;
	[sflag:s8] =	ssyncadd.s32 @!p0 $0xFFFFF000  }
0x4d: {  	[tilespmem:s28], [sflag:$0x8] =	stream.indirect.gather [spmem:s3], $0x20, s15, s16, $0xb8;
	[tilespmem:$0x17000] =	vst v63  }
0x4e: {  	_ =	swait.ge [sflag:s29], $0x1000  }
0x4f: {  	[sflag:s29] =	ssyncset.done $0x0  }
0x50: {  	s19 =	simm.s32 $0x2980;
	[sflag:s29] =	ssyncadd.s32 $0xFFFFF000  }
0x51: {  	[spmem:s2] =	stream.indirect.scatter.add.f32 [tilespmem:s22], [sflag:$0xC], $0x20, s19, s16, $0xb8;
	[tilespmem:$0x17000] =	vst v63  }
0x52: {  	_ =	swait.ge [sflag:s30], $0x1000  }
0x53: {  	p0 =	por $0x0, $0x0;
	[sflag:s30] =	ssyncset.done $0x0  }
0x54: {  	s4 =	simm.s32 @p0 $0x5;
	[sflag:s30] =	ssyncadd.s32 $0xFFFFF000  }
0x55: {  	_ =	swait.ge @p0 [sflag:s4], $0x1000  }
0x56: {  	s8 =	simm.s32 @p0 $0x2A00;
	s9 =	simm.s32 @p0 $0xA;
	[sflag:s4] =	ssyncset.done @p0 $0x0  }
0x57: {  	s10 =	simm.s32 @p0 $0x9000;
	[sflag:s4] =	ssyncadd.s32 @p0 $0xFFFFF000;
	s4 =	simm.s32 @p0 $0x80  }
0x58: {  	[spmem:s2] =	stream.indirect.scatter.add.f32 @p0 [tilespmem:s10], [sflag:$0xD], $0x20, s8, s4, $0xb8;
	[tilespmem:$0x17000] =	vst v63  }
0x59: {  	_ =	swait.ge @p0 [sflag:s9], $0x1000  }
0x5a: {  	s8 =	simm.s32 @!p0 $0x400;
	[sflag:s9] =	ssyncset.done @p0 $0x0  }
0x5b: {  	s10 =	simm.s32 @!p0 $0x5000;
	[sflag:s9] =	ssyncadd.s32 @p0 $0xFFFFF000;
	s9 =	simm.s32 @!p0 $0x80  }
0x5c: {  	[tilespmem:s10], [sflag:$0x1] =	stream.indirect.gather @!p0 [spmem:s3], $0x20, s8, s9, $0xb8;
	[tilespmem:$0x17000] =	vst v63  }
0x5d: {  	s8 =	simm.s32 @!p0 $0x5  }
0x5e: {  	_ =	swait.ge @!p0 [sflag:s8], $0x1000  }
0x5f: {  	[sflag:s8] =	ssyncset.done @!p0 $0x0  }
0x60: {  	s10 =	simm.s32 @!p0 $0x2A00;
	[sflag:s8] =	ssyncadd.s32 @!p0 $0xFFFFF000;
	s8 =	simm.s32 @!p0 $0x9000  }
0x61: {  	[spmem:s2] =	stream.indirect.scatter.add.f32 @!p0 [tilespmem:s8], [sflag:$0xD], $0x20, s10, s9, $0xb8;
	[tilespmem:$0x17000] =	vst v63  }
0x62: {  	s8 =	simm.s32 @!p0 $0xA  }
0x63: {  	_ =	swait.ge @!p0 [sflag:s8], $0x1000  }
0x64: {  	[sflag:s8] =	ssyncset.done @!p0 $0x0  }
0x65: {  	s10 =	simm.s32 @!p0 $0x480;
	[sflag:s8] =	ssyncadd.s32 @!p0 $0xFFFFF000;
	s8 =	simm.s32 @!p0 $0x6000  }
0x66: {  	[tilespmem:s8], [sflag:$0x2] =	stream.indirect.gather @!p0 [spmem:s3], $0x20, s10, s9, $0xb8;
	[tilespmem:$0x17000] =	vst v63  }
0x67: {  	_ =	swait.ge [sflag:s31], $0x1000  }
0x68: {  	[sflag:s31] =	ssyncset.done $0x0  }
0x69: {  	s21 =	simm.s32 $0x2A80;
	[sflag:s31] =	ssyncadd.s32 $0xFFFFF000  }
0x6a: {  	[spmem:s2] =	stream.indirect.scatter.add.f32 [tilespmem:s24], [sflag:$0xE], $0x20, s21, s16, $0xb8;
	[tilespmem:$0x17000] =	vst v63  }
0x6b: {  	_ =	swait.ge [sflag:s1], $0x1000  }
0x6c: {  	[sflag:s1] =	ssyncset.done $0x0  }
0x6d: {  	s8 =	simm.s32 @p0 $0x7;
	[sflag:s1] =	ssyncadd.s32 $0xFFFFF000  }
0x6e: {  	_ =	swait.ge @p0 [sflag:s8], $0x1000  }
0x6f: {  	[sflag:s8] =	ssyncset.done @p0 $0x0  }
0x70: {  	s10 =	simm.s32 @p0 $0x2B00;
	[sflag:s8] =	ssyncadd.s32 @p0 $0xFFFFF000;
	s8 =	simm.s32 @p0 $0xB000  }
0x71: {  	[spmem:s2] =	stream.indirect.scatter.add.f32 @p0 [tilespmem:s8], [sflag:$0xF], $0x20, s10, s4, $0xb8;
	[tilespmem:$0x17000] =	vst v63  }
0x72: {  	s4 =	simm.s32 @p0 $0xC  }
0x73: {  	_ =	swait.ge @p0 [sflag:s4], $0x1000  }
0x74: {  	[sflag:s4] =	ssyncset.done @p0 $0x0  }
0x75: {  	s8 =	simm.s32 @!p0 $0x500;
	[sflag:s4] =	ssyncadd.s32 @p0 $0xFFFFF000;
	s4 =	simm.s32 @!p0 $0x7000  }
0x76: {  	[tilespmem:s4], [sflag:$0x3] =	stream.indirect.gather @!p0 [spmem:s3], $0x20, s8, s9, $0xb8;
	[tilespmem:$0x17000] =	vst v63  }
0x77: {  	s4 =	simm.s32 @!p0 $0x7  }
0x78: {  	_ =	swait.ge @!p0 [sflag:s4], $0x1000  }
0x79: {  	[sflag:s4] =	ssyncset.done @!p0 $0x0  }
0x7a: {  	s8 =	simm.s32 @!p0 $0x2B00;
	[sflag:s4] =	ssyncadd.s32 @!p0 $0xFFFFF000;
	s4 =	simm.s32 @!p0 $0xB000  }
0x7b: {  	[spmem:s2] =	stream.indirect.scatter.add.f32 @!p0 [tilespmem:s4], [sflag:$0xF], $0x20, s8, s9, $0xb8;
	[tilespmem:$0x17000] =	vst v63  }
0x7c: {  	s4 =	simm.s32 @!p0 $0xC  }
0x7d: {  	_ =	swait.ge @!p0 [sflag:s4], $0x1000  }
0x7e: {  	[sflag:s4] =	ssyncset.done @!p0 $0x0  }
0x7f: {  	s8 =	simm.s32 @!p0 $0x580;
	[sflag:s4] =	ssyncadd.s32 @!p0 $0xFFFFF000;
	s4 =	simm.s32 @!p0 $0x8000  }
0x80: {  	[tilespmem:s4], [sflag:$0x4] =	stream.indirect.gather @!p0 [spmem:s3], $0x20, s8, s9, $0xb8;
	[tilespmem:$0x17000] =	vst v63  }
0x81: {  	p1 =	por $0x0, $0x0;
	s8 =	simm.s32 $0x1000;
	_ =	swait.ge [sflag:s0], $0x1000  }
0x82: {  	s9 =	simm.s32 $0x2000;
	s4 =	simm.s32 $0x2B80;
	[sflag:s0] =	ssyncset.done $0x0  }
.LBB2_2:
0x83: {  	s10 =	simm.s32 @!p1 $0xD;
	[sflag:s0] =	ssyncadd.s32 $0xFFFFF000  }
0x84: {  	[spmem:s2] =	stream.indirect.scatter.add.f32 [tilespmem:s28], [sflag:$0x10], $0x20, s4, s16, $0xb8;
	[tilespmem:$0x17000] =	vst v63  }
0x85: {  	_ =	swait.ge @!p1 [sflag:s10], $0x1000  }
0x86: {  	[sflag:s10] =	ssyncset.done @!p1 $0x0  }
0x87: {  	[sflag:s10] =	ssyncadd.s32 @!p1 $0xFFFFF000;
	s10 =	sshra.s32 s8, $0x2  }
0x88: {  	s19 =	rddreg [dreg:$0x4];
	s14 =	sadd.s32 $0x200, s10  }
0x89: {  	[tilespmem:s19], [sflag:$0x5] =	stream.indirect.gather [spmem:s3], $0x20, s14, s16, $0xb8;
	[tilespmem:$0x17000] =	vst v63  }
0x8a: {  	_ =	swait.ge [sflag:s23], $0x1000  }
0x8b: {  	[sflag:s23] =	ssyncset.done $0x0  }
0x8c: {  	s21 =	sadd.s32 $0x2800, s10;
	s14 =	simm.s32 @!p1 $0xE;
	[sflag:s23] =	ssyncadd.s32 $0xFFFFF000  }
0x8d: {  	[spmem:s2] =	stream.indirect.scatter.add.f32 [tilespmem:s17], [sflag:$0x9], $0x20, s21, s16, $0xb8;
	[tilespmem:$0x17000] =	vst v63  }
0x8e: {  	_ =	swait.ge @!p1 [sflag:s14], $0x1000  }
0x8f: {  	[sflag:s14] =	ssyncset.done @!p1 $0x0  }
0x90: {  	s5 =	sadd.s32 $0x280, s10;
	[sflag:s14] =	ssyncadd.s32 @!p1 $0xFFFFF000  }
0x91: {  	[tilespmem:s24], [sflag:$0x6] =	stream.indirect.gather [spmem:s3], $0x20, s5, s16, $0xb8;
	[tilespmem:$0x17000] =	vst v63  }
0x92: {  	_ =	swait.ge [sflag:s25], $0x1000  }
0x93: {  	[sflag:s25] =	ssyncset.done $0x0  }
0x94: {  	s6 =	sadd.s32 $0x2880, s10;
	s14 =	simm.s32 @!p1 $0xF;
	[sflag:s25] =	ssyncadd.s32 $0xFFFFF000  }
0x95: {  	[spmem:s2] =	stream.indirect.scatter.add.f32 [tilespmem:s18], [sflag:$0xA], $0x20, s6, s16, $0xb8;
	[tilespmem:$0x17000] =	vst v63  }
0x96: {  	_ =	swait.ge @!p1 [sflag:s14], $0x1000  }
0x97: {  	[sflag:s14] =	ssyncset.done @!p1 $0x0  }
0x98: {  	s12 =	sadd.s32 $0x300, s10;
	s7 =	rddreg [dreg:$0x5];
	[sflag:s14] =	ssyncadd.s32 @!p1 $0xFFFFF000  }
0x99: {  	[tilespmem:s7], [sflag:$0x7] =	stream.indirect.gather [spmem:s3], $0x20, s12, s16, $0xb8;
	[tilespmem:$0x17000] =	vst v63  }
0x9a: {  	_ =	swait.ge [sflag:s26], $0x1000  }
0x9b: {  	[sflag:s26] =	ssyncset.done $0x0  }
0x9c: {  	s13 =	sadd.s32 $0x2900, s10;
	s14 =	simm.s32 @!p1 $0x10;
	[sflag:s26] =	ssyncadd.s32 $0xFFFFF000  }
0x9d: {  	[spmem:s2] =	stream.indirect.scatter.add.f32 [tilespmem:s20], [sflag:$0xB], $0x20, s13, s16, $0xb8;
	[tilespmem:$0x17000] =	vst v63  }
0x9e: {  	_ =	swait.ge @!p1 [sflag:s14], $0x1000  }
0x9f: {  	[sflag:s14] =	ssyncset.done @!p1 $0x0  }
0xa0: {  	s15 =	sadd.s32 $0x380, s10;
	[sflag:s14] =	ssyncadd.s32 @!p1 $0xFFFFF000  }
0xa1: {  	[tilespmem:s28], [sflag:$0x8] =	stream.indirect.gather [spmem:s3], $0x20, s15, s16, $0xb8;
	[tilespmem:$0x17000] =	vst v63  }
0xa2: {  	_ =	swait.ge [sflag:s29], $0x1000  }
0xa3: {  	[sflag:s29] =	ssyncset.done $0x0  }
0xa4: {  	s19 =	sadd.s32 $0x2980, s10;
	[sflag:s29] =	ssyncadd.s32 $0xFFFFF000  }
0xa5: {  	[spmem:s2] =	stream.indirect.scatter.add.f32 [tilespmem:s22], [sflag:$0xC], $0x20, s19, s16, $0xb8;
	[tilespmem:$0x17000] =	vst v63  }
0xa6: {  	_ =	swait.ge [sflag:s30], $0x1000  }
0xa7: {  	s11 =	smov.u32 s9;
	p1 =	seq.s32 s8, $0x9000;
	[sflag:s30] =	ssyncset.done $0x0  }
0xa8: {  	s4 =	simm.s32 @p1 $0x5;
	s14 =	sshra.s32 @p1 s8, $0x2;
	[sflag:s30] =	ssyncadd.s32 $0xFFFFF000  }
0xa9: {  	s8 =	sshra.s32 @!p1 s8, $0x2;
	s21 =	simm.s32 @p1 $0xA;
	_ =	swait.ge @p1 [sflag:s4], $0x1000  }
0xaa: {  	s15 =	simm.s32 @p1 $0x80;
	s7 =	simm.s32 @!p1 $0x5;
	[sflag:s4] =	ssyncset.done @p1 $0x0  }
0xab: {  	s19 =	sadd.s32 @p1 $0x2A00, s14;
	[sflag:s4] =	ssyncadd.s32 @p1 $0xFFFFF000;
	s4 =	simm.s32 @p1 $0x9000  }
0xac: {  	[spmem:s2] =	stream.indirect.scatter.add.f32 @p1 [tilespmem:s4], [sflag:$0xD], $0x20, s19, s15, $0xb8;
	[tilespmem:$0x17000] =	vst v63  }
0xad: {  	s5 =	sadd.s32 @!p1 $0x400, s8;
	s12 =	sadd.s32 @!p1 $0x2A00, s8;
	_ =	swait.ge @p1 [sflag:s21], $0x1000  }
0xae: {  	s6 =	sadd.s32 @!p1 $0x480, s8;
	s13 =	sadd.s32 @p1 $0x2B00, s14;
	[sflag:s21] =	ssyncset.done @p1 $0x0  }
0xaf: {  	s14 =	simm.s32 @!p1 $0x80;
	s4 =	simm.s32 @!p1 $0x5000;
	[sflag:s21] =	ssyncadd.s32 @p1 $0xFFFFF000  }
0xb0: {  	[tilespmem:s4], [sflag:$0x1] =	stream.indirect.gather @!p1 [spmem:s3], $0x20, s5, s14, $0xb8;
	[tilespmem:$0x17000] =	vst v63  }
0xb1: {  	s19 =	sadd.s32 @!p1 $0x2B00, s8;
	s5 =	sadd.s32 @!p1 $0x500, s8;
	_ =	swait.ge @!p1 [sflag:s7], $0x1000  }
0xb2: {  	s4 =	sadd.s32 @!p1 $0x580, s8;
	s8 =	smov.u32 s11;
	[sflag:s7] =	ssyncset.done @!p1 $0x0  }
0xb3: {  	s11 =	simm.s32 @!p1 $0xA;
	[sflag:s7] =	ssyncadd.s32 @!p1 $0xFFFFF000;
	s7 =	simm.s32 @!p1 $0x9000  }
0xb4: {  	[spmem:s2] =	stream.indirect.scatter.add.f32 @!p1 [tilespmem:s7], [sflag:$0xD], $0x20, s12, s14, $0xb8;
	[tilespmem:$0x17000] =	vst v63  }
0xb5: {  	_ =	swait.ge @!p1 [sflag:s11], $0x1000  }
0xb6: {  	[sflag:s11] =	ssyncset.done @!p1 $0x0  }
0xb7: {  	s7 =	simm.s32 @!p1 $0x6000;
	[sflag:s11] =	ssyncadd.s32 @!p1 $0xFFFFF000  }
0xb8: {  	[tilespmem:s7], [sflag:$0x2] =	stream.indirect.gather @!p1 [spmem:s3], $0x20, s6, s14, $0xb8;
	[tilespmem:$0x17000] =	vst v63  }
0xb9: {  	_ =	swait.ge [sflag:s31], $0x1000  }
0xba: {  	[sflag:s31] =	ssyncset.done $0x0  }
0xbb: {  	s21 =	sadd.s32 $0x2A80, s10;
	[sflag:s31] =	ssyncadd.s32 $0xFFFFF000  }
0xbc: {  	[spmem:s2] =	stream.indirect.scatter.add.f32 [tilespmem:s24], [sflag:$0xE], $0x20, s21, s16, $0xb8;
	[tilespmem:$0x17000] =	vst v63  }
0xbd: {  	_ =	swait.ge [sflag:s1], $0x1000  }
0xbe: {  	[sflag:s1] =	ssyncset.done $0x0  }
0xbf: {  	s6 =	simm.s32 @p1 $0x7;
	[sflag:s1] =	ssyncadd.s32 $0xFFFFF000  }
0xc0: {  	_ =	swait.ge @p1 [sflag:s6], $0x1000  }
0xc1: {  	[sflag:s6] =	ssyncset.done @p1 $0x0  }
0xc2: {  	s7 =	simm.s32 @p1 $0xC;
	[sflag:s6] =	ssyncadd.s32 @p1 $0xFFFFF000;
	s6 =	simm.s32 @p1 $0xB000  }
0xc3: {  	[spmem:s2] =	stream.indirect.scatter.add.f32 @p1 [tilespmem:s6], [sflag:$0xF], $0x20, s13, s15, $0xb8;
	[tilespmem:$0x17000] =	vst v63  }
0xc4: {  	_ =	swait.ge @p1 [sflag:s7], $0x1000  }
0xc5: {  	[sflag:s7] =	ssyncset.done @p1 $0x0  }
0xc6: {  	s6 =	simm.s32 @!p1 $0x7000;
	[sflag:s7] =	ssyncadd.s32 @p1 $0xFFFFF000;
	s7 =	simm.s32 @!p1 $0x7  }
0xc7: {  	[tilespmem:s6], [sflag:$0x3] =	stream.indirect.gather @!p1 [spmem:s3], $0x20, s5, s14, $0xb8;
	[tilespmem:$0x17000] =	vst v63  }
0xc8: {  	_ =	swait.ge @!p1 [sflag:s7], $0x1000  }
0xc9: {  	s9 =	sadd.s32 $0x1000, s9;
	[sflag:s7] =	ssyncset.done @!p1 $0x0  }
0xca: {  	s5 =	simm.s32 @!p1 $0xB000;
	s6 =	simm.s32 @!p1 $0xC;
	[sflag:s7] =	ssyncadd.s32 @!p1 $0xFFFFF000  }
0xcb: {  	[spmem:s2] =	stream.indirect.scatter.add.f32 @!p1 [tilespmem:s5], [sflag:$0xF], $0x20, s19, s14, $0xb8;
	[tilespmem:$0x17000] =	vst v63  }
0xcc: {  	p0 =	sne.s32 s9, $0xA000;
	_ =	swait.ge @!p1 [sflag:s6], $0x1000  }
.Ltmp0:
0xcd: {  	[sflag:s6] =	ssyncset.done @!p1 $0x0;
	(pc) =	sbr.rel @p0 .LBB2_2-.Ltmp0, $4  }
0xce: {  	s5 =	simm.s32 @!p1 $0x8000;
	[sflag:s6] =	ssyncadd.s32 @!p1 $0xFFFFF000  }
0xcf: {  	[tilespmem:s5], [sflag:$0x4] =	stream.indirect.gather @!p1 [spmem:s3], $0x20, s4, s14, $0xb8;
	[tilespmem:$0x17000] =	vst v63  }
0xd0: {  	_ =	swait.ge [sflag:s0], $0x1000  }
0xd1: {  	p1 =	seq.s32 s8, $0x0;
	s4 =	sadd.s32 $0x2B80, s10;
	[sflag:s0] =	ssyncset.done $0x0  }
0xd2: {  	s5 =	simm.s32 @!p1 $0xD;
	[sflag:s0] =	ssyncadd.s32 $0xFFFFF000  }
0xd3: {  	[spmem:s2] =	stream.indirect.scatter.add.f32 [tilespmem:s28], [sflag:$0x10], $0x20, s4, s16, $0xb8;
	[tilespmem:$0x17000] =	vst v63  }
0xd4: {  	_ =	swait.ge @!p1 [sflag:s5], $0x1000  }
0xd5: {  	s9 =	sshra.s32 s8, $0x2;
	[sflag:s5] =	ssyncset.done @!p1 $0x0  }
0xd6: {  	s6 =	sadd.s32 $0x200, s9;
	s21 =	rddreg [dreg:$0x4];
	[sflag:s5] =	ssyncadd.s32 @!p1 $0xFFFFF000  }
0xd7: {  	[tilespmem:s21], [sflag:$0x5] =	stream.indirect.gather [spmem:s3], $0x20, s6, s16, $0xb8;
	[tilespmem:$0x17000] =	vst v63  }
0xd8: {  	_ =	swait.ge [sflag:s23], $0x1000  }
0xd9: {  	[sflag:s23] =	ssyncset.done $0x0  }
0xda: {  	s7 =	sadd.s32 $0x2800, s9;
	s5 =	simm.s32 @!p1 $0xE;
	[sflag:s23] =	ssyncadd.s32 $0xFFFFF000  }
0xdb: {  	[spmem:s2] =	stream.indirect.scatter.add.f32 [tilespmem:s17], [sflag:$0x9], $0x20, s7, s16, $0xb8;
	[tilespmem:$0x17000] =	vst v63  }
0xdc: {  	_ =	swait.ge @!p1 [sflag:s5], $0x1000  }
0xdd: {  	[sflag:s5] =	ssyncset.done @!p1 $0x0  }
0xde: {  	s10 =	sadd.s32 $0x280, s9;
	[sflag:s5] =	ssyncadd.s32 @!p1 $0xFFFFF000  }
0xdf: {  	[tilespmem:s24], [sflag:$0x6] =	stream.indirect.gather [spmem:s3], $0x20, s10, s16, $0xb8;
	[tilespmem:$0x17000] =	vst v63  }
0xe0: {  	_ =	swait.ge [sflag:s25], $0x1000  }
0xe1: {  	[sflag:s25] =	ssyncset.done $0x0  }
0xe2: {  	s11 =	sadd.s32 $0x2880, s9;
	s5 =	simm.s32 @!p1 $0xF;
	[sflag:s25] =	ssyncadd.s32 $0xFFFFF000  }
0xe3: {  	[spmem:s2] =	stream.indirect.scatter.add.f32 [tilespmem:s18], [sflag:$0xA], $0x20, s11, s16, $0xb8;
	[tilespmem:$0x17000] =	vst v63  }
0xe4: {  	_ =	swait.ge @!p1 [sflag:s5], $0x1000  }
0xe5: {  	[sflag:s5] =	ssyncset.done @!p1 $0x0  }
0xe6: {  	s13 =	sadd.s32 $0x300, s9;
	s12 =	rddreg [dreg:$0x5];
	[sflag:s5] =	ssyncadd.s32 @!p1 $0xFFFFF000  }
0xe7: {  	[tilespmem:s12], [sflag:$0x7] =	stream.indirect.gather [spmem:s3], $0x20, s13, s16, $0xb8;
	[tilespmem:$0x17000] =	vst v63  }
0xe8: {  	_ =	swait.ge [sflag:s26], $0x1000  }
0xe9: {  	[sflag:s26] =	ssyncset.done $0x0  }
0xea: {  	s14 =	sadd.s32 $0x2900, s9;
	s5 =	simm.s32 @!p1 $0x10;
	[sflag:s26] =	ssyncadd.s32 $0xFFFFF000  }
0xeb: {  	[spmem:s2] =	stream.indirect.scatter.add.f32 [tilespmem:s20], [sflag:$0xB], $0x20, s14, s16, $0xb8;
	[tilespmem:$0x17000] =	vst v63  }
0xec: {  	_ =	swait.ge @!p1 [sflag:s5], $0x1000  }
0xed: {  	[sflag:s5] =	ssyncset.done @!p1 $0x0  }
0xee: {  	s15 =	sadd.s32 $0x380, s9;
	[sflag:s5] =	ssyncadd.s32 @!p1 $0xFFFFF000  }
0xef: {  	[tilespmem:s28], [sflag:$0x8] =	stream.indirect.gather [spmem:s3], $0x20, s15, s16, $0xb8;
	[tilespmem:$0x17000] =	vst v63  }
0xf0: {  	_ =	swait.ge [sflag:s29], $0x1000  }
0xf1: {  	[sflag:s29] =	ssyncset.done $0x0  }
0xf2: {  	s19 =	sadd.s32 $0x2980, s9;
	[sflag:s29] =	ssyncadd.s32 $0xFFFFF000  }
0xf3: {  	[spmem:s2] =	stream.indirect.scatter.add.f32 [tilespmem:s22], [sflag:$0xC], $0x20, s19, s16, $0xb8;
	[tilespmem:$0x17000] =	vst v63  }
0xf4: {  	_ =	swait.ge [sflag:s30], $0x1000  }
0xf5: {  	p0 =	seq.s32 s8, $0x9000;
	[sflag:s30] =	ssyncset.done $0x0  }
0xf6: {  	s4 =	simm.s32 @p0 $0x5;
	[sflag:s30] =	ssyncadd.s32 $0xFFFFF000  }
0xf7: {  	s7 =	simm.s32 @p0 $0xA;
	_ =	swait.ge @p0 [sflag:s4], $0x1000  }
0xf8: {  	s10 =	simm.s32 @p0 $0x9000;
	s5 =	sshra.s32 @p0 s8, $0x2;
	[sflag:s4] =	ssyncset.done @p0 $0x0  }
0xf9: {  	s6 =	sadd.s32 @p0 $0x2A00, s5;
	[sflag:s4] =	ssyncadd.s32 @p0 $0xFFFFF000;
	s4 =	simm.s32 @p0 $0x80  }
0xfa: {  	[spmem:s2] =	stream.indirect.scatter.add.f32 @p0 [tilespmem:s10], [sflag:$0xD], $0x20, s6, s4, $0xb8;
	[tilespmem:$0x17000] =	vst v63  }
0xfb: {  	_ =	swait.ge @p0 [sflag:s7], $0x1000  }
0xfc: {  	s6 =	sshra.s32 @!p0 s8, $0x2;
	s10 =	simm.s32 @!p0 $0x5000;
	[sflag:s7] =	ssyncset.done @p0 $0x0  }
0xfd: {  	s8 =	sadd.s32 @!p0 $0x400, s6;
	[sflag:s7] =	ssyncadd.s32 @p0 $0xFFFFF000;
	s7 =	simm.s32 @!p0 $0x80  }
0xfe: {  	[tilespmem:s10], [sflag:$0x1] =	stream.indirect.gather @!p0 [spmem:s3], $0x20, s8, s7, $0xb8;
	[tilespmem:$0x17000] =	vst v63  }
0xff: {  	s8 =	simm.s32 @!p0 $0x5  }
0x100: {  	_ =	swait.ge @!p0 [sflag:s8], $0x1000  }
0x101: {  	[sflag:s8] =	ssyncset.done @!p0 $0x0  }
0x102: {  	s10 =	sadd.s32 @!p0 $0x2A00, s6;
	[sflag:s8] =	ssyncadd.s32 @!p0 $0xFFFFF000;
	s8 =	simm.s32 @!p0 $0x9000  }
0x103: {  	[spmem:s2] =	stream.indirect.scatter.add.f32 @!p0 [tilespmem:s8], [sflag:$0xD], $0x20, s10, s7, $0xb8;
	[tilespmem:$0x17000] =	vst v63  }
0x104: {  	s8 =	simm.s32 @!p0 $0xA  }
0x105: {  	_ =	swait.ge @!p0 [sflag:s8], $0x1000  }
0x106: {  	[sflag:s8] =	ssyncset.done @!p0 $0x0  }
0x107: {  	s10 =	sadd.s32 @!p0 $0x480, s6;
	[sflag:s8] =	ssyncadd.s32 @!p0 $0xFFFFF000;
	s8 =	simm.s32 @!p0 $0x6000  }
0x108: {  	[tilespmem:s8], [sflag:$0x2] =	stream.indirect.gather @!p0 [spmem:s3], $0x20, s10, s7, $0xb8;
	[tilespmem:$0x17000] =	vst v63  }
0x109: {  	_ =	swait.ge [sflag:s31], $0x1000  }
0x10a: {  	[sflag:s31] =	ssyncset.done $0x0  }
0x10b: {  	s21 =	sadd.s32 $0x2A80, s9;
	[sflag:s31] =	ssyncadd.s32 $0xFFFFF000  }
0x10c: {  	[spmem:s2] =	stream.indirect.scatter.add.f32 [tilespmem:s24], [sflag:$0xE], $0x20, s21, s16, $0xb8;
	[tilespmem:$0x17000] =	vst v63  }
0x10d: {  	_ =	swait.ge [sflag:s1], $0x1000  }
0x10e: {  	[sflag:s1] =	ssyncset.done $0x0  }
0x10f: {  	s8 =	simm.s32 @p0 $0x7;
	[sflag:s1] =	ssyncadd.s32 $0xFFFFF000  }
0x110: {  	_ =	swait.ge @p0 [sflag:s8], $0x1000  }
0x111: {  	[sflag:s8] =	ssyncset.done @p0 $0x0  }
0x112: {  	s5 =	sadd.s32 @p0 $0x2B00, s5;
	[sflag:s8] =	ssyncadd.s32 @p0 $0xFFFFF000;
	s8 =	simm.s32 @p0 $0xB000  }
0x113: {  	[spmem:s2] =	stream.indirect.scatter.add.f32 @p0 [tilespmem:s8], [sflag:$0xF], $0x20, s5, s4, $0xb8;
	[tilespmem:$0x17000] =	vst v63  }
0x114: {  	s4 =	simm.s32 @p0 $0xC  }
0x115: {  	_ =	swait.ge @p0 [sflag:s4], $0x1000  }
0x116: {  	[sflag:s4] =	ssyncset.done @p0 $0x0  }
0x117: {  	s5 =	sadd.s32 @!p0 $0x500, s6;
	[sflag:s4] =	ssyncadd.s32 @p0 $0xFFFFF000;
	s4 =	simm.s32 @!p0 $0x7000  }
0x118: {  	[tilespmem:s4], [sflag:$0x3] =	stream.indirect.gather @!p0 [spmem:s3], $0x20, s5, s7, $0xb8;
	[tilespmem:$0x17000] =	vst v63  }
0x119: {  	s4 =	simm.s32 @!p0 $0x7  }
0x11a: {  	_ =	swait.ge @!p0 [sflag:s4], $0x1000  }
0x11b: {  	[sflag:s4] =	ssyncset.done @!p0 $0x0  }
0x11c: {  	s5 =	sadd.s32 @!p0 $0x2B00, s6;
	[sflag:s4] =	ssyncadd.s32 @!p0 $0xFFFFF000;
	s4 =	simm.s32 @!p0 $0xB000  }
0x11d: {  	[spmem:s2] =	stream.indirect.scatter.add.f32 @!p0 [tilespmem:s4], [sflag:$0xF], $0x20, s5, s7, $0xb8;
	[tilespmem:$0x17000] =	vst v63  }
0x11e: {  	s4 =	simm.s32 @!p0 $0xC  }
0x11f: {  	_ =	swait.ge @!p0 [sflag:s4], $0x1000  }
0x120: {  	[sflag:s4] =	ssyncset.done @!p0 $0x0  }
0x121: {  	s5 =	sadd.s32 @!p0 $0x580, s6;
	[sflag:s4] =	ssyncadd.s32 @!p0 $0xFFFFF000;
	s4 =	simm.s32 @!p0 $0x8000  }
0x122: {  	[tilespmem:s4], [sflag:$0x4] =	stream.indirect.gather @!p0 [spmem:s3], $0x20, s5, s7, $0xb8;
	[tilespmem:$0x17000] =	vst v63  }
0x123: {  	_ =	swait.ge [sflag:s0], $0x1000  }
0x124: {  	[sflag:s0] =	ssyncset.done $0x0  }
0x125: {  	s11 =	simm.s32 $0xD;
	s10 =	sadd.s32 $0x2B80, s9;
	[sflag:s0] =	ssyncadd.s32 $0xFFFFF000  }
0x126: {  	[spmem:s2] =	stream.indirect.scatter.add.f32 [tilespmem:s28], [sflag:$0x10], $0x20, s10, s16, $0xb8;
	[tilespmem:$0x17000] =	vst v63  }
0x127: {  	_ =	swait.ge [sflag:s11], $0x1000  }
0x128: {  	[sflag:s11] =	ssyncset.done $0x0  }
0x129: {  	s12 =	simm.s32 $0xE;
	[sflag:s11] =	ssyncadd.s32 $0xFFFFF000  }
0x12a: {  	_ =	swait.ge [sflag:s12], $0x1000  }
0x12b: {  	[sflag:s12] =	ssyncset.done $0x0  }
0x12c: {  	s13 =	simm.s32 $0xF;
	[sflag:s12] =	ssyncadd.s32 $0xFFFFF000  }
0x12d: {  	_ =	swait.ge [sflag:s13], $0x1000  }
0x12e: {  	[sflag:s13] =	ssyncset.done $0x0  }
0x12f: {  	s14 =	simm.s32 $0x10;
	[sflag:s13] =	ssyncadd.s32 $0xFFFFF000  }
0x130: {  	_ =	swait.ge [sflag:s14], $0x1000  }
0x131: {  	[sflag:s14] =	ssyncset.done $0x0  }
0x132: {  	[sflag:s14] =	ssyncadd.s32 $0xFFFFF000  }
0x133: {  	[bflag:$0x0] =	sbarrier.arrive $0xFFFF  }
0x134: {  	s6 =	rddreg [dreg:$0x7]  }
0x135: {  	s15 =	rddreg [dreg:$0xb]  }
0x136: {  	s8 =	simm.s32 $0x11;
	s7 =	rddreg [dreg:$0xd]  }
0x137: {  	[hbm:s15], [sflag:s6] =	dma.local [spmem:s7], $0xA00  }
0x138: {  	_ =	swait.ge [sflag:s8], $0xA00  }
0x139: {  	s19 =	rddreg [dreg:$0xf]  }
0x13a: {  	s21 =	rddreg [dreg:$0xc];
	s5 =	sadd.s32 $0x1, s19  }
0x13b: {  	p0 =	sne.s32 s5, s21  }
.Ltmp1:
0x13c: {  	_ = 	snop;
	(pc) =	sbr.rel @p0 .LBB2_1-.Ltmp1, $3  }
0x13d: {  	_ =	sdelay $0x1  }
0x13e: {  	[sflag:s8] =	ssyncset.done $0x0  }
0x13f: {  	[sflag:s8] =	ssyncadd.s32 $0xFFFFF600  }
0x140: {  	_ =	sfence.sel $0x180000  }
0x141: {  	[bflag:$0x0] =	sbarrier.arrive $0xFFFF  }
0x142: {  	_ =	strace $0x9000004D  }
0x143: {  	s0 =	stileid.u32;
	[bflag:$0x2] =	sbarrier.arrive $0xFFFF  }
0x144: {  	p0 =	sne.s32 s0, $0x0;
	s0 =	rddreg [dreg:$0x3]  }
0x145: {  	s0 =	sadd.s32 @!p0 $0x100000, s0  }
0x146: {  	[sflag:s0] =	ssyncadd.tile.s32 @!p0 $0x1;
	_ =	shalt  }
.Lfunc_end2:
_tile_overlayer_lowered:
.L_overlay_start_2:
0x147: {  	(tag) =	ssettag $0x2  }
0x148: {  	s0 =	rddreg [dreg:$0x0];
	s2 =	stileid.u32  }
0x149: {  	s1 =	rddreg [dreg:$0x1];
	p0 =	sne.s32 s2, $0x0  }
0x14a: {  	s3 =	rddreg [dreg:$0x2];
	[bflag:$0x3] =	sbarrier.arrive $0xFFFF;
	s2 =	simm.s32 @!p0 $0x1C11  }
0x14b: {  	[timem:s3], [sflag:s2] =	dma.local @!p0 [hbm:s0], s1  }
0x14c: {  	s0 =	simm.s32 @!p0 $0x11  }
0x14d: {  	_ =	swait.ge @!p0 [sflag:s0], s1  }
0x14e: {  	s1 =	ssub.s32 @!p0 $0x0, s1;
	[sflag:s0] =	ssyncset.done @!p0 $0x0  }
0x14f: {  	[sflag:s0] =	ssyncadd.s32 @!p0 s1  }
0x150: {  	[bflag:$0x3] =	sbarrier.arrive $0xFFFF  }
0x151: {  	_ =	shalt  }

// kernel: kernel.19.cloned.1.call-start
scs
__scs_entry_jumppad:
0x0: {  	(pc) =	sbr.rel $0x88, $3  }
0x1: {  	(tag) =	ssettag $0x0;
	lr =	simm.s32 $0x1  }
0x2: {  	[smem:$0x3F95] =	sst lr;
	_ =	strace $0xD0000000  }
0x3: {  	_ = 	snop  }
0x4: {  	_ = 	snop  }
0x5: {  	_ = 	snop  }
0x6: {  	_ = 	snop  }
0x7: {  	_ = 	snop  }
__scs_overlays_trampoline_lowered:
0x8: {  	[smem:$0x3FA4] =	sst s0  }
0x9: {  	[smem:$0x3FA5] =	sst s1  }
0xa: {  	[smem:$0x3FA6] =	sst s2  }
0xb: {  	[smem:$0x3FA7] =	sst s3  }
0xc: {  	[smem:$0x3FA8] =	sst s4  }
0xd: {  	[smem:$0x3FA9] =	sst s5  }
0xe: {  	[smem:$0x3FAA] =	sst s6  }
0xf: {  	[smem:$0x3FAB] =	sst s7  }
0x10: {  	[smem:$0x3FAC] =	sst s8  }
0x11: {  	[smem:$0x3FAD] =	sst s9;
	s0 =	simm.s32 @!p0 $0x0  }
0x12: {  	s1 =	sld [smem:$0x3F93];
	s0 =	simm.s32 @p0 $0x1  }
0x13: {  	[smem:$0x3FAE] =	sst s0;
	s0 =	simm.s32 @!p1 $0x0  }
0x14: {  	s2 =	sld [smem:$0x3F92];
	s0 =	simm.s32 @p1 $0x1  }
0x15: {  	[smem:$0x3FAF] =	sst s0;
	s0 =	simm.s32 @!p2 $0x0  }
0x16: {  	s3 =	sld [smem:$0x3FDB];
	s0 =	simm.s32 @p2 $0x1  }
0x17: {  	s4 =	simm.s32 $0x1BF5;
	[smem:$0x3FB1] =	sst s0  }
0x18: {  	s0 =	sld [smem:$0x3F94];
	_ =	swait.ge [sflag:s4], $0x0  }
0x19: {  	s7 =	sld [smem:$0x3F95]  }
0x1a: {  	s8 =	sadd.s32 $0xFFFFE003, lr  }
0x1b: {  	s9 =	sadd.s32 $0xFFFFFEF7, lr;
	s5 =	simm.s32 $0xFFFFFFFF;
	p2 =	slt.u32 s8, $0xFFFFF086  }
0x1c: {  	p1 =	slt.u32 s9, $0xF7A;
	s5 =	simm.s32 @!p2 $0x0  }
0x1d: {  	s5 =	simm.s32 @p1 $0x1;
	p0 =	seq.s32 s7, s2  }
0x1e: {  	s7 =	smul.u32 @!p0 $0xF7A, s2;
	p2 =	seq.s32 @!p0 s5, $0x0  }
0x1f: {  	s9 =	smul.u32 $0xF7A, s1;
	s8 =	simm.s32 @!p0 $0x1BF5;
	p2 =	por !p2, p0  }
0x20: {  	[sflag:s8] =	ssyncset.s32 @!p0 $0xFFFFF086;
	s6 =	sadd.s32 @!p0 s3, s7;
	s7 =	simm.s32 @!p0 $0x108  }
0x21: {  	s3 =	sadd.s32 s3, s9;
	s6 =	sadd.s32 @!p0 $0x88, s6;
	s7 =	simm.s32 @p2 $0x1082  }
0x22: {  	[simem:s7], [sflag:s8] =	dma.local @!p0 [hbm:s6], $0xF7A  }
0x23: {  	s9 =	sor.u32 $0xD0000000, s2;
	s6 =	simm.s32 $0x108;
	_ =	swait.ge @!p0 [sflag:s8], $0x0  }
0x24: {  	s3 =	sadd.s32 $0x88, s3;
	s6 =	simm.s32 @!p1 $0x1082;
	[sflag:s4] =	ssyncset.s32 $0xFFFFF086  }
0x25: {  	[simem:s6], [sflag:s4] =	dma.local [hbm:s3], $0xF7A  }
0x26: {  	[smem:$0x3F95] =	sst s1;
	(tag) =	ssettag s2;
	_ =	strace s9  }
0x27: {  	s1 =	sld [smem:$0x3FA5]  }
0x28: {  	s2 =	sld [smem:$0x3FA6]  }
0x29: {  	s4 =	sld [smem:$0x3FA8]  }
0x2a: {  	p0 =	seq.s32 s5, $0x0;
	s5 =	sld [smem:$0x3FA9]  }
0x2b: {  	s6 =	sld [smem:$0x3FAA]  }
0x2c: {  	s7 =	sld [smem:$0x3FAB]  }
0x2d: {  	s3 =	simm.s32 $0x108;
	s8 =	sld [smem:$0x3FAC]  }
0x2e: {  	s3 =	simm.s32 @!p0 $0x1082;
	s9 =	sld [smem:$0x3FAD]  }
0x2f: {  	lr =	sadd.s32 s0, s3;
	s0 =	sld [smem:$0x3FA4]  }
0x30: {  	s3 =	sld [smem:$0x3FA7]  }
0x31: {  	[smem:$0x3FB0] =	sst s10  }
0x32: {  	s10 =	sld [smem:$0x3FAE];
	_ =	sdelay $0x3  }
0x33: {  	p0 =	seq.s32 s10, $0x1;
	s10 =	sld [smem:$0x3FB0];
	_ =	sdelay $0x3  }
0x34: {  	[smem:$0x3FB0] =	sst s10  }
0x35: {  	s10 =	sld [smem:$0x3FAF];
	_ =	sdelay $0x3  }
0x36: {  	p1 =	seq.s32 s10, $0x1;
	s10 =	sld [smem:$0x3FB0];
	_ =	sdelay $0x3  }
0x37: {  	[smem:$0x3FB0] =	sst s10  }
0x38: {  	s10 =	sld [smem:$0x3FB1]  }
0x39: {  	_ = 	snop;
	(pc) =	sbr.ind lr, $3  }
0x3a: {  	_ = 	snop  }
0x3b: {  	_ = 	snop  }
0x3c: {  	p2 =	seq.s32 s10, $0x1;
	s10 =	sld [smem:$0x3FB0]  }
0x3d: {  	_ =	shalt  }
0x3e: {  	_ =	shalt  }
0x3f: {  	_ =	shalt  }
0x40: {  	_ =	shalt  }
0x41: {  	_ =	shalt  }
0x42: {  	_ =	shalt  }
0x43: {  	_ =	shalt  }
0x44: {  	_ =	shalt  }
0x45: {  	_ =	shalt  }
0x46: {  	_ =	shalt  }
0x47: {  	_ =	shalt  }
0x48: {  	_ =	shalt  }
0x49: {  	_ =	shalt  }
0x4a: {  	_ =	shalt  }
0x4b: {  	_ =	shalt  }
0x4c: {  	_ =	shalt  }
0x4d: {  	_ =	shalt  }
0x4e: {  	_ =	shalt  }
0x4f: {  	_ =	shalt  }
0x50: {  	_ =	shalt  }
0x51: {  	_ =	shalt  }
0x52: {  	_ =	shalt  }
0x53: {  	_ =	shalt  }
0x54: {  	_ =	shalt  }
0x55: {  	_ =	shalt  }
0x56: {  	_ =	shalt  }
0x57: {  	_ =	shalt  }
0x58: {  	_ =	shalt  }
0x59: {  	_ =	shalt  }
0x5a: {  	_ =	shalt  }
0x5b: {  	_ =	shalt  }
0x5c: {  	_ =	shalt  }
0x5d: {  	_ =	shalt  }
0x5e: {  	_ =	shalt  }
0x5f: {  	_ =	shalt  }
0x60: {  	_ =	shalt  }
0x61: {  	_ =	shalt  }
0x62: {  	_ =	shalt  }
0x63: {  	_ =	shalt  }
0x64: {  	_ =	shalt  }
0x65: {  	_ =	shalt  }
0x66: {  	_ =	shalt  }
0x67: {  	_ =	shalt  }
0x68: {  	_ =	shalt  }
0x69: {  	_ =	shalt  }
0x6a: {  	_ =	shalt  }
0x6b: {  	_ =	shalt  }
0x6c: {  	_ =	shalt  }
0x6d: {  	_ =	shalt  }
0x6e: {  	_ =	shalt  }
0x6f: {  	_ =	shalt  }
0x70: {  	_ =	shalt  }
0x71: {  	_ =	shalt  }
0x72: {  	_ =	shalt  }
0x73: {  	_ =	shalt  }
0x74: {  	_ =	shalt  }
0x75: {  	_ =	shalt  }
0x76: {  	_ =	shalt  }
0x77: {  	_ =	shalt  }
0x78: {  	_ =	shalt  }
0x79: {  	_ =	shalt  }
0x7a: {  	_ =	shalt  }
0x7b: {  	_ =	shalt  }
0x7c: {  	_ =	shalt  }
0x7d: {  	_ =	shalt  }
0x7e: {  	_ =	shalt  }
0x7f: {  	_ =	shalt  }
0x80: {  	_ =	shalt  }
0x81: {  	_ =	shalt  }
0x82: {  	_ =	shalt  }
0x83: {  	_ =	shalt  }
0x84: {  	_ =	shalt  }
0x85: {  	_ =	shalt  }
0x86: {  	_ =	shalt  }
0x87: {  	_ =	shalt  }
.Lfunc_end0:
.L_simem_size_0:
called_computation.3_lowered:
.L_overlay_start_0:
0x88: {  	s2 =	sld [smem:$0x3FD9]  }
0x89: {  	s3 =	sld [smem:$0x3FFE];
	_ =	sdelay $0x1  }
0x8a: {  	s1 =	srdreg.scid  }
0x8b: {  	s0 =	sand.u32 $0x1, s1  }
0x8c: {  	s16 =	sshll.u32 s0, $0xA;
	s2 =	sadd.s32 s3, s2  }
0x8d: {  	s2 =	sadd.s32 s2, s16  }
0x8e: {  	[smem:$0x3FBC] =	sst s2  }
0x8f: {  	_ = 	snop  }
0x90: {  	(tm) =	ssettm $0x1  }
0x91: {  	s17 =	sld [smem:$0x3FFB];
	_ =	sdelay $0x3  }
0x92: {  	_ =	strace s17  }
0x93: {  	s2 =	sld [smem:$0x3FFC];
	_ =	sdelay $0x3  }
0x94: {  	_ =	strace s2  }
0x95: {  	s2 =	sld [smem:$0x3FFD];
	_ =	sdelay $0x3  }
0x96: {  	_ =	strace s2  }
0x97: {  	_ =	strace $0x8FFFFFFF  }
0x98: {  	s18 =	sld [smem:$0x3FDB];
	_ =	sdelay $0x1  }
0x99: {  	s19 =	simm.s32 $_scs_section_size  }
0x9a: {  	s4 =	simm.s32 $_size__tile_overlayer_lowered;
	s5 =	simm.s32 $_tile_overlayer_lowered  }
0x9b: {  	s22 =	simm.s32 $0x1BFF;
	s21 =	sshll.u32 s5, $0x1;
	s2 =	sadd.s32 s19, s18  }
0x9c: {  	s6 =	simm.s32 $0x0;
	s20 =	sshll.u32 s4, $0x1;
	s4 =	sadd.s32 s21, s2  }
0x9d: {  	[timem:s6], [sflag:s22] =	dma.local [hbm:s4], s20  }
0x9e: {  	_ =	swait.ge [sflag:s22], s20  }
0x9f: {  	s3 =	ssub.s32 $0x0, s20;
	[sflag:s22] =	ssyncset.done $0x0  }
0xa0: {  	[sflag:s22] =	ssyncadd.s32 s3;
	_ =	sdelay $0x1  }
0xa1: {  	s23 =	simm.s32 $0x1B8B  }
0xa2: {  	_ =	swait.ge [sflag:s23], $0x1  }
0xa3: {  	[sflag:s23] =	ssyncset.done $0x0  }
0xa4: {  	s25 =	simm.s32 $0x1B8E;
	s24 =	sld [smem:$0x3FFE];
	[sflag:s23] =	ssyncadd.s32 $0xFFFFFFFF  }
0xa5: {  	s26 =	simm.s32 $execute0_lowered;
	[smem:$0x3FD2] =	sst s25  }
0xa6: {  	s4 =	sshll.u32 s26, $0x1;
	_ =	strace $0x8000004F;
	[dreg:$0x1] =	wrdreg $0xFFFFFFFF  }
0xa7: {  	s28 =	simm.s32 $_size_execute0_lowered;
	s2 =	sadd.s32 s2, s4;
	[dreg:$0x0] =	wrdreg $0x0  }
0xa8: {  	s4 =	sshll.u32 s28, $0x1;
	[dreg:$0x2] =	wrdreg s2  }
0xa9: {  	[dreg:$0x3] =	wrdreg s4  }
0xaa: {  	[dreg:$0x4] =	wrdreg $0xC0  }
0xab: {  	_ =	task [dreg:s6], $0x5FFFF  }
0xac: {  	[dreg:$0x1] =	wrdreg $0xFFFFFFFF  }
0xad: {  	[dreg:$0x0] =	wrdreg $0x60  }
0xae: {  	[dreg:$0x2] =	wrdreg s24  }
0xaf: {  	[dreg:$0x3] =	wrdreg $0xD0000  }
0xb0: {  	[dreg:$0x4] =	wrdreg $0x120000  }
0xb1: {  	[dreg:$0x5] =	wrdreg $0x9  }
0xb2: {  	_ =	task.clear_ibuf [dreg:s6], $0x6FFFF;
	_ =	strace $0x9000004F  }
0xb3: {  	s29 =	simm.s32 $0x9;
	_ =	strace $0x80000051  }
0xb4: {  	_ =	swait.ge [sflag:s29], $0x1  }
0xb5: {  	[sflag:s29] =	ssyncadd.s32 $0xFFFFFFFF  }
0xb6: {  	_ =	strace $0x90000051  }
0xb7: {  	_ =	sfence  }
0xb8: {  	s30 =	sld [smem:$0x0];
	_ =	sdelay $0x2  }
0xb9: {  	s31 =	sshll.u32 s1, $0xD;
	s1 =	sshrl.u32 s1, $0x2  }
0xba: {  	s3 =	sand.u32 $0x4000, s31;
	s1 =	sadd.s32 s1, s30  }
0xbb: {  	s0 =	sor.u32 s3, s0;
	s1 =	sshll.u32 s1, $0x11  }
0xbc: {  	s0 =	sor.u32 s1, s0  }
0xbd: {  	s0 =	sadd.s32 $0x8F2B, s0  }
0xbe: {  	[sflag:s0] =	ssyncadd.remote.s32 $0x1  }
0xbf: {  	_ =	sfence.sel $0xFFFF  }
0xc0: {  	[dreg:$0x0] =	wrdreg $0xFFFFFFFF;
	(pc) =	sbr.abs _section_cstart, $3  }
0xc1: {  	[dreg:$0x1] =	wrdreg $0xFFFFFFFF  }
0xc2: {  	_ =	task.clear_ibuf [dreg:s6], $0x2FFFF;
	_ =	strace $0x9FFFFFFF  }
0xc3: {  	(tm) =	ssettm $0x7FFFFFFF  }
tec
execute0_lowered:
.L_overlay_start_1:
0x0: {  	(tag) =	ssettag $0x1  }
0x1: {  	s1 =	rddreg [dreg:$0x0]  }
0x2: {  	s0 =	srdreg.scid;
	s2 =	rddreg [dreg:$0x1]  }
0x3: {  	s8 =	stileid.u32;
	s3 =	rddreg [dreg:$0x2]  }
0x4: {  	s6 =	simm.s32 $0x0;
	s16 =	simm.s32 $0x80;
	s17 =	simm.s32 $0x5000  }
0x5: {  	s18 =	simm.s32 $0x6000;
	s25 =	simm.s32 $0x9000;
	s26 =	simm.s32 $0xB000  }
0x6: {  	s28 =	simm.s32 $0xC000;
	s29 =	simm.s32 $0x4;
	s30 =	simm.s32 $0x9  }
0x7: {  	s31 =	simm.s32 $0x6;
	[smem:$0x7FF] =	sst s6;
	s9 =	sadd.s32 $0xDC00, s1  }
0x8: {  	s0 =	sand.u32 $0x1, s0;
	_ =	strace $0x80000050;
	[dreg:$0x6] =	wrdreg s9  }
0x9: {  	s5 =	smul.u32 $0x5000, s8;
	s4 =	sshll.u32 s0, $0x4;
	[dreg:$0x4] =	wrdreg s25  }
0xa: {  	s20 =	smul.u32 $0x50000, s0;
	s0 =	ssub.s32 $0x2, s0;
	[dreg:$0x5] =	wrdreg s26  }
0xb: {  	s25 =	simm.s32 $0x2;
	s26 =	simm.s32 $0x3;
	s4 =	sor.u32 s8, s4  }
0xc: {  	s7 =	sshrl.u32 s5, $0x3;
	s21 =	sshrl.u32 s0, $0x1;
	s8 =	sshll.u32 s8, $0x6  }
0xd: {  	s22 =	sadd.s32 s5, s2;
	s4 =	smul.u32 $0x500, s4;
	s7 =	sadd.s32 s7, s1  }
0xe: {  	s6 =	sadd.s32 s5, s20;
	s0 =	ssub.s32 s0, s21;
	s5 =	sadd.s32 s5, s3  }
0xf: {  	s20 =	simm.s32 $0x7000;
	s6 =	sshrl.u32 s6, $0x3;
	s7 =	sadd.s32 $0x44E00, s7  }
0x10: {  	s0 =	smax.u32 s0, $0x1;
	s24 =	sshrl.u32 s5, $0x3;
	[dreg:$0x8] =	wrdreg s7  }
0x11: {  	s5 =	simm.s32 $0x0;
	s4 =	sadd.s32 s4, s1;
	[dreg:$0xc] =	wrdreg s0  }
0x12: {  	s1 =	sadd.s32 s6, s1;
	s6 =	sor.u32 $0x1C11, s8;
	[dreg:$0xe] =	wrdreg s24  }
0x13: {  	s7 =	sshrl.u32 s22, $0x3;
	s8 =	simm.s32 $0x11;
	[dreg:$0x7] =	wrdreg s6  }
0x14: {  	s22 =	simm.s32 $0x8000;
	s23 =	sadd.s32 $0x12E00, s4;
	[dreg:$0xd] =	wrdreg s7  }
0x15: {  	s24 =	simm.s32 $0xA000;
	s4 =	sadd.s32 $0x3C00, s4;
	[dreg:$0x9] =	wrdreg s23  }
0x16: {  	s0 =	simm.s32 $0x8;
	s1 =	sadd.s32 $0x4EE00, s1;
	[dreg:$0xa] =	wrdreg s4  }
0x17: {  	[dreg:$0xb] =	wrdreg s1;
	s23 =	simm.s32 $0x1;
	s1 =	simm.s32 $0xB  }
.LBB2_1:
0x18: {  	[dreg:$0xf] =	wrdreg s5  }
0x19: {  	s4 =	rddreg [dreg:$0x6]  }
0x1a: {  	[spmem:s7], [sflag:s6] =	dma.local [hbm:s4], $0xA00  }
0x1b: {  	_ =	swait.ge [sflag:s8], $0xA00  }
0x1c: {  	[sflag:s8] =	ssyncset.done $0x0;
	s11 =	rddreg [dreg:$0x8]  }
0x1d: {  	s12 =	rddreg [dreg:$0xe];
	[sflag:s8] =	ssyncadd.s32 $0xFFFFF600  }
0x1e: {  	[spmem:s12], [sflag:s6] =	dma.local [hbm:s11], $0xA00  }
0x1f: {  	_ =	swait.ge [sflag:s8], $0xA00  }
0x20: {  	[sflag:s8] =	ssyncset.done $0x0  }
0x21: {  	s13 =	simm.s32 $0x0;
	s14 =	rddreg [dreg:$0x9];
	[sflag:s8] =	ssyncadd.s32 $0xFFFFF600  }
0x22: {  	[tilespmem:s13], [sflag:$0x11] =	stream.linear.gather [hbm4b:s14+s13], $0x2800, $0x38;
	[tilespmem:$0x17000] =	vst v63  }
0x23: {  	_ =	swait.ge [sflag:s8], $0x2800  }
0x24: {  	[sflag:s8] =	ssyncset.done $0x0  }
0x25: {  	s19 =	simm.s32 $0x2800;
	s15 =	rddreg [dreg:$0xa];
	[sflag:s8] =	ssyncadd.s32 $0xFFFFD800  }
0x26: {  	[tilespmem:s19], [sflag:$0x11] =	stream.linear.gather [hbm4b:s15+s13], $0x2800, $0x38;
	[tilespmem:$0x17000] =	vst v63  }
0x27: {  	_ =	swait.ge [sflag:s8], $0x2800  }
0x28: {  	[sflag:s8] =	ssyncset.done $0x0  }
0x29: {  	[sflag:s8] =	ssyncadd.s32 $0xFFFFD800  }
0x2a: {  	[bflag:$0x0] =	sbarrier.arrive $0xFFFF  }
0x2b: {  	[tilespmem:s17], [sflag:$0x1] =	stream.indirect.gather [spmem:s3], $0x20, s13, s16, $0xb8;
	[tilespmem:$0x17000] =	vst v63  }
0x2c: {  	_ = 	snop  }
0x2d: {  	[tilespmem:s18], [sflag:$0x2] =	stream.indirect.gather [spmem:s3], $0x20, s16, s16, $0xb8;
	[tilespmem:$0x17000] =	vst v63  }
0x2e: {  	s21 =	simm.s32 $0x100;
	p0 =	por $0x1, $0x1  }
0x2f: {  	[tilespmem:s20], [sflag:$0x3] =	stream.indirect.gather [spmem:s3], $0x20, s21, s16, $0xb8;
	[tilespmem:$0x17000] =	vst v63  }
0x30: {  	s5 =	simm.s32 $0x180;
	s4 =	simm.s32 @!p0 $0xD  }
0x31: {  	[tilespmem:s22], [sflag:$0x4] =	stream.indirect.gather [spmem:s3], $0x20, s5, s16, $0xb8;
	[tilespmem:$0x17000] =	vst v63  }
0x32: {  	_ =	swait.ge @!p0 [sflag:s4], $0x1000  }
0x33: {  	[sflag:s4] =	ssyncset.done @!p0 $0x0  }
0x34: {  	s7 =	simm.s32 $0x200;
	s6 =	rddreg [dreg:$0x4];
	[sflag:s4] =	ssyncadd.s32 @!p0 $0xFFFFF000  }
0x35: {  	[tilespmem:s6], [sflag:$0x5] =	stream.indirect.gather [spmem:s3], $0x20, s7, s16, $0xb8;
	[tilespmem:$0x17000] =	vst v63  }
0x36: {  	_ =	swait.ge [sflag:s23], $0x1000  }
0x37: {  	[sflag:s23] =	ssyncset.done $0x0  }
0x38: {  	s9 =	simm.s32 $0x2800;
	s8 =	simm.s32 @!p0 $0xE;
	[sflag:s23] =	ssyncadd.s32 $0xFFFFF000  }
0x39: {  	[spmem:s2] =	stream.indirect.scatter.add.f32 [tilespmem:s17], [sflag:$0x9], $0x20, s9, s16, $0xb8;
	[tilespmem:$0x17000] =	vst v63  }
0x3a: {  	_ =	swait.ge @!p0 [sflag:s8], $0x1000  }
0x3b: {  	[sflag:s8] =	ssyncset.done @!p0 $0x0  }
0x3c: {  	s10 =	simm.s32 $0x280;
	[sflag:s8] =	ssyncadd.s32 @!p0 $0xFFFFF000  }
0x3d: {  	[tilespmem:s24], [sflag:$0x6] =	stream.indirect.gather [spmem:s3], $0x20, s10, s16, $0xb8;
	[tilespmem:$0x17000] =	vst v63  }
0x3e: {  	_ =	swait.ge [sflag:s25], $0x1000  }
0x3f: {  	[sflag:s25] =	ssyncset.done $0x0  }
0x40: {  	s11 =	simm.s32 $0x2880;
	s8 =	simm.s32 @!p0 $0xF;
	[sflag:s25] =	ssyncadd.s32 $0xFFFFF000  }
0x41: {  	[spmem:s2] =	stream.indirect.scatter.add.f32 [tilespmem:s18], [sflag:$0xA], $0x20, s11, s16, $0xb8;
	[tilespmem:$0x17000] =	vst v63  }
0x42: {  	_ =	swait.ge @!p0 [sflag:s8], $0x1000  }
0x43: {  	[sflag:s8] =	ssyncset.done @!p0 $0x0  }
0x44: {  	s13 =	simm.s32 $0x300;
	s12 =	rddreg [dreg:$0x5];
	[sflag:s8] =	ssyncadd.s32 @!p0 $0xFFFFF000  }
0x45: {  	[tilespmem:s12], [sflag:$0x7] =	stream.indirect.gather [spmem:s3], $0x20, s13, s16, $0xb8;
	[tilespmem:$0x17000] =	vst v63  }
0x46: {  	_ =	swait.ge [sflag:s26], $0x1000  }
0x47: {  	[sflag:s26] =	ssyncset.done $0x0  }
0x48: {  	s14 =	simm.s32 $0x2900;
	s8 =	simm.s32 @!p0 $0x10;
	[sflag:s26] =	ssyncadd.s32 $0xFFFFF000  }
0x49: {  	[spmem:s2] =	stream.indirect.scatter.add.f32 [tilespmem:s20], [sflag:$0xB], $0x20, s14, s16, $0xb8;
	[tilespmem:$0x17000] =	vst v63  }
0x4a: {  	_ =	swait.ge @!p0 [sflag:s8], $0x1000  }
0x4b: {  	[sflag:s8] =	ssyncset.done @!p0 $0x0  }
0x4c: {  	s15 =	simm.s32 $0x380;
	[sflag:s8] =	ssyncadd.s32 @!p0 $0xFFFFF000  }
0x4d: {  	[tilespmem:s28], [sflag:$0x8] =	stream.indirect.gather [spmem:s3], $0x20, s15, s16, $0xb8;
	[tilespmem:$0x17000] =	vst v63  }
0x4e: {  	_ =	swait.ge [sflag:s29], $0x1000  }
0x4f: {  	[sflag:s29] =	ssyncset.done $0x0  }
0x50: {  	s19 =	simm.s32 $0x2980;
	[sflag:s29] =	ssyncadd.s32 $0xFFFFF000  }
0x51: {  	[spmem:s2] =	stream.indirect.scatter.add.f32 [tilespmem:s22], [sflag:$0xC], $0x20, s19, s16, $0xb8;
	[tilespmem:$0x17000] =	vst v63  }
0x52: {  	_ =	swait.ge [sflag:s30], $0x1000  }
0x53: {  	p0 =	por $0x0, $0x0;
	[sflag:s30] =	ssyncset.done $0x0  }
0x54: {  	s4 =	simm.s32 @p0 $0x5;
	[sflag:s30] =	ssyncadd.s32 $0xFFFFF000  }
0x55: {  	_ =	swait.ge @p0 [sflag:s4], $0x1000  }
0x56: {  	s8 =	simm.s32 @p0 $0x2A00;
	s9 =	simm.s32 @p0 $0xA;
	[sflag:s4] =	ssyncset.done @p0 $0x0  }
0x57: {  	s10 =	simm.s32 @p0 $0x9000;
	[sflag:s4] =	ssyncadd.s32 @p0 $0xFFFFF000;
	s4 =	simm.s32 @p0 $0x80  }
0x58: {  	[spmem:s2] =	stream.indirect.scatter.add.f32 @p0 [tilespmem:s10], [sflag:$0xD], $0x20, s8, s4, $0xb8;
	[tilespmem:$0x17000] =	vst v63  }
0x59: {  	_ =	swait.ge @p0 [sflag:s9], $0x1000  }
0x5a: {  	s8 =	simm.s32 @!p0 $0x400;
	[sflag:s9] =	ssyncset.done @p0 $0x0  }
0x5b: {  	s10 =	simm.s32 @!p0 $0x5000;
	[sflag:s9] =	ssyncadd.s32 @p0 $0xFFFFF000;
	s9 =	simm.s32 @!p0 $0x80  }
0x5c: {  	[tilespmem:s10], [sflag:$0x1] =	stream.indirect.gather @!p0 [spmem:s3], $0x20, s8, s9, $0xb8;
	[tilespmem:$0x17000] =	vst v63  }
0x5d: {  	s8 =	simm.s32 @!p0 $0x5  }
0x5e: {  	_ =	swait.ge @!p0 [sflag:s8], $0x1000  }
0x5f: {  	[sflag:s8] =	ssyncset.done @!p0 $0x0  }
0x60: {  	s10 =	simm.s32 @!p0 $0x2A00;
	[sflag:s8] =	ssyncadd.s32 @!p0 $0xFFFFF000;
	s8 =	simm.s32 @!p0 $0x9000  }
0x61: {  	[spmem:s2] =	stream.indirect.scatter.add.f32 @!p0 [tilespmem:s8], [sflag:$0xD], $0x20, s10, s9, $0xb8;
	[tilespmem:$0x17000] =	vst v63  }
0x62: {  	s8 =	simm.s32 @!p0 $0xA  }
0x63: {  	_ =	swait.ge @!p0 [sflag:s8], $0x1000  }
0x64: {  	[sflag:s8] =	ssyncset.done @!p0 $0x0  }
0x65: {  	s10 =	simm.s32 @!p0 $0x480;
	[sflag:s8] =	ssyncadd.s32 @!p0 $0xFFFFF000;
	s8 =	simm.s32 @!p0 $0x6000  }
0x66: {  	[tilespmem:s8], [sflag:$0x2] =	stream.indirect.gather @!p0 [spmem:s3], $0x20, s10, s9, $0xb8;
	[tilespmem:$0x17000] =	vst v63  }
0x67: {  	_ =	swait.ge [sflag:s31], $0x1000  }
0x68: {  	[sflag:s31] =	ssyncset.done $0x0  }
0x69: {  	s21 =	simm.s32 $0x2A80;
	[sflag:s31] =	ssyncadd.s32 $0xFFFFF000  }
0x6a: {  	[spmem:s2] =	stream.indirect.scatter.add.f32 [tilespmem:s24], [sflag:$0xE], $0x20, s21, s16, $0xb8;
	[tilespmem:$0x17000] =	vst v63  }
0x6b: {  	_ =	swait.ge [sflag:s1], $0x1000  }
0x6c: {  	[sflag:s1] =	ssyncset.done $0x0  }
0x6d: {  	s8 =	simm.s32 @p0 $0x7;
	[sflag:s1] =	ssyncadd.s32 $0xFFFFF000  }
0x6e: {  	_ =	swait.ge @p0 [sflag:s8], $0x1000  }
0x6f: {  	[sflag:s8] =	ssyncset.done @p0 $0x0  }
0x70: {  	s10 =	simm.s32 @p0 $0x2B00;
	[sflag:s8] =	ssyncadd.s32 @p0 $0xFFFFF000;
	s8 =	simm.s32 @p0 $0xB000  }
0x71: {  	[spmem:s2] =	stream.indirect.scatter.add.f32 @p0 [tilespmem:s8], [sflag:$0xF], $0x20, s10, s4, $0xb8;
	[tilespmem:$0x17000] =	vst v63  }
0x72: {  	s4 =	simm.s32 @p0 $0xC  }
0x73: {  	_ =	swait.ge @p0 [sflag:s4], $0x1000  }
0x74: {  	[sflag:s4] =	ssyncset.done @p0 $0x0  }
0x75: {  	s8 =	simm.s32 @!p0 $0x500;
	[sflag:s4] =	ssyncadd.s32 @p0 $0xFFFFF000;
	s4 =	simm.s32 @!p0 $0x7000  }
0x76: {  	[tilespmem:s4], [sflag:$0x3] =	stream.indirect.gather @!p0 [spmem:s3], $0x20, s8, s9, $0xb8;
	[tilespmem:$0x17000] =	vst v63  }
0x77: {  	s4 =	simm.s32 @!p0 $0x7  }
0x78: {  	_ =	swait.ge @!p0 [sflag:s4], $0x1000  }
0x79: {  	[sflag:s4] =	ssyncset.done @!p0 $0x0  }
0x7a: {  	s8 =	simm.s32 @!p0 $0x2B00;
	[sflag:s4] =	ssyncadd.s32 @!p0 $0xFFFFF000;
	s4 =	simm.s32 @!p0 $0xB000  }
0x7b: {  	[spmem:s2] =	stream.indirect.scatter.add.f32 @!p0 [tilespmem:s4], [sflag:$0xF], $0x20, s8, s9, $0xb8;
	[tilespmem:$0x17000] =	vst v63  }
0x7c: {  	s4 =	simm.s32 @!p0 $0xC  }
0x7d: {  	_ =	swait.ge @!p0 [sflag:s4], $0x1000  }
0x7e: {  	[sflag:s4] =	ssyncset.done @!p0 $0x0  }
0x7f: {  	s8 =	simm.s32 @!p0 $0x580;
	[sflag:s4] =	ssyncadd.s32 @!p0 $0xFFFFF000;
	s4 =	simm.s32 @!p0 $0x8000  }
0x80: {  	[tilespmem:s4], [sflag:$0x4] =	stream.indirect.gather @!p0 [spmem:s3], $0x20, s8, s9, $0xb8;
	[tilespmem:$0x17000] =	vst v63  }
0x81: {  	p1 =	por $0x0, $0x0;
	s8 =	simm.s32 $0x1000;
	_ =	swait.ge [sflag:s0], $0x1000  }
0x82: {  	s9 =	simm.s32 $0x2000;
	s4 =	simm.s32 $0x2B80;
	[sflag:s0] =	ssyncset.done $0x0  }
.LBB2_2:
0x83: {  	s10 =	simm.s32 @!p1 $0xD;
	[sflag:s0] =	ssyncadd.s32 $0xFFFFF000  }
0x84: {  	[spmem:s2] =	stream.indirect.scatter.add.f32 [tilespmem:s28], [sflag:$0x10], $0x20, s4, s16, $0xb8;
	[tilespmem:$0x17000] =	vst v63  }
0x85: {  	_ =	swait.ge @!p1 [sflag:s10], $0x1000  }
0x86: {  	[sflag:s10] =	ssyncset.done @!p1 $0x0  }
0x87: {  	[sflag:s10] =	ssyncadd.s32 @!p1 $0xFFFFF000;
	s10 =	sshra.s32 s8, $0x2  }
0x88: {  	s19 =	rddreg [dreg:$0x4];
	s14 =	sadd.s32 $0x200, s10  }
0x89: {  	[tilespmem:s19], [sflag:$0x5] =	stream.indirect.gather [spmem:s3], $0x20, s14, s16, $0xb8;
	[tilespmem:$0x17000] =	vst v63  }
0x8a: {  	_ =	swait.ge [sflag:s23], $0x1000  }
0x8b: {  	[sflag:s23] =	ssyncset.done $0x0  }
0x8c: {  	s21 =	sadd.s32 $0x2800, s10;
	s14 =	simm.s32 @!p1 $0xE;
	[sflag:s23] =	ssyncadd.s32 $0xFFFFF000  }
0x8d: {  	[spmem:s2] =	stream.indirect.scatter.add.f32 [tilespmem:s17], [sflag:$0x9], $0x20, s21, s16, $0xb8;
	[tilespmem:$0x17000] =	vst v63  }
0x8e: {  	_ =	swait.ge @!p1 [sflag:s14], $0x1000  }
0x8f: {  	[sflag:s14] =	ssyncset.done @!p1 $0x0  }
0x90: {  	s5 =	sadd.s32 $0x280, s10;
	[sflag:s14] =	ssyncadd.s32 @!p1 $0xFFFFF000  }
0x91: {  	[tilespmem:s24], [sflag:$0x6] =	stream.indirect.gather [spmem:s3], $0x20, s5, s16, $0xb8;
	[tilespmem:$0x17000] =	vst v63  }
0x92: {  	_ =	swait.ge [sflag:s25], $0x1000  }
0x93: {  	[sflag:s25] =	ssyncset.done $0x0  }
0x94: {  	s6 =	sadd.s32 $0x2880, s10;
	s14 =	simm.s32 @!p1 $0xF;
	[sflag:s25] =	ssyncadd.s32 $0xFFFFF000  }
0x95: {  	[spmem:s2] =	stream.indirect.scatter.add.f32 [tilespmem:s18], [sflag:$0xA], $0x20, s6, s16, $0xb8;
	[tilespmem:$0x17000] =	vst v63  }
0x96: {  	_ =	swait.ge @!p1 [sflag:s14], $0x1000  }
0x97: {  	[sflag:s14] =	ssyncset.done @!p1 $0x0  }
0x98: {  	s12 =	sadd.s32 $0x300, s10;
	s7 =	rddreg [dreg:$0x5];
	[sflag:s14] =	ssyncadd.s32 @!p1 $0xFFFFF000  }
0x99: {  	[tilespmem:s7], [sflag:$0x7] =	stream.indirect.gather [spmem:s3], $0x20, s12, s16, $0xb8;
	[tilespmem:$0x17000] =	vst v63  }
0x9a: {  	_ =	swait.ge [sflag:s26], $0x1000  }
0x9b: {  	[sflag:s26] =	ssyncset.done $0x0  }
0x9c: {  	s13 =	sadd.s32 $0x2900, s10;
	s14 =	simm.s32 @!p1 $0x10;
	[sflag:s26] =	ssyncadd.s32 $0xFFFFF000  }
0x9d: {  	[spmem:s2] =	stream.indirect.scatter.add.f32 [tilespmem:s20], [sflag:$0xB], $0x20, s13, s16, $0xb8;
	[tilespmem:$0x17000] =	vst v63  }
0x9e: {  	_ =	swait.ge @!p1 [sflag:s14], $0x1000  }
0x9f: {  	[sflag:s14] =	ssyncset.done @!p1 $0x0  }
0xa0: {  	s15 =	sadd.s32 $0x380, s10;
	[sflag:s14] =	ssyncadd.s32 @!p1 $0xFFFFF000  }
0xa1: {  	[tilespmem:s28], [sflag:$0x8] =	stream.indirect.gather [spmem:s3], $0x20, s15, s16, $0xb8;
	[tilespmem:$0x17000] =	vst v63  }
0xa2: {  	_ =	swait.ge [sflag:s29], $0x1000  }
0xa3: {  	[sflag:s29] =	ssyncset.done $0x0  }
0xa4: {  	s19 =	sadd.s32 $0x2980, s10;
	[sflag:s29] =	ssyncadd.s32 $0xFFFFF000  }
0xa5: {  	[spmem:s2] =	stream.indirect.scatter.add.f32 [tilespmem:s22], [sflag:$0xC], $0x20, s19, s16, $0xb8;
	[tilespmem:$0x17000] =	vst v63  }
0xa6: {  	_ =	swait.ge [sflag:s30], $0x1000  }
0xa7: {  	s11 =	smov.u32 s9;
	p1 =	seq.s32 s8, $0x9000;
	[sflag:s30] =	ssyncset.done $0x0  }
0xa8: {  	s4 =	simm.s32 @p1 $0x5;
	s14 =	sshra.s32 @p1 s8, $0x2;
	[sflag:s30] =	ssyncadd.s32 $0xFFFFF000  }
0xa9: {  	s8 =	sshra.s32 @!p1 s8, $0x2;
	s21 =	simm.s32 @p1 $0xA;
	_ =	swait.ge @p1 [sflag:s4], $0x1000  }
0xaa: {  	s15 =	simm.s32 @p1 $0x80;
	s7 =	simm.s32 @!p1 $0x5;
	[sflag:s4] =	ssyncset.done @p1 $0x0  }
0xab: {  	s19 =	sadd.s32 @p1 $0x2A00, s14;
	[sflag:s4] =	ssyncadd.s32 @p1 $0xFFFFF000;
	s4 =	simm.s32 @p1 $0x9000  }
0xac: {  	[spmem:s2] =	stream.indirect.scatter.add.f32 @p1 [tilespmem:s4], [sflag:$0xD], $0x20, s19, s15, $0xb8;
	[tilespmem:$0x17000] =	vst v63  }
0xad: {  	s5 =	sadd.s32 @!p1 $0x400, s8;
	s12 =	sadd.s32 @!p1 $0x2A00, s8;
	_ =	swait.ge @p1 [sflag:s21], $0x1000  }
0xae: {  	s6 =	sadd.s32 @!p1 $0x480, s8;
	s13 =	sadd.s32 @p1 $0x2B00, s14;
	[sflag:s21] =	ssyncset.done @p1 $0x0  }
0xaf: {  	s14 =	simm.s32 @!p1 $0x80;
	s4 =	simm.s32 @!p1 $0x5000;
	[sflag:s21] =	ssyncadd.s32 @p1 $0xFFFFF000  }
0xb0: {  	[tilespmem:s4], [sflag:$0x1] =	stream.indirect.gather @!p1 [spmem:s3], $0x20, s5, s14, $0xb8;
	[tilespmem:$0x17000] =	vst v63  }
0xb1: {  	s19 =	sadd.s32 @!p1 $0x2B00, s8;
	s5 =	sadd.s32 @!p1 $0x500, s8;
	_ =	swait.ge @!p1 [sflag:s7], $0x1000  }
0xb2: {  	s4 =	sadd.s32 @!p1 $0x580, s8;
	s8 =	smov.u32 s11;
	[sflag:s7] =	ssyncset.done @!p1 $0x0  }
0xb3: {  	s11 =	simm.s32 @!p1 $0xA;
	[sflag:s7] =	ssyncadd.s32 @!p1 $0xFFFFF000;
	s7 =	simm.s32 @!p1 $0x9000  }
0xb4: {  	[spmem:s2] =	stream.indirect.scatter.add.f32 @!p1 [tilespmem:s7], [sflag:$0xD], $0x20, s12, s14, $0xb8;
	[tilespmem:$0x17000] =	vst v63  }
0xb5: {  	_ =	swait.ge @!p1 [sflag:s11], $0x1000  }
0xb6: {  	[sflag:s11] =	ssyncset.done @!p1 $0x0  }
0xb7: {  	s7 =	simm.s32 @!p1 $0x6000;
	[sflag:s11] =	ssyncadd.s32 @!p1 $0xFFFFF000  }
0xb8: {  	[tilespmem:s7], [sflag:$0x2] =	stream.indirect.gather @!p1 [spmem:s3], $0x20, s6, s14, $0xb8;
	[tilespmem:$0x17000] =	vst v63  }
0xb9: {  	_ =	swait.ge [sflag:s31], $0x1000  }
0xba: {  	[sflag:s31] =	ssyncset.done $0x0  }
0xbb: {  	s21 =	sadd.s32 $0x2A80, s10;
	[sflag:s31] =	ssyncadd.s32 $0xFFFFF000  }
0xbc: {  	[spmem:s2] =	stream.indirect.scatter.add.f32 [tilespmem:s24], [sflag:$0xE], $0x20, s21, s16, $0xb8;
	[tilespmem:$0x17000] =	vst v63  }
0xbd: {  	_ =	swait.ge [sflag:s1], $0x1000  }
0xbe: {  	[sflag:s1] =	ssyncset.done $0x0  }
0xbf: {  	s6 =	simm.s32 @p1 $0x7;
	[sflag:s1] =	ssyncadd.s32 $0xFFFFF000  }
0xc0: {  	_ =	swait.ge @p1 [sflag:s6], $0x1000  }
0xc1: {  	[sflag:s6] =	ssyncset.done @p1 $0x0  }
0xc2: {  	s7 =	simm.s32 @p1 $0xC;
	[sflag:s6] =	ssyncadd.s32 @p1 $0xFFFFF000;
	s6 =	simm.s32 @p1 $0xB000  }
0xc3: {  	[spmem:s2] =	stream.indirect.scatter.add.f32 @p1 [tilespmem:s6], [sflag:$0xF], $0x20, s13, s15, $0xb8;
	[tilespmem:$0x17000] =	vst v63  }
0xc4: {  	_ =	swait.ge @p1 [sflag:s7], $0x1000  }
0xc5: {  	[sflag:s7] =	ssyncset.done @p1 $0x0  }
0xc6: {  	s6 =	simm.s32 @!p1 $0x7000;
	[sflag:s7] =	ssyncadd.s32 @p1 $0xFFFFF000;
	s7 =	simm.s32 @!p1 $0x7  }
0xc7: {  	[tilespmem:s6], [sflag:$0x3] =	stream.indirect.gather @!p1 [spmem:s3], $0x20, s5, s14, $0xb8;
	[tilespmem:$0x17000] =	vst v63  }
0xc8: {  	_ =	swait.ge @!p1 [sflag:s7], $0x1000  }
0xc9: {  	s9 =	sadd.s32 $0x1000, s9;
	[sflag:s7] =	ssyncset.done @!p1 $0x0  }
0xca: {  	s5 =	simm.s32 @!p1 $0xB000;
	s6 =	simm.s32 @!p1 $0xC;
	[sflag:s7] =	ssyncadd.s32 @!p1 $0xFFFFF000  }
0xcb: {  	[spmem:s2] =	stream.indirect.scatter.add.f32 @!p1 [tilespmem:s5], [sflag:$0xF], $0x20, s19, s14, $0xb8;
	[tilespmem:$0x17000] =	vst v63  }
0xcc: {  	p0 =	sne.s32 s9, $0xA000;
	_ =	swait.ge @!p1 [sflag:s6], $0x1000  }
.Ltmp0:
0xcd: {  	[sflag:s6] =	ssyncset.done @!p1 $0x0;
	(pc) =	sbr.rel @p0 .LBB2_2-.Ltmp0, $4  }
0xce: {  	s5 =	simm.s32 @!p1 $0x8000;
	[sflag:s6] =	ssyncadd.s32 @!p1 $0xFFFFF000  }
0xcf: {  	[tilespmem:s5], [sflag:$0x4] =	stream.indirect.gather @!p1 [spmem:s3], $0x20, s4, s14, $0xb8;
	[tilespmem:$0x17000] =	vst v63  }
0xd0: {  	_ =	swait.ge [sflag:s0], $0x1000  }
0xd1: {  	p1 =	seq.s32 s8, $0x0;
	s4 =	sadd.s32 $0x2B80, s10;
	[sflag:s0] =	ssyncset.done $0x0  }
0xd2: {  	s5 =	simm.s32 @!p1 $0xD;
	[sflag:s0] =	ssyncadd.s32 $0xFFFFF000  }
0xd3: {  	[spmem:s2] =	stream.indirect.scatter.add.f32 [tilespmem:s28], [sflag:$0x10], $0x20, s4, s16, $0xb8;
	[tilespmem:$0x17000] =	vst v63  }
0xd4: {  	_ =	swait.ge @!p1 [sflag:s5], $0x1000  }
0xd5: {  	s9 =	sshra.s32 s8, $0x2;
	[sflag:s5] =	ssyncset.done @!p1 $0x0  }
0xd6: {  	s6 =	sadd.s32 $0x200, s9;
	s21 =	rddreg [dreg:$0x4];
	[sflag:s5] =	ssyncadd.s32 @!p1 $0xFFFFF000  }
0xd7: {  	[tilespmem:s21], [sflag:$0x5] =	stream.indirect.gather [spmem:s3], $0x20, s6, s16, $0xb8;
	[tilespmem:$0x17000] =	vst v63  }
0xd8: {  	_ =	swait.ge [sflag:s23], $0x1000  }
0xd9: {  	[sflag:s23] =	ssyncset.done $0x0  }
0xda: {  	s7 =	sadd.s32 $0x2800, s9;
	s5 =	simm.s32 @!p1 $0xE;
	[sflag:s23] =	ssyncadd.s32 $0xFFFFF000  }
0xdb: {  	[spmem:s2] =	stream.indirect.scatter.add.f32 [tilespmem:s17], [sflag:$0x9], $0x20, s7, s16, $0xb8;
	[tilespmem:$0x17000] =	vst v63  }
0xdc: {  	_ =	swait.ge @!p1 [sflag:s5], $0x1000  }
0xdd: {  	[sflag:s5] =	ssyncset.done @!p1 $0x0  }
0xde: {  	s10 =	sadd.s32 $0x280, s9;
	[sflag:s5] =	ssyncadd.s32 @!p1 $0xFFFFF000  }
0xdf: {  	[tilespmem:s24], [sflag:$0x6] =	stream.indirect.gather [spmem:s3], $0x20, s10, s16, $0xb8;
	[tilespmem:$0x17000] =	vst v63  }
0xe0: {  	_ =	swait.ge [sflag:s25], $0x1000  }
0xe1: {  	[sflag:s25] =	ssyncset.done $0x0  }
0xe2: {  	s11 =	sadd.s32 $0x2880, s9;
	s5 =	simm.s32 @!p1 $0xF;
	[sflag:s25] =	ssyncadd.s32 $0xFFFFF000  }
0xe3: {  	[spmem:s2] =	stream.indirect.scatter.add.f32 [tilespmem:s18], [sflag:$0xA], $0x20, s11, s16, $0xb8;
	[tilespmem:$0x17000] =	vst v63  }
0xe4: {  	_ =	swait.ge @!p1 [sflag:s5], $0x1000  }
0xe5: {  	[sflag:s5] =	ssyncset.done @!p1 $0x0  }
0xe6: {  	s13 =	sadd.s32 $0x300, s9;
	s12 =	rddreg [dreg:$0x5];
	[sflag:s5] =	ssyncadd.s32 @!p1 $0xFFFFF000  }
0xe7: {  	[tilespmem:s12], [sflag:$0x7] =	stream.indirect.gather [spmem:s3], $0x20, s13, s16, $0xb8;
	[tilespmem:$0x17000] =	vst v63  }
0xe8: {  	_ =	swait.ge [sflag:s26], $0x1000  }
0xe9: {  	[sflag:s26] =	ssyncset.done $0x0  }
0xea: {  	s14 =	sadd.s32 $0x2900, s9;
	s5 =	simm.s32 @!p1 $0x10;
	[sflag:s26] =	ssyncadd.s32 $0xFFFFF000  }
0xeb: {  	[spmem:s2] =	stream.indirect.scatter.add.f32 [tilespmem:s20], [sflag:$0xB], $0x20, s14, s16, $0xb8;
	[tilespmem:$0x17000] =	vst v63  }
0xec: {  	_ =	swait.ge @!p1 [sflag:s5], $0x1000  }
0xed: {  	[sflag:s5] =	ssyncset.done @!p1 $0x0  }
0xee: {  	s15 =	sadd.s32 $0x380, s9;
	[sflag:s5] =	ssyncadd.s32 @!p1 $0xFFFFF000  }
0xef: {  	[tilespmem:s28], [sflag:$0x8] =	stream.indirect.gather [spmem:s3], $0x20, s15, s16, $0xb8;
	[tilespmem:$0x17000] =	vst v63  }
0xf0: {  	_ =	swait.ge [sflag:s29], $0x1000  }
0xf1: {  	[sflag:s29] =	ssyncset.done $0x0  }
0xf2: {  	s19 =	sadd.s32 $0x2980, s9;
	[sflag:s29] =	ssyncadd.s32 $0xFFFFF000  }
0xf3: {  	[spmem:s2] =	stream.indirect.scatter.add.f32 [tilespmem:s22], [sflag:$0xC], $0x20, s19, s16, $0xb8;
	[tilespmem:$0x17000] =	vst v63  }
0xf4: {  	_ =	swait.ge [sflag:s30], $0x1000  }
0xf5: {  	p0 =	seq.s32 s8, $0x9000;
	[sflag:s30] =	ssyncset.done $0x0  }
0xf6: {  	s4 =	simm.s32 @p0 $0x5;
	[sflag:s30] =	ssyncadd.s32 $0xFFFFF000  }
0xf7: {  	s7 =	simm.s32 @p0 $0xA;
	_ =	swait.ge @p0 [sflag:s4], $0x1000  }
0xf8: {  	s10 =	simm.s32 @p0 $0x9000;
	s5 =	sshra.s32 @p0 s8, $0x2;
	[sflag:s4] =	ssyncset.done @p0 $0x0  }
0xf9: {  	s6 =	sadd.s32 @p0 $0x2A00, s5;
	[sflag:s4] =	ssyncadd.s32 @p0 $0xFFFFF000;
	s4 =	simm.s32 @p0 $0x80  }
0xfa: {  	[spmem:s2] =	stream.indirect.scatter.add.f32 @p0 [tilespmem:s10], [sflag:$0xD], $0x20, s6, s4, $0xb8;
	[tilespmem:$0x17000] =	vst v63  }
0xfb: {  	_ =	swait.ge @p0 [sflag:s7], $0x1000  }
0xfc: {  	s6 =	sshra.s32 @!p0 s8, $0x2;
	s10 =	simm.s32 @!p0 $0x5000;
	[sflag:s7] =	ssyncset.done @p0 $0x0  }
0xfd: {  	s8 =	sadd.s32 @!p0 $0x400, s6;
	[sflag:s7] =	ssyncadd.s32 @p0 $0xFFFFF000;
	s7 =	simm.s32 @!p0 $0x80  }
0xfe: {  	[tilespmem:s10], [sflag:$0x1] =	stream.indirect.gather @!p0 [spmem:s3], $0x20, s8, s7, $0xb8;
	[tilespmem:$0x17000] =	vst v63  }
0xff: {  	s8 =	simm.s32 @!p0 $0x5  }
0x100: {  	_ =	swait.ge @!p0 [sflag:s8], $0x1000  }
0x101: {  	[sflag:s8] =	ssyncset.done @!p0 $0x0  }
0x102: {  	s10 =	sadd.s32 @!p0 $0x2A00, s6;
	[sflag:s8] =	ssyncadd.s32 @!p0 $0xFFFFF000;
	s8 =	simm.s32 @!p0 $0x9000  }
0x103: {  	[spmem:s2] =	stream.indirect.scatter.add.f32 @!p0 [tilespmem:s8], [sflag:$0xD], $0x20, s10, s7, $0xb8;
	[tilespmem:$0x17000] =	vst v63  }
0x104: {  	s8 =	simm.s32 @!p0 $0xA  }
0x105: {  	_ =	swait.ge @!p0 [sflag:s8], $0x1000  }
0x106: {  	[sflag:s8] =	ssyncset.done @!p0 $0x0  }
0x107: {  	s10 =	sadd.s32 @!p0 $0x480, s6;
	[sflag:s8] =	ssyncadd.s32 @!p0 $0xFFFFF000;
	s8 =	simm.s32 @!p0 $0x6000  }
0x108: {  	[tilespmem:s8], [sflag:$0x2] =	stream.indirect.gather @!p0 [spmem:s3], $0x20, s10, s7, $0xb8;
	[tilespmem:$0x17000] =	vst v63  }
0x109: {  	_ =	swait.ge [sflag:s31], $0x1000  }
0x10a: {  	[sflag:s31] =	ssyncset.done $0x0  }
0x10b: {  	s21 =	sadd.s32 $0x2A80, s9;
	[sflag:s31] =	ssyncadd.s32 $0xFFFFF000  }
0x10c: {  	[spmem:s2] =	stream.indirect.scatter.add.f32 [tilespmem:s24], [sflag:$0xE], $0x20, s21, s16, $0xb8;
	[tilespmem:$0x17000] =	vst v63  }
0x10d: {  	_ =	swait.ge [sflag:s1], $0x1000  }
0x10e: {  	[sflag:s1] =	ssyncset.done $0x0  }
0x10f: {  	s8 =	simm.s32 @p0 $0x7;
	[sflag:s1] =	ssyncadd.s32 $0xFFFFF000  }
0x110: {  	_ =	swait.ge @p0 [sflag:s8], $0x1000  }
0x111: {  	[sflag:s8] =	ssyncset.done @p0 $0x0  }
0x112: {  	s5 =	sadd.s32 @p0 $0x2B00, s5;
	[sflag:s8] =	ssyncadd.s32 @p0 $0xFFFFF000;
	s8 =	simm.s32 @p0 $0xB000  }
0x113: {  	[spmem:s2] =	stream.indirect.scatter.add.f32 @p0 [tilespmem:s8], [sflag:$0xF], $0x20, s5, s4, $0xb8;
	[tilespmem:$0x17000] =	vst v63  }
0x114: {  	s4 =	simm.s32 @p0 $0xC  }
0x115: {  	_ =	swait.ge @p0 [sflag:s4], $0x1000  }
0x116: {  	[sflag:s4] =	ssyncset.done @p0 $0x0  }
0x117: {  	s5 =	sadd.s32 @!p0 $0x500, s6;
	[sflag:s4] =	ssyncadd.s32 @p0 $0xFFFFF000;
	s4 =	simm.s32 @!p0 $0x7000  }
0x118: {  	[tilespmem:s4], [sflag:$0x3] =	stream.indirect.gather @!p0 [spmem:s3], $0x20, s5, s7, $0xb8;
	[tilespmem:$0x17000] =	vst v63  }
0x119: {  	s4 =	simm.s32 @!p0 $0x7  }
0x11a: {  	_ =	swait.ge @!p0 [sflag:s4], $0x1000  }
0x11b: {  	[sflag:s4] =	ssyncset.done @!p0 $0x0  }
0x11c: {  	s5 =	sadd.s32 @!p0 $0x2B00, s6;
	[sflag:s4] =	ssyncadd.s32 @!p0 $0xFFFFF000;
	s4 =	simm.s32 @!p0 $0xB000  }
0x11d: {  	[spmem:s2] =	stream.indirect.scatter.add.f32 @!p0 [tilespmem:s4], [sflag:$0xF], $0x20, s5, s7, $0xb8;
	[tilespmem:$0x17000] =	vst v63  }
0x11e: {  	s4 =	simm.s32 @!p0 $0xC  }
0x11f: {  	_ =	swait.ge @!p0 [sflag:s4], $0x1000  }
0x120: {  	[sflag:s4] =	ssyncset.done @!p0 $0x0  }
0x121: {  	s5 =	sadd.s32 @!p0 $0x580, s6;
	[sflag:s4] =	ssyncadd.s32 @!p0 $0xFFFFF000;
	s4 =	simm.s32 @!p0 $0x8000  }
0x122: {  	[tilespmem:s4], [sflag:$0x4] =	stream.indirect.gather @!p0 [spmem:s3], $0x20, s5, s7, $0xb8;
	[tilespmem:$0x17000] =	vst v63  }
0x123: {  	_ =	swait.ge [sflag:s0], $0x1000  }
0x124: {  	[sflag:s0] =	ssyncset.done $0x0  }
0x125: {  	s11 =	simm.s32 $0xD;
	s10 =	sadd.s32 $0x2B80, s9;
	[sflag:s0] =	ssyncadd.s32 $0xFFFFF000  }
0x126: {  	[spmem:s2] =	stream.indirect.scatter.add.f32 [tilespmem:s28], [sflag:$0x10], $0x20, s10, s16, $0xb8;
	[tilespmem:$0x17000] =	vst v63  }
0x127: {  	_ =	swait.ge [sflag:s11], $0x1000  }
0x128: {  	[sflag:s11] =	ssyncset.done $0x0  }
0x129: {  	s12 =	simm.s32 $0xE;
	[sflag:s11] =	ssyncadd.s32 $0xFFFFF000  }
0x12a: {  	_ =	swait.ge [sflag:s12], $0x1000  }
0x12b: {  	[sflag:s12] =	ssyncset.done $0x0  }
0x12c: {  	s13 =	simm.s32 $0xF;
	[sflag:s12] =	ssyncadd.s32 $0xFFFFF000  }
0x12d: {  	_ =	swait.ge [sflag:s13], $0x1000  }
0x12e: {  	[sflag:s13] =	ssyncset.done $0x0  }
0x12f: {  	s14 =	simm.s32 $0x10;
	[sflag:s13] =	ssyncadd.s32 $0xFFFFF000  }
0x130: {  	_ =	swait.ge [sflag:s14], $0x1000  }
0x131: {  	[sflag:s14] =	ssyncset.done $0x0  }
0x132: {  	[sflag:s14] =	ssyncadd.s32 $0xFFFFF000  }
0x133: {  	[bflag:$0x0] =	sbarrier.arrive $0xFFFF  }
0x134: {  	s6 =	rddreg [dreg:$0x7]  }
0x135: {  	s15 =	rddreg [dreg:$0xb]  }
0x136: {  	s8 =	simm.s32 $0x11;
	s7 =	rddreg [dreg:$0xd]  }
0x137: {  	[hbm:s15], [sflag:s6] =	dma.local [spmem:s7], $0xA00  }
0x138: {  	_ =	swait.ge [sflag:s8], $0xA00  }
0x139: {  	s19 =	rddreg [dreg:$0xf]  }
0x13a: {  	s21 =	rddreg [dreg:$0xc];
	s5 =	sadd.s32 $0x1, s19  }
0x13b: {  	p0 =	sne.s32 s5, s21  }
.Ltmp1:
0x13c: {  	_ = 	snop;
	(pc) =	sbr.rel @p0 .LBB2_1-.Ltmp1, $3  }
0x13d: {  	_ =	sdelay $0x1  }
0x13e: {  	[sflag:s8] =	ssyncset.done $0x0  }
0x13f: {  	[sflag:s8] =	ssyncadd.s32 $0xFFFFF600  }
0x140: {  	_ =	sfence.sel $0x180000  }
0x141: {  	[bflag:$0x0] =	sbarrier.arrive $0xFFFF  }
0x142: {  	_ =	strace $0x90000050  }
0x143: {  	s0 =	stileid.u32;
	[bflag:$0x2] =	sbarrier.arrive $0xFFFF  }
0x144: {  	p0 =	sne.s32 s0, $0x0;
	s0 =	rddreg [dreg:$0x3]  }
0x145: {  	s0 =	sadd.s32 @!p0 $0x100000, s0  }
0x146: {  	[sflag:s0] =	ssyncadd.tile.s32 @!p0 $0x1;
	_ =	shalt  }
.Lfunc_end2:
_tile_overlayer_lowered:
.L_overlay_start_2:
0x147: {  	(tag) =	ssettag $0x2  }
0x148: {  	s0 =	rddreg [dreg:$0x0];
	s2 =	stileid.u32  }
0x149: {  	s1 =	rddreg [dreg:$0x1];
	p0 =	sne.s32 s2, $0x0  }
0x14a: {  	s3 =	rddreg [dreg:$0x2];
	[bflag:$0x3] =	sbarrier.arrive $0xFFFF;
	s2 =	simm.s32 @!p0 $0x1C11  }
0x14b: {  	[timem:s3], [sflag:s2] =	dma.local @!p0 [hbm:s0], s1  }
0x14c: {  	s0 =	simm.s32 @!p0 $0x11  }
0x14d: {  	_ =	swait.ge @!p0 [sflag:s0], s1  }
0x14e: {  	s1 =	ssub.s32 @!p0 $0x0, s1;
	[sflag:s0] =	ssyncset.done @!p0 $0x0  }
0x14f: {  	[sflag:s0] =	ssyncadd.s32 @!p0 s1  }
0x150: {  	[bflag:$0x3] =	sbarrier.arrive $0xFFFF  }
0x151: {  	_ =	shalt  }

</sc_bundles>
